<compile_context>
chip_gen: v7x
topology: tpu7x:2x2x1
jax: 0.10.2.dev20260603
libtpu: 0.0.44.dev20260713+nightly
codegen_flags: <defaults>
</compile_context>

<pallas_src>
import functools

import jax
import jax.numpy as jnp
from jax import lax
from jax.experimental import pallas as pl
from jax.experimental.pallas import tpu as pltpu
from jax.experimental.pallas import tpu_sc as plsc

N = 10000
E = 320000
H = 128
B = 64
C = 32

NC = 2
NS = 16
NW = NC * NS
EPW = E // NW
CH = 80
NCHUNK = EPW // CH
RPT = 624
TAIL = N - NS * RPT
ZR = 312

_F32 = jnp.float32
_HIGH = jax.lax.Precision.HIGHEST


def _dot(a, b):
    return jnp.dot(a, b, preferred_element_type=_F32, precision=_HIGH)



def _counts_body(dab_hbm, dba_hbm, out_hbm, acc_a, acc_b, e0b, zb2, dbuf):
    c = lax.axis_index("c")
    s = lax.axis_index("s")
    wid = s * NC + c
    zero16 = jnp.zeros((16,), _F32)
    e016 = jnp.where(lax.iota(jnp.int32, 16) == 0, 1.0, 0.0).astype(_F32)

    def init_e(i, carry):
        e0b[i] = e016
        return carry

    lax.fori_loop(0, CH, init_e, 0)

    def init_z(i, carry):
        zb2[i] = zero16
        return carry

    lax.fori_loop(0, RPT, init_z, 0)
    pltpu.sync_copy(zb2, acc_a.at[pl.ds(s * RPT, RPT)])
    pltpu.sync_copy(zb2, acc_b.at[pl.ds(s * RPT, RPT)])

    @pl.when(s == NS - 1)
    def _():
        pltpu.sync_copy(zb2.at[pl.ds(0, TAIL)], acc_a.at[pl.ds(NS * RPT, TAIL)])
        pltpu.sync_copy(zb2.at[pl.ds(0, TAIL)], acc_b.at[pl.ds(NS * RPT, TAIL)])

    plsc.subcore_barrier()

    for t in range(2):
        d_hbm = dab_hbm if t == 0 else dba_hbm
        acc = acc_b if t == 0 else acc_a

        def body(i, carry):
            pltpu.sync_copy(d_hbm.at[pl.ds(wid * EPW + i * CH, CH)], dbuf)
            pltpu.sync_copy(e0b, acc.at[dbuf], add=True)
            return carry

        lax.fori_loop(0, NCHUNK, body, 0)

    plsc.subcore_barrier()
    for t in range(2):
        acc = acc_b if t == 0 else acc_a
        pltpu.sync_copy(acc.at[pl.ds(s * RPT, RPT)], zb2)
        pltpu.sync_copy(zb2, out_hbm.at[t, c, pl.ds(s * RPT, RPT)])

        @pl.when(s == NS - 1)
        def _():
            pltpu.sync_copy(acc.at[pl.ds(NS * RPT, TAIL)], zb2.at[pl.ds(0, TAIL)])
            pltpu.sync_copy(zb2.at[pl.ds(0, TAIL)],
                            out_hbm.at[t, c, pl.ds(NS * RPT, TAIL)])


def _sc_counts(dst_ab, dst_ba):
    mesh = plsc.VectorSubcoreMesh(core_axis_name="c", subcore_axis_name="s")
    f = pl.kernel(
        _counts_body,
        out_type=jax.ShapeDtypeStruct((2, NC, N, 16), _F32),
        mesh=mesh,
        scratch_types=[
            pltpu.VMEM_SHARED((N, 16), _F32),
            pltpu.VMEM_SHARED((N, 16), _F32),
            pltpu.VMEM((CH, 16), _F32),
            pltpu.VMEM((RPT, 16), _F32),
            pltpu.VMEM((CH,), jnp.int32),
        ],
    )
    return f(dst_ab, dst_ba)



def _scatter_body(y_hbm, src_hbm, dst_hbm, out_hbm, acc, zbuf, rows, sidx,
                  didx, sem):
    c = lax.axis_index("c")
    s = lax.axis_index("s")
    wid = s * NC + c
    zero16 = jnp.zeros((16,), _F32)

    def zb(i, carry):
        for j in range(H // 16):
            zbuf[i, pl.ds(j * 16, 16)] = zero16
        return carry

    lax.fori_loop(0, ZR, zb, 0)
    for i in range(RPT // ZR):
        pltpu.sync_copy(zbuf, acc.at[pl.ds(s * RPT + i * ZR, ZR)])

    @pl.when(s == NS - 1)
    def _():
        pltpu.sync_copy(zbuf.at[pl.ds(0, TAIL)], acc.at[pl.ds(NS * RPT, TAIL)])

    plsc.subcore_barrier()

    def body(i, carry):
        base = wid * EPW + i * CH
        pltpu.sync_copy(src_hbm.at[pl.ds(base, CH)], sidx)
        pltpu.async_copy(y_hbm.at[sidx], rows, sem).wait()
        pltpu.sync_copy(dst_hbm.at[pl.ds(base, CH)], didx)
        pltpu.sync_copy(rows, acc.at[didx], add=True)
        return carry

    lax.fori_loop(0, NCHUNK, body, 0)
    plsc.subcore_barrier()
    for i in range(RPT // ZR):
        off = s * RPT + i * ZR
        pltpu.sync_copy(acc.at[pl.ds(off, ZR)], zbuf)
        pltpu.sync_copy(zbuf, out_hbm.at[c, pl.ds(off, ZR)])

    @pl.when(s == NS - 1)
    def _():
        pltpu.sync_copy(acc.at[pl.ds(NS * RPT, TAIL)], zbuf.at[pl.ds(0, TAIL)])
        pltpu.sync_copy(zbuf.at[pl.ds(0, TAIL)],
                        out_hbm.at[c, pl.ds(NS * RPT, TAIL)])


def _sc_scatter(y, src, dst):
    mesh = plsc.VectorSubcoreMesh(core_axis_name="c", subcore_axis_name="s")
    f = pl.kernel(
        _scatter_body,
        out_type=jax.ShapeDtypeStruct((NC, N, H), _F32),
        mesh=mesh,
        scratch_types=[
            pltpu.VMEM_SHARED((N, H), _F32),
            pltpu.VMEM((ZR, H), _F32),
            pltpu.VMEM((CH, H), _F32),
            pltpu.VMEM((CH,), jnp.int32),
            pltpu.VMEM((CH,), jnp.int32),
            pltpu.SemaphoreType.DMA,
        ],
    )
    return f(y, src, dst)



def _inv_body(cab_ref, cba_ref, invb_ref, inva_ref):
    cb = jnp.sum(cab_ref[...], axis=(0, 2))
    ca = jnp.sum(cba_ref[...], axis=(0, 2))
    invb_ref[...] = jnp.broadcast_to(
        (1.0 / jnp.clip(cb, 1.0, None))[:, None], (N, H))
    inva_ref[...] = jnp.broadcast_to(
        (1.0 / jnp.clip(ca, 1.0, None))[:, None], (N, H))


def _tc_inv(cnt_ab, cnt_ba):
    return pl.pallas_call(
        _inv_body,
        out_shape=[jax.ShapeDtypeStruct((N, H), _F32),
                   jax.ShapeDtypeStruct((N, H), _F32)],
    )(cnt_ab, cnt_ba)


_RB = 1000
_GRID = N // _RB


def _dense_body(ha_ref, hb_ref, wr_ab_ref, wo_ba_ref, br_ba_ref, wr_ba_ref,
                wo_ab_ref, br_ab_ref, ya_ref, za_ref, yb_ref, zb_ref):
    a = ha_ref[...]
    b = hb_ref[...]
    ya_ref[...] = _dot(a, wr_ab_ref[...])
    za_ref[...] = _dot(a, wo_ba_ref[...]) + br_ba_ref[...]
    yb_ref[...] = _dot(b, wr_ba_ref[...])
    zb_ref[...] = _dot(b, wo_ab_ref[...]) + br_ab_ref[...]


def _tc_dense(ha, hb, wr_ab, wo_ba, br_ba, wr_ba, wo_ab, br_ab):
    row = pl.BlockSpec((_RB, H), lambda i: (i, 0))
    w = pl.BlockSpec((H, H), lambda i: (0, 0))
    bias = pl.BlockSpec((1, H), lambda i: (0, 0))
    return pl.pallas_call(
        _dense_body,
        grid=(_GRID,),
        in_specs=[row, row, w, w, bias, w, w, bias],
        out_specs=[row, row, row, row],
        out_shape=[jax.ShapeDtypeStruct((N, H), _F32)] * 4,
    )(ha, hb, wr_ab, wo_ba, br_ba.reshape(1, H), wr_ba, wo_ab,
      br_ab.reshape(1, H))


def _combine_body(sa0_ref, sa1_ref, za_ref, inva_ref, sb0_ref, sb1_ref,
                  zb_ref, invb_ref, ha_ref, hb_ref):
    ha_ref[...] = jnp.maximum(
        (sa0_ref[...] + sa1_ref[...]) * inva_ref[...] + za_ref[...], 0.0)
    hb_ref[...] = jnp.maximum(
        (sb0_ref[...] + sb1_ref[...]) * invb_ref[...] + zb_ref[...], 0.0)


def _tc_combine(sa, za, inva, sb, zb, invb):
    row = pl.BlockSpec((_RB, H), lambda i: (i, 0))
    return pl.pallas_call(
        _combine_body,
        grid=(_GRID,),
        in_specs=[row] * 8,
        out_specs=[row, row],
        out_shape=[jax.ShapeDtypeStruct((N, H), _F32)] * 2,
    )(sa[0], sa[1], za, inva, sb[0], sb[1], zb, invb)


def _pool_body(pa_ref, pb_ref, ha_ref, hb_ref, wc_ref, bc_ref, out_ref):
    pa = pa_ref[...]
    pb = pb_ref[...]
    sa = _dot(pa, ha_ref[...])
    sb = _dot(pb, hb_ref[...])
    ca = jnp.sum(pa, axis=1)
    cb = jnp.sum(pb, axis=1)
    ma = sa * (1.0 / jnp.clip(ca, 1.0, None))[:, None]
    mb = sb * (1.0 / jnp.clip(cb, 1.0, None))[:, None]
    pooled = jnp.concatenate([ma, mb], axis=1)
    out_ref[...] = _dot(pooled, wc_ref[...]) + bc_ref[...]


def _tc_pool(pa, pb, ha, hb, w_cls, b_cls):
    return pl.pallas_call(
        _pool_body,
        out_shape=jax.ShapeDtypeStruct((B, C), _F32),
    )(pa, pb, ha, hb, w_cls, b_cls.reshape(1, C))



def kernel(x_A, x_B, edge_index_A_to_B, edge_index_B_to_A, batch_A, batch_B,
           batch_size, W_rel_l0_AB, b_rel_l0_AB, W_root_l0_AB, W_rel_l0_BA,
           b_rel_l0_BA, W_root_l0_BA, W_rel_l1_AB, b_rel_l1_AB, W_root_l1_AB,
           W_rel_l1_BA, b_rel_l1_BA, W_root_l1_BA, W_cls, b_cls):
    src_ab = edge_index_A_to_B[0]
    dst_ab = edge_index_A_to_B[1]
    src_ba = edge_index_B_to_A[0]
    dst_ba = edge_index_B_to_A[1]

    cnt = _sc_counts(dst_ab, dst_ba)
    invb, inva = _tc_inv(cnt[0], cnt[1])

    layers = [
        (W_rel_l0_AB, b_rel_l0_AB, W_root_l0_AB,
         W_rel_l0_BA, b_rel_l0_BA, W_root_l0_BA),
        (W_rel_l1_AB, b_rel_l1_AB, W_root_l1_AB,
         W_rel_l1_BA, b_rel_l1_BA, W_root_l1_BA),
    ]
    ha, hb = x_A, x_B
    for wr_ab, br_ab, wo_ab, wr_ba, br_ba, wo_ba in layers:
        ya, za, yb, zb = _tc_dense(ha, hb, wr_ab, wo_ba, br_ba, wr_ba,
                                   wo_ab, br_ab)
        sb = _sc_scatter(ya, src_ab, dst_ab)
        sa = _sc_scatter(yb, src_ba, dst_ba)
        ha, hb = _tc_combine(sa, za, inva, sb, zb, invb)

    ids = jnp.arange(B, dtype=jnp.int32)[:, None]
    pa = (batch_A[None, :] == ids).astype(_F32)
    pb = (batch_B[None, :] == ids).astype(_F32)
    out = _tc_pool(pa, pb, ha, hb, W_cls, b_cls)
    zero_dep = (jnp.asarray(batch_size, jnp.int32) - jnp.int32(B)).astype(
        W_cls.dtype)
    return out + zero_dep

# --- scband reference (transcript-rebuilt; emitter-appended) ---
"""Pipeline reference for scband-hetero-conv-28149215658615 (READ-ONLY COPY).

The authoritative reference and input builder live on the scoring server;
editing this copy changes nothing except your own understanding.
"""

import jax, jax.numpy as jnp
import numpy as np

N = 10000
E = 320000
D = 128
H = 128
C = 32
B = 64

def setup_inputs(seed: int = 0):
    key = jax.random.key(seed)
    ks = jax.random.split(key, 24)
    inp = {}
    inp["x_A"] = jax.random.normal(ks[0], (N, D), dtype=jnp.float32)
    inp["x_B"] = jax.random.normal(ks[1], (N, D), dtype=jnp.float32)
    inp["edge_index_A_to_B"] = jax.random.randint(ks[2], (2, E), 0, N, dtype=jnp.int32)
    inp["edge_index_B_to_A"] = jax.random.randint(ks[3], (2, E), 0, N, dtype=jnp.int32)
    inp["batch_A"] = jnp.sort(jax.random.randint(ks[4], (N,), 0, B, dtype=jnp.int32))
    inp["batch_B"] = jnp.sort(jax.random.randint(ks[5], (N,), 0, B, dtype=jnp.int32))
    inp["batch_size"] = B
    i = 6
    for l in range(2):
        for et in ["AB", "BA"]:
            inp["W_rel_l%d_%s" % (l, et)] = jax.random.normal(ks[i], (H, H), dtype=jnp.float32) * (1.0 / np.sqrt(H)); i += 1
            inp["b_rel_l%d_%s" % (l, et)] = jnp.zeros((H,), dtype=jnp.float32)
            inp["W_root_l%d_%s" % (l, et)] = jax.random.normal(ks[i], (H, H), dtype=jnp.float32) * (1.0 / np.sqrt(H)); i += 1
    inp["W_cls"] = jax.random.normal(ks[i], (2 * H, C), dtype=jnp.float32) * (1.0 / np.sqrt(2 * H))
    inp["b_cls"] = jnp.zeros((C,), dtype=jnp.float32)
    return inp

def _graph_conv(x_src, x_dst, ei, W_rel, b_rel, W_root):
    # PyG GraphConv with aggr='mean': out = lin_rel(mean_{j in N(i)} x_j) + lin_root(x_i)
    src = ei[0]
    dst = ei[1]
    msg = jnp.take(x_src, src, axis=0)
    n_dst = x_dst.shape[0]
    s = jax.ops.segment_sum(msg, dst, num_segments=n_dst)
    cnt = jax.ops.segment_sum(jnp.ones((ei.shape[1],), x_src.dtype), dst, num_segments=n_dst)
    agg = s / jnp.clip(cnt, 1.0, None)[:, None]
    return agg @ W_rel + b_rel + x_dst @ W_root

def _mean_pool(x, batch, size):
    s = jax.ops.segment_sum(x, batch, num_segments=size)
    cnt = jax.ops.segment_sum(jnp.ones((x.shape[0],), x.dtype), batch, num_segments=size)
    return s / jnp.clip(cnt, 1.0, None)[:, None]

def reference(x_A, x_B, edge_index_A_to_B, edge_index_B_to_A, batch_A, batch_B, batch_size, W_rel_l0_AB, b_rel_l0_AB, W_root_l0_AB, W_rel_l0_BA, b_rel_l0_BA, W_root_l0_BA, W_rel_l1_AB, b_rel_l1_AB, W_root_l1_AB, W_rel_l1_BA, b_rel_l1_BA, W_root_l1_BA, W_cls, b_cls):
    layers = [((W_rel_l0_AB, b_rel_l0_AB, W_root_l0_AB), (W_rel_l0_BA, b_rel_l0_BA, W_root_l0_BA)),
              ((W_rel_l1_AB, b_rel_l1_AB, W_root_l1_AB), (W_rel_l1_BA, b_rel_l1_BA, W_root_l1_BA))]
    hA = x_A
    hB = x_B
    for pAB, pBA in layers:
        # HeteroConv: each dst node type receives from exactly one edge type here, so inter 'mean' is identity
        nB = _graph_conv(hA, hB, edge_index_A_to_B, pAB[0], pAB[1], pAB[2])
        nA = _graph_conv(hB, hA, edge_index_B_to_A, pBA[0], pBA[1], pBA[2])
        hA = jax.nn.relu(nA)
        hB = jax.nn.relu(nB)
    pooled = jnp.concatenate([_mean_pool(hA, batch_A, B), _mean_pool(hB, batch_B, B)], axis=1)
    zero_dep = (jnp.asarray(batch_size, jnp.int32) - jnp.int32(B)).astype(W_cls.dtype)
    return pooled @ W_cls + b_cls + zero_dep

if __name__ == "__main__":
    import jax
    _d = setup_inputs()
    print(jax.jit(kernel)(*tuple(_d.values())))

</pallas_src>

<mosaic_0001>
#map = affine_map<(d0, d1) -> (0)>
#map1 = affine_map<(d0, d1) -> (0, 0, 0, 0)>
module attributes {stable_mosaic.version = 14 : i64} {
  func.func @_counts_body(%arg0: i32, %arg1: i32, %arg2: memref<320000xi32, #tpu.memory_space<hbm>>, %arg3: memref<320000xi32, #tpu.memory_space<hbm>>, %arg4: memref<2x2x10000x16xf32, #tpu.memory_space<hbm>>, %arg5: memref<10000x16xf32, #tpu.memory_space<vmem_shared>>, %arg6: memref<10000x16xf32, #tpu.memory_space<vmem_shared>>, %arg7: memref<80x16xf32, #tpu.memory_space<vmem>>, %arg8: memref<624x16xf32, #tpu.memory_space<vmem>>, %arg9: memref<80xi32, #tpu.memory_space<vmem>>) attributes {dimension_semantics = [#tpu.dimension_semantics<core_parallel>, #tpu.dimension_semantics<subcore_parallel>], iteration_bounds = array<i64: 2, 16>, scalar_prefetch = 0 : i64, scratch_operands = 5 : i64, tpu.core_type = #tpu.core_type<sc_vector_subcore>, window_params = [{transform_indices = #map}, {transform_indices = #map}, {transform_indices = #map1}]} {
    %mul3A = arith.constant 2 : i32
    %mul3A_0 = arith.muli %arg1, %mul3A : i32
    %add3A = arith.addi %mul3A_0, %arg0 : i32
    %broadcast_in_dim3A = arith.constant 0.000000e+00 : f32
    %broadcast_in_dim3A_1 = vector.broadcast %broadcast_in_dim3A : f32 to vector<16xf32>
    %iota3A = tpu.iota {dimensions = array<i32: 0>} : vector<16xi32>
    %eq3A = arith.constant 0 : i32
    %eq3A_2 = vector.broadcast %eq3A : i32 to vector<16xi32>
    %eq3A_3 = arith.cmpi eq, %iota3A, %eq3A_2 : vector<16xi32>
    %jit3A = arith.constant 1.000000e+00 : f32
    %jit3A_4 = arith.constant 0.000000e+00 : f32
    %broadcast_in_dim3A_5 = vector.broadcast %jit3A : f32 to vector<16xf32>
    %broadcast_in_dim3A_6 = vector.broadcast %jit3A_4 : f32 to vector<16xf32>
    %select_n3A = arith.select %eq3A_3, %broadcast_in_dim3A_5, %broadcast_in_dim3A_6 : vector<16xi1>, vector<16xf32>
    %scan3A = arith.constant 0 : i32
    %scan3A_7 = arith.constant 0 : i32
    %scan3A_8 = arith.constant 80 : i32
    %scan3A_9 = arith.addi %scan3A_7, %scan3A_8 : i32
    %scan3A_10 = arith.constant 1 : i32
    scf.for %scan3A_57 = %scan3A_7 to %scan3A_9 step %scan3A_10  : i32 {
      %swap3A = arith.index_cast %scan3A_57 : i32 to index
      %swap3A_58 = arith.constant 0 : index
      %swap3A_59 = tpu.vector_load %arg7[%swap3A, %swap3A_58] {strides = array<i32>} : memref<80x16xf32, #tpu.memory_space<vmem>>, vector<1x16xf32>,
      %swap3A_60 = vector.shape_cast %swap3A_59 : vector<1x16xf32> to vector<16xf32>
      %swap3A_61 = vector.shape_cast %select_n3A : vector<16xf32> to vector<1x16xf32>
      tpu.vector_store %arg7[%swap3A, %swap3A_58], %swap3A_61 {strides = array<i32>} : memref<80x16xf32, #tpu.memory_space<vmem>>, vector<1x16xf32>,
    }
    %scan3A_11 = arith.constant 80 : i32
    %scan3A_12 = arith.constant 0 : i32
    %scan3A_13 = arith.constant 0 : i32
    %scan3A_14 = arith.constant 624 : i32
    %scan3A_15 = arith.addi %scan3A_13, %scan3A_14 : i32
    %scan3A_16 = arith.constant 1 : i32
    scf.for %scan3A_57 = %scan3A_13 to %scan3A_15 step %scan3A_16  : i32 {
      %swap3A = arith.index_cast %scan3A_57 : i32 to index
      %swap3A_58 = arith.constant 0 : index
      %swap3A_59 = tpu.vector_load %arg8[%swap3A, %swap3A_58] {strides = array<i32>} : memref<624x16xf32, #tpu.memory_space<vmem>>, vector<1x16xf32>,
      %swap3A_60 = vector.shape_cast %swap3A_59 : vector<1x16xf32> to vector<16xf32>
      %swap3A_61 = vector.shape_cast %broadcast_in_dim3A_1 : vector<16xf32> to vector<1x16xf32>
      tpu.vector_store %arg8[%swap3A, %swap3A_58], %swap3A_61 {strides = array<i32>} : memref<624x16xf32, #tpu.memory_space<vmem>>, vector<1x16xf32>,
    }
    %scan3A_17 = arith.constant 624 : i32
    %mul3A_18 = arith.constant 624 : i32
    %mul3A_19 = arith.muli %arg1, %mul3A_18 : i32
    "tpu.region"() ({
      %run_scoped3A_57 = tpu.sem_alloc : memref<!tpu.dma_semaphore, #tpu.memory_space<semaphore_mem>>
      %dma_start3A = arith.constant 0 : i32
      %dma_start3A_58 = tpu.memref_slice %arg5[%mul3A_19, %dma_start3A] : memref<10000x16xf32, #tpu.memory_space<vmem_shared>> -> memref<624x16xf32, #tpu.memory_space<vmem_shared>>
      %dma_start3A_59 = arith.constant 0 : i32
      %dma_start3A_60 = tpu.memref_slice %arg5[%mul3A_19, %dma_start3A_59] : memref<10000x16xf32, #tpu.memory_space<vmem_shared>> -> memref<624x16xf32, #tpu.memory_space<vmem_shared>>
      tpu.enqueue_dma source(%arg8 : memref<624x16xf32, #tpu.memory_space<vmem>>) target(%dma_start3A_60 : memref<624x16xf32, #tpu.memory_space<vmem_shared>>) target_semaphore(%run_scoped3A_57 : memref<!tpu.dma_semaphore, #tpu.memory_space<semaphore_mem>>)
      %dma_wait3A = arith.constant 0 : i32
      %dma_wait3A_61 = tpu.memref_slice %arg5[%mul3A_19, %dma_wait3A] : memref<10000x16xf32, #tpu.memory_space<vmem_shared>> -> memref<624x16xf32, #tpu.memory_space<vmem_shared>>
      %dma_wait3A_62 = arith.constant 0 : i32
      %dma_wait3A_63 = tpu.memref_slice %arg5[%mul3A_19, %dma_wait3A_62] : memref<10000x16xf32, #tpu.memory_space<vmem_shared>> -> memref<624x16xf32, #tpu.memory_space<vmem_shared>>
      tpu.wait_dma2 semaphore(%run_scoped3A_57 : memref<!tpu.dma_semaphore, #tpu.memory_space<semaphore_mem>>) src(%arg8 : memref<624x16xf32, #tpu.memory_space<vmem>>) dst(%dma_wait3A_63 : memref<624x16xf32, #tpu.memory_space<vmem_shared>>)
      tpu.yield
    }) : () -> ()
    %mul3A_20 = arith.constant 624 : i32
    %mul3A_21 = arith.muli %arg1, %mul3A_20 : i32
    "tpu.region"() ({
      %run_scoped3A_57 = tpu.sem_alloc : memref<!tpu.dma_semaphore, #tpu.memory_space<semaphore_mem>>
      %dma_start3A = arith.constant 0 : i32
      %dma_start3A_58 = tpu.memref_slice %arg6[%mul3A_21, %dma_start3A] : memref<10000x16xf32, #tpu.memory_space<vmem_shared>> -> memref<624x16xf32, #tpu.memory_space<vmem_shared>>
      %dma_start3A_59 = arith.constant 0 : i32
      %dma_start3A_60 = tpu.memref_slice %arg6[%mul3A_21, %dma_start3A_59] : memref<10000x16xf32, #tpu.memory_space<vmem_shared>> -> memref<624x16xf32, #tpu.memory_space<vmem_shared>>
      tpu.enqueue_dma source(%arg8 : memref<624x16xf32, #tpu.memory_space<vmem>>) target(%dma_start3A_60 : memref<624x16xf32, #tpu.memory_space<vmem_shared>>) target_semaphore(%run_scoped3A_57 : memref<!tpu.dma_semaphore, #tpu.memory_space<semaphore_mem>>)
      %dma_wait3A = arith.constant 0 : i32
      %dma_wait3A_61 = tpu.memref_slice %arg6[%mul3A_21, %dma_wait3A] : memref<10000x16xf32, #tpu.memory_space<vmem_shared>> -> memref<624x16xf32, #tpu.memory_space<vmem_shared>>
      %dma_wait3A_62 = arith.constant 0 : i32
      %dma_wait3A_63 = tpu.memref_slice %arg6[%mul3A_21, %dma_wait3A_62] : memref<10000x16xf32, #tpu.memory_space<vmem_shared>> -> memref<624x16xf32, #tpu.memory_space<vmem_shared>>
      tpu.wait_dma2 semaphore(%run_scoped3A_57 : memref<!tpu.dma_semaphore, #tpu.memory_space<semaphore_mem>>) src(%arg8 : memref<624x16xf32, #tpu.memory_space<vmem>>) dst(%dma_wait3A_63 : memref<624x16xf32, #tpu.memory_space<vmem_shared>>)
      tpu.yield
    }) : () -> ()
    %eq3A_22 = arith.constant 15 : i32
    %eq3A_23 = arith.cmpi eq, %arg1, %eq3A_22 : i32
    %convert_element_type3A = arith.extui %eq3A_23 : i1 to i32
    %cond3A = arith.constant 0 : i32
    %cond3A_24 = arith.cmpi ne, %convert_element_type3A, %cond3A : i32
    scf.if %cond3A_24 {
      "tpu.region"() ({
        %run_scoped3A_57 = tpu.sem_alloc : memref<!tpu.dma_semaphore, #tpu.memory_space<semaphore_mem>>
        %dma_start3A = arith.constant 0 : i32
        %dma_start3A_58 = arith.constant 0 : i32
        %dma_start3A_59 = tpu.memref_slice %arg8[%dma_start3A, %dma_start3A_58] : memref<624x16xf32, #tpu.memory_space<vmem>> -> memref<16x16xf32, #tpu.memory_space<vmem>>
        %dma_start3A_60 = arith.constant 9984 : i32
        %dma_start3A_61 = arith.constant 0 : i32
        %dma_start3A_62 = tpu.memref_slice %arg5[%dma_start3A_60, %dma_start3A_61] : memref<10000x16xf32, #tpu.memory_space<vmem_shared>> -> memref<16x16xf32, #tpu.memory_space<vmem_shared>>
        %dma_start3A_63 = arith.constant 9984 : i32
        %dma_start3A_64 = arith.constant 0 : i32
        %dma_start3A_65 = tpu.memref_slice %arg5[%dma_start3A_63, %dma_start3A_64] : memref<10000x16xf32, #tpu.memory_space<vmem_shared>> -> memref<16x16xf32, #tpu.memory_space<vmem_shared>>
        %dma_start3A_66 = arith.constant 0 : i32
        %dma_start3A_67 = arith.constant 0 : i32
        %dma_start3A_68 = tpu.memref_slice %arg8[%dma_start3A_66, %dma_start3A_67] : memref<624x16xf32, #tpu.memory_space<vmem>> -> memref<16x16xf32, #tpu.memory_space<vmem>>
        tpu.enqueue_dma source(%dma_start3A_68 : memref<16x16xf32, #tpu.memory_space<vmem>>) target(%dma_start3A_65 : memref<16x16xf32, #tpu.memory_space<vmem_shared>>) target_semaphore(%run_scoped3A_57 : memref<!tpu.dma_semaphore, #tpu.memory_space<semaphore_mem>>)
        %dma_wait3A = arith.constant 0 : i32
        %dma_wait3A_69 = arith.constant 0 : i32
        %dma_wait3A_70 = tpu.memref_slice %arg8[%dma_wait3A, %dma_wait3A_69] : memref<624x16xf32, #tpu.memory_space<vmem>> -> memref<16x16xf32, #tpu.memory_space<vmem>>
        %dma_wait3A_71 = arith.constant 9984 : i32
        %dma_wait3A_72 = arith.constant 0 : i32
        %dma_wait3A_73 = tpu.memref_slice %arg5[%dma_wait3A_71, %dma_wait3A_72] : memref<10000x16xf32, #tpu.memory_space<vmem_shared>> -> memref<16x16xf32, #tpu.memory_space<vmem_shared>>
        %dma_wait3A_74 = arith.constant 9984 : i32
        %dma_wait3A_75 = arith.constant 0 : i32
        %dma_wait3A_76 = tpu.memref_slice %arg5[%dma_wait3A_74, %dma_wait3A_75] : memref<10000x16xf32, #tpu.memory_space<vmem_shared>> -> memref<16x16xf32, #tpu.memory_space<vmem_shared>>
        %dma_wait3A_77 = arith.constant 0 : i32
        %dma_wait3A_78 = arith.constant 0 : i32
        %dma_wait3A_79 = tpu.memref_slice %arg8[%dma_wait3A_77, %dma_wait3A_78] : memref<624x16xf32, #tpu.memory_space<vmem>> -> memref<16x16xf32, #tpu.memory_space<vmem>>
        tpu.wait_dma2 semaphore(%run_scoped3A_57 : memref<!tpu.dma_semaphore, #tpu.memory_space<semaphore_mem>>) src(%dma_wait3A_79 : memref<16x16xf32, #tpu.memory_space<vmem>>) dst(%dma_wait3A_76 : memref<16x16xf32, #tpu.memory_space<vmem_shared>>)
        tpu.yield
      }) : () -> ()
      "tpu.region"() ({
        %run_scoped3A_57 = tpu.sem_alloc : memref<!tpu.dma_semaphore, #tpu.memory_space<semaphore_mem>>
        %dma_start3A = arith.constant 0 : i32
        %dma_start3A_58 = arith.constant 0 : i32
        %dma_start3A_59 = tpu.memref_slice %arg8[%dma_start3A, %dma_start3A_58] : memref<624x16xf32, #tpu.memory_space<vmem>> -> memref<16x16xf32, #tpu.memory_space<vmem>>
        %dma_start3A_60 = arith.constant 9984 : i32
        %dma_start3A_61 = arith.constant 0 : i32
        %dma_start3A_62 = tpu.memref_slice %arg6[%dma_start3A_60, %dma_start3A_61] : memref<10000x16xf32, #tpu.memory_space<vmem_shared>> -> memref<16x16xf32, #tpu.memory_space<vmem_shared>>
        %dma_start3A_63 = arith.constant 9984 : i32
        %dma_start3A_64 = arith.constant 0 : i32
        %dma_start3A_65 = tpu.memref_slice %arg6[%dma_start3A_63, %dma_start3A_64] : memref<10000x16xf32, #tpu.memory_space<vmem_shared>> -> memref<16x16xf32, #tpu.memory_space<vmem_shared>>
        %dma_start3A_66 = arith.constant 0 : i32
        %dma_start3A_67 = arith.constant 0 : i32
        %dma_start3A_68 = tpu.memref_slice %arg8[%dma_start3A_66, %dma_start3A_67] : memref<624x16xf32, #tpu.memory_space<vmem>> -> memref<16x16xf32, #tpu.memory_space<vmem>>
        tpu.enqueue_dma source(%dma_start3A_68 : memref<16x16xf32, #tpu.memory_space<vmem>>) target(%dma_start3A_65 : memref<16x16xf32, #tpu.memory_space<vmem_shared>>) target_semaphore(%run_scoped3A_57 : memref<!tpu.dma_semaphore, #tpu.memory_space<semaphore_mem>>)
        %dma_wait3A = arith.constant 0 : i32
        %dma_wait3A_69 = arith.constant 0 : i32
        %dma_wait3A_70 = tpu.memref_slice %arg8[%dma_wait3A, %dma_wait3A_69] : memref<624x16xf32, #tpu.memory_space<vmem>> -> memref<16x16xf32, #tpu.memory_space<vmem>>
        %dma_wait3A_71 = arith.constant 9984 : i32
        %dma_wait3A_72 = arith.constant 0 : i32
        %dma_wait3A_73 = tpu.memref_slice %arg6[%dma_wait3A_71, %dma_wait3A_72] : memref<10000x16xf32, #tpu.memory_space<vmem_shared>> -> memref<16x16xf32, #tpu.memory_space<vmem_shared>>
        %dma_wait3A_74 = arith.constant 9984 : i32
        %dma_wait3A_75 = arith.constant 0 : i32
        %dma_wait3A_76 = tpu.memref_slice %arg6[%dma_wait3A_74, %dma_wait3A_75] : memref<10000x16xf32, #tpu.memory_space<vmem_shared>> -> memref<16x16xf32, #tpu.memory_space<vmem_shared>>
        %dma_wait3A_77 = arith.constant 0 : i32
        %dma_wait3A_78 = arith.constant 0 : i32
        %dma_wait3A_79 = tpu.memref_slice %arg8[%dma_wait3A_77, %dma_wait3A_78] : memref<624x16xf32, #tpu.memory_space<vmem>> -> memref<16x16xf32, #tpu.memory_space<vmem>>
        tpu.wait_dma2 semaphore(%run_scoped3A_57 : memref<!tpu.dma_semaphore, #tpu.memory_space<semaphore_mem>>) src(%dma_wait3A_79 : memref<16x16xf32, #tpu.memory_space<vmem>>) dst(%dma_wait3A_76 : memref<16x16xf32, #tpu.memory_space<vmem_shared>>)
        tpu.yield
      }) : () -> ()
    } else {
    }
    %barrier3A = arith.constant 0 : index
    tpu.barrier barrier_id(%barrier3A)
    %scan3A_25 = arith.constant 0 : i32
    %scan3A_26 = arith.constant 0 : i32
    %scan3A_27 = arith.constant 125 : i32
    %scan3A_28 = arith.addi %scan3A_26, %scan3A_27 : i32
    %scan3A_29 = arith.constant 1 : i32
    scf.for %scan3A_57 = %scan3A_26 to %scan3A_28 step %scan3A_29  : i32 {
      %mul3A_58 = arith.constant 10000 : i32
      %mul3A_59 = arith.muli %add3A, %mul3A_58 : i32
      %mul3A_60 = arith.constant 80 : i32
      %mul3A_61 = arith.muli %scan3A_57, %mul3A_60 : i32
      %add3A_62 = arith.addi %mul3A_59, %mul3A_61 : i32
      "tpu.region"() ({
        %run_scoped3A_63 = tpu.sem_alloc : memref<!tpu.dma_semaphore, #tpu.memory_space<semaphore_mem>>
        %dma_start3A = tpu.memref_slice %arg2[%add3A_62] : memref<320000xi32, #tpu.memory_space<hbm>> -> memref<80xi32, #tpu.memory_space<hbm>>
        %dma_start3A_64 = tpu.memref_slice %arg2[%add3A_62] : memref<320000xi32, #tpu.memory_space<hbm>> -> memref<80xi32, #tpu.memory_space<hbm>>
        tpu.enqueue_dma source(%dma_start3A_64 : memref<80xi32, #tpu.memory_space<hbm>>) target(%arg9 : memref<80xi32, #tpu.memory_space<vmem>>) target_semaphore(%run_scoped3A_63 : memref<!tpu.dma_semaphore, #tpu.memory_space<semaphore_mem>>)
        %dma_wait3A = tpu.memref_slice %arg2[%add3A_62] : memref<320000xi32, #tpu.memory_space<hbm>> -> memref<80xi32, #tpu.memory_space<hbm>>
        %dma_wait3A_65 = tpu.memref_slice %arg2[%add3A_62] : memref<320000xi32, #tpu.memory_space<hbm>> -> memref<80xi32, #tpu.memory_space<hbm>>
        tpu.wait_dma2 semaphore(%run_scoped3A_63 : memref<!tpu.dma_semaphore, #tpu.memory_space<semaphore_mem>>) src(%dma_wait3A_65 : memref<80xi32, #tpu.memory_space<hbm>>) dst(%arg9 : memref<80xi32, #tpu.memory_space<vmem>>)
        tpu.yield
      }) : () -> ()
      "tpu.region"() ({
        %run_scoped3A_63 = tpu.sem_alloc : memref<!tpu.dma_semaphore, #tpu.memory_space<semaphore_mem>>
        %dma_start3A = arith.constant 0 : i32
        %dma_start3A_64 = arith.constant 0 : i32
        %dma_start3A_65 = tpu.memref_slice %arg6[%dma_start3A, %dma_start3A_64] : memref<10000x16xf32, #tpu.memory_space<vmem_shared>> -> memref<10000x16xf32, #tpu.memory_space<vmem_shared>>
        tpu.enqueue_indirect_dma source(%arg7 : memref<80x16xf32, #tpu.memory_space<vmem>>) target(%dma_start3A_65 : memref<10000x16xf32, #tpu.memory_space<vmem_shared>>) offsets(%arg9 : memref<80xi32, #tpu.memory_space<vmem>>) semaphore(%run_scoped3A_63 : memref<!tpu.dma_semaphore, #tpu.memory_space<semaphore_mem>>) {add = true}
        %dma_wait3A = arith.constant 0 : i32
        %dma_wait3A_66 = arith.constant 0 : i32
        %dma_wait3A_67 = tpu.memref_slice %arg6[%dma_wait3A, %dma_wait3A_66] : memref<10000x16xf32, #tpu.memory_space<vmem_shared>> -> memref<10000x16xf32, #tpu.memory_space<vmem_shared>>
        tpu.wait_indirect_dma semaphore(%run_scoped3A_63 : memref<!tpu.dma_semaphore, #tpu.memory_space<semaphore_mem>>) src(%arg7 : memref<80x16xf32, #tpu.memory_space<vmem>>) dst(%dma_wait3A_67 : memref<10000x16xf32, #tpu.memory_space<vmem_shared>>)
        tpu.yield
      }) : () -> ()
    }
    %scan3A_30 = arith.constant 125 : i32
    %scan3A_31 = arith.constant 0 : i32
    %scan3A_32 = arith.constant 0 : i32
    %scan3A_33 = arith.constant 125 : i32
    %scan3A_34 = arith.addi %scan3A_32, %scan3A_33 : i32
    %scan3A_35 = arith.constant 1 : i32
    scf.for %scan3A_57 = %scan3A_32 to %scan3A_34 step %scan3A_35  : i32 {
      %mul3A_58 = arith.constant 10000 : i32
      %mul3A_59 = arith.muli %add3A, %mul3A_58 : i32
      %mul3A_60 = arith.constant 80 : i32
      %mul3A_61 = arith.muli %scan3A_57, %mul3A_60 : i32
      %add3A_62 = arith.addi %mul3A_59, %mul3A_61 : i32
      "tpu.region"() ({
        %run_scoped3A_63 = tpu.sem_alloc : memref<!tpu.dma_semaphore, #tpu.memory_space<semaphore_mem>>
        %dma_start3A = tpu.memref_slice %arg3[%add3A_62] : memref<320000xi32, #tpu.memory_space<hbm>> -> memref<80xi32, #tpu.memory_space<hbm>>
        %dma_start3A_64 = tpu.memref_slice %arg3[%add3A_62] : memref<320000xi32, #tpu.memory_space<hbm>> -> memref<80xi32, #tpu.memory_space<hbm>>
        tpu.enqueue_dma source(%dma_start3A_64 : memref<80xi32, #tpu.memory_space<hbm>>) target(%arg9 : memref<80xi32, #tpu.memory_space<vmem>>) target_semaphore(%run_scoped3A_63 : memref<!tpu.dma_semaphore, #tpu.memory_space<semaphore_mem>>)
        %dma_wait3A = tpu.memref_slice %arg3[%add3A_62] : memref<320000xi32, #tpu.memory_space<hbm>> -> memref<80xi32, #tpu.memory_space<hbm>>
        %dma_wait3A_65 = tpu.memref_slice %arg3[%add3A_62] : memref<320000xi32, #tpu.memory_space<hbm>> -> memref<80xi32, #tpu.memory_space<hbm>>
        tpu.wait_dma2 semaphore(%run_scoped3A_63 : memref<!tpu.dma_semaphore, #tpu.memory_space<semaphore_mem>>) src(%dma_wait3A_65 : memref<80xi32, #tpu.memory_space<hbm>>) dst(%arg9 : memref<80xi32, #tpu.memory_space<vmem>>)
        tpu.yield
      }) : () -> ()
      "tpu.region"() ({
        %run_scoped3A_63 = tpu.sem_alloc : memref<!tpu.dma_semaphore, #tpu.memory_space<semaphore_mem>>
        %dma_start3A = arith.constant 0 : i32
        %dma_start3A_64 = arith.constant 0 : i32
        %dma_start3A_65 = tpu.memref_slice %arg5[%dma_start3A, %dma_start3A_64] : memref<10000x16xf32, #tpu.memory_space<vmem_shared>> -> memref<10000x16xf32, #tpu.memory_space<vmem_shared>>
        tpu.enqueue_indirect_dma source(%arg7 : memref<80x16xf32, #tpu.memory_space<vmem>>) target(%dma_start3A_65 : memref<10000x16xf32, #tpu.memory_space<vmem_shared>>) offsets(%arg9 : memref<80xi32, #tpu.memory_space<vmem>>) semaphore(%run_scoped3A_63 : memref<!tpu.dma_semaphore, #tpu.memory_space<semaphore_mem>>) {add = true}
        %dma_wait3A = arith.constant 0 : i32
        %dma_wait3A_66 = arith.constant 0 : i32
        %dma_wait3A_67 = tpu.memref_slice %arg5[%dma_wait3A, %dma_wait3A_66] : memref<10000x16xf32, #tpu.memory_space<vmem_shared>> -> memref<10000x16xf32, #tpu.memory_space<vmem_shared>>
        tpu.wait_indirect_dma semaphore(%run_scoped3A_63 : memref<!tpu.dma_semaphore, #tpu.memory_space<semaphore_mem>>) src(%arg7 : memref<80x16xf32, #tpu.memory_space<vmem>>) dst(%dma_wait3A_67 : memref<10000x16xf32, #tpu.memory_space<vmem_shared>>)
        tpu.yield
      }) : () -> ()
    }
    %scan3A_36 = arith.constant 125 : i32
    %barrier3A_37 = arith.constant 0 : index
    tpu.barrier barrier_id(%barrier3A_37)
    %mul3A_38 = arith.constant 624 : i32
    %mul3A_39 = arith.muli %arg1, %mul3A_38 : i32
    "tpu.region"() ({
      %run_scoped3A_57 = tpu.sem_alloc : memref<!tpu.dma_semaphore, #tpu.memory_space<semaphore_mem>>
      %dma_start3A = arith.constant 0 : i32
      %dma_start3A_58 = tpu.memref_slice %arg6[%mul3A_39, %dma_start3A] : memref<10000x16xf32, #tpu.memory_space<vmem_shared>> -> memref<624x16xf32, #tpu.memory_space<vmem_shared>>
      %dma_start3A_59 = arith.constant 0 : i32
      %dma_start3A_60 = tpu.memref_slice %arg6[%mul3A_39, %dma_start3A_59] : memref<10000x16xf32, #tpu.memory_space<vmem_shared>> -> memref<624x16xf32, #tpu.memory_space<vmem_shared>>
      tpu.enqueue_dma source(%dma_start3A_60 : memref<624x16xf32, #tpu.memory_space<vmem_shared>>) target(%arg8 : memref<624x16xf32, #tpu.memory_space<vmem>>) target_semaphore(%run_scoped3A_57 : memref<!tpu.dma_semaphore, #tpu.memory_space<semaphore_mem>>)
      %dma_wait3A = arith.constant 0 : i32
      %dma_wait3A_61 = tpu.memref_slice %arg6[%mul3A_39, %dma_wait3A] : memref<10000x16xf32, #tpu.memory_space<vmem_shared>> -> memref<624x16xf32, #tpu.memory_space<vmem_shared>>
      %dma_wait3A_62 = arith.constant 0 : i32
      %dma_wait3A_63 = tpu.memref_slice %arg6[%mul3A_39, %dma_wait3A_62] : memref<10000x16xf32, #tpu.memory_space<vmem_shared>> -> memref<624x16xf32, #tpu.memory_space<vmem_shared>>
      tpu.wait_dma2 semaphore(%run_scoped3A_57 : memref<!tpu.dma_semaphore, #tpu.memory_space<semaphore_mem>>) src(%dma_wait3A_63 : memref<624x16xf32, #tpu.memory_space<vmem_shared>>) dst(%arg8 : memref<624x16xf32, #tpu.memory_space<vmem>>)
      tpu.yield
    }) : () -> ()
    %mul3A_40 = arith.constant 624 : i32
    %mul3A_41 = arith.muli %arg1, %mul3A_40 : i32
    %run_scoped3A = arith.constant 0 : i32
    "tpu.region"() ({
      %run_scoped3A_57 = tpu.sem_alloc : memref<!tpu.dma_semaphore, #tpu.memory_space<semaphore_mem>>
      %dma_start3A = arith.constant 0 : i32
      %dma_start3A_58 = tpu.memref_slice %arg4[%run_scoped3A, %arg0, %mul3A_41, %dma_start3A] : memref<2x2x10000x16xf32, #tpu.memory_space<hbm>> -> memref<1x1x624x16xf32, #tpu.memory_space<hbm>>
      %dma_start3A_59 = tpu.memref_squeeze %dma_start3A_58 : memref<1x1x624x16xf32, #tpu.memory_space<hbm>> -> memref<624x16xf32, #tpu.memory_space<hbm>>
      %dma_start3A_60 = arith.constant 0 : i32
      %dma_start3A_61 = tpu.memref_slice %arg4[%run_scoped3A, %arg0, %mul3A_41, %dma_start3A_60] : memref<2x2x10000x16xf32, #tpu.memory_space<hbm>> -> memref<1x1x624x16xf32, #tpu.memory_space<hbm>>
      %dma_start3A_62 = tpu.memref_squeeze %dma_start3A_61 : memref<1x1x624x16xf32, #tpu.memory_space<hbm>> -> memref<624x16xf32, #tpu.memory_space<hbm>>
      tpu.enqueue_dma source(%arg8 : memref<624x16xf32, #tpu.memory_space<vmem>>) target(%dma_start3A_62 : memref<624x16xf32, #tpu.memory_space<hbm>>) target_semaphore(%run_scoped3A_57 : memref<!tpu.dma_semaphore, #tpu.memory_space<semaphore_mem>>)
      %dma_wait3A = arith.constant 0 : i32
      %dma_wait3A_63 = tpu.memref_slice %arg4[%run_scoped3A, %arg0, %mul3A_41, %dma_wait3A] : memref<2x2x10000x16xf32, #tpu.memory_space<hbm>> -> memref<1x1x624x16xf32, #tpu.memory_space<hbm>>
      %dma_wait3A_64 = tpu.memref_squeeze %dma_wait3A_63 : memref<1x1x624x16xf32, #tpu.memory_space<hbm>> -> memref<624x16xf32, #tpu.memory_space<hbm>>
      %dma_wait3A_65 = arith.constant 0 : i32
      %dma_wait3A_66 = tpu.memref_slice %arg4[%run_scoped3A, %arg0, %mul3A_41, %dma_wait3A_65] : memref<2x2x10000x16xf32, #tpu.memory_space<hbm>> -> memref<1x1x624x16xf32, #tpu.memory_space<hbm>>
      %dma_wait3A_67 = tpu.memref_squeeze %dma_wait3A_66 : memref<1x1x624x16xf32, #tpu.memory_space<hbm>> -> memref<624x16xf32, #tpu.memory_space<hbm>>
      tpu.wait_dma2 semaphore(%run_scoped3A_57 : memref<!tpu.dma_semaphore, #tpu.memory_space<semaphore_mem>>) src(%arg8 : memref<624x16xf32, #tpu.memory_space<vmem>>) dst(%dma_wait3A_67 : memref<624x16xf32, #tpu.memory_space<hbm>>)
      tpu.yield
    }) : () -> ()
    %eq3A_42 = arith.constant 15 : i32
    %eq3A_43 = arith.cmpi eq, %arg1, %eq3A_42 : i32
    %convert_element_type3A_44 = arith.extui %eq3A_43 : i1 to i32
    %cond3A_45 = arith.constant 0 : i32
    %cond3A_46 = arith.cmpi ne, %convert_element_type3A_44, %cond3A_45 : i32
    scf.if %cond3A_46 {
      "tpu.region"() ({
        %run_scoped3A_58 = tpu.sem_alloc : memref<!tpu.dma_semaphore, #tpu.memory_space<semaphore_mem>>
        %dma_start3A = arith.constant 0 : i32
        %dma_start3A_59 = arith.constant 0 : i32
        %dma_start3A_60 = tpu.memref_slice %arg8[%dma_start3A, %dma_start3A_59] : memref<624x16xf32, #tpu.memory_space<vmem>> -> memref<16x16xf32, #tpu.memory_space<vmem>>
        %dma_start3A_61 = arith.constant 9984 : i32
        %dma_start3A_62 = arith.constant 0 : i32
        %dma_start3A_63 = tpu.memref_slice %arg6[%dma_start3A_61, %dma_start3A_62] : memref<10000x16xf32, #tpu.memory_space<vmem_shared>> -> memref<16x16xf32, #tpu.memory_space<vmem_shared>>
        %dma_start3A_64 = arith.constant 0 : i32
        %dma_start3A_65 = arith.constant 0 : i32
        %dma_start3A_66 = tpu.memref_slice %arg8[%dma_start3A_64, %dma_start3A_65] : memref<624x16xf32, #tpu.memory_space<vmem>> -> memref<16x16xf32, #tpu.memory_space<vmem>>
        %dma_start3A_67 = arith.constant 9984 : i32
        %dma_start3A_68 = arith.constant 0 : i32
        %dma_start3A_69 = tpu.memref_slice %arg6[%dma_start3A_67, %dma_start3A_68] : memref<10000x16xf32, #tpu.memory_space<vmem_shared>> -> memref<16x16xf32, #tpu.memory_space<vmem_shared>>
        tpu.enqueue_dma source(%dma_start3A_69 : memref<16x16xf32, #tpu.memory_space<vmem_shared>>) target(%dma_start3A_66 : memref<16x16xf32, #tpu.memory_space<vmem>>) target_semaphore(%run_scoped3A_58 : memref<!tpu.dma_semaphore, #tpu.memory_space<semaphore_mem>>)
        %dma_wait3A = arith.constant 0 : i32
        %dma_wait3A_70 = arith.constant 0 : i32
        %dma_wait3A_71 = tpu.memref_slice %arg8[%dma_wait3A, %dma_wait3A_70] : memref<624x16xf32, #tpu.memory_space<vmem>> -> memref<16x16xf32, #tpu.memory_space<vmem>>
        %dma_wait3A_72 = arith.constant 9984 : i32
        %dma_wait3A_73 = arith.constant 0 : i32
        %dma_wait3A_74 = tpu.memref_slice %arg6[%dma_wait3A_72, %dma_wait3A_73] : memref<10000x16xf32, #tpu.memory_space<vmem_shared>> -> memref<16x16xf32, #tpu.memory_space<vmem_shared>>
        %dma_wait3A_75 = arith.constant 0 : i32
        %dma_wait3A_76 = arith.constant 0 : i32
        %dma_wait3A_77 = tpu.memref_slice %arg8[%dma_wait3A_75, %dma_wait3A_76] : memref<624x16xf32, #tpu.memory_space<vmem>> -> memref<16x16xf32, #tpu.memory_space<vmem>>
        %dma_wait3A_78 = arith.constant 9984 : i32
        %dma_wait3A_79 = arith.constant 0 : i32
        %dma_wait3A_80 = tpu.memref_slice %arg6[%dma_wait3A_78, %dma_wait3A_79] : memref<10000x16xf32, #tpu.memory_space<vmem_shared>> -> memref<16x16xf32, #tpu.memory_space<vmem_shared>>
        tpu.wait_dma2 semaphore(%run_scoped3A_58 : memref<!tpu.dma_semaphore, #tpu.memory_space<semaphore_mem>>) src(%dma_wait3A_80 : memref<16x16xf32, #tpu.memory_space<vmem_shared>>) dst(%dma_wait3A_77 : memref<16x16xf32, #tpu.memory_space<vmem>>)
        tpu.yield
      }) : () -> ()
      %run_scoped3A_57 = arith.constant 0 : i32
      "tpu.region"() ({
        %run_scoped3A_58 = tpu.sem_alloc : memref<!tpu.dma_semaphore, #tpu.memory_space<semaphore_mem>>
        %dma_start3A = arith.constant 0 : i32
        %dma_start3A_59 = arith.constant 0 : i32
        %dma_start3A_60 = tpu.memref_slice %arg8[%dma_start3A, %dma_start3A_59] : memref<624x16xf32, #tpu.memory_space<vmem>> -> memref<16x16xf32, #tpu.memory_space<vmem>>
        %dma_start3A_61 = arith.constant 9984 : i32
        %dma_start3A_62 = arith.constant 0 : i32
        %dma_start3A_63 = tpu.memref_slice %arg4[%run_scoped3A_57, %arg0, %dma_start3A_61, %dma_start3A_62] : memref<2x2x10000x16xf32, #tpu.memory_space<hbm>> -> memref<1x1x16x16xf32, #tpu.memory_space<hbm>>
        %dma_start3A_64 = tpu.memref_squeeze %dma_start3A_63 : memref<1x1x16x16xf32, #tpu.memory_space<hbm>> -> memref<16x16xf32, #tpu.memory_space<hbm>>
        %dma_start3A_65 = arith.constant 9984 : i32
        %dma_start3A_66 = arith.constant 0 : i32
        %dma_start3A_67 = tpu.memref_slice %arg4[%run_scoped3A_57, %arg0, %dma_start3A_65, %dma_start3A_66] : memref<2x2x10000x16xf32, #tpu.memory_space<hbm>> -> memref<1x1x16x16xf32, #tpu.memory_space<hbm>>
        %dma_start3A_68 = tpu.memref_squeeze %dma_start3A_67 : memref<1x1x16x16xf32, #tpu.memory_space<hbm>> -> memref<16x16xf32, #tpu.memory_space<hbm>>
        %dma_start3A_69 = arith.constant 0 : i32
        %dma_start3A_70 = arith.constant 0 : i32
        %dma_start3A_71 = tpu.memref_slice %arg8[%dma_start3A_69, %dma_start3A_70] : memref<624x16xf32, #tpu.memory_space<vmem>> -> memref<16x16xf32, #tpu.memory_space<vmem>>
        tpu.enqueue_dma source(%dma_start3A_71 : memref<16x16xf32, #tpu.memory_space<vmem>>) target(%dma_start3A_68 : memref<16x16xf32, #tpu.memory_space<hbm>>) target_semaphore(%run_scoped3A_58 : memref<!tpu.dma_semaphore, #tpu.memory_space<semaphore_mem>>)
        %dma_wait3A = arith.constant 0 : i32
        %dma_wait3A_72 = arith.constant 0 : i32
        %dma_wait3A_73 = tpu.memref_slice %arg8[%dma_wait3A, %dma_wait3A_72] : memref<624x16xf32, #tpu.memory_space<vmem>> -> memref<16x16xf32, #tpu.memory_space<vmem>>
        %dma_wait3A_74 = arith.constant 9984 : i32
        %dma_wait3A_75 = arith.constant 0 : i32
        %dma_wait3A_76 = tpu.memref_slice %arg4[%run_scoped3A_57, %arg0, %dma_wait3A_74, %dma_wait3A_75] : memref<2x2x10000x16xf32, #tpu.memory_space<hbm>> -> memref<1x1x16x16xf32, #tpu.memory_space<hbm>>
        %dma_wait3A_77 = tpu.memref_squeeze %dma_wait3A_76 : memref<1x1x16x16xf32, #tpu.memory_space<hbm>> -> memref<16x16xf32, #tpu.memory_space<hbm>>
        %dma_wait3A_78 = arith.constant 9984 : i32
        %dma_wait3A_79 = arith.constant 0 : i32
        %dma_wait3A_80 = tpu.memref_slice %arg4[%run_scoped3A_57, %arg0, %dma_wait3A_78, %dma_wait3A_79] : memref<2x2x10000x16xf32, #tpu.memory_space<hbm>> -> memref<1x1x16x16xf32, #tpu.memory_space<hbm>>
        %dma_wait3A_81 = tpu.memref_squeeze %dma_wait3A_80 : memref<1x1x16x16xf32, #tpu.memory_space<hbm>> -> memref<16x16xf32, #tpu.memory_space<hbm>>
        %dma_wait3A_82 = arith.constant 0 : i32
        %dma_wait3A_83 = arith.constant 0 : i32
        %dma_wait3A_84 = tpu.memref_slice %arg8[%dma_wait3A_82, %dma_wait3A_83] : memref<624x16xf32, #tpu.memory_space<vmem>> -> memref<16x16xf32, #tpu.memory_space<vmem>>
        tpu.wait_dma2 semaphore(%run_scoped3A_58 : memref<!tpu.dma_semaphore, #tpu.memory_space<semaphore_mem>>) src(%dma_wait3A_84 : memref<16x16xf32, #tpu.memory_space<vmem>>) dst(%dma_wait3A_81 : memref<16x16xf32, #tpu.memory_space<hbm>>)
        tpu.yield
      }) : () -> ()
    } else {
    }
    %mul3A_47 = arith.constant 624 : i32
    %mul3A_48 = arith.muli %arg1, %mul3A_47 : i32
    "tpu.region"() ({
      %run_scoped3A_57 = tpu.sem_alloc : memref<!tpu.dma_semaphore, #tpu.memory_space<semaphore_mem>>
      %dma_start3A = arith.constant 0 : i32
      %dma_start3A_58 = tpu.memref_slice %arg5[%mul3A_48, %dma_start3A] : memref<10000x16xf32, #tpu.memory_space<vmem_shared>> -> memref<624x16xf32, #tpu.memory_space<vmem_shared>>
      %dma_start3A_59 = arith.constant 0 : i32
      %dma_start3A_60 = tpu.memref_slice %arg5[%mul3A_48, %dma_start3A_59] : memref<10000x16xf32, #tpu.memory_space<vmem_shared>> -> memref<624x16xf32, #tpu.memory_space<vmem_shared>>
      tpu.enqueue_dma source(%dma_start3A_60 : memref<624x16xf32, #tpu.memory_space<vmem_shared>>) target(%arg8 : memref<624x16xf32, #tpu.memory_space<vmem>>) target_semaphore(%run_scoped3A_57 : memref<!tpu.dma_semaphore, #tpu.memory_space<semaphore_mem>>)
      %dma_wait3A = arith.constant 0 : i32
      %dma_wait3A_61 = tpu.memref_slice %arg5[%mul3A_48, %dma_wait3A] : memref<10000x16xf32, #tpu.memory_space<vmem_shared>> -> memref<624x16xf32, #tpu.memory_space<vmem_shared>>
      %dma_wait3A_62 = arith.constant 0 : i32
      %dma_wait3A_63 = tpu.memref_slice %arg5[%mul3A_48, %dma_wait3A_62] : memref<10000x16xf32, #tpu.memory_space<vmem_shared>> -> memref<624x16xf32, #tpu.memory_space<vmem_shared>>
      tpu.wait_dma2 semaphore(%run_scoped3A_57 : memref<!tpu.dma_semaphore, #tpu.memory_space<semaphore_mem>>) src(%dma_wait3A_63 : memref<624x16xf32, #tpu.memory_space<vmem_shared>>) dst(%arg8 : memref<624x16xf32, #tpu.memory_space<vmem>>)
      tpu.yield
    }) : () -> ()
    %mul3A_49 = arith.constant 624 : i32
    %mul3A_50 = arith.muli %arg1, %mul3A_49 : i32
    %run_scoped3A_51 = arith.constant 1 : i32
    "tpu.region"() ({
      %run_scoped3A_57 = tpu.sem_alloc : memref<!tpu.dma_semaphore, #tpu.memory_space<semaphore_mem>>
      %dma_start3A = arith.constant 0 : i32
      %dma_start3A_58 = tpu.memref_slice %arg4[%run_scoped3A_51, %arg0, %mul3A_50, %dma_start3A] : memref<2x2x10000x16xf32, #tpu.memory_space<hbm>> -> memref<1x1x624x16xf32, #tpu.memory_space<hbm>>
      %dma_start3A_59 = tpu.memref_squeeze %dma_start3A_58 : memref<1x1x624x16xf32, #tpu.memory_space<hbm>> -> memref<624x16xf32, #tpu.memory_space<hbm>>
      %dma_start3A_60 = arith.constant 0 : i32
      %dma_start3A_61 = tpu.memref_slice %arg4[%run_scoped3A_51, %arg0, %mul3A_50, %dma_start3A_60] : memref<2x2x10000x16xf32, #tpu.memory_space<hbm>> -> memref<1x1x624x16xf32, #tpu.memory_space<hbm>>
      %dma_start3A_62 = tpu.memref_squeeze %dma_start3A_61 : memref<1x1x624x16xf32, #tpu.memory_space<hbm>> -> memref<624x16xf32, #tpu.memory_space<hbm>>
      tpu.enqueue_dma source(%arg8 : memref<624x16xf32, #tpu.memory_space<vmem>>) target(%dma_start3A_62 : memref<624x16xf32, #tpu.memory_space<hbm>>) target_semaphore(%run_scoped3A_57 : memref<!tpu.dma_semaphore, #tpu.memory_space<semaphore_mem>>)
      %dma_wait3A = arith.constant 0 : i32
      %dma_wait3A_63 = tpu.memref_slice %arg4[%run_scoped3A_51, %arg0, %mul3A_50, %dma_wait3A] : memref<2x2x10000x16xf32, #tpu.memory_space<hbm>> -> memref<1x1x624x16xf32, #tpu.memory_space<hbm>>
      %dma_wait3A_64 = tpu.memref_squeeze %dma_wait3A_63 : memref<1x1x624x16xf32, #tpu.memory_space<hbm>> -> memref<624x16xf32, #tpu.memory_space<hbm>>
      %dma_wait3A_65 = arith.constant 0 : i32
      %dma_wait3A_66 = tpu.memref_slice %arg4[%run_scoped3A_51, %arg0, %mul3A_50, %dma_wait3A_65] : memref<2x2x10000x16xf32, #tpu.memory_space<hbm>> -> memref<1x1x624x16xf32, #tpu.memory_space<hbm>>
      %dma_wait3A_67 = tpu.memref_squeeze %dma_wait3A_66 : memref<1x1x624x16xf32, #tpu.memory_space<hbm>> -> memref<624x16xf32, #tpu.memory_space<hbm>>
      tpu.wait_dma2 semaphore(%run_scoped3A_57 : memref<!tpu.dma_semaphore, #tpu.memory_space<semaphore_mem>>) src(%arg8 : memref<624x16xf32, #tpu.memory_space<vmem>>) dst(%dma_wait3A_67 : memref<624x16xf32, #tpu.memory_space<hbm>>)
      tpu.yield
    }) : () -> ()
    %eq3A_52 = arith.constant 15 : i32
    %eq3A_53 = arith.cmpi eq, %arg1, %eq3A_52 : i32
    %convert_element_type3A_54 = arith.extui %eq3A_53 : i1 to i32
    %cond3A_55 = arith.constant 0 : i32
    %cond3A_56 = arith.cmpi ne, %convert_element_type3A_54, %cond3A_55 : i32
    scf.if %cond3A_56 {
      "tpu.region"() ({
        %run_scoped3A_58 = tpu.sem_alloc : memref<!tpu.dma_semaphore, #tpu.memory_space<semaphore_mem>>
        %dma_start3A = arith.constant 0 : i32
        %dma_start3A_59 = arith.constant 0 : i32
        %dma_start3A_60 = tpu.memref_slice %arg8[%dma_start3A, %dma_start3A_59] : memref<624x16xf32, #tpu.memory_space<vmem>> -> memref<16x16xf32, #tpu.memory_space<vmem>>
        %dma_start3A_61 = arith.constant 9984 : i32
        %dma_start3A_62 = arith.constant 0 : i32
        %dma_start3A_63 = tpu.memref_slice %arg5[%dma_start3A_61, %dma_start3A_62] : memref<10000x16xf32, #tpu.memory_space<vmem_shared>> -> memref<16x16xf32, #tpu.memory_space<vmem_shared>>
        %dma_start3A_64 = arith.constant 0 : i32
        %dma_start3A_65 = arith.constant 0 : i32
        %dma_start3A_66 = tpu.memref_slice %arg8[%dma_start3A_64, %dma_start3A_65] : memref<624x16xf32, #tpu.memory_space<vmem>> -> memref<16x16xf32, #tpu.memory_space<vmem>>
        %dma_start3A_67 = arith.constant 9984 : i32
        %dma_start3A_68 = arith.constant 0 : i32
        %dma_start3A_69 = tpu.memref_slice %arg5[%dma_start3A_67, %dma_start3A_68] : memref<10000x16xf32, #tpu.memory_space<vmem_shared>> -> memref<16x16xf32, #tpu.memory_space<vmem_shared>>
        tpu.enqueue_dma source(%dma_start3A_69 : memref<16x16xf32, #tpu.memory_space<vmem_shared>>) target(%dma_start3A_66 : memref<16x16xf32, #tpu.memory_space<vmem>>) target_semaphore(%run_scoped3A_58 : memref<!tpu.dma_semaphore, #tpu.memory_space<semaphore_mem>>)
        %dma_wait3A = arith.constant 0 : i32
        %dma_wait3A_70 = arith.constant 0 : i32
        %dma_wait3A_71 = tpu.memref_slice %arg8[%dma_wait3A, %dma_wait3A_70] : memref<624x16xf32, #tpu.memory_space<vmem>> -> memref<16x16xf32, #tpu.memory_space<vmem>>
        %dma_wait3A_72 = arith.constant 9984 : i32
        %dma_wait3A_73 = arith.constant 0 : i32
        %dma_wait3A_74 = tpu.memref_slice %arg5[%dma_wait3A_72, %dma_wait3A_73] : memref<10000x16xf32, #tpu.memory_space<vmem_shared>> -> memref<16x16xf32, #tpu.memory_space<vmem_shared>>
        %dma_wait3A_75 = arith.constant 0 : i32
        %dma_wait3A_76 = arith.constant 0 : i32
        %dma_wait3A_77 = tpu.memref_slice %arg8[%dma_wait3A_75, %dma_wait3A_76] : memref<624x16xf32, #tpu.memory_space<vmem>> -> memref<16x16xf32, #tpu.memory_space<vmem>>
        %dma_wait3A_78 = arith.constant 9984 : i32
        %dma_wait3A_79 = arith.constant 0 : i32
        %dma_wait3A_80 = tpu.memref_slice %arg5[%dma_wait3A_78, %dma_wait3A_79] : memref<10000x16xf32, #tpu.memory_space<vmem_shared>> -> memref<16x16xf32, #tpu.memory_space<vmem_shared>>
        tpu.wait_dma2 semaphore(%run_scoped3A_58 : memref<!tpu.dma_semaphore, #tpu.memory_space<semaphore_mem>>) src(%dma_wait3A_80 : memref<16x16xf32, #tpu.memory_space<vmem_shared>>) dst(%dma_wait3A_77 : memref<16x16xf32, #tpu.memory_space<vmem>>)
        tpu.yield
      }) : () -> ()
      %run_scoped3A_57 = arith.constant 1 : i32
      "tpu.region"() ({
        %run_scoped3A_58 = tpu.sem_alloc : memref<!tpu.dma_semaphore, #tpu.memory_space<semaphore_mem>>
        %dma_start3A = arith.constant 0 : i32
        %dma_start3A_59 = arith.constant 0 : i32
        %dma_start3A_60 = tpu.memref_slice %arg8[%dma_start3A, %dma_start3A_59] : memref<624x16xf32, #tpu.memory_space<vmem>> -> memref<16x16xf32, #tpu.memory_space<vmem>>
        %dma_start3A_61 = arith.constant 9984 : i32
        %dma_start3A_62 = arith.constant 0 : i32
        %dma_start3A_63 = tpu.memref_slice %arg4[%run_scoped3A_57, %arg0, %dma_start3A_61, %dma_start3A_62] : memref<2x2x10000x16xf32, #tpu.memory_space<hbm>> -> memref<1x1x16x16xf32, #tpu.memory_space<hbm>>
        %dma_start3A_64 = tpu.memref_squeeze %dma_start3A_63 : memref<1x1x16x16xf32, #tpu.memory_space<hbm>> -> memref<16x16xf32, #tpu.memory_space<hbm>>
        %dma_start3A_65 = arith.constant 9984 : i32
        %dma_start3A_66 = arith.constant 0 : i32
        %dma_start3A_67 = tpu.memref_slice %arg4[%run_scoped3A_57, %arg0, %dma_start3A_65, %dma_start3A_66] : memref<2x2x10000x16xf32, #tpu.memory_space<hbm>> -> memref<1x1x16x16xf32, #tpu.memory_space<hbm>>
        %dma_start3A_68 = tpu.memref_squeeze %dma_start3A_67 : memref<1x1x16x16xf32, #tpu.memory_space<hbm>> -> memref<16x16xf32, #tpu.memory_space<hbm>>
        %dma_start3A_69 = arith.constant 0 : i32
        %dma_start3A_70 = arith.constant 0 : i32
        %dma_start3A_71 = tpu.memref_slice %arg8[%dma_start3A_69, %dma_start3A_70] : memref<624x16xf32, #tpu.memory_space<vmem>> -> memref<16x16xf32, #tpu.memory_space<vmem>>
        tpu.enqueue_dma source(%dma_start3A_71 : memref<16x16xf32, #tpu.memory_space<vmem>>) target(%dma_start3A_68 : memref<16x16xf32, #tpu.memory_space<hbm>>) target_semaphore(%run_scoped3A_58 : memref<!tpu.dma_semaphore, #tpu.memory_space<semaphore_mem>>)
        %dma_wait3A = arith.constant 0 : i32
        %dma_wait3A_72 = arith.constant 0 : i32
        %dma_wait3A_73 = tpu.memref_slice %arg8[%dma_wait3A, %dma_wait3A_72] : memref<624x16xf32, #tpu.memory_space<vmem>> -> memref<16x16xf32, #tpu.memory_space<vmem>>
        %dma_wait3A_74 = arith.constant 9984 : i32
        %dma_wait3A_75 = arith.constant 0 : i32
        %dma_wait3A_76 = tpu.memref_slice %arg4[%run_scoped3A_57, %arg0, %dma_wait3A_74, %dma_wait3A_75] : memref<2x2x10000x16xf32, #tpu.memory_space<hbm>> -> memref<1x1x16x16xf32, #tpu.memory_space<hbm>>
        %dma_wait3A_77 = tpu.memref_squeeze %dma_wait3A_76 : memref<1x1x16x16xf32, #tpu.memory_space<hbm>> -> memref<16x16xf32, #tpu.memory_space<hbm>>
        %dma_wait3A_78 = arith.constant 9984 : i32
        %dma_wait3A_79 = arith.constant 0 : i32
        %dma_wait3A_80 = tpu.memref_slice %arg4[%run_scoped3A_57, %arg0, %dma_wait3A_78, %dma_wait3A_79] : memref<2x2x10000x16xf32, #tpu.memory_space<hbm>> -> memref<1x1x16x16xf32, #tpu.memory_space<hbm>>
        %dma_wait3A_81 = tpu.memref_squeeze %dma_wait3A_80 : memref<1x1x16x16xf32, #tpu.memory_space<hbm>> -> memref<16x16xf32, #tpu.memory_space<hbm>>
        %dma_wait3A_82 = arith.constant 0 : i32
        %dma_wait3A_83 = arith.constant 0 : i32
        %dma_wait3A_84 = tpu.memref_slice %arg8[%dma_wait3A_82, %dma_wait3A_83] : memref<624x16xf32, #tpu.memory_space<vmem>> -> memref<16x16xf32, #tpu.memory_space<vmem>>
        tpu.wait_dma2 semaphore(%run_scoped3A_58 : memref<!tpu.dma_semaphore, #tpu.memory_space<semaphore_mem>>) src(%dma_wait3A_84 : memref<16x16xf32, #tpu.memory_space<vmem>>) dst(%dma_wait3A_81 : memref<16x16xf32, #tpu.memory_space<hbm>>)
        tpu.yield
      }) : () -> ()
    } else {
    }
    return
  }
}

#map = affine_map<(d0, d1) -> (0, 0)>
#map1 = affine_map<(d0, d1) -> (0)>
#map2 = affine_map<(d0, d1) -> (0, 0, 0)>
module attributes {stable_mosaic.version = 14 : i64} {
  func.func @_scatter_body(%arg0: i32, %arg1: i32, %arg2: memref<10000x128xf32, #tpu.memory_space<hbm>>, %arg3: memref<320000xi32, #tpu.memory_space<hbm>>, %arg4: memref<320000xi32, #tpu.memory_space<hbm>>, %arg5: memref<2x10000x128xf32, #tpu.memory_space<hbm>>, %arg6: memref<10000x128xf32, #tpu.memory_space<vmem_shared>>, %arg7: memref<312x128xf32, #tpu.memory_space<vmem>>, %arg8: memref<80x128xf32, #tpu.memory_space<vmem>>, %arg9: memref<80xi32, #tpu.memory_space<vmem>>, %arg10: memref<80xi32, #tpu.memory_space<vmem>>, %arg11: memref<!tpu.dma_semaphore, #tpu.memory_space<semaphore_mem>>) attributes {dimension_semantics = [#tpu.dimension_semantics<core_parallel>, #tpu.dimension_semantics<subcore_parallel>], iteration_bounds = array<i64: 2, 16>, scalar_prefetch = 0 : i64, scratch_operands = 6 : i64, tpu.core_type = #tpu.core_type<sc_vector_subcore>, window_params = [{transform_indices = #map}, {transform_indices = #map1}, {transform_indices = #map1}, {transform_indices = #map2}]} {
    %mul3A = arith.constant 2 : i32
    %mul3A_0 = arith.muli %arg1, %mul3A : i32
    %add3A = arith.addi %mul3A_0, %arg0 : i32
    %broadcast_in_dim3A = arith.constant 0.000000e+00 : f32
    %broadcast_in_dim3A_1 = vector.broadcast %broadcast_in_dim3A : f32 to vector<16xf32>
    %scan3A = arith.constant 0 : i32
    %scan3A_2 = arith.constant 0 : i32
    %scan3A_3 = arith.constant 312 : i32
    %scan3A_4 = arith.addi %scan3A_2, %scan3A_3 : i32
    %scan3A_5 = arith.constant 1 : i32
    scf.for %scan3A_37 = %scan3A_2 to %scan3A_4 step %scan3A_5  : i32 {
      %swap3A = arith.index_cast %scan3A_37 : i32 to index
      %swap3A_38 = arith.constant 0 : index
      %swap3A_39 = tpu.vector_load %arg7[%swap3A, %swap3A_38] {strides = array<i32>} : memref<312x128xf32, #tpu.memory_space<vmem>>, vector<1x16xf32>,
      %swap3A_40 = vector.shape_cast %swap3A_39 : vector<1x16xf32> to vector<16xf32>
      %swap3A_41 = vector.shape_cast %broadcast_in_dim3A_1 : vector<16xf32> to vector<1x16xf32>
      tpu.vector_store %arg7[%swap3A, %swap3A_38], %swap3A_41 {strides = array<i32>} : memref<312x128xf32, #tpu.memory_space<vmem>>, vector<1x16xf32>,
      %swap3A_42 = arith.index_cast %scan3A_37 : i32 to index
      %swap3A_43 = arith.constant 16 : index
      %swap3A_44 = tpu.vector_load %arg7[%swap3A_42, %swap3A_43] {strides = array<i32>} : memref<312x128xf32, #tpu.memory_space<vmem>>, vector<1x16xf32>,
      %swap3A_45 = vector.shape_cast %swap3A_44 : vector<1x16xf32> to vector<16xf32>
      %swap3A_46 = vector.shape_cast %broadcast_in_dim3A_1 : vector<16xf32> to vector<1x16xf32>
      tpu.vector_store %arg7[%swap3A_42, %swap3A_43], %swap3A_46 {strides = array<i32>} : memref<312x128xf32, #tpu.memory_space<vmem>>, vector<1x16xf32>,
      %swap3A_47 = arith.index_cast %scan3A_37 : i32 to index
      %swap3A_48 = arith.constant 32 : index
      %swap3A_49 = tpu.vector_load %arg7[%swap3A_47, %swap3A_48] {strides = array<i32>} : memref<312x128xf32, #tpu.memory_space<vmem>>, vector<1x16xf32>,
      %swap3A_50 = vector.shape_cast %swap3A_49 : vector<1x16xf32> to vector<16xf32>
      %swap3A_51 = vector.shape_cast %broadcast_in_dim3A_1 : vector<16xf32> to vector<1x16xf32>
      tpu.vector_store %arg7[%swap3A_47, %swap3A_48], %swap3A_51 {strides = array<i32>} : memref<312x128xf32, #tpu.memory_space<vmem>>, vector<1x16xf32>,
      %swap3A_52 = arith.index_cast %scan3A_37 : i32 to index
      %swap3A_53 = arith.constant 48 : index
      %swap3A_54 = tpu.vector_load %arg7[%swap3A_52, %swap3A_53] {strides = array<i32>} : memref<312x128xf32, #tpu.memory_space<vmem>>, vector<1x16xf32>,
      %swap3A_55 = vector.shape_cast %swap3A_54 : vector<1x16xf32> to vector<16xf32>
      %swap3A_56 = vector.shape_cast %broadcast_in_dim3A_1 : vector<16xf32> to vector<1x16xf32>
      tpu.vector_store %arg7[%swap3A_52, %swap3A_53], %swap3A_56 {strides = array<i32>} : memref<312x128xf32, #tpu.memory_space<vmem>>, vector<1x16xf32>,
      %swap3A_57 = arith.index_cast %scan3A_37 : i32 to index
      %swap3A_58 = arith.constant 64 : index
      %swap3A_59 = tpu.vector_load %arg7[%swap3A_57, %swap3A_58] {strides = array<i32>} : memref<312x128xf32, #tpu.memory_space<vmem>>, vector<1x16xf32>,
      %swap3A_60 = vector.shape_cast %swap3A_59 : vector<1x16xf32> to vector<16xf32>
      %swap3A_61 = vector.shape_cast %broadcast_in_dim3A_1 : vector<16xf32> to vector<1x16xf32>
      tpu.vector_store %arg7[%swap3A_57, %swap3A_58], %swap3A_61 {strides = array<i32>} : memref<312x128xf32, #tpu.memory_space<vmem>>, vector<1x16xf32>,
      %swap3A_62 = arith.index_cast %scan3A_37 : i32 to index
      %swap3A_63 = arith.constant 80 : index
      %swap3A_64 = tpu.vector_load %arg7[%swap3A_62, %swap3A_63] {strides = array<i32>} : memref<312x128xf32, #tpu.memory_space<vmem>>, vector<1x16xf32>,
      %swap3A_65 = vector.shape_cast %swap3A_64 : vector<1x16xf32> to vector<16xf32>
      %swap3A_66 = vector.shape_cast %broadcast_in_dim3A_1 : vector<16xf32> to vector<1x16xf32>
      tpu.vector_store %arg7[%swap3A_62, %swap3A_63], %swap3A_66 {strides = array<i32>} : memref<312x128xf32, #tpu.memory_space<vmem>>, vector<1x16xf32>,
      %swap3A_67 = arith.index_cast %scan3A_37 : i32 to index
      %swap3A_68 = arith.constant 96 : index
      %swap3A_69 = tpu.vector_load %arg7[%swap3A_67, %swap3A_68] {strides = array<i32>} : memref<312x128xf32, #tpu.memory_space<vmem>>, vector<1x16xf32>,
      %swap3A_70 = vector.shape_cast %swap3A_69 : vector<1x16xf32> to vector<16xf32>
      %swap3A_71 = vector.shape_cast %broadcast_in_dim3A_1 : vector<16xf32> to vector<1x16xf32>
      tpu.vector_store %arg7[%swap3A_67, %swap3A_68], %swap3A_71 {strides = array<i32>} : memref<312x128xf32, #tpu.memory_space<vmem>>, vector<1x16xf32>,
      %swap3A_72 = arith.index_cast %scan3A_37 : i32 to index
      %swap3A_73 = arith.constant 112 : index
      %swap3A_74 = tpu.vector_load %arg7[%swap3A_72, %swap3A_73] {strides = array<i32>} : memref<312x128xf32, #tpu.memory_space<vmem>>, vector<1x16xf32>,
      %swap3A_75 = vector.shape_cast %swap3A_74 : vector<1x16xf32> to vector<16xf32>
      %swap3A_76 = vector.shape_cast %broadcast_in_dim3A_1 : vector<16xf32> to vector<1x16xf32>
      tpu.vector_store %arg7[%swap3A_72, %swap3A_73], %swap3A_76 {strides = array<i32>} : memref<312x128xf32, #tpu.memory_space<vmem>>, vector<1x16xf32>,
    }
    %scan3A_6 = arith.constant 312 : i32
    %mul3A_7 = arith.constant 624 : i32
    %mul3A_8 = arith.muli %arg1, %mul3A_7 : i32
    %add3A_9 = arith.constant 0 : i32
    %add3A_10 = arith.addi %mul3A_8, %add3A_9 : i32
    "tpu.region"() ({
      %run_scoped3A = tpu.sem_alloc : memref<!tpu.dma_semaphore, #tpu.memory_space<semaphore_mem>>
      %dma_start3A = arith.constant 0 : i32
      %dma_start3A_37 = tpu.memref_slice %arg6[%add3A_10, %dma_start3A] : memref<10000x128xf32, #tpu.memory_space<vmem_shared>> -> memref<312x128xf32, #tpu.memory_space<vmem_shared>>
      %dma_start3A_38 = arith.constant 0 : i32
      %dma_start3A_39 = tpu.memref_slice %arg6[%add3A_10, %dma_start3A_38] : memref<10000x128xf32, #tpu.memory_space<vmem_shared>> -> memref<312x128xf32, #tpu.memory_space<vmem_shared>>
      tpu.enqueue_dma source(%arg7 : memref<312x128xf32, #tpu.memory_space<vmem>>) target(%dma_start3A_39 : memref<312x128xf32, #tpu.memory_space<vmem_shared>>) target_semaphore(%run_scoped3A : memref<!tpu.dma_semaphore, #tpu.memory_space<semaphore_mem>>)
      %dma_wait3A = arith.constant 0 : i32
      %dma_wait3A_40 = tpu.memref_slice %arg6[%add3A_10, %dma_wait3A] : memref<10000x128xf32, #tpu.memory_space<vmem_shared>> -> memref<312x128xf32, #tpu.memory_space<vmem_shared>>
      %dma_wait3A_41 = arith.constant 0 : i32
      %dma_wait3A_42 = tpu.memref_slice %arg6[%add3A_10, %dma_wait3A_41] : memref<10000x128xf32, #tpu.memory_space<vmem_shared>> -> memref<312x128xf32, #tpu.memory_space<vmem_shared>>
      tpu.wait_dma2 semaphore(%run_scoped3A : memref<!tpu.dma_semaphore, #tpu.memory_space<semaphore_mem>>) src(%arg7 : memref<312x128xf32, #tpu.memory_space<vmem>>) dst(%dma_wait3A_42 : memref<312x128xf32, #tpu.memory_space<vmem_shared>>)
      tpu.yield
    }) : () -> ()
    %mul3A_11 = arith.constant 624 : i32
    %mul3A_12 = arith.muli %arg1, %mul3A_11 : i32
    %add3A_13 = arith.constant 312 : i32
    %add3A_14 = arith.addi %mul3A_12, %add3A_13 : i32
    "tpu.region"() ({
      %run_scoped3A = tpu.sem_alloc : memref<!tpu.dma_semaphore, #tpu.memory_space<semaphore_mem>>
      %dma_start3A = arith.constant 0 : i32
      %dma_start3A_37 = tpu.memref_slice %arg6[%add3A_14, %dma_start3A] : memref<10000x128xf32, #tpu.memory_space<vmem_shared>> -> memref<312x128xf32, #tpu.memory_space<vmem_shared>>
      %dma_start3A_38 = arith.constant 0 : i32
      %dma_start3A_39 = tpu.memref_slice %arg6[%add3A_14, %dma_start3A_38] : memref<10000x128xf32, #tpu.memory_space<vmem_shared>> -> memref<312x128xf32, #tpu.memory_space<vmem_shared>>
      tpu.enqueue_dma source(%arg7 : memref<312x128xf32, #tpu.memory_space<vmem>>) target(%dma_start3A_39 : memref<312x128xf32, #tpu.memory_space<vmem_shared>>) target_semaphore(%run_scoped3A : memref<!tpu.dma_semaphore, #tpu.memory_space<semaphore_mem>>)
      %dma_wait3A = arith.constant 0 : i32
      %dma_wait3A_40 = tpu.memref_slice %arg6[%add3A_14, %dma_wait3A] : memref<10000x128xf32, #tpu.memory_space<vmem_shared>> -> memref<312x128xf32, #tpu.memory_space<vmem_shared>>
      %dma_wait3A_41 = arith.constant 0 : i32
      %dma_wait3A_42 = tpu.memref_slice %arg6[%add3A_14, %dma_wait3A_41] : memref<10000x128xf32, #tpu.memory_space<vmem_shared>> -> memref<312x128xf32, #tpu.memory_space<vmem_shared>>
      tpu.wait_dma2 semaphore(%run_scoped3A : memref<!tpu.dma_semaphore, #tpu.memory_space<semaphore_mem>>) src(%arg7 : memref<312x128xf32, #tpu.memory_space<vmem>>) dst(%dma_wait3A_42 : memref<312x128xf32, #tpu.memory_space<vmem_shared>>)
      tpu.yield
    }) : () -> ()
    %eq3A = arith.constant 15 : i32
    %eq3A_15 = arith.cmpi eq, %arg1, %eq3A : i32
    %convert_element_type3A = arith.extui %eq3A_15 : i1 to i32
    %cond3A = arith.constant 0 : i32
    %cond3A_16 = arith.cmpi ne, %convert_element_type3A, %cond3A : i32
    scf.if %cond3A_16 {
      "tpu.region"() ({
        %run_scoped3A = tpu.sem_alloc : memref<!tpu.dma_semaphore, #tpu.memory_space<semaphore_mem>>
        %dma_start3A = arith.constant 0 : i32
        %dma_start3A_37 = arith.constant 0 : i32
        %dma_start3A_38 = tpu.memref_slice %arg7[%dma_start3A, %dma_start3A_37] : memref<312x128xf32, #tpu.memory_space<vmem>> -> memref<16x128xf32, #tpu.memory_space<vmem>>
        %dma_start3A_39 = arith.constant 9984 : i32
        %dma_start3A_40 = arith.constant 0 : i32
        %dma_start3A_41 = tpu.memref_slice %arg6[%dma_start3A_39, %dma_start3A_40] : memref<10000x128xf32, #tpu.memory_space<vmem_shared>> -> memref<16x128xf32, #tpu.memory_space<vmem_shared>>
        %dma_start3A_42 = arith.constant 9984 : i32
        %dma_start3A_43 = arith.constant 0 : i32
        %dma_start3A_44 = tpu.memref_slice %arg6[%dma_start3A_42, %dma_start3A_43] : memref<10000x128xf32, #tpu.memory_space<vmem_shared>> -> memref<16x128xf32, #tpu.memory_space<vmem_shared>>
        %dma_start3A_45 = arith.constant 0 : i32
        %dma_start3A_46 = arith.constant 0 : i32
        %dma_start3A_47 = tpu.memref_slice %arg7[%dma_start3A_45, %dma_start3A_46] : memref<312x128xf32, #tpu.memory_space<vmem>> -> memref<16x128xf32, #tpu.memory_space<vmem>>
        tpu.enqueue_dma source(%dma_start3A_47 : memref<16x128xf32, #tpu.memory_space<vmem>>) target(%dma_start3A_44 : memref<16x128xf32, #tpu.memory_space<vmem_shared>>) target_semaphore(%run_scoped3A : memref<!tpu.dma_semaphore, #tpu.memory_space<semaphore_mem>>)
        %dma_wait3A = arith.constant 0 : i32
        %dma_wait3A_48 = arith.constant 0 : i32
        %dma_wait3A_49 = tpu.memref_slice %arg7[%dma_wait3A, %dma_wait3A_48] : memref<312x128xf32, #tpu.memory_space<vmem>> -> memref<16x128xf32, #tpu.memory_space<vmem>>
        %dma_wait3A_50 = arith.constant 9984 : i32
        %dma_wait3A_51 = arith.constant 0 : i32
        %dma_wait3A_52 = tpu.memref_slice %arg6[%dma_wait3A_50, %dma_wait3A_51] : memref<10000x128xf32, #tpu.memory_space<vmem_shared>> -> memref<16x128xf32, #tpu.memory_space<vmem_shared>>
        %dma_wait3A_53 = arith.constant 9984 : i32
        %dma_wait3A_54 = arith.constant 0 : i32
        %dma_wait3A_55 = tpu.memref_slice %arg6[%dma_wait3A_53, %dma_wait3A_54] : memref<10000x128xf32, #tpu.memory_space<vmem_shared>> -> memref<16x128xf32, #tpu.memory_space<vmem_shared>>
        %dma_wait3A_56 = arith.constant 0 : i32
        %dma_wait3A_57 = arith.constant 0 : i32
        %dma_wait3A_58 = tpu.memref_slice %arg7[%dma_wait3A_56, %dma_wait3A_57] : memref<312x128xf32, #tpu.memory_space<vmem>> -> memref<16x128xf32, #tpu.memory_space<vmem>>
        tpu.wait_dma2 semaphore(%run_scoped3A : memref<!tpu.dma_semaphore, #tpu.memory_space<semaphore_mem>>) src(%dma_wait3A_58 : memref<16x128xf32, #tpu.memory_space<vmem>>) dst(%dma_wait3A_55 : memref<16x128xf32, #tpu.memory_space<vmem_shared>>)
        tpu.yield
      }) : () -> ()
    } else {
    }
    %barrier3A = arith.constant 0 : index
    tpu.barrier barrier_id(%barrier3A)
    %scan3A_17 = arith.constant 0 : i32
    %scan3A_18 = arith.constant 0 : i32
    %scan3A_19 = arith.constant 125 : i32
    %scan3A_20 = arith.addi %scan3A_18, %scan3A_19 : i32
    %scan3A_21 = arith.constant 1 : i32
    scf.for %scan3A_37 = %scan3A_18 to %scan3A_20 step %scan3A_21  : i32 {
      %mul3A_38 = arith.constant 10000 : i32
      %mul3A_39 = arith.muli %add3A, %mul3A_38 : i32
      %mul3A_40 = arith.constant 80 : i32
      %mul3A_41 = arith.muli %scan3A_37, %mul3A_40 : i32
      %add3A_42 = arith.addi %mul3A_39, %mul3A_41 : i32
      "tpu.region"() ({
        %run_scoped3A = tpu.sem_alloc : memref<!tpu.dma_semaphore, #tpu.memory_space<semaphore_mem>>
        %dma_start3A_47 = tpu.memref_slice %arg3[%add3A_42] : memref<320000xi32, #tpu.memory_space<hbm>> -> memref<80xi32, #tpu.memory_space<hbm>>
        %dma_start3A_48 = tpu.memref_slice %arg3[%add3A_42] : memref<320000xi32, #tpu.memory_space<hbm>> -> memref<80xi32, #tpu.memory_space<hbm>>
        tpu.enqueue_dma source(%dma_start3A_48 : memref<80xi32, #tpu.memory_space<hbm>>) target(%arg9 : memref<80xi32, #tpu.memory_space<vmem>>) target_semaphore(%run_scoped3A : memref<!tpu.dma_semaphore, #tpu.memory_space<semaphore_mem>>)
        %dma_wait3A_49 = tpu.memref_slice %arg3[%add3A_42] : memref<320000xi32, #tpu.memory_space<hbm>> -> memref<80xi32, #tpu.memory_space<hbm>>
        %dma_wait3A_50 = tpu.memref_slice %arg3[%add3A_42] : memref<320000xi32, #tpu.memory_space<hbm>> -> memref<80xi32, #tpu.memory_space<hbm>>
        tpu.wait_dma2 semaphore(%run_scoped3A : memref<!tpu.dma_semaphore, #tpu.memory_space<semaphore_mem>>) src(%dma_wait3A_50 : memref<80xi32, #tpu.memory_space<hbm>>) dst(%arg9 : memref<80xi32, #tpu.memory_space<vmem>>)
        tpu.yield
      }) : () -> ()
      %dma_start3A = arith.constant 0 : i32
      %dma_start3A_43 = arith.constant 0 : i32
      %dma_start3A_44 = tpu.memref_slice %arg2[%dma_start3A, %dma_start3A_43] : memref<10000x128xf32, #tpu.memory_space<hbm>> -> memref<10000x128xf32, #tpu.memory_space<hbm>>
      tpu.enqueue_indirect_dma source(%dma_start3A_44 : memref<10000x128xf32, #tpu.memory_space<hbm>>) target(%arg8 : memref<80x128xf32, #tpu.memory_space<vmem>>) offsets(%arg9 : memref<80xi32, #tpu.memory_space<vmem>>) semaphore(%arg11 : memref<!tpu.dma_semaphore, #tpu.memory_space<semaphore_mem>>)
      %dma_wait3A = arith.constant 0 : i32
      %dma_wait3A_45 = arith.constant 0 : i32
      %dma_wait3A_46 = tpu.memref_slice %arg2[%dma_wait3A, %dma_wait3A_45] : memref<10000x128xf32, #tpu.memory_space<hbm>> -> memref<10000x128xf32, #tpu.memory_space<hbm>>
      tpu.wait_indirect_dma semaphore(%arg11 : memref<!tpu.dma_semaphore, #tpu.memory_space<semaphore_mem>>) src(%dma_wait3A_46 : memref<10000x128xf32, #tpu.memory_space<hbm>>) dst(%arg8 : memref<80x128xf32, #tpu.memory_space<vmem>>)
      "tpu.region"() ({
        %run_scoped3A = tpu.sem_alloc : memref<!tpu.dma_semaphore, #tpu.memory_space<semaphore_mem>>
        %dma_start3A_47 = tpu.memref_slice %arg4[%add3A_42] : memref<320000xi32, #tpu.memory_space<hbm>> -> memref<80xi32, #tpu.memory_space<hbm>>
        %dma_start3A_48 = tpu.memref_slice %arg4[%add3A_42] : memref<320000xi32, #tpu.memory_space<hbm>> -> memref<80xi32, #tpu.memory_space<hbm>>
        tpu.enqueue_dma source(%dma_start3A_48 : memref<80xi32, #tpu.memory_space<hbm>>) target(%arg10 : memref<80xi32, #tpu.memory_space<vmem>>) target_semaphore(%run_scoped3A : memref<!tpu.dma_semaphore, #tpu.memory_space<semaphore_mem>>)
        %dma_wait3A_49 = tpu.memref_slice %arg4[%add3A_42] : memref<320000xi32, #tpu.memory_space<hbm>> -> memref<80xi32, #tpu.memory_space<hbm>>
        %dma_wait3A_50 = tpu.memref_slice %arg4[%add3A_42] : memref<320000xi32, #tpu.memory_space<hbm>> -> memref<80xi32, #tpu.memory_space<hbm>>
        tpu.wait_dma2 semaphore(%run_scoped3A : memref<!tpu.dma_semaphore, #tpu.memory_space<semaphore_mem>>) src(%dma_wait3A_50 : memref<80xi32, #tpu.memory_space<hbm>>) dst(%arg10 : memref<80xi32, #tpu.memory_space<vmem>>)
        tpu.yield
      }) : () -> ()
      "tpu.region"() ({
        %run_scoped3A = tpu.sem_alloc : memref<!tpu.dma_semaphore, #tpu.memory_space<semaphore_mem>>
        %dma_start3A_47 = arith.constant 0 : i32
        %dma_start3A_48 = arith.constant 0 : i32
        %dma_start3A_49 = tpu.memref_slice %arg6[%dma_start3A_47, %dma_start3A_48] : memref<10000x128xf32, #tpu.memory_space<vmem_shared>> -> memref<10000x128xf32, #tpu.memory_space<vmem_shared>>
        tpu.enqueue_indirect_dma source(%arg8 : memref<80x128xf32, #tpu.memory_space<vmem>>) target(%dma_start3A_49 : memref<10000x128xf32, #tpu.memory_space<vmem_shared>>) offsets(%arg10 : memref<80xi32, #tpu.memory_space<vmem>>) semaphore(%run_scoped3A : memref<!tpu.dma_semaphore, #tpu.memory_space<semaphore_mem>>) {add = true}
        %dma_wait3A_50 = arith.constant 0 : i32
        %dma_wait3A_51 = arith.constant 0 : i32
        %dma_wait3A_52 = tpu.memref_slice %arg6[%dma_wait3A_50, %dma_wait3A_51] : memref<10000x128xf32, #tpu.memory_space<vmem_shared>> -> memref<10000x128xf32, #tpu.memory_space<vmem_shared>>
        tpu.wait_indirect_dma semaphore(%run_scoped3A : memref<!tpu.dma_semaphore, #tpu.memory_space<semaphore_mem>>) src(%arg8 : memref<80x128xf32, #tpu.memory_space<vmem>>) dst(%dma_wait3A_52 : memref<10000x128xf32, #tpu.memory_space<vmem_shared>>)
        tpu.yield
      }) : () -> ()
    }
    %scan3A_22 = arith.constant 125 : i32
    %barrier3A_23 = arith.constant 0 : index
    tpu.barrier barrier_id(%barrier3A_23)
    %mul3A_24 = arith.constant 624 : i32
    %mul3A_25 = arith.muli %arg1, %mul3A_24 : i32
    %add3A_26 = arith.constant 0 : i32
    %add3A_27 = arith.addi %mul3A_25, %add3A_26 : i32
    "tpu.region"() ({
      %run_scoped3A = tpu.sem_alloc : memref<!tpu.dma_semaphore, #tpu.memory_space<semaphore_mem>>
      %dma_start3A = arith.constant 0 : i32
      %dma_start3A_37 = tpu.memref_slice %arg6[%add3A_27, %dma_start3A] : memref<10000x128xf32, #tpu.memory_space<vmem_shared>> -> memref<312x128xf32, #tpu.memory_space<vmem_shared>>
      %dma_start3A_38 = arith.constant 0 : i32
      %dma_start3A_39 = tpu.memref_slice %arg6[%add3A_27, %dma_start3A_38] : memref<10000x128xf32, #tpu.memory_space<vmem_shared>> -> memref<312x128xf32, #tpu.memory_space<vmem_shared>>
      tpu.enqueue_dma source(%dma_start3A_39 : memref<312x128xf32, #tpu.memory_space<vmem_shared>>) target(%arg7 : memref<312x128xf32, #tpu.memory_space<vmem>>) target_semaphore(%run_scoped3A : memref<!tpu.dma_semaphore, #tpu.memory_space<semaphore_mem>>)
      %dma_wait3A = arith.constant 0 : i32
      %dma_wait3A_40 = tpu.memref_slice %arg6[%add3A_27, %dma_wait3A] : memref<10000x128xf32, #tpu.memory_space<vmem_shared>> -> memref<312x128xf32, #tpu.memory_space<vmem_shared>>
      %dma_wait3A_41 = arith.constant 0 : i32
      %dma_wait3A_42 = tpu.memref_slice %arg6[%add3A_27, %dma_wait3A_41] : memref<10000x128xf32, #tpu.memory_space<vmem_shared>> -> memref<312x128xf32, #tpu.memory_space<vmem_shared>>
      tpu.wait_dma2 semaphore(%run_scoped3A : memref<!tpu.dma_semaphore, #tpu.memory_space<semaphore_mem>>) src(%dma_wait3A_42 : memref<312x128xf32, #tpu.memory_space<vmem_shared>>) dst(%arg7 : memref<312x128xf32, #tpu.memory_space<vmem>>)
      tpu.yield
    }) : () -> ()
    "tpu.region"() ({
      %run_scoped3A = tpu.sem_alloc : memref<!tpu.dma_semaphore, #tpu.memory_space<semaphore_mem>>
      %dma_start3A = arith.constant 0 : i32
      %dma_start3A_37 = tpu.memref_slice %arg5[%arg0, %add3A_27, %dma_start3A] : memref<2x10000x128xf32, #tpu.memory_space<hbm>> -> memref<1x312x128xf32, #tpu.memory_space<hbm>>
      %dma_start3A_38 = tpu.memref_squeeze %dma_start3A_37 : memref<1x312x128xf32, #tpu.memory_space<hbm>> -> memref<312x128xf32, #tpu.memory_space<hbm>>
      %dma_start3A_39 = arith.constant 0 : i32
      %dma_start3A_40 = tpu.memref_slice %arg5[%arg0, %add3A_27, %dma_start3A_39] : memref<2x10000x128xf32, #tpu.memory_space<hbm>> -> memref<1x312x128xf32, #tpu.memory_space<hbm>>
      %dma_start3A_41 = tpu.memref_squeeze %dma_start3A_40 : memref<1x312x128xf32, #tpu.memory_space<hbm>> -> memref<312x128xf32, #tpu.memory_space<hbm>>
      tpu.enqueue_dma source(%arg7 : memref<312x128xf32, #tpu.memory_space<vmem>>) target(%dma_start3A_41 : memref<312x128xf32, #tpu.memory_space<hbm>>) target_semaphore(%run_scoped3A : memref<!tpu.dma_semaphore, #tpu.memory_space<semaphore_mem>>)
      %dma_wait3A = arith.constant 0 : i32
      %dma_wait3A_42 = tpu.memref_slice %arg5[%arg0, %add3A_27, %dma_wait3A] : memref<2x10000x128xf32, #tpu.memory_space<hbm>> -> memref<1x312x128xf32, #tpu.memory_space<hbm>>
      %dma_wait3A_43 = tpu.memref_squeeze %dma_wait3A_42 : memref<1x312x128xf32, #tpu.memory_space<hbm>> -> memref<312x128xf32, #tpu.memory_space<hbm>>
      %dma_wait3A_44 = arith.constant 0 : i32
      %dma_wait3A_45 = tpu.memref_slice %arg5[%arg0, %add3A_27, %dma_wait3A_44] : memref<2x10000x128xf32, #tpu.memory_space<hbm>> -> memref<1x312x128xf32, #tpu.memory_space<hbm>>
      %dma_wait3A_46 = tpu.memref_squeeze %dma_wait3A_45 : memref<1x312x128xf32, #tpu.memory_space<hbm>> -> memref<312x128xf32, #tpu.memory_space<hbm>>
      tpu.wait_dma2 semaphore(%run_scoped3A : memref<!tpu.dma_semaphore, #tpu.memory_space<semaphore_mem>>) src(%arg7 : memref<312x128xf32, #tpu.memory_space<vmem>>) dst(%dma_wait3A_46 : memref<312x128xf32, #tpu.memory_space<hbm>>)
      tpu.yield
    }) : () -> ()
    %mul3A_28 = arith.constant 624 : i32
    %mul3A_29 = arith.muli %arg1, %mul3A_28 : i32
    %add3A_30 = arith.constant 312 : i32
    %add3A_31 = arith.addi %mul3A_29, %add3A_30 : i32
    "tpu.region"() ({
      %run_scoped3A = tpu.sem_alloc : memref<!tpu.dma_semaphore, #tpu.memory_space<semaphore_mem>>
      %dma_start3A = arith.constant 0 : i32
      %dma_start3A_37 = tpu.memref_slice %arg6[%add3A_31, %dma_start3A] : memref<10000x128xf32, #tpu.memory_space<vmem_shared>> -> memref<312x128xf32, #tpu.memory_space<vmem_shared>>
      %dma_start3A_38 = arith.constant 0 : i32
      %dma_start3A_39 = tpu.memref_slice %arg6[%add3A_31, %dma_start3A_38] : memref<10000x128xf32, #tpu.memory_space<vmem_shared>> -> memref<312x128xf32, #tpu.memory_space<vmem_shared>>
      tpu.enqueue_dma source(%dma_start3A_39 : memref<312x128xf32, #tpu.memory_space<vmem_shared>>) target(%arg7 : memref<312x128xf32, #tpu.memory_space<vmem>>) target_semaphore(%run_scoped3A : memref<!tpu.dma_semaphore, #tpu.memory_space<semaphore_mem>>)
      %dma_wait3A = arith.constant 0 : i32
      %dma_wait3A_40 = tpu.memref_slice %arg6[%add3A_31, %dma_wait3A] : memref<10000x128xf32, #tpu.memory_space<vmem_shared>> -> memref<312x128xf32, #tpu.memory_space<vmem_shared>>
      %dma_wait3A_41 = arith.constant 0 : i32
      %dma_wait3A_42 = tpu.memref_slice %arg6[%add3A_31, %dma_wait3A_41] : memref<10000x128xf32, #tpu.memory_space<vmem_shared>> -> memref<312x128xf32, #tpu.memory_space<vmem_shared>>
      tpu.wait_dma2 semaphore(%run_scoped3A : memref<!tpu.dma_semaphore, #tpu.memory_space<semaphore_mem>>) src(%dma_wait3A_42 : memref<312x128xf32, #tpu.memory_space<vmem_shared>>) dst(%arg7 : memref<312x128xf32, #tpu.memory_space<vmem>>)
      tpu.yield
    }) : () -> ()
    "tpu.region"() ({
      %run_scoped3A = tpu.sem_alloc : memref<!tpu.dma_semaphore, #tpu.memory_space<semaphore_mem>>
      %dma_start3A = arith.constant 0 : i32
      %dma_start3A_37 = tpu.memref_slice %arg5[%arg0, %add3A_31, %dma_start3A] : memref<2x10000x128xf32, #tpu.memory_space<hbm>> -> memref<1x312x128xf32, #tpu.memory_space<hbm>>
      %dma_start3A_38 = tpu.memref_squeeze %dma_start3A_37 : memref<1x312x128xf32, #tpu.memory_space<hbm>> -> memref<312x128xf32, #tpu.memory_space<hbm>>
      %dma_start3A_39 = arith.constant 0 : i32
      %dma_start3A_40 = tpu.memref_slice %arg5[%arg0, %add3A_31, %dma_start3A_39] : memref<2x10000x128xf32, #tpu.memory_space<hbm>> -> memref<1x312x128xf32, #tpu.memory_space<hbm>>
      %dma_start3A_41 = tpu.memref_squeeze %dma_start3A_40 : memref<1x312x128xf32, #tpu.memory_space<hbm>> -> memref<312x128xf32, #tpu.memory_space<hbm>>
      tpu.enqueue_dma source(%arg7 : memref<312x128xf32, #tpu.memory_space<vmem>>) target(%dma_start3A_41 : memref<312x128xf32, #tpu.memory_space<hbm>>) target_semaphore(%run_scoped3A : memref<!tpu.dma_semaphore, #tpu.memory_space<semaphore_mem>>)
      %dma_wait3A = arith.constant 0 : i32
      %dma_wait3A_42 = tpu.memref_slice %arg5[%arg0, %add3A_31, %dma_wait3A] : memref<2x10000x128xf32, #tpu.memory_space<hbm>> -> memref<1x312x128xf32, #tpu.memory_space<hbm>>
      %dma_wait3A_43 = tpu.memref_squeeze %dma_wait3A_42 : memref<1x312x128xf32, #tpu.memory_space<hbm>> -> memref<312x128xf32, #tpu.memory_space<hbm>>
      %dma_wait3A_44 = arith.constant 0 : i32
      %dma_wait3A_45 = tpu.memref_slice %arg5[%arg0, %add3A_31, %dma_wait3A_44] : memref<2x10000x128xf32, #tpu.memory_space<hbm>> -> memref<1x312x128xf32, #tpu.memory_space<hbm>>
      %dma_wait3A_46 = tpu.memref_squeeze %dma_wait3A_45 : memref<1x312x128xf32, #tpu.memory_space<hbm>> -> memref<312x128xf32, #tpu.memory_space<hbm>>
      tpu.wait_dma2 semaphore(%run_scoped3A : memref<!tpu.dma_semaphore, #tpu.memory_space<semaphore_mem>>) src(%arg7 : memref<312x128xf32, #tpu.memory_space<vmem>>) dst(%dma_wait3A_46 : memref<312x128xf32, #tpu.memory_space<hbm>>)
      tpu.yield
    }) : () -> ()
    %eq3A_32 = arith.constant 15 : i32
    %eq3A_33 = arith.cmpi eq, %arg1, %eq3A_32 : i32
    %convert_element_type3A_34 = arith.extui %eq3A_33 : i1 to i32
    %cond3A_35 = arith.constant 0 : i32
    %cond3A_36 = arith.cmpi ne, %convert_element_type3A_34, %cond3A_35 : i32
    scf.if %cond3A_36 {
      "tpu.region"() ({
        %run_scoped3A = tpu.sem_alloc : memref<!tpu.dma_semaphore, #tpu.memory_space<semaphore_mem>>
        %dma_start3A = arith.constant 0 : i32
        %dma_start3A_37 = arith.constant 0 : i32
        %dma_start3A_38 = tpu.memref_slice %arg7[%dma_start3A, %dma_start3A_37] : memref<312x128xf32, #tpu.memory_space<vmem>> -> memref<16x128xf32, #tpu.memory_space<vmem>>
        %dma_start3A_39 = arith.constant 9984 : i32
        %dma_start3A_40 = arith.constant 0 : i32
        %dma_start3A_41 = tpu.memref_slice %arg6[%dma_start3A_39, %dma_start3A_40] : memref<10000x128xf32, #tpu.memory_space<vmem_shared>> -> memref<16x128xf32, #tpu.memory_space<vmem_shared>>
        %dma_start3A_42 = arith.constant 0 : i32
        %dma_start3A_43 = arith.constant 0 : i32
        %dma_start3A_44 = tpu.memref_slice %arg7[%dma_start3A_42, %dma_start3A_43] : memref<312x128xf32, #tpu.memory_space<vmem>> -> memref<16x128xf32, #tpu.memory_space<vmem>>
        %dma_start3A_45 = arith.constant 9984 : i32
        %dma_start3A_46 = arith.constant 0 : i32
        %dma_start3A_47 = tpu.memref_slice %arg6[%dma_start3A_45, %dma_start3A_46] : memref<10000x128xf32, #tpu.memory_space<vmem_shared>> -> memref<16x128xf32, #tpu.memory_space<vmem_shared>>
        tpu.enqueue_dma source(%dma_start3A_47 : memref<16x128xf32, #tpu.memory_space<vmem_shared>>) target(%dma_start3A_44 : memref<16x128xf32, #tpu.memory_space<vmem>>) target_semaphore(%run_scoped3A : memref<!tpu.dma_semaphore, #tpu.memory_space<semaphore_mem>>)
        %dma_wait3A = arith.constant 0 : i32
        %dma_wait3A_48 = arith.constant 0 : i32
        %dma_wait3A_49 = tpu.memref_slice %arg7[%dma_wait3A, %dma_wait3A_48] : memref<312x128xf32, #tpu.memory_space<vmem>> -> memref<16x128xf32, #tpu.memory_space<vmem>>
        %dma_wait3A_50 = arith.constant 9984 : i32
        %dma_wait3A_51 = arith.constant 0 : i32
        %dma_wait3A_52 = tpu.memref_slice %arg6[%dma_wait3A_50, %dma_wait3A_51] : memref<10000x128xf32, #tpu.memory_space<vmem_shared>> -> memref<16x128xf32, #tpu.memory_space<vmem_shared>>
        %dma_wait3A_53 = arith.constant 0 : i32
        %dma_wait3A_54 = arith.constant 0 : i32
        %dma_wait3A_55 = tpu.memref_slice %arg7[%dma_wait3A_53, %dma_wait3A_54] : memref<312x128xf32, #tpu.memory_space<vmem>> -> memref<16x128xf32, #tpu.memory_space<vmem>>
        %dma_wait3A_56 = arith.constant 9984 : i32
        %dma_wait3A_57 = arith.constant 0 : i32
        %dma_wait3A_58 = tpu.memref_slice %arg6[%dma_wait3A_56, %dma_wait3A_57] : memref<10000x128xf32, #tpu.memory_space<vmem_shared>> -> memref<16x128xf32, #tpu.memory_space<vmem_shared>>
        tpu.wait_dma2 semaphore(%run_scoped3A : memref<!tpu.dma_semaphore, #tpu.memory_space<semaphore_mem>>) src(%dma_wait3A_58 : memref<16x128xf32, #tpu.memory_space<vmem_shared>>) dst(%dma_wait3A_55 : memref<16x128xf32, #tpu.memory_space<vmem>>)
        tpu.yield
      }) : () -> ()
      "tpu.region"() ({
        %run_scoped3A = tpu.sem_alloc : memref<!tpu.dma_semaphore, #tpu.memory_space<semaphore_mem>>
        %dma_start3A = arith.constant 0 : i32
        %dma_start3A_37 = arith.constant 0 : i32
        %dma_start3A_38 = tpu.memref_slice %arg7[%dma_start3A, %dma_start3A_37] : memref<312x128xf32, #tpu.memory_space<vmem>> -> memref<16x128xf32, #tpu.memory_space<vmem>>
        %dma_start3A_39 = arith.constant 9984 : i32
        %dma_start3A_40 = arith.constant 0 : i32
        %dma_start3A_41 = tpu.memref_slice %arg5[%arg0, %dma_start3A_39, %dma_start3A_40] : memref<2x10000x128xf32, #tpu.memory_space<hbm>> -> memref<1x16x128xf32, #tpu.memory_space<hbm>>
        %dma_start3A_42 = tpu.memref_squeeze %dma_start3A_41 : memref<1x16x128xf32, #tpu.memory_space<hbm>> -> memref<16x128xf32, #tpu.memory_space<hbm>>
        %dma_start3A_43 = arith.constant 9984 : i32
        %dma_start3A_44 = arith.constant 0 : i32
        %dma_start3A_45 = tpu.memref_slice %arg5[%arg0, %dma_start3A_43, %dma_start3A_44] : memref<2x10000x128xf32, #tpu.memory_space<hbm>> -> memref<1x16x128xf32, #tpu.memory_space<hbm>>
        %dma_start3A_46 = tpu.memref_squeeze %dma_start3A_45 : memref<1x16x128xf32, #tpu.memory_space<hbm>> -> memref<16x128xf32, #tpu.memory_space<hbm>>
        %dma_start3A_47 = arith.constant 0 : i32
        %dma_start3A_48 = arith.constant 0 : i32
        %dma_start3A_49 = tpu.memref_slice %arg7[%dma_start3A_47, %dma_start3A_48] : memref<312x128xf32, #tpu.memory_space<vmem>> -> memref<16x128xf32, #tpu.memory_space<vmem>>
        tpu.enqueue_dma source(%dma_start3A_49 : memref<16x128xf32, #tpu.memory_space<vmem>>) target(%dma_start3A_46 : memref<16x128xf32, #tpu.memory_space<hbm>>) target_semaphore(%run_scoped3A : memref<!tpu.dma_semaphore, #tpu.memory_space<semaphore_mem>>)
        %dma_wait3A = arith.constant 0 : i32
        %dma_wait3A_50 = arith.constant 0 : i32
        %dma_wait3A_51 = tpu.memref_slice %arg7[%dma_wait3A, %dma_wait3A_50] : memref<312x128xf32, #tpu.memory_space<vmem>> -> memref<16x128xf32, #tpu.memory_space<vmem>>
        %dma_wait3A_52 = arith.constant 9984 : i32
        %dma_wait3A_53 = arith.constant 0 : i32
        %dma_wait3A_54 = tpu.memref_slice %arg5[%arg0, %dma_wait3A_52, %dma_wait3A_53] : memref<2x10000x128xf32, #tpu.memory_space<hbm>> -> memref<1x16x128xf32, #tpu.memory_space<hbm>>
        %dma_wait3A_55 = tpu.memref_squeeze %dma_wait3A_54 : memref<1x16x128xf32, #tpu.memory_space<hbm>> -> memref<16x128xf32, #tpu.memory_space<hbm>>
        %dma_wait3A_56 = arith.constant 9984 : i32
        %dma_wait3A_57 = arith.constant 0 : i32
        %dma_wait3A_58 = tpu.memref_slice %arg5[%arg0, %dma_wait3A_56, %dma_wait3A_57] : memref<2x10000x128xf32, #tpu.memory_space<hbm>> -> memref<1x16x128xf32, #tpu.memory_space<hbm>>
        %dma_wait3A_59 = tpu.memref_squeeze %dma_wait3A_58 : memref<1x16x128xf32, #tpu.memory_space<hbm>> -> memref<16x128xf32, #tpu.memory_space<hbm>>
        %dma_wait3A_60 = arith.constant 0 : i32
        %dma_wait3A_61 = arith.constant 0 : i32
        %dma_wait3A_62 = tpu.memref_slice %arg7[%dma_wait3A_60, %dma_wait3A_61] : memref<312x128xf32, #tpu.memory_space<vmem>> -> memref<16x128xf32, #tpu.memory_space<vmem>>
        tpu.wait_dma2 semaphore(%run_scoped3A : memref<!tpu.dma_semaphore, #tpu.memory_space<semaphore_mem>>) src(%dma_wait3A_62 : memref<16x128xf32, #tpu.memory_space<vmem>>) dst(%dma_wait3A_59 : memref<16x128xf32, #tpu.memory_space<hbm>>)
        tpu.yield
      }) : () -> ()
    } else {
    }
    return
  }
}

#map = affine_map<(d0, d1) -> (0, 0)>
#map1 = affine_map<(d0, d1) -> (0)>
#map2 = affine_map<(d0, d1) -> (0, 0, 0)>
module attributes {stable_mosaic.version = 14 : i64} {
  func.func @_scatter_body(%arg0: i32, %arg1: i32, %arg2: memref<10000x128xf32, #tpu.memory_space<hbm>>, %arg3: memref<320000xi32, #tpu.memory_space<hbm>>, %arg4: memref<320000xi32, #tpu.memory_space<hbm>>, %arg5: memref<2x10000x128xf32, #tpu.memory_space<hbm>>, %arg6: memref<10000x128xf32, #tpu.memory_space<vmem_shared>>, %arg7: memref<312x128xf32, #tpu.memory_space<vmem>>, %arg8: memref<80x128xf32, #tpu.memory_space<vmem>>, %arg9: memref<80xi32, #tpu.memory_space<vmem>>, %arg10: memref<80xi32, #tpu.memory_space<vmem>>, %arg11: memref<!tpu.dma_semaphore, #tpu.memory_space<semaphore_mem>>) attributes {dimension_semantics = [#tpu.dimension_semantics<core_parallel>, #tpu.dimension_semantics<subcore_parallel>], iteration_bounds = array<i64: 2, 16>, scalar_prefetch = 0 : i64, scratch_operands = 6 : i64, tpu.core_type = #tpu.core_type<sc_vector_subcore>, window_params = [{transform_indices = #map}, {transform_indices = #map1}, {transform_indices = #map1}, {transform_indices = #map2}]} {
    %mul3A = arith.constant 2 : i32
    %mul3A_0 = arith.muli %arg1, %mul3A : i32
    %add3A = arith.addi %mul3A_0, %arg0 : i32
    %broadcast_in_dim3A = arith.constant 0.000000e+00 : f32
    %broadcast_in_dim3A_1 = vector.broadcast %broadcast_in_dim3A : f32 to vector<16xf32>
    %scan3A = arith.constant 0 : i32
    %scan3A_2 = arith.constant 0 : i32
    %scan3A_3 = arith.constant 312 : i32
    %scan3A_4 = arith.addi %scan3A_2, %scan3A_3 : i32
    %scan3A_5 = arith.constant 1 : i32
    scf.for %scan3A_37 = %scan3A_2 to %scan3A_4 step %scan3A_5  : i32 {
      %swap3A = arith.index_cast %scan3A_37 : i32 to index
      %swap3A_38 = arith.constant 0 : index
      %swap3A_39 = tpu.vector_load %arg7[%swap3A, %swap3A_38] {strides = array<i32>} : memref<312x128xf32, #tpu.memory_space<vmem>>, vector<1x16xf32>,
      %swap3A_40 = vector.shape_cast %swap3A_39 : vector<1x16xf32> to vector<16xf32>
      %swap3A_41 = vector.shape_cast %broadcast_in_dim3A_1 : vector<16xf32> to vector<1x16xf32>
      tpu.vector_store %arg7[%swap3A, %swap3A_38], %swap3A_41 {strides = array<i32>} : memref<312x128xf32, #tpu.memory_space<vmem>>, vector<1x16xf32>,
      %swap3A_42 = arith.index_cast %scan3A_37 : i32 to index
      %swap3A_43 = arith.constant 16 : index
      %swap3A_44 = tpu.vector_load %arg7[%swap3A_42, %swap3A_43] {strides = array<i32>} : memref<312x128xf32, #tpu.memory_space<vmem>>, vector<1x16xf32>,
      %swap3A_45 = vector.shape_cast %swap3A_44 : vector<1x16xf32> to vector<16xf32>
      %swap3A_46 = vector.shape_cast %broadcast_in_dim3A_1 : vector<16xf32> to vector<1x16xf32>
      tpu.vector_store %arg7[%swap3A_42, %swap3A_43], %swap3A_46 {strides = array<i32>} : memref<312x128xf32, #tpu.memory_space<vmem>>, vector<1x16xf32>,
      %swap3A_47 = arith.index_cast %scan3A_37 : i32 to index
      %swap3A_48 = arith.constant 32 : index
      %swap3A_49 = tpu.vector_load %arg7[%swap3A_47, %swap3A_48] {strides = array<i32>} : memref<312x128xf32, #tpu.memory_space<vmem>>, vector<1x16xf32>,
      %swap3A_50 = vector.shape_cast %swap3A_49 : vector<1x16xf32> to vector<16xf32>
      %swap3A_51 = vector.shape_cast %broadcast_in_dim3A_1 : vector<16xf32> to vector<1x16xf32>
      tpu.vector_store %arg7[%swap3A_47, %swap3A_48], %swap3A_51 {strides = array<i32>} : memref<312x128xf32, #tpu.memory_space<vmem>>, vector<1x16xf32>,
      %swap3A_52 = arith.index_cast %scan3A_37 : i32 to index
      %swap3A_53 = arith.constant 48 : index
      %swap3A_54 = tpu.vector_load %arg7[%swap3A_52, %swap3A_53] {strides = array<i32>} : memref<312x128xf32, #tpu.memory_space<vmem>>, vector<1x16xf32>,
      %swap3A_55 = vector.shape_cast %swap3A_54 : vector<1x16xf32> to vector<16xf32>
      %swap3A_56 = vector.shape_cast %broadcast_in_dim3A_1 : vector<16xf32> to vector<1x16xf32>
      tpu.vector_store %arg7[%swap3A_52, %swap3A_53], %swap3A_56 {strides = array<i32>} : memref<312x128xf32, #tpu.memory_space<vmem>>, vector<1x16xf32>,
      %swap3A_57 = arith.index_cast %scan3A_37 : i32 to index
      %swap3A_58 = arith.constant 64 : index
      %swap3A_59 = tpu.vector_load %arg7[%swap3A_57, %swap3A_58] {strides = array<i32>} : memref<312x128xf32, #tpu.memory_space<vmem>>, vector<1x16xf32>,
      %swap3A_60 = vector.shape_cast %swap3A_59 : vector<1x16xf32> to vector<16xf32>
      %swap3A_61 = vector.shape_cast %broadcast_in_dim3A_1 : vector<16xf32> to vector<1x16xf32>
      tpu.vector_store %arg7[%swap3A_57, %swap3A_58], %swap3A_61 {strides = array<i32>} : memref<312x128xf32, #tpu.memory_space<vmem>>, vector<1x16xf32>,
      %swap3A_62 = arith.index_cast %scan3A_37 : i32 to index
      %swap3A_63 = arith.constant 80 : index
      %swap3A_64 = tpu.vector_load %arg7[%swap3A_62, %swap3A_63] {strides = array<i32>} : memref<312x128xf32, #tpu.memory_space<vmem>>, vector<1x16xf32>,
      %swap3A_65 = vector.shape_cast %swap3A_64 : vector<1x16xf32> to vector<16xf32>
      %swap3A_66 = vector.shape_cast %broadcast_in_dim3A_1 : vector<16xf32> to vector<1x16xf32>
      tpu.vector_store %arg7[%swap3A_62, %swap3A_63], %swap3A_66 {strides = array<i32>} : memref<312x128xf32, #tpu.memory_space<vmem>>, vector<1x16xf32>,
      %swap3A_67 = arith.index_cast %scan3A_37 : i32 to index
      %swap3A_68 = arith.constant 96 : index
      %swap3A_69 = tpu.vector_load %arg7[%swap3A_67, %swap3A_68] {strides = array<i32>} : memref<312x128xf32, #tpu.memory_space<vmem>>, vector<1x16xf32>,
      %swap3A_70 = vector.shape_cast %swap3A_69 : vector<1x16xf32> to vector<16xf32>
      %swap3A_71 = vector.shape_cast %broadcast_in_dim3A_1 : vector<16xf32> to vector<1x16xf32>
      tpu.vector_store %arg7[%swap3A_67, %swap3A_68], %swap3A_71 {strides = array<i32>} : memref<312x128xf32, #tpu.memory_space<vmem>>, vector<1x16xf32>,
      %swap3A_72 = arith.index_cast %scan3A_37 : i32 to index
      %swap3A_73 = arith.constant 112 : index
      %swap3A_74 = tpu.vector_load %arg7[%swap3A_72, %swap3A_73] {strides = array<i32>} : memref<312x128xf32, #tpu.memory_space<vmem>>, vector<1x16xf32>,
      %swap3A_75 = vector.shape_cast %swap3A_74 : vector<1x16xf32> to vector<16xf32>
      %swap3A_76 = vector.shape_cast %broadcast_in_dim3A_1 : vector<16xf32> to vector<1x16xf32>
      tpu.vector_store %arg7[%swap3A_72, %swap3A_73], %swap3A_76 {strides = array<i32>} : memref<312x128xf32, #tpu.memory_space<vmem>>, vector<1x16xf32>,
    }
    %scan3A_6 = arith.constant 312 : i32
    %mul3A_7 = arith.constant 624 : i32
    %mul3A_8 = arith.muli %arg1, %mul3A_7 : i32
    %add3A_9 = arith.constant 0 : i32
    %add3A_10 = arith.addi %mul3A_8, %add3A_9 : i32
    "tpu.region"() ({
      %run_scoped3A = tpu.sem_alloc : memref<!tpu.dma_semaphore, #tpu.memory_space<semaphore_mem>>
      %dma_start3A = arith.constant 0 : i32
      %dma_start3A_37 = tpu.memref_slice %arg6[%add3A_10, %dma_start3A] : memref<10000x128xf32, #tpu.memory_space<vmem_shared>> -> memref<312x128xf32, #tpu.memory_space<vmem_shared>>
      %dma_start3A_38 = arith.constant 0 : i32
      %dma_start3A_39 = tpu.memref_slice %arg6[%add3A_10, %dma_start3A_38] : memref<10000x128xf32, #tpu.memory_space<vmem_shared>> -> memref<312x128xf32, #tpu.memory_space<vmem_shared>>
      tpu.enqueue_dma source(%arg7 : memref<312x128xf32, #tpu.memory_space<vmem>>) target(%dma_start3A_39 : memref<312x128xf32, #tpu.memory_space<vmem_shared>>) target_semaphore(%run_scoped3A : memref<!tpu.dma_semaphore, #tpu.memory_space<semaphore_mem>>)
      %dma_wait3A = arith.constant 0 : i32
      %dma_wait3A_40 = tpu.memref_slice %arg6[%add3A_10, %dma_wait3A] : memref<10000x128xf32, #tpu.memory_space<vmem_shared>> -> memref<312x128xf32, #tpu.memory_space<vmem_shared>>
      %dma_wait3A_41 = arith.constant 0 : i32
      %dma_wait3A_42 = tpu.memref_slice %arg6[%add3A_10, %dma_wait3A_41] : memref<10000x128xf32, #tpu.memory_space<vmem_shared>> -> memref<312x128xf32, #tpu.memory_space<vmem_shared>>
      tpu.wait_dma2 semaphore(%run_scoped3A : memref<!tpu.dma_semaphore, #tpu.memory_space<semaphore_mem>>) src(%arg7 : memref<312x128xf32, #tpu.memory_space<vmem>>) dst(%dma_wait3A_42 : memref<312x128xf32, #tpu.memory_space<vmem_shared>>)
      tpu.yield
    }) : () -> ()
    %mul3A_11 = arith.constant 624 : i32
    %mul3A_12 = arith.muli %arg1, %mul3A_11 : i32
    %add3A_13 = arith.constant 312 : i32
    %add3A_14 = arith.addi %mul3A_12, %add3A_13 : i32
    "tpu.region"() ({
      %run_scoped3A = tpu.sem_alloc : memref<!tpu.dma_semaphore, #tpu.memory_space<semaphore_mem>>
      %dma_start3A = arith.constant 0 : i32
      %dma_start3A_37 = tpu.memref_slice %arg6[%add3A_14, %dma_start3A] : memref<10000x128xf32, #tpu.memory_space<vmem_shared>> -> memref<312x128xf32, #tpu.memory_space<vmem_shared>>
      %dma_start3A_38 = arith.constant 0 : i32
      %dma_start3A_39 = tpu.memref_slice %arg6[%add3A_14, %dma_start3A_38] : memref<10000x128xf32, #tpu.memory_space<vmem_shared>> -> memref<312x128xf32, #tpu.memory_space<vmem_shared>>
      tpu.enqueue_dma source(%arg7 : memref<312x128xf32, #tpu.memory_space<vmem>>) target(%dma_start3A_39 : memref<312x128xf32, #tpu.memory_space<vmem_shared>>) target_semaphore(%run_scoped3A : memref<!tpu.dma_semaphore, #tpu.memory_space<semaphore_mem>>)
      %dma_wait3A = arith.constant 0 : i32
      %dma_wait3A_40 = tpu.memref_slice %arg6[%add3A_14, %dma_wait3A] : memref<10000x128xf32, #tpu.memory_space<vmem_shared>> -> memref<312x128xf32, #tpu.memory_space<vmem_shared>>
      %dma_wait3A_41 = arith.constant 0 : i32
      %dma_wait3A_42 = tpu.memref_slice %arg6[%add3A_14, %dma_wait3A_41] : memref<10000x128xf32, #tpu.memory_space<vmem_shared>> -> memref<312x128xf32, #tpu.memory_space<vmem_shared>>
      tpu.wait_dma2 semaphore(%run_scoped3A : memref<!tpu.dma_semaphore, #tpu.memory_space<semaphore_mem>>) src(%arg7 : memref<312x128xf32, #tpu.memory_space<vmem>>) dst(%dma_wait3A_42 : memref<312x128xf32, #tpu.memory_space<vmem_shared>>)
      tpu.yield
    }) : () -> ()
    %eq3A = arith.constant 15 : i32
    %eq3A_15 = arith.cmpi eq, %arg1, %eq3A : i32
    %convert_element_type3A = arith.extui %eq3A_15 : i1 to i32
    %cond3A = arith.constant 0 : i32
    %cond3A_16 = arith.cmpi ne, %convert_element_type3A, %cond3A : i32
    scf.if %cond3A_16 {
      "tpu.region"() ({
        %run_scoped3A = tpu.sem_alloc : memref<!tpu.dma_semaphore, #tpu.memory_space<semaphore_mem>>
        %dma_start3A = arith.constant 0 : i32
        %dma_start3A_37 = arith.constant 0 : i32
        %dma_start3A_38 = tpu.memref_slice %arg7[%dma_start3A, %dma_start3A_37] : memref<312x128xf32, #tpu.memory_space<vmem>> -> memref<16x128xf32, #tpu.memory_space<vmem>>
        %dma_start3A_39 = arith.constant 9984 : i32
        %dma_start3A_40 = arith.constant 0 : i32
        %dma_start3A_41 = tpu.memref_slice %arg6[%dma_start3A_39, %dma_start3A_40] : memref<10000x128xf32, #tpu.memory_space<vmem_shared>> -> memref<16x128xf32, #tpu.memory_space<vmem_shared>>
        %dma_start3A_42 = arith.constant 9984 : i32
        %dma_start3A_43 = arith.constant 0 : i32
        %dma_start3A_44 = tpu.memref_slice %arg6[%dma_start3A_42, %dma_start3A_43] : memref<10000x128xf32, #tpu.memory_space<vmem_shared>> -> memref<16x128xf32, #tpu.memory_space<vmem_shared>>
        %dma_start3A_45 = arith.constant 0 : i32
        %dma_start3A_46 = arith.constant 0 : i32
        %dma_start3A_47 = tpu.memref_slice %arg7[%dma_start3A_45, %dma_start3A_46] : memref<312x128xf32, #tpu.memory_space<vmem>> -> memref<16x128xf32, #tpu.memory_space<vmem>>
        tpu.enqueue_dma source(%dma_start3A_47 : memref<16x128xf32, #tpu.memory_space<vmem>>) target(%dma_start3A_44 : memref<16x128xf32, #tpu.memory_space<vmem_shared>>) target_semaphore(%run_scoped3A : memref<!tpu.dma_semaphore, #tpu.memory_space<semaphore_mem>>)
        %dma_wait3A = arith.constant 0 : i32
        %dma_wait3A_48 = arith.constant 0 : i32
        %dma_wait3A_49 = tpu.memref_slice %arg7[%dma_wait3A, %dma_wait3A_48] : memref<312x128xf32, #tpu.memory_space<vmem>> -> memref<16x128xf32, #tpu.memory_space<vmem>>
        %dma_wait3A_50 = arith.constant 9984 : i32
        %dma_wait3A_51 = arith.constant 0 : i32
        %dma_wait3A_52 = tpu.memref_slice %arg6[%dma_wait3A_50, %dma_wait3A_51] : memref<10000x128xf32, #tpu.memory_space<vmem_shared>> -> memref<16x128xf32, #tpu.memory_space<vmem_shared>>
        %dma_wait3A_53 = arith.constant 9984 : i32
        %dma_wait3A_54 = arith.constant 0 : i32
        %dma_wait3A_55 = tpu.memref_slice %arg6[%dma_wait3A_53, %dma_wait3A_54] : memref<10000x128xf32, #tpu.memory_space<vmem_shared>> -> memref<16x128xf32, #tpu.memory_space<vmem_shared>>
        %dma_wait3A_56 = arith.constant 0 : i32
        %dma_wait3A_57 = arith.constant 0 : i32
        %dma_wait3A_58 = tpu.memref_slice %arg7[%dma_wait3A_56, %dma_wait3A_57] : memref<312x128xf32, #tpu.memory_space<vmem>> -> memref<16x128xf32, #tpu.memory_space<vmem>>
        tpu.wait_dma2 semaphore(%run_scoped3A : memref<!tpu.dma_semaphore, #tpu.memory_space<semaphore_mem>>) src(%dma_wait3A_58 : memref<16x128xf32, #tpu.memory_space<vmem>>) dst(%dma_wait3A_55 : memref<16x128xf32, #tpu.memory_space<vmem_shared>>)
        tpu.yield
      }) : () -> ()
    } else {
    }
    %barrier3A = arith.constant 0 : index
    tpu.barrier barrier_id(%barrier3A)
    %scan3A_17 = arith.constant 0 : i32
    %scan3A_18 = arith.constant 0 : i32
    %scan3A_19 = arith.constant 125 : i32
    %scan3A_20 = arith.addi %scan3A_18, %scan3A_19 : i32
    %scan3A_21 = arith.constant 1 : i32
    scf.for %scan3A_37 = %scan3A_18 to %scan3A_20 step %scan3A_21  : i32 {
      %mul3A_38 = arith.constant 10000 : i32
      %mul3A_39 = arith.muli %add3A, %mul3A_38 : i32
      %mul3A_40 = arith.constant 80 : i32
      %mul3A_41 = arith.muli %scan3A_37, %mul3A_40 : i32
      %add3A_42 = arith.addi %mul3A_39, %mul3A_41 : i32
      "tpu.region"() ({
        %run_scoped3A = tpu.sem_alloc : memref<!tpu.dma_semaphore, #tpu.memory_space<semaphore_mem>>
        %dma_start3A_47 = tpu.memref_slice %arg3[%add3A_42] : memref<320000xi32, #tpu.memory_space<hbm>> -> memref<80xi32, #tpu.memory_space<hbm>>
        %dma_start3A_48 = tpu.memref_slice %arg3[%add3A_42] : memref<320000xi32, #tpu.memory_space<hbm>> -> memref<80xi32, #tpu.memory_space<hbm>>
        tpu.enqueue_dma source(%dma_start3A_48 : memref<80xi32, #tpu.memory_space<hbm>>) target(%arg9 : memref<80xi32, #tpu.memory_space<vmem>>) target_semaphore(%run_scoped3A : memref<!tpu.dma_semaphore, #tpu.memory_space<semaphore_mem>>)
        %dma_wait3A_49 = tpu.memref_slice %arg3[%add3A_42] : memref<320000xi32, #tpu.memory_space<hbm>> -> memref<80xi32, #tpu.memory_space<hbm>>
        %dma_wait3A_50 = tpu.memref_slice %arg3[%add3A_42] : memref<320000xi32, #tpu.memory_space<hbm>> -> memref<80xi32, #tpu.memory_space<hbm>>
        tpu.wait_dma2 semaphore(%run_scoped3A : memref<!tpu.dma_semaphore, #tpu.memory_space<semaphore_mem>>) src(%dma_wait3A_50 : memref<80xi32, #tpu.memory_space<hbm>>) dst(%arg9 : memref<80xi32, #tpu.memory_space<vmem>>)
        tpu.yield
      }) : () -> ()
      %dma_start3A = arith.constant 0 : i32
      %dma_start3A_43 = arith.constant 0 : i32
      %dma_start3A_44 = tpu.memref_slice %arg2[%dma_start3A, %dma_start3A_43] : memref<10000x128xf32, #tpu.memory_space<hbm>> -> memref<10000x128xf32, #tpu.memory_space<hbm>>
      tpu.enqueue_indirect_dma source(%dma_start3A_44 : memref<10000x128xf32, #tpu.memory_space<hbm>>) target(%arg8 : memref<80x128xf32, #tpu.memory_space<vmem>>) offsets(%arg9 : memref<80xi32, #tpu.memory_space<vmem>>) semaphore(%arg11 : memref<!tpu.dma_semaphore, #tpu.memory_space<semaphore_mem>>)
      %dma_wait3A = arith.constant 0 : i32
      %dma_wait3A_45 = arith.constant 0 : i32
      %dma_wait3A_46 = tpu.memref_slice %arg2[%dma_wait3A, %dma_wait3A_45] : memref<10000x128xf32, #tpu.memory_space<hbm>> -> memref<10000x128xf32, #tpu.memory_space<hbm>>
      tpu.wait_indirect_dma semaphore(%arg11 : memref<!tpu.dma_semaphore, #tpu.memory_space<semaphore_mem>>) src(%dma_wait3A_46 : memref<10000x128xf32, #tpu.memory_space<hbm>>) dst(%arg8 : memref<80x128xf32, #tpu.memory_space<vmem>>)
      "tpu.region"() ({
        %run_scoped3A = tpu.sem_alloc : memref<!tpu.dma_semaphore, #tpu.memory_space<semaphore_mem>>
        %dma_start3A_47 = tpu.memref_slice %arg4[%add3A_42] : memref<320000xi32, #tpu.memory_space<hbm>> -> memref<80xi32, #tpu.memory_space<hbm>>
        %dma_start3A_48 = tpu.memref_slice %arg4[%add3A_42] : memref<320000xi32, #tpu.memory_space<hbm>> -> memref<80xi32, #tpu.memory_space<hbm>>
        tpu.enqueue_dma source(%dma_start3A_48 : memref<80xi32, #tpu.memory_space<hbm>>) target(%arg10 : memref<80xi32, #tpu.memory_space<vmem>>) target_semaphore(%run_scoped3A : memref<!tpu.dma_semaphore, #tpu.memory_space<semaphore_mem>>)
        %dma_wait3A_49 = tpu.memref_slice %arg4[%add3A_42] : memref<320000xi32, #tpu.memory_space<hbm>> -> memref<80xi32, #tpu.memory_space<hbm>>
        %dma_wait3A_50 = tpu.memref_slice %arg4[%add3A_42] : memref<320000xi32, #tpu.memory_space<hbm>> -> memref<80xi32, #tpu.memory_space<hbm>>
        tpu.wait_dma2 semaphore(%run_scoped3A : memref<!tpu.dma_semaphore, #tpu.memory_space<semaphore_mem>>) src(%dma_wait3A_50 : memref<80xi32, #tpu.memory_space<hbm>>) dst(%arg10 : memref<80xi32, #tpu.memory_space<vmem>>)
        tpu.yield
      }) : () -> ()
      "tpu.region"() ({
        %run_scoped3A = tpu.sem_alloc : memref<!tpu.dma_semaphore, #tpu.memory_space<semaphore_mem>>
        %dma_start3A_47 = arith.constant 0 : i32
        %dma_start3A_48 = arith.constant 0 : i32
        %dma_start3A_49 = tpu.memref_slice %arg6[%dma_start3A_47, %dma_start3A_48] : memref<10000x128xf32, #tpu.memory_space<vmem_shared>> -> memref<10000x128xf32, #tpu.memory_space<vmem_shared>>
        tpu.enqueue_indirect_dma source(%arg8 : memref<80x128xf32, #tpu.memory_space<vmem>>) target(%dma_start3A_49 : memref<10000x128xf32, #tpu.memory_space<vmem_shared>>) offsets(%arg10 : memref<80xi32, #tpu.memory_space<vmem>>) semaphore(%run_scoped3A : memref<!tpu.dma_semaphore, #tpu.memory_space<semaphore_mem>>) {add = true}
        %dma_wait3A_50 = arith.constant 0 : i32
        %dma_wait3A_51 = arith.constant 0 : i32
        %dma_wait3A_52 = tpu.memref_slice %arg6[%dma_wait3A_50, %dma_wait3A_51] : memref<10000x128xf32, #tpu.memory_space<vmem_shared>> -> memref<10000x128xf32, #tpu.memory_space<vmem_shared>>
        tpu.wait_indirect_dma semaphore(%run_scoped3A : memref<!tpu.dma_semaphore, #tpu.memory_space<semaphore_mem>>) src(%arg8 : memref<80x128xf32, #tpu.memory_space<vmem>>) dst(%dma_wait3A_52 : memref<10000x128xf32, #tpu.memory_space<vmem_shared>>)
        tpu.yield
      }) : () -> ()
    }
    %scan3A_22 = arith.constant 125 : i32
    %barrier3A_23 = arith.constant 0 : index
    tpu.barrier barrier_id(%barrier3A_23)
    %mul3A_24 = arith.constant 624 : i32
    %mul3A_25 = arith.muli %arg1, %mul3A_24 : i32
    %add3A_26 = arith.constant 0 : i32
    %add3A_27 = arith.addi %mul3A_25, %add3A_26 : i32
    "tpu.region"() ({
      %run_scoped3A = tpu.sem_alloc : memref<!tpu.dma_semaphore, #tpu.memory_space<semaphore_mem>>
      %dma_start3A = arith.constant 0 : i32
      %dma_start3A_37 = tpu.memref_slice %arg6[%add3A_27, %dma_start3A] : memref<10000x128xf32, #tpu.memory_space<vmem_shared>> -> memref<312x128xf32, #tpu.memory_space<vmem_shared>>
      %dma_start3A_38 = arith.constant 0 : i32
      %dma_start3A_39 = tpu.memref_slice %arg6[%add3A_27, %dma_start3A_38] : memref<10000x128xf32, #tpu.memory_space<vmem_shared>> -> memref<312x128xf32, #tpu.memory_space<vmem_shared>>
      tpu.enqueue_dma source(%dma_start3A_39 : memref<312x128xf32, #tpu.memory_space<vmem_shared>>) target(%arg7 : memref<312x128xf32, #tpu.memory_space<vmem>>) target_semaphore(%run_scoped3A : memref<!tpu.dma_semaphore, #tpu.memory_space<semaphore_mem>>)
      %dma_wait3A = arith.constant 0 : i32
      %dma_wait3A_40 = tpu.memref_slice %arg6[%add3A_27, %dma_wait3A] : memref<10000x128xf32, #tpu.memory_space<vmem_shared>> -> memref<312x128xf32, #tpu.memory_space<vmem_shared>>
      %dma_wait3A_41 = arith.constant 0 : i32
      %dma_wait3A_42 = tpu.memref_slice %arg6[%add3A_27, %dma_wait3A_41] : memref<10000x128xf32, #tpu.memory_space<vmem_shared>> -> memref<312x128xf32, #tpu.memory_space<vmem_shared>>
      tpu.wait_dma2 semaphore(%run_scoped3A : memref<!tpu.dma_semaphore, #tpu.memory_space<semaphore_mem>>) src(%dma_wait3A_42 : memref<312x128xf32, #tpu.memory_space<vmem_shared>>) dst(%arg7 : memref<312x128xf32, #tpu.memory_space<vmem>>)
      tpu.yield
    }) : () -> ()
    "tpu.region"() ({
      %run_scoped3A = tpu.sem_alloc : memref<!tpu.dma_semaphore, #tpu.memory_space<semaphore_mem>>
      %dma_start3A = arith.constant 0 : i32
      %dma_start3A_37 = tpu.memref_slice %arg5[%arg0, %add3A_27, %dma_start3A] : memref<2x10000x128xf32, #tpu.memory_space<hbm>> -> memref<1x312x128xf32, #tpu.memory_space<hbm>>
      %dma_start3A_38 = tpu.memref_squeeze %dma_start3A_37 : memref<1x312x128xf32, #tpu.memory_space<hbm>> -> memref<312x128xf32, #tpu.memory_space<hbm>>
      %dma_start3A_39 = arith.constant 0 : i32
      %dma_start3A_40 = tpu.memref_slice %arg5[%arg0, %add3A_27, %dma_start3A_39] : memref<2x10000x128xf32, #tpu.memory_space<hbm>> -> memref<1x312x128xf32, #tpu.memory_space<hbm>>
      %dma_start3A_41 = tpu.memref_squeeze %dma_start3A_40 : memref<1x312x128xf32, #tpu.memory_space<hbm>> -> memref<312x128xf32, #tpu.memory_space<hbm>>
      tpu.enqueue_dma source(%arg7 : memref<312x128xf32, #tpu.memory_space<vmem>>) target(%dma_start3A_41 : memref<312x128xf32, #tpu.memory_space<hbm>>) target_semaphore(%run_scoped3A : memref<!tpu.dma_semaphore, #tpu.memory_space<semaphore_mem>>)
      %dma_wait3A = arith.constant 0 : i32
      %dma_wait3A_42 = tpu.memref_slice %arg5[%arg0, %add3A_27, %dma_wait3A] : memref<2x10000x128xf32, #tpu.memory_space<hbm>> -> memref<1x312x128xf32, #tpu.memory_space<hbm>>
      %dma_wait3A_43 = tpu.memref_squeeze %dma_wait3A_42 : memref<1x312x128xf32, #tpu.memory_space<hbm>> -> memref<312x128xf32, #tpu.memory_space<hbm>>
      %dma_wait3A_44 = arith.constant 0 : i32
      %dma_wait3A_45 = tpu.memref_slice %arg5[%arg0, %add3A_27, %dma_wait3A_44] : memref<2x10000x128xf32, #tpu.memory_space<hbm>> -> memref<1x312x128xf32, #tpu.memory_space<hbm>>
      %dma_wait3A_46 = tpu.memref_squeeze %dma_wait3A_45 : memref<1x312x128xf32, #tpu.memory_space<hbm>> -> memref<312x128xf32, #tpu.memory_space<hbm>>
      tpu.wait_dma2 semaphore(%run_scoped3A : memref<!tpu.dma_semaphore, #tpu.memory_space<semaphore_mem>>) src(%arg7 : memref<312x128xf32, #tpu.memory_space<vmem>>) dst(%dma_wait3A_46 : memref<312x128xf32, #tpu.memory_space<hbm>>)
      tpu.yield
    }) : () -> ()
    %mul3A_28 = arith.constant 624 : i32
    %mul3A_29 = arith.muli %arg1, %mul3A_28 : i32
    %add3A_30 = arith.constant 312 : i32
    %add3A_31 = arith.addi %mul3A_29, %add3A_30 : i32
    "tpu.region"() ({
      %run_scoped3A = tpu.sem_alloc : memref<!tpu.dma_semaphore, #tpu.memory_space<semaphore_mem>>
      %dma_start3A = arith.constant 0 : i32
      %dma_start3A_37 = tpu.memref_slice %arg6[%add3A_31, %dma_start3A] : memref<10000x128xf32, #tpu.memory_space<vmem_shared>> -> memref<312x128xf32, #tpu.memory_space<vmem_shared>>
      %dma_start3A_38 = arith.constant 0 : i32
      %dma_start3A_39 = tpu.memref_slice %arg6[%add3A_31, %dma_start3A_38] : memref<10000x128xf32, #tpu.memory_space<vmem_shared>> -> memref<312x128xf32, #tpu.memory_space<vmem_shared>>
      tpu.enqueue_dma source(%dma_start3A_39 : memref<312x128xf32, #tpu.memory_space<vmem_shared>>) target(%arg7 : memref<312x128xf32, #tpu.memory_space<vmem>>) target_semaphore(%run_scoped3A : memref<!tpu.dma_semaphore, #tpu.memory_space<semaphore_mem>>)
      %dma_wait3A = arith.constant 0 : i32
      %dma_wait3A_40 = tpu.memref_slice %arg6[%add3A_31, %dma_wait3A] : memref<10000x128xf32, #tpu.memory_space<vmem_shared>> -> memref<312x128xf32, #tpu.memory_space<vmem_shared>>
      %dma_wait3A_41 = arith.constant 0 : i32
      %dma_wait3A_42 = tpu.memref_slice %arg6[%add3A_31, %dma_wait3A_41] : memref<10000x128xf32, #tpu.memory_space<vmem_shared>> -> memref<312x128xf32, #tpu.memory_space<vmem_shared>>
      tpu.wait_dma2 semaphore(%run_scoped3A : memref<!tpu.dma_semaphore, #tpu.memory_space<semaphore_mem>>) src(%dma_wait3A_42 : memref<312x128xf32, #tpu.memory_space<vmem_shared>>) dst(%arg7 : memref<312x128xf32, #tpu.memory_space<vmem>>)
      tpu.yield
    }) : () -> ()
    "tpu.region"() ({
      %run_scoped3A = tpu.sem_alloc : memref<!tpu.dma_semaphore, #tpu.memory_space<semaphore_mem>>
      %dma_start3A = arith.constant 0 : i32
      %dma_start3A_37 = tpu.memref_slice %arg5[%arg0, %add3A_31, %dma_start3A] : memref<2x10000x128xf32, #tpu.memory_space<hbm>> -> memref<1x312x128xf32, #tpu.memory_space<hbm>>
      %dma_start3A_38 = tpu.memref_squeeze %dma_start3A_37 : memref<1x312x128xf32, #tpu.memory_space<hbm>> -> memref<312x128xf32, #tpu.memory_space<hbm>>
      %dma_start3A_39 = arith.constant 0 : i32
      %dma_start3A_40 = tpu.memref_slice %arg5[%arg0, %add3A_31, %dma_start3A_39] : memref<2x10000x128xf32, #tpu.memory_space<hbm>> -> memref<1x312x128xf32, #tpu.memory_space<hbm>>
      %dma_start3A_41 = tpu.memref_squeeze %dma_start3A_40 : memref<1x312x128xf32, #tpu.memory_space<hbm>> -> memref<312x128xf32, #tpu.memory_space<hbm>>
      tpu.enqueue_dma source(%arg7 : memref<312x128xf32, #tpu.memory_space<vmem>>) target(%dma_start3A_41 : memref<312x128xf32, #tpu.memory_space<hbm>>) target_semaphore(%run_scoped3A : memref<!tpu.dma_semaphore, #tpu.memory_space<semaphore_mem>>)
      %dma_wait3A = arith.constant 0 : i32
      %dma_wait3A_42 = tpu.memref_slice %arg5[%arg0, %add3A_31, %dma_wait3A] : memref<2x10000x128xf32, #tpu.memory_space<hbm>> -> memref<1x312x128xf32, #tpu.memory_space<hbm>>
      %dma_wait3A_43 = tpu.memref_squeeze %dma_wait3A_42 : memref<1x312x128xf32, #tpu.memory_space<hbm>> -> memref<312x128xf32, #tpu.memory_space<hbm>>
      %dma_wait3A_44 = arith.constant 0 : i32
      %dma_wait3A_45 = tpu.memref_slice %arg5[%arg0, %add3A_31, %dma_wait3A_44] : memref<2x10000x128xf32, #tpu.memory_space<hbm>> -> memref<1x312x128xf32, #tpu.memory_space<hbm>>
      %dma_wait3A_46 = tpu.memref_squeeze %dma_wait3A_45 : memref<1x312x128xf32, #tpu.memory_space<hbm>> -> memref<312x128xf32, #tpu.memory_space<hbm>>
      tpu.wait_dma2 semaphore(%run_scoped3A : memref<!tpu.dma_semaphore, #tpu.memory_space<semaphore_mem>>) src(%arg7 : memref<312x128xf32, #tpu.memory_space<vmem>>) dst(%dma_wait3A_46 : memref<312x128xf32, #tpu.memory_space<hbm>>)
      tpu.yield
    }) : () -> ()
    %eq3A_32 = arith.constant 15 : i32
    %eq3A_33 = arith.cmpi eq, %arg1, %eq3A_32 : i32
    %convert_element_type3A_34 = arith.extui %eq3A_33 : i1 to i32
    %cond3A_35 = arith.constant 0 : i32
    %cond3A_36 = arith.cmpi ne, %convert_element_type3A_34, %cond3A_35 : i32
    scf.if %cond3A_36 {
      "tpu.region"() ({
        %run_scoped3A = tpu.sem_alloc : memref<!tpu.dma_semaphore, #tpu.memory_space<semaphore_mem>>
        %dma_start3A = arith.constant 0 : i32
        %dma_start3A_37 = arith.constant 0 : i32
        %dma_start3A_38 = tpu.memref_slice %arg7[%dma_start3A, %dma_start3A_37] : memref<312x128xf32, #tpu.memory_space<vmem>> -> memref<16x128xf32, #tpu.memory_space<vmem>>
        %dma_start3A_39 = arith.constant 9984 : i32
        %dma_start3A_40 = arith.constant 0 : i32
        %dma_start3A_41 = tpu.memref_slice %arg6[%dma_start3A_39, %dma_start3A_40] : memref<10000x128xf32, #tpu.memory_space<vmem_shared>> -> memref<16x128xf32, #tpu.memory_space<vmem_shared>>
        %dma_start3A_42 = arith.constant 0 : i32
        %dma_start3A_43 = arith.constant 0 : i32
        %dma_start3A_44 = tpu.memref_slice %arg7[%dma_start3A_42, %dma_start3A_43] : memref<312x128xf32, #tpu.memory_space<vmem>> -> memref<16x128xf32, #tpu.memory_space<vmem>>
        %dma_start3A_45 = arith.constant 9984 : i32
        %dma_start3A_46 = arith.constant 0 : i32
        %dma_start3A_47 = tpu.memref_slice %arg6[%dma_start3A_45, %dma_start3A_46] : memref<10000x128xf32, #tpu.memory_space<vmem_shared>> -> memref<16x128xf32, #tpu.memory_space<vmem_shared>>
        tpu.enqueue_dma source(%dma_start3A_47 : memref<16x128xf32, #tpu.memory_space<vmem_shared>>) target(%dma_start3A_44 : memref<16x128xf32, #tpu.memory_space<vmem>>) target_semaphore(%run_scoped3A : memref<!tpu.dma_semaphore, #tpu.memory_space<semaphore_mem>>)
        %dma_wait3A = arith.constant 0 : i32
        %dma_wait3A_48 = arith.constant 0 : i32
        %dma_wait3A_49 = tpu.memref_slice %arg7[%dma_wait3A, %dma_wait3A_48] : memref<312x128xf32, #tpu.memory_space<vmem>> -> memref<16x128xf32, #tpu.memory_space<vmem>>
        %dma_wait3A_50 = arith.constant 9984 : i32
        %dma_wait3A_51 = arith.constant 0 : i32
        %dma_wait3A_52 = tpu.memref_slice %arg6[%dma_wait3A_50, %dma_wait3A_51] : memref<10000x128xf32, #tpu.memory_space<vmem_shared>> -> memref<16x128xf32, #tpu.memory_space<vmem_shared>>
        %dma_wait3A_53 = arith.constant 0 : i32
        %dma_wait3A_54 = arith.constant 0 : i32
        %dma_wait3A_55 = tpu.memref_slice %arg7[%dma_wait3A_53, %dma_wait3A_54] : memref<312x128xf32, #tpu.memory_space<vmem>> -> memref<16x128xf32, #tpu.memory_space<vmem>>
        %dma_wait3A_56 = arith.constant 9984 : i32
        %dma_wait3A_57 = arith.constant 0 : i32
        %dma_wait3A_58 = tpu.memref_slice %arg6[%dma_wait3A_56, %dma_wait3A_57] : memref<10000x128xf32, #tpu.memory_space<vmem_shared>> -> memref<16x128xf32, #tpu.memory_space<vmem_shared>>
        tpu.wait_dma2 semaphore(%run_scoped3A : memref<!tpu.dma_semaphore, #tpu.memory_space<semaphore_mem>>) src(%dma_wait3A_58 : memref<16x128xf32, #tpu.memory_space<vmem_shared>>) dst(%dma_wait3A_55 : memref<16x128xf32, #tpu.memory_space<vmem>>)
        tpu.yield
      }) : () -> ()
      "tpu.region"() ({
        %run_scoped3A = tpu.sem_alloc : memref<!tpu.dma_semaphore, #tpu.memory_space<semaphore_mem>>
        %dma_start3A = arith.constant 0 : i32
        %dma_start3A_37 = arith.constant 0 : i32
        %dma_start3A_38 = tpu.memref_slice %arg7[%dma_start3A, %dma_start3A_37] : memref<312x128xf32, #tpu.memory_space<vmem>> -> memref<16x128xf32, #tpu.memory_space<vmem>>
        %dma_start3A_39 = arith.constant 9984 : i32
        %dma_start3A_40 = arith.constant 0 : i32
        %dma_start3A_41 = tpu.memref_slice %arg5[%arg0, %dma_start3A_39, %dma_start3A_40] : memref<2x10000x128xf32, #tpu.memory_space<hbm>> -> memref<1x16x128xf32, #tpu.memory_space<hbm>>
        %dma_start3A_42 = tpu.memref_squeeze %dma_start3A_41 : memref<1x16x128xf32, #tpu.memory_space<hbm>> -> memref<16x128xf32, #tpu.memory_space<hbm>>
        %dma_start3A_43 = arith.constant 9984 : i32
        %dma_start3A_44 = arith.constant 0 : i32
        %dma_start3A_45 = tpu.memref_slice %arg5[%arg0, %dma_start3A_43, %dma_start3A_44] : memref<2x10000x128xf32, #tpu.memory_space<hbm>> -> memref<1x16x128xf32, #tpu.memory_space<hbm>>
        %dma_start3A_46 = tpu.memref_squeeze %dma_start3A_45 : memref<1x16x128xf32, #tpu.memory_space<hbm>> -> memref<16x128xf32, #tpu.memory_space<hbm>>
        %dma_start3A_47 = arith.constant 0 : i32
        %dma_start3A_48 = arith.constant 0 : i32
        %dma_start3A_49 = tpu.memref_slice %arg7[%dma_start3A_47, %dma_start3A_48] : memref<312x128xf32, #tpu.memory_space<vmem>> -> memref<16x128xf32, #tpu.memory_space<vmem>>
        tpu.enqueue_dma source(%dma_start3A_49 : memref<16x128xf32, #tpu.memory_space<vmem>>) target(%dma_start3A_46 : memref<16x128xf32, #tpu.memory_space<hbm>>) target_semaphore(%run_scoped3A : memref<!tpu.dma_semaphore, #tpu.memory_space<semaphore_mem>>)
        %dma_wait3A = arith.constant 0 : i32
        %dma_wait3A_50 = arith.constant 0 : i32
        %dma_wait3A_51 = tpu.memref_slice %arg7[%dma_wait3A, %dma_wait3A_50] : memref<312x128xf32, #tpu.memory_space<vmem>> -> memref<16x128xf32, #tpu.memory_space<vmem>>
        %dma_wait3A_52 = arith.constant 9984 : i32
        %dma_wait3A_53 = arith.constant 0 : i32
        %dma_wait3A_54 = tpu.memref_slice %arg5[%arg0, %dma_wait3A_52, %dma_wait3A_53] : memref<2x10000x128xf32, #tpu.memory_space<hbm>> -> memref<1x16x128xf32, #tpu.memory_space<hbm>>
        %dma_wait3A_55 = tpu.memref_squeeze %dma_wait3A_54 : memref<1x16x128xf32, #tpu.memory_space<hbm>> -> memref<16x128xf32, #tpu.memory_space<hbm>>
        %dma_wait3A_56 = arith.constant 9984 : i32
        %dma_wait3A_57 = arith.constant 0 : i32
        %dma_wait3A_58 = tpu.memref_slice %arg5[%arg0, %dma_wait3A_56, %dma_wait3A_57] : memref<2x10000x128xf32, #tpu.memory_space<hbm>> -> memref<1x16x128xf32, #tpu.memory_space<hbm>>
        %dma_wait3A_59 = tpu.memref_squeeze %dma_wait3A_58 : memref<1x16x128xf32, #tpu.memory_space<hbm>> -> memref<16x128xf32, #tpu.memory_space<hbm>>
        %dma_wait3A_60 = arith.constant 0 : i32
        %dma_wait3A_61 = arith.constant 0 : i32
        %dma_wait3A_62 = tpu.memref_slice %arg7[%dma_wait3A_60, %dma_wait3A_61] : memref<312x128xf32, #tpu.memory_space<vmem>> -> memref<16x128xf32, #tpu.memory_space<vmem>>
        tpu.wait_dma2 semaphore(%run_scoped3A : memref<!tpu.dma_semaphore, #tpu.memory_space<semaphore_mem>>) src(%dma_wait3A_62 : memref<16x128xf32, #tpu.memory_space<vmem>>) dst(%dma_wait3A_59 : memref<16x128xf32, #tpu.memory_space<hbm>>)
        tpu.yield
      }) : () -> ()
    } else {
    }
    return
  }
}

#map = affine_map<(d0, d1) -> (0, 0)>
#map1 = affine_map<(d0, d1) -> (0)>
#map2 = affine_map<(d0, d1) -> (0, 0, 0)>
module attributes {stable_mosaic.version = 14 : i64} {
  func.func @_scatter_body(%arg0: i32, %arg1: i32, %arg2: memref<10000x128xf32, #tpu.memory_space<hbm>>, %arg3: memref<320000xi32, #tpu.memory_space<hbm>>, %arg4: memref<320000xi32, #tpu.memory_space<hbm>>, %arg5: memref<2x10000x128xf32, #tpu.memory_space<hbm>>, %arg6: memref<10000x128xf32, #tpu.memory_space<vmem_shared>>, %arg7: memref<312x128xf32, #tpu.memory_space<vmem>>, %arg8: memref<80x128xf32, #tpu.memory_space<vmem>>, %arg9: memref<80xi32, #tpu.memory_space<vmem>>, %arg10: memref<80xi32, #tpu.memory_space<vmem>>, %arg11: memref<!tpu.dma_semaphore, #tpu.memory_space<semaphore_mem>>) attributes {dimension_semantics = [#tpu.dimension_semantics<core_parallel>, #tpu.dimension_semantics<subcore_parallel>], iteration_bounds = array<i64: 2, 16>, scalar_prefetch = 0 : i64, scratch_operands = 6 : i64, tpu.core_type = #tpu.core_type<sc_vector_subcore>, window_params = [{transform_indices = #map}, {transform_indices = #map1}, {transform_indices = #map1}, {transform_indices = #map2}]} {
    %mul3A = arith.constant 2 : i32
    %mul3A_0 = arith.muli %arg1, %mul3A : i32
    %add3A = arith.addi %mul3A_0, %arg0 : i32
    %broadcast_in_dim3A = arith.constant 0.000000e+00 : f32
    %broadcast_in_dim3A_1 = vector.broadcast %broadcast_in_dim3A : f32 to vector<16xf32>
    %scan3A = arith.constant 0 : i32
    %scan3A_2 = arith.constant 0 : i32
    %scan3A_3 = arith.constant 312 : i32
    %scan3A_4 = arith.addi %scan3A_2, %scan3A_3 : i32
    %scan3A_5 = arith.constant 1 : i32
    scf.for %scan3A_37 = %scan3A_2 to %scan3A_4 step %scan3A_5  : i32 {
      %swap3A = arith.index_cast %scan3A_37 : i32 to index
      %swap3A_38 = arith.constant 0 : index
      %swap3A_39 = tpu.vector_load %arg7[%swap3A, %swap3A_38] {strides = array<i32>} : memref<312x128xf32, #tpu.memory_space<vmem>>, vector<1x16xf32>,
      %swap3A_40 = vector.shape_cast %swap3A_39 : vector<1x16xf32> to vector<16xf32>
      %swap3A_41 = vector.shape_cast %broadcast_in_dim3A_1 : vector<16xf32> to vector<1x16xf32>
      tpu.vector_store %arg7[%swap3A, %swap3A_38], %swap3A_41 {strides = array<i32>} : memref<312x128xf32, #tpu.memory_space<vmem>>, vector<1x16xf32>,
      %swap3A_42 = arith.index_cast %scan3A_37 : i32 to index
      %swap3A_43 = arith.constant 16 : index
      %swap3A_44 = tpu.vector_load %arg7[%swap3A_42, %swap3A_43] {strides = array<i32>} : memref<312x128xf32, #tpu.memory_space<vmem>>, vector<1x16xf32>,
      %swap3A_45 = vector.shape_cast %swap3A_44 : vector<1x16xf32> to vector<16xf32>
      %swap3A_46 = vector.shape_cast %broadcast_in_dim3A_1 : vector<16xf32> to vector<1x16xf32>
      tpu.vector_store %arg7[%swap3A_42, %swap3A_43], %swap3A_46 {strides = array<i32>} : memref<312x128xf32, #tpu.memory_space<vmem>>, vector<1x16xf32>,
      %swap3A_47 = arith.index_cast %scan3A_37 : i32 to index
      %swap3A_48 = arith.constant 32 : index
      %swap3A_49 = tpu.vector_load %arg7[%swap3A_47, %swap3A_48] {strides = array<i32>} : memref<312x128xf32, #tpu.memory_space<vmem>>, vector<1x16xf32>,
      %swap3A_50 = vector.shape_cast %swap3A_49 : vector<1x16xf32> to vector<16xf32>
      %swap3A_51 = vector.shape_cast %broadcast_in_dim3A_1 : vector<16xf32> to vector<1x16xf32>
      tpu.vector_store %arg7[%swap3A_47, %swap3A_48], %swap3A_51 {strides = array<i32>} : memref<312x128xf32, #tpu.memory_space<vmem>>, vector<1x16xf32>,
      %swap3A_52 = arith.index_cast %scan3A_37 : i32 to index
      %swap3A_53 = arith.constant 48 : index
      %swap3A_54 = tpu.vector_load %arg7[%swap3A_52, %swap3A_53] {strides = array<i32>} : memref<312x128xf32, #tpu.memory_space<vmem>>, vector<1x16xf32>,
      %swap3A_55 = vector.shape_cast %swap3A_54 : vector<1x16xf32> to vector<16xf32>
      %swap3A_56 = vector.shape_cast %broadcast_in_dim3A_1 : vector<16xf32> to vector<1x16xf32>
      tpu.vector_store %arg7[%swap3A_52, %swap3A_53], %swap3A_56 {strides = array<i32>} : memref<312x128xf32, #tpu.memory_space<vmem>>, vector<1x16xf32>,
      %swap3A_57 = arith.index_cast %scan3A_37 : i32 to index
      %swap3A_58 = arith.constant 64 : index
      %swap3A_59 = tpu.vector_load %arg7[%swap3A_57, %swap3A_58] {strides = array<i32>} : memref<312x128xf32, #tpu.memory_space<vmem>>, vector<1x16xf32>,
      %swap3A_60 = vector.shape_cast %swap3A_59 : vector<1x16xf32> to vector<16xf32>
      %swap3A_61 = vector.shape_cast %broadcast_in_dim3A_1 : vector<16xf32> to vector<1x16xf32>
      tpu.vector_store %arg7[%swap3A_57, %swap3A_58], %swap3A_61 {strides = array<i32>} : memref<312x128xf32, #tpu.memory_space<vmem>>, vector<1x16xf32>,
      %swap3A_62 = arith.index_cast %scan3A_37 : i32 to index
      %swap3A_63 = arith.constant 80 : index
      %swap3A_64 = tpu.vector_load %arg7[%swap3A_62, %swap3A_63] {strides = array<i32>} : memref<312x128xf32, #tpu.memory_space<vmem>>, vector<1x16xf32>,
      %swap3A_65 = vector.shape_cast %swap3A_64 : vector<1x16xf32> to vector<16xf32>
      %swap3A_66 = vector.shape_cast %broadcast_in_dim3A_1 : vector<16xf32> to vector<1x16xf32>
      tpu.vector_store %arg7[%swap3A_62, %swap3A_63], %swap3A_66 {strides = array<i32>} : memref<312x128xf32, #tpu.memory_space<vmem>>, vector<1x16xf32>,
      %swap3A_67 = arith.index_cast %scan3A_37 : i32 to index
      %swap3A_68 = arith.constant 96 : index
      %swap3A_69 = tpu.vector_load %arg7[%swap3A_67, %swap3A_68] {strides = array<i32>} : memref<312x128xf32, #tpu.memory_space<vmem>>, vector<1x16xf32>,
      %swap3A_70 = vector.shape_cast %swap3A_69 : vector<1x16xf32> to vector<16xf32>
      %swap3A_71 = vector.shape_cast %broadcast_in_dim3A_1 : vector<16xf32> to vector<1x16xf32>
      tpu.vector_store %arg7[%swap3A_67, %swap3A_68], %swap3A_71 {strides = array<i32>} : memref<312x128xf32, #tpu.memory_space<vmem>>, vector<1x16xf32>,
      %swap3A_72 = arith.index_cast %scan3A_37 : i32 to index
      %swap3A_73 = arith.constant 112 : index
      %swap3A_74 = tpu.vector_load %arg7[%swap3A_72, %swap3A_73] {strides = array<i32>} : memref<312x128xf32, #tpu.memory_space<vmem>>, vector<1x16xf32>,
      %swap3A_75 = vector.shape_cast %swap3A_74 : vector<1x16xf32> to vector<16xf32>
      %swap3A_76 = vector.shape_cast %broadcast_in_dim3A_1 : vector<16xf32> to vector<1x16xf32>
      tpu.vector_store %arg7[%swap3A_72, %swap3A_73], %swap3A_76 {strides = array<i32>} : memref<312x128xf32, #tpu.memory_space<vmem>>, vector<1x16xf32>,
    }
    %scan3A_6 = arith.constant 312 : i32
    %mul3A_7 = arith.constant 624 : i32
    %mul3A_8 = arith.muli %arg1, %mul3A_7 : i32
    %add3A_9 = arith.constant 0 : i32
    %add3A_10 = arith.addi %mul3A_8, %add3A_9 : i32
    "tpu.region"() ({
      %run_scoped3A = tpu.sem_alloc : memref<!tpu.dma_semaphore, #tpu.memory_space<semaphore_mem>>
      %dma_start3A = arith.constant 0 : i32
      %dma_start3A_37 = tpu.memref_slice %arg6[%add3A_10, %dma_start3A] : memref<10000x128xf32, #tpu.memory_space<vmem_shared>> -> memref<312x128xf32, #tpu.memory_space<vmem_shared>>
      %dma_start3A_38 = arith.constant 0 : i32
      %dma_start3A_39 = tpu.memref_slice %arg6[%add3A_10, %dma_start3A_38] : memref<10000x128xf32, #tpu.memory_space<vmem_shared>> -> memref<312x128xf32, #tpu.memory_space<vmem_shared>>
      tpu.enqueue_dma source(%arg7 : memref<312x128xf32, #tpu.memory_space<vmem>>) target(%dma_start3A_39 : memref<312x128xf32, #tpu.memory_space<vmem_shared>>) target_semaphore(%run_scoped3A : memref<!tpu.dma_semaphore, #tpu.memory_space<semaphore_mem>>)
      %dma_wait3A = arith.constant 0 : i32
      %dma_wait3A_40 = tpu.memref_slice %arg6[%add3A_10, %dma_wait3A] : memref<10000x128xf32, #tpu.memory_space<vmem_shared>> -> memref<312x128xf32, #tpu.memory_space<vmem_shared>>
      %dma_wait3A_41 = arith.constant 0 : i32
      %dma_wait3A_42 = tpu.memref_slice %arg6[%add3A_10, %dma_wait3A_41] : memref<10000x128xf32, #tpu.memory_space<vmem_shared>> -> memref<312x128xf32, #tpu.memory_space<vmem_shared>>
      tpu.wait_dma2 semaphore(%run_scoped3A : memref<!tpu.dma_semaphore, #tpu.memory_space<semaphore_mem>>) src(%arg7 : memref<312x128xf32, #tpu.memory_space<vmem>>) dst(%dma_wait3A_42 : memref<312x128xf32, #tpu.memory_space<vmem_shared>>)
      tpu.yield
    }) : () -> ()
    %mul3A_11 = arith.constant 624 : i32
    %mul3A_12 = arith.muli %arg1, %mul3A_11 : i32
    %add3A_13 = arith.constant 312 : i32
    %add3A_14 = arith.addi %mul3A_12, %add3A_13 : i32
    "tpu.region"() ({
      %run_scoped3A = tpu.sem_alloc : memref<!tpu.dma_semaphore, #tpu.memory_space<semaphore_mem>>
      %dma_start3A = arith.constant 0 : i32
      %dma_start3A_37 = tpu.memref_slice %arg6[%add3A_14, %dma_start3A] : memref<10000x128xf32, #tpu.memory_space<vmem_shared>> -> memref<312x128xf32, #tpu.memory_space<vmem_shared>>
      %dma_start3A_38 = arith.constant 0 : i32
      %dma_start3A_39 = tpu.memref_slice %arg6[%add3A_14, %dma_start3A_38] : memref<10000x128xf32, #tpu.memory_space<vmem_shared>> -> memref<312x128xf32, #tpu.memory_space<vmem_shared>>
      tpu.enqueue_dma source(%arg7 : memref<312x128xf32, #tpu.memory_space<vmem>>) target(%dma_start3A_39 : memref<312x128xf32, #tpu.memory_space<vmem_shared>>) target_semaphore(%run_scoped3A : memref<!tpu.dma_semaphore, #tpu.memory_space<semaphore_mem>>)
      %dma_wait3A = arith.constant 0 : i32
      %dma_wait3A_40 = tpu.memref_slice %arg6[%add3A_14, %dma_wait3A] : memref<10000x128xf32, #tpu.memory_space<vmem_shared>> -> memref<312x128xf32, #tpu.memory_space<vmem_shared>>
      %dma_wait3A_41 = arith.constant 0 : i32
      %dma_wait3A_42 = tpu.memref_slice %arg6[%add3A_14, %dma_wait3A_41] : memref<10000x128xf32, #tpu.memory_space<vmem_shared>> -> memref<312x128xf32, #tpu.memory_space<vmem_shared>>
      tpu.wait_dma2 semaphore(%run_scoped3A : memref<!tpu.dma_semaphore, #tpu.memory_space<semaphore_mem>>) src(%arg7 : memref<312x128xf32, #tpu.memory_space<vmem>>) dst(%dma_wait3A_42 : memref<312x128xf32, #tpu.memory_space<vmem_shared>>)
      tpu.yield
    }) : () -> ()
    %eq3A = arith.constant 15 : i32
    %eq3A_15 = arith.cmpi eq, %arg1, %eq3A : i32
    %convert_element_type3A = arith.extui %eq3A_15 : i1 to i32
    %cond3A = arith.constant 0 : i32
    %cond3A_16 = arith.cmpi ne, %convert_element_type3A, %cond3A : i32
    scf.if %cond3A_16 {
      "tpu.region"() ({
        %run_scoped3A = tpu.sem_alloc : memref<!tpu.dma_semaphore, #tpu.memory_space<semaphore_mem>>
        %dma_start3A = arith.constant 0 : i32
        %dma_start3A_37 = arith.constant 0 : i32
        %dma_start3A_38 = tpu.memref_slice %arg7[%dma_start3A, %dma_start3A_37] : memref<312x128xf32, #tpu.memory_space<vmem>> -> memref<16x128xf32, #tpu.memory_space<vmem>>
        %dma_start3A_39 = arith.constant 9984 : i32
        %dma_start3A_40 = arith.constant 0 : i32
        %dma_start3A_41 = tpu.memref_slice %arg6[%dma_start3A_39, %dma_start3A_40] : memref<10000x128xf32, #tpu.memory_space<vmem_shared>> -> memref<16x128xf32, #tpu.memory_space<vmem_shared>>
        %dma_start3A_42 = arith.constant 9984 : i32
        %dma_start3A_43 = arith.constant 0 : i32
        %dma_start3A_44 = tpu.memref_slice %arg6[%dma_start3A_42, %dma_start3A_43] : memref<10000x128xf32, #tpu.memory_space<vmem_shared>> -> memref<16x128xf32, #tpu.memory_space<vmem_shared>>
        %dma_start3A_45 = arith.constant 0 : i32
        %dma_start3A_46 = arith.constant 0 : i32
        %dma_start3A_47 = tpu.memref_slice %arg7[%dma_start3A_45, %dma_start3A_46] : memref<312x128xf32, #tpu.memory_space<vmem>> -> memref<16x128xf32, #tpu.memory_space<vmem>>
        tpu.enqueue_dma source(%dma_start3A_47 : memref<16x128xf32, #tpu.memory_space<vmem>>) target(%dma_start3A_44 : memref<16x128xf32, #tpu.memory_space<vmem_shared>>) target_semaphore(%run_scoped3A : memref<!tpu.dma_semaphore, #tpu.memory_space<semaphore_mem>>)
        %dma_wait3A = arith.constant 0 : i32
        %dma_wait3A_48 = arith.constant 0 : i32
        %dma_wait3A_49 = tpu.memref_slice %arg7[%dma_wait3A, %dma_wait3A_48] : memref<312x128xf32, #tpu.memory_space<vmem>> -> memref<16x128xf32, #tpu.memory_space<vmem>>
        %dma_wait3A_50 = arith.constant 9984 : i32
        %dma_wait3A_51 = arith.constant 0 : i32
        %dma_wait3A_52 = tpu.memref_slice %arg6[%dma_wait3A_50, %dma_wait3A_51] : memref<10000x128xf32, #tpu.memory_space<vmem_shared>> -> memref<16x128xf32, #tpu.memory_space<vmem_shared>>
        %dma_wait3A_53 = arith.constant 9984 : i32
        %dma_wait3A_54 = arith.constant 0 : i32
        %dma_wait3A_55 = tpu.memref_slice %arg6[%dma_wait3A_53, %dma_wait3A_54] : memref<10000x128xf32, #tpu.memory_space<vmem_shared>> -> memref<16x128xf32, #tpu.memory_space<vmem_shared>>
        %dma_wait3A_56 = arith.constant 0 : i32
        %dma_wait3A_57 = arith.constant 0 : i32
        %dma_wait3A_58 = tpu.memref_slice %arg7[%dma_wait3A_56, %dma_wait3A_57] : memref<312x128xf32, #tpu.memory_space<vmem>> -> memref<16x128xf32, #tpu.memory_space<vmem>>
        tpu.wait_dma2 semaphore(%run_scoped3A : memref<!tpu.dma_semaphore, #tpu.memory_space<semaphore_mem>>) src(%dma_wait3A_58 : memref<16x128xf32, #tpu.memory_space<vmem>>) dst(%dma_wait3A_55 : memref<16x128xf32, #tpu.memory_space<vmem_shared>>)
        tpu.yield
      }) : () -> ()
    } else {
    }
    %barrier3A = arith.constant 0 : index
    tpu.barrier barrier_id(%barrier3A)
    %scan3A_17 = arith.constant 0 : i32
    %scan3A_18 = arith.constant 0 : i32
    %scan3A_19 = arith.constant 125 : i32
    %scan3A_20 = arith.addi %scan3A_18, %scan3A_19 : i32
    %scan3A_21 = arith.constant 1 : i32
    scf.for %scan3A_37 = %scan3A_18 to %scan3A_20 step %scan3A_21  : i32 {
      %mul3A_38 = arith.constant 10000 : i32
      %mul3A_39 = arith.muli %add3A, %mul3A_38 : i32
      %mul3A_40 = arith.constant 80 : i32
      %mul3A_41 = arith.muli %scan3A_37, %mul3A_40 : i32
      %add3A_42 = arith.addi %mul3A_39, %mul3A_41 : i32
      "tpu.region"() ({
        %run_scoped3A = tpu.sem_alloc : memref<!tpu.dma_semaphore, #tpu.memory_space<semaphore_mem>>
        %dma_start3A_47 = tpu.memref_slice %arg3[%add3A_42] : memref<320000xi32, #tpu.memory_space<hbm>> -> memref<80xi32, #tpu.memory_space<hbm>>
        %dma_start3A_48 = tpu.memref_slice %arg3[%add3A_42] : memref<320000xi32, #tpu.memory_space<hbm>> -> memref<80xi32, #tpu.memory_space<hbm>>
        tpu.enqueue_dma source(%dma_start3A_48 : memref<80xi32, #tpu.memory_space<hbm>>) target(%arg9 : memref<80xi32, #tpu.memory_space<vmem>>) target_semaphore(%run_scoped3A : memref<!tpu.dma_semaphore, #tpu.memory_space<semaphore_mem>>)
        %dma_wait3A_49 = tpu.memref_slice %arg3[%add3A_42] : memref<320000xi32, #tpu.memory_space<hbm>> -> memref<80xi32, #tpu.memory_space<hbm>>
        %dma_wait3A_50 = tpu.memref_slice %arg3[%add3A_42] : memref<320000xi32, #tpu.memory_space<hbm>> -> memref<80xi32, #tpu.memory_space<hbm>>
        tpu.wait_dma2 semaphore(%run_scoped3A : memref<!tpu.dma_semaphore, #tpu.memory_space<semaphore_mem>>) src(%dma_wait3A_50 : memref<80xi32, #tpu.memory_space<hbm>>) dst(%arg9 : memref<80xi32, #tpu.memory_space<vmem>>)
        tpu.yield
      }) : () -> ()
      %dma_start3A = arith.constant 0 : i32
      %dma_start3A_43 = arith.constant 0 : i32
      %dma_start3A_44 = tpu.memref_slice %arg2[%dma_start3A, %dma_start3A_43] : memref<10000x128xf32, #tpu.memory_space<hbm>> -> memref<10000x128xf32, #tpu.memory_space<hbm>>
      tpu.enqueue_indirect_dma source(%dma_start3A_44 : memref<10000x128xf32, #tpu.memory_space<hbm>>) target(%arg8 : memref<80x128xf32, #tpu.memory_space<vmem>>) offsets(%arg9 : memref<80xi32, #tpu.memory_space<vmem>>) semaphore(%arg11 : memref<!tpu.dma_semaphore, #tpu.memory_space<semaphore_mem>>)
      %dma_wait3A = arith.constant 0 : i32
      %dma_wait3A_45 = arith.constant 0 : i32
      %dma_wait3A_46 = tpu.memref_slice %arg2[%dma_wait3A, %dma_wait3A_45] : memref<10000x128xf32, #tpu.memory_space<hbm>> -> memref<10000x128xf32, #tpu.memory_space<hbm>>
      tpu.wait_indirect_dma semaphore(%arg11 : memref<!tpu.dma_semaphore, #tpu.memory_space<semaphore_mem>>) src(%dma_wait3A_46 : memref<10000x128xf32, #tpu.memory_space<hbm>>) dst(%arg8 : memref<80x128xf32, #tpu.memory_space<vmem>>)
      "tpu.region"() ({
        %run_scoped3A = tpu.sem_alloc : memref<!tpu.dma_semaphore, #tpu.memory_space<semaphore_mem>>
        %dma_start3A_47 = tpu.memref_slice %arg4[%add3A_42] : memref<320000xi32, #tpu.memory_space<hbm>> -> memref<80xi32, #tpu.memory_space<hbm>>
        %dma_start3A_48 = tpu.memref_slice %arg4[%add3A_42] : memref<320000xi32, #tpu.memory_space<hbm>> -> memref<80xi32, #tpu.memory_space<hbm>>
        tpu.enqueue_dma source(%dma_start3A_48 : memref<80xi32, #tpu.memory_space<hbm>>) target(%arg10 : memref<80xi32, #tpu.memory_space<vmem>>) target_semaphore(%run_scoped3A : memref<!tpu.dma_semaphore, #tpu.memory_space<semaphore_mem>>)
        %dma_wait3A_49 = tpu.memref_slice %arg4[%add3A_42] : memref<320000xi32, #tpu.memory_space<hbm>> -> memref<80xi32, #tpu.memory_space<hbm>>
        %dma_wait3A_50 = tpu.memref_slice %arg4[%add3A_42] : memref<320000xi32, #tpu.memory_space<hbm>> -> memref<80xi32, #tpu.memory_space<hbm>>
        tpu.wait_dma2 semaphore(%run_scoped3A : memref<!tpu.dma_semaphore, #tpu.memory_space<semaphore_mem>>) src(%dma_wait3A_50 : memref<80xi32, #tpu.memory_space<hbm>>) dst(%arg10 : memref<80xi32, #tpu.memory_space<vmem>>)
        tpu.yield
      }) : () -> ()
      "tpu.region"() ({
        %run_scoped3A = tpu.sem_alloc : memref<!tpu.dma_semaphore, #tpu.memory_space<semaphore_mem>>
        %dma_start3A_47 = arith.constant 0 : i32
        %dma_start3A_48 = arith.constant 0 : i32
        %dma_start3A_49 = tpu.memref_slice %arg6[%dma_start3A_47, %dma_start3A_48] : memref<10000x128xf32, #tpu.memory_space<vmem_shared>> -> memref<10000x128xf32, #tpu.memory_space<vmem_shared>>
        tpu.enqueue_indirect_dma source(%arg8 : memref<80x128xf32, #tpu.memory_space<vmem>>) target(%dma_start3A_49 : memref<10000x128xf32, #tpu.memory_space<vmem_shared>>) offsets(%arg10 : memref<80xi32, #tpu.memory_space<vmem>>) semaphore(%run_scoped3A : memref<!tpu.dma_semaphore, #tpu.memory_space<semaphore_mem>>) {add = true}
        %dma_wait3A_50 = arith.constant 0 : i32
        %dma_wait3A_51 = arith.constant 0 : i32
        %dma_wait3A_52 = tpu.memref_slice %arg6[%dma_wait3A_50, %dma_wait3A_51] : memref<10000x128xf32, #tpu.memory_space<vmem_shared>> -> memref<10000x128xf32, #tpu.memory_space<vmem_shared>>
        tpu.wait_indirect_dma semaphore(%run_scoped3A : memref<!tpu.dma_semaphore, #tpu.memory_space<semaphore_mem>>) src(%arg8 : memref<80x128xf32, #tpu.memory_space<vmem>>) dst(%dma_wait3A_52 : memref<10000x128xf32, #tpu.memory_space<vmem_shared>>)
        tpu.yield
      }) : () -> ()
    }
    %scan3A_22 = arith.constant 125 : i32
    %barrier3A_23 = arith.constant 0 : index
    tpu.barrier barrier_id(%barrier3A_23)
    %mul3A_24 = arith.constant 624 : i32
    %mul3A_25 = arith.muli %arg1, %mul3A_24 : i32
    %add3A_26 = arith.constant 0 : i32
    %add3A_27 = arith.addi %mul3A_25, %add3A_26 : i32
    "tpu.region"() ({
      %run_scoped3A = tpu.sem_alloc : memref<!tpu.dma_semaphore, #tpu.memory_space<semaphore_mem>>
      %dma_start3A = arith.constant 0 : i32
      %dma_start3A_37 = tpu.memref_slice %arg6[%add3A_27, %dma_start3A] : memref<10000x128xf32, #tpu.memory_space<vmem_shared>> -> memref<312x128xf32, #tpu.memory_space<vmem_shared>>
      %dma_start3A_38 = arith.constant 0 : i32
      %dma_start3A_39 = tpu.memref_slice %arg6[%add3A_27, %dma_start3A_38] : memref<10000x128xf32, #tpu.memory_space<vmem_shared>> -> memref<312x128xf32, #tpu.memory_space<vmem_shared>>
      tpu.enqueue_dma source(%dma_start3A_39 : memref<312x128xf32, #tpu.memory_space<vmem_shared>>) target(%arg7 : memref<312x128xf32, #tpu.memory_space<vmem>>) target_semaphore(%run_scoped3A : memref<!tpu.dma_semaphore, #tpu.memory_space<semaphore_mem>>)
      %dma_wait3A = arith.constant 0 : i32
      %dma_wait3A_40 = tpu.memref_slice %arg6[%add3A_27, %dma_wait3A] : memref<10000x128xf32, #tpu.memory_space<vmem_shared>> -> memref<312x128xf32, #tpu.memory_space<vmem_shared>>
      %dma_wait3A_41 = arith.constant 0 : i32
      %dma_wait3A_42 = tpu.memref_slice %arg6[%add3A_27, %dma_wait3A_41] : memref<10000x128xf32, #tpu.memory_space<vmem_shared>> -> memref<312x128xf32, #tpu.memory_space<vmem_shared>>
      tpu.wait_dma2 semaphore(%run_scoped3A : memref<!tpu.dma_semaphore, #tpu.memory_space<semaphore_mem>>) src(%dma_wait3A_42 : memref<312x128xf32, #tpu.memory_space<vmem_shared>>) dst(%arg7 : memref<312x128xf32, #tpu.memory_space<vmem>>)
      tpu.yield
    }) : () -> ()
    "tpu.region"() ({
      %run_scoped3A = tpu.sem_alloc : memref<!tpu.dma_semaphore, #tpu.memory_space<semaphore_mem>>
      %dma_start3A = arith.constant 0 : i32
      %dma_start3A_37 = tpu.memref_slice %arg5[%arg0, %add3A_27, %dma_start3A] : memref<2x10000x128xf32, #tpu.memory_space<hbm>> -> memref<1x312x128xf32, #tpu.memory_space<hbm>>
      %dma_start3A_38 = tpu.memref_squeeze %dma_start3A_37 : memref<1x312x128xf32, #tpu.memory_space<hbm>> -> memref<312x128xf32, #tpu.memory_space<hbm>>
      %dma_start3A_39 = arith.constant 0 : i32
      %dma_start3A_40 = tpu.memref_slice %arg5[%arg0, %add3A_27, %dma_start3A_39] : memref<2x10000x128xf32, #tpu.memory_space<hbm>> -> memref<1x312x128xf32, #tpu.memory_space<hbm>>
      %dma_start3A_41 = tpu.memref_squeeze %dma_start3A_40 : memref<1x312x128xf32, #tpu.memory_space<hbm>> -> memref<312x128xf32, #tpu.memory_space<hbm>>
      tpu.enqueue_dma source(%arg7 : memref<312x128xf32, #tpu.memory_space<vmem>>) target(%dma_start3A_41 : memref<312x128xf32, #tpu.memory_space<hbm>>) target_semaphore(%run_scoped3A : memref<!tpu.dma_semaphore, #tpu.memory_space<semaphore_mem>>)
      %dma_wait3A = arith.constant 0 : i32
      %dma_wait3A_42 = tpu.memref_slice %arg5[%arg0, %add3A_27, %dma_wait3A] : memref<2x10000x128xf32, #tpu.memory_space<hbm>> -> memref<1x312x128xf32, #tpu.memory_space<hbm>>
      %dma_wait3A_43 = tpu.memref_squeeze %dma_wait3A_42 : memref<1x312x128xf32, #tpu.memory_space<hbm>> -> memref<312x128xf32, #tpu.memory_space<hbm>>
      %dma_wait3A_44 = arith.constant 0 : i32
      %dma_wait3A_45 = tpu.memref_slice %arg5[%arg0, %add3A_27, %dma_wait3A_44] : memref<2x10000x128xf32, #tpu.memory_space<hbm>> -> memref<1x312x128xf32, #tpu.memory_space<hbm>>
      %dma_wait3A_46 = tpu.memref_squeeze %dma_wait3A_45 : memref<1x312x128xf32, #tpu.memory_space<hbm>> -> memref<312x128xf32, #tpu.memory_space<hbm>>
      tpu.wait_dma2 semaphore(%run_scoped3A : memref<!tpu.dma_semaphore, #tpu.memory_space<semaphore_mem>>) src(%arg7 : memref<312x128xf32, #tpu.memory_space<vmem>>) dst(%dma_wait3A_46 : memref<312x128xf32, #tpu.memory_space<hbm>>)
      tpu.yield
    }) : () -> ()
    %mul3A_28 = arith.constant 624 : i32
    %mul3A_29 = arith.muli %arg1, %mul3A_28 : i32
    %add3A_30 = arith.constant 312 : i32
    %add3A_31 = arith.addi %mul3A_29, %add3A_30 : i32
    "tpu.region"() ({
      %run_scoped3A = tpu.sem_alloc : memref<!tpu.dma_semaphore, #tpu.memory_space<semaphore_mem>>
      %dma_start3A = arith.constant 0 : i32
      %dma_start3A_37 = tpu.memref_slice %arg6[%add3A_31, %dma_start3A] : memref<10000x128xf32, #tpu.memory_space<vmem_shared>> -> memref<312x128xf32, #tpu.memory_space<vmem_shared>>
      %dma_start3A_38 = arith.constant 0 : i32
      %dma_start3A_39 = tpu.memref_slice %arg6[%add3A_31, %dma_start3A_38] : memref<10000x128xf32, #tpu.memory_space<vmem_shared>> -> memref<312x128xf32, #tpu.memory_space<vmem_shared>>
      tpu.enqueue_dma source(%dma_start3A_39 : memref<312x128xf32, #tpu.memory_space<vmem_shared>>) target(%arg7 : memref<312x128xf32, #tpu.memory_space<vmem>>) target_semaphore(%run_scoped3A : memref<!tpu.dma_semaphore, #tpu.memory_space<semaphore_mem>>)
      %dma_wait3A = arith.constant 0 : i32
      %dma_wait3A_40 = tpu.memref_slice %arg6[%add3A_31, %dma_wait3A] : memref<10000x128xf32, #tpu.memory_space<vmem_shared>> -> memref<312x128xf32, #tpu.memory_space<vmem_shared>>
      %dma_wait3A_41 = arith.constant 0 : i32
      %dma_wait3A_42 = tpu.memref_slice %arg6[%add3A_31, %dma_wait3A_41] : memref<10000x128xf32, #tpu.memory_space<vmem_shared>> -> memref<312x128xf32, #tpu.memory_space<vmem_shared>>
      tpu.wait_dma2 semaphore(%run_scoped3A : memref<!tpu.dma_semaphore, #tpu.memory_space<semaphore_mem>>) src(%dma_wait3A_42 : memref<312x128xf32, #tpu.memory_space<vmem_shared>>) dst(%arg7 : memref<312x128xf32, #tpu.memory_space<vmem>>)
      tpu.yield
    }) : () -> ()
    "tpu.region"() ({
      %run_scoped3A = tpu.sem_alloc : memref<!tpu.dma_semaphore, #tpu.memory_space<semaphore_mem>>
      %dma_start3A = arith.constant 0 : i32
      %dma_start3A_37 = tpu.memref_slice %arg5[%arg0, %add3A_31, %dma_start3A] : memref<2x10000x128xf32, #tpu.memory_space<hbm>> -> memref<1x312x128xf32, #tpu.memory_space<hbm>>
      %dma_start3A_38 = tpu.memref_squeeze %dma_start3A_37 : memref<1x312x128xf32, #tpu.memory_space<hbm>> -> memref<312x128xf32, #tpu.memory_space<hbm>>
      %dma_start3A_39 = arith.constant 0 : i32
      %dma_start3A_40 = tpu.memref_slice %arg5[%arg0, %add3A_31, %dma_start3A_39] : memref<2x10000x128xf32, #tpu.memory_space<hbm>> -> memref<1x312x128xf32, #tpu.memory_space<hbm>>
      %dma_start3A_41 = tpu.memref_squeeze %dma_start3A_40 : memref<1x312x128xf32, #tpu.memory_space<hbm>> -> memref<312x128xf32, #tpu.memory_space<hbm>>
      tpu.enqueue_dma source(%arg7 : memref<312x128xf32, #tpu.memory_space<vmem>>) target(%dma_start3A_41 : memref<312x128xf32, #tpu.memory_space<hbm>>) target_semaphore(%run_scoped3A : memref<!tpu.dma_semaphore, #tpu.memory_space<semaphore_mem>>)
      %dma_wait3A = arith.constant 0 : i32
      %dma_wait3A_42 = tpu.memref_slice %arg5[%arg0, %add3A_31, %dma_wait3A] : memref<2x10000x128xf32, #tpu.memory_space<hbm>> -> memref<1x312x128xf32, #tpu.memory_space<hbm>>
      %dma_wait3A_43 = tpu.memref_squeeze %dma_wait3A_42 : memref<1x312x128xf32, #tpu.memory_space<hbm>> -> memref<312x128xf32, #tpu.memory_space<hbm>>
      %dma_wait3A_44 = arith.constant 0 : i32
      %dma_wait3A_45 = tpu.memref_slice %arg5[%arg0, %add3A_31, %dma_wait3A_44] : memref<2x10000x128xf32, #tpu.memory_space<hbm>> -> memref<1x312x128xf32, #tpu.memory_space<hbm>>
      %dma_wait3A_46 = tpu.memref_squeeze %dma_wait3A_45 : memref<1x312x128xf32, #tpu.memory_space<hbm>> -> memref<312x128xf32, #tpu.memory_space<hbm>>
      tpu.wait_dma2 semaphore(%run_scoped3A : memref<!tpu.dma_semaphore, #tpu.memory_space<semaphore_mem>>) src(%arg7 : memref<312x128xf32, #tpu.memory_space<vmem>>) dst(%dma_wait3A_46 : memref<312x128xf32, #tpu.memory_space<hbm>>)
      tpu.yield
    }) : () -> ()
    %eq3A_32 = arith.constant 15 : i32
    %eq3A_33 = arith.cmpi eq, %arg1, %eq3A_32 : i32
    %convert_element_type3A_34 = arith.extui %eq3A_33 : i1 to i32
    %cond3A_35 = arith.constant 0 : i32
    %cond3A_36 = arith.cmpi ne, %convert_element_type3A_34, %cond3A_35 : i32
    scf.if %cond3A_36 {
      "tpu.region"() ({
        %run_scoped3A = tpu.sem_alloc : memref<!tpu.dma_semaphore, #tpu.memory_space<semaphore_mem>>
        %dma_start3A = arith.constant 0 : i32
        %dma_start3A_37 = arith.constant 0 : i32
        %dma_start3A_38 = tpu.memref_slice %arg7[%dma_start3A, %dma_start3A_37] : memref<312x128xf32, #tpu.memory_space<vmem>> -> memref<16x128xf32, #tpu.memory_space<vmem>>
        %dma_start3A_39 = arith.constant 9984 : i32
        %dma_start3A_40 = arith.constant 0 : i32
        %dma_start3A_41 = tpu.memref_slice %arg6[%dma_start3A_39, %dma_start3A_40] : memref<10000x128xf32, #tpu.memory_space<vmem_shared>> -> memref<16x128xf32, #tpu.memory_space<vmem_shared>>
        %dma_start3A_42 = arith.constant 0 : i32
        %dma_start3A_43 = arith.constant 0 : i32
        %dma_start3A_44 = tpu.memref_slice %arg7[%dma_start3A_42, %dma_start3A_43] : memref<312x128xf32, #tpu.memory_space<vmem>> -> memref<16x128xf32, #tpu.memory_space<vmem>>
        %dma_start3A_45 = arith.constant 9984 : i32
        %dma_start3A_46 = arith.constant 0 : i32
        %dma_start3A_47 = tpu.memref_slice %arg6[%dma_start3A_45, %dma_start3A_46] : memref<10000x128xf32, #tpu.memory_space<vmem_shared>> -> memref<16x128xf32, #tpu.memory_space<vmem_shared>>
        tpu.enqueue_dma source(%dma_start3A_47 : memref<16x128xf32, #tpu.memory_space<vmem_shared>>) target(%dma_start3A_44 : memref<16x128xf32, #tpu.memory_space<vmem>>) target_semaphore(%run_scoped3A : memref<!tpu.dma_semaphore, #tpu.memory_space<semaphore_mem>>)
        %dma_wait3A = arith.constant 0 : i32
        %dma_wait3A_48 = arith.constant 0 : i32
        %dma_wait3A_49 = tpu.memref_slice %arg7[%dma_wait3A, %dma_wait3A_48] : memref<312x128xf32, #tpu.memory_space<vmem>> -> memref<16x128xf32, #tpu.memory_space<vmem>>
        %dma_wait3A_50 = arith.constant 9984 : i32
        %dma_wait3A_51 = arith.constant 0 : i32
        %dma_wait3A_52 = tpu.memref_slice %arg6[%dma_wait3A_50, %dma_wait3A_51] : memref<10000x128xf32, #tpu.memory_space<vmem_shared>> -> memref<16x128xf32, #tpu.memory_space<vmem_shared>>
        %dma_wait3A_53 = arith.constant 0 : i32
        %dma_wait3A_54 = arith.constant 0 : i32
        %dma_wait3A_55 = tpu.memref_slice %arg7[%dma_wait3A_53, %dma_wait3A_54] : memref<312x128xf32, #tpu.memory_space<vmem>> -> memref<16x128xf32, #tpu.memory_space<vmem>>
        %dma_wait3A_56 = arith.constant 9984 : i32
        %dma_wait3A_57 = arith.constant 0 : i32
        %dma_wait3A_58 = tpu.memref_slice %arg6[%dma_wait3A_56, %dma_wait3A_57] : memref<10000x128xf32, #tpu.memory_space<vmem_shared>> -> memref<16x128xf32, #tpu.memory_space<vmem_shared>>
        tpu.wait_dma2 semaphore(%run_scoped3A : memref<!tpu.dma_semaphore, #tpu.memory_space<semaphore_mem>>) src(%dma_wait3A_58 : memref<16x128xf32, #tpu.memory_space<vmem_shared>>) dst(%dma_wait3A_55 : memref<16x128xf32, #tpu.memory_space<vmem>>)
        tpu.yield
      }) : () -> ()
      "tpu.region"() ({
        %run_scoped3A = tpu.sem_alloc : memref<!tpu.dma_semaphore, #tpu.memory_space<semaphore_mem>>
        %dma_start3A = arith.constant 0 : i32
        %dma_start3A_37 = arith.constant 0 : i32
        %dma_start3A_38 = tpu.memref_slice %arg7[%dma_start3A, %dma_start3A_37] : memref<312x128xf32, #tpu.memory_space<vmem>> -> memref<16x128xf32, #tpu.memory_space<vmem>>
        %dma_start3A_39 = arith.constant 9984 : i32
        %dma_start3A_40 = arith.constant 0 : i32
        %dma_start3A_41 = tpu.memref_slice %arg5[%arg0, %dma_start3A_39, %dma_start3A_40] : memref<2x10000x128xf32, #tpu.memory_space<hbm>> -> memref<1x16x128xf32, #tpu.memory_space<hbm>>
        %dma_start3A_42 = tpu.memref_squeeze %dma_start3A_41 : memref<1x16x128xf32, #tpu.memory_space<hbm>> -> memref<16x128xf32, #tpu.memory_space<hbm>>
        %dma_start3A_43 = arith.constant 9984 : i32
        %dma_start3A_44 = arith.constant 0 : i32
        %dma_start3A_45 = tpu.memref_slice %arg5[%arg0, %dma_start3A_43, %dma_start3A_44] : memref<2x10000x128xf32, #tpu.memory_space<hbm>> -> memref<1x16x128xf32, #tpu.memory_space<hbm>>
        %dma_start3A_46 = tpu.memref_squeeze %dma_start3A_45 : memref<1x16x128xf32, #tpu.memory_space<hbm>> -> memref<16x128xf32, #tpu.memory_space<hbm>>
        %dma_start3A_47 = arith.constant 0 : i32
        %dma_start3A_48 = arith.constant 0 : i32
        %dma_start3A_49 = tpu.memref_slice %arg7[%dma_start3A_47, %dma_start3A_48] : memref<312x128xf32, #tpu.memory_space<vmem>> -> memref<16x128xf32, #tpu.memory_space<vmem>>
        tpu.enqueue_dma source(%dma_start3A_49 : memref<16x128xf32, #tpu.memory_space<vmem>>) target(%dma_start3A_46 : memref<16x128xf32, #tpu.memory_space<hbm>>) target_semaphore(%run_scoped3A : memref<!tpu.dma_semaphore, #tpu.memory_space<semaphore_mem>>)
        %dma_wait3A = arith.constant 0 : i32
        %dma_wait3A_50 = arith.constant 0 : i32
        %dma_wait3A_51 = tpu.memref_slice %arg7[%dma_wait3A, %dma_wait3A_50] : memref<312x128xf32, #tpu.memory_space<vmem>> -> memref<16x128xf32, #tpu.memory_space<vmem>>
        %dma_wait3A_52 = arith.constant 9984 : i32
        %dma_wait3A_53 = arith.constant 0 : i32
        %dma_wait3A_54 = tpu.memref_slice %arg5[%arg0, %dma_wait3A_52, %dma_wait3A_53] : memref<2x10000x128xf32, #tpu.memory_space<hbm>> -> memref<1x16x128xf32, #tpu.memory_space<hbm>>
        %dma_wait3A_55 = tpu.memref_squeeze %dma_wait3A_54 : memref<1x16x128xf32, #tpu.memory_space<hbm>> -> memref<16x128xf32, #tpu.memory_space<hbm>>
        %dma_wait3A_56 = arith.constant 9984 : i32
        %dma_wait3A_57 = arith.constant 0 : i32
        %dma_wait3A_58 = tpu.memref_slice %arg5[%arg0, %dma_wait3A_56, %dma_wait3A_57] : memref<2x10000x128xf32, #tpu.memory_space<hbm>> -> memref<1x16x128xf32, #tpu.memory_space<hbm>>
        %dma_wait3A_59 = tpu.memref_squeeze %dma_wait3A_58 : memref<1x16x128xf32, #tpu.memory_space<hbm>> -> memref<16x128xf32, #tpu.memory_space<hbm>>
        %dma_wait3A_60 = arith.constant 0 : i32
        %dma_wait3A_61 = arith.constant 0 : i32
        %dma_wait3A_62 = tpu.memref_slice %arg7[%dma_wait3A_60, %dma_wait3A_61] : memref<312x128xf32, #tpu.memory_space<vmem>> -> memref<16x128xf32, #tpu.memory_space<vmem>>
        tpu.wait_dma2 semaphore(%run_scoped3A : memref<!tpu.dma_semaphore, #tpu.memory_space<semaphore_mem>>) src(%dma_wait3A_62 : memref<16x128xf32, #tpu.memory_space<vmem>>) dst(%dma_wait3A_59 : memref<16x128xf32, #tpu.memory_space<hbm>>)
        tpu.yield
      }) : () -> ()
    } else {
    }
    return
  }
}

#map = affine_map<(d0, d1) -> (0, 0)>
#map1 = affine_map<(d0, d1) -> (0)>
#map2 = affine_map<(d0, d1) -> (0, 0, 0)>
module attributes {stable_mosaic.version = 14 : i64} {
  func.func @_scatter_body(%arg0: i32, %arg1: i32, %arg2: memref<10000x128xf32, #tpu.memory_space<hbm>>, %arg3: memref<320000xi32, #tpu.memory_space<hbm>>, %arg4: memref<320000xi32, #tpu.memory_space<hbm>>, %arg5: memref<2x10000x128xf32, #tpu.memory_space<hbm>>, %arg6: memref<10000x128xf32, #tpu.memory_space<vmem_shared>>, %arg7: memref<312x128xf32, #tpu.memory_space<vmem>>, %arg8: memref<80x128xf32, #tpu.memory_space<vmem>>, %arg9: memref<80xi32, #tpu.memory_space<vmem>>, %arg10: memref<80xi32, #tpu.memory_space<vmem>>, %arg11: memref<!tpu.dma_semaphore, #tpu.memory_space<semaphore_mem>>) attributes {dimension_semantics = [#tpu.dimension_semantics<core_parallel>, #tpu.dimension_semantics<subcore_parallel>], iteration_bounds = array<i64: 2, 16>, scalar_prefetch = 0 : i64, scratch_operands = 6 : i64, tpu.core_type = #tpu.core_type<sc_vector_subcore>, window_params = [{transform_indices = #map}, {transform_indices = #map1}, {transform_indices = #map1}, {transform_indices = #map2}]} {
    %mul3A = arith.constant 2 : i32
    %mul3A_0 = arith.muli %arg1, %mul3A : i32
    %add3A = arith.addi %mul3A_0, %arg0 : i32
    %broadcast_in_dim3A = arith.constant 0.000000e+00 : f32
    %broadcast_in_dim3A_1 = vector.broadcast %broadcast_in_dim3A : f32 to vector<16xf32>
    %scan3A = arith.constant 0 : i32
    %scan3A_2 = arith.constant 0 : i32
    %scan3A_3 = arith.constant 312 : i32
    %scan3A_4 = arith.addi %scan3A_2, %scan3A_3 : i32
    %scan3A_5 = arith.constant 1 : i32
    scf.for %scan3A_37 = %scan3A_2 to %scan3A_4 step %scan3A_5  : i32 {
      %swap3A = arith.index_cast %scan3A_37 : i32 to index
      %swap3A_38 = arith.constant 0 : index
      %swap3A_39 = tpu.vector_load %arg7[%swap3A, %swap3A_38] {strides = array<i32>} : memref<312x128xf32, #tpu.memory_space<vmem>>, vector<1x16xf32>,
      %swap3A_40 = vector.shape_cast %swap3A_39 : vector<1x16xf32> to vector<16xf32>
      %swap3A_41 = vector.shape_cast %broadcast_in_dim3A_1 : vector<16xf32> to vector<1x16xf32>
      tpu.vector_store %arg7[%swap3A, %swap3A_38], %swap3A_41 {strides = array<i32>} : memref<312x128xf32, #tpu.memory_space<vmem>>, vector<1x16xf32>,
      %swap3A_42 = arith.index_cast %scan3A_37 : i32 to index
      %swap3A_43 = arith.constant 16 : index
      %swap3A_44 = tpu.vector_load %arg7[%swap3A_42, %swap3A_43] {strides = array<i32>} : memref<312x128xf32, #tpu.memory_space<vmem>>, vector<1x16xf32>,
      %swap3A_45 = vector.shape_cast %swap3A_44 : vector<1x16xf32> to vector<16xf32>
      %swap3A_46 = vector.shape_cast %broadcast_in_dim3A_1 : vector<16xf32> to vector<1x16xf32>
      tpu.vector_store %arg7[%swap3A_42, %swap3A_43], %swap3A_46 {strides = array<i32>} : memref<312x128xf32, #tpu.memory_space<vmem>>, vector<1x16xf32>,
      %swap3A_47 = arith.index_cast %scan3A_37 : i32 to index
      %swap3A_48 = arith.constant 32 : index
      %swap3A_49 = tpu.vector_load %arg7[%swap3A_47, %swap3A_48] {strides = array<i32>} : memref<312x128xf32, #tpu.memory_space<vmem>>, vector<1x16xf32>,
      %swap3A_50 = vector.shape_cast %swap3A_49 : vector<1x16xf32> to vector<16xf32>
      %swap3A_51 = vector.shape_cast %broadcast_in_dim3A_1 : vector<16xf32> to vector<1x16xf32>
      tpu.vector_store %arg7[%swap3A_47, %swap3A_48], %swap3A_51 {strides = array<i32>} : memref<312x128xf32, #tpu.memory_space<vmem>>, vector<1x16xf32>,
      %swap3A_52 = arith.index_cast %scan3A_37 : i32 to index
      %swap3A_53 = arith.constant 48 : index
      %swap3A_54 = tpu.vector_load %arg7[%swap3A_52, %swap3A_53] {strides = array<i32>} : memref<312x128xf32, #tpu.memory_space<vmem>>, vector<1x16xf32>,
      %swap3A_55 = vector.shape_cast %swap3A_54 : vector<1x16xf32> to vector<16xf32>
      %swap3A_56 = vector.shape_cast %broadcast_in_dim3A_1 : vector<16xf32> to vector<1x16xf32>
      tpu.vector_store %arg7[%swap3A_52, %swap3A_53], %swap3A_56 {strides = array<i32>} : memref<312x128xf32, #tpu.memory_space<vmem>>, vector<1x16xf32>,
      %swap3A_57 = arith.index_cast %scan3A_37 : i32 to index
      %swap3A_58 = arith.constant 64 : index
      %swap3A_59 = tpu.vector_load %arg7[%swap3A_57, %swap3A_58] {strides = array<i32>} : memref<312x128xf32, #tpu.memory_space<vmem>>, vector<1x16xf32>,
      %swap3A_60 = vector.shape_cast %swap3A_59 : vector<1x16xf32> to vector<16xf32>
      %swap3A_61 = vector.shape_cast %broadcast_in_dim3A_1 : vector<16xf32> to vector<1x16xf32>
      tpu.vector_store %arg7[%swap3A_57, %swap3A_58], %swap3A_61 {strides = array<i32>} : memref<312x128xf32, #tpu.memory_space<vmem>>, vector<1x16xf32>,
      %swap3A_62 = arith.index_cast %scan3A_37 : i32 to index
      %swap3A_63 = arith.constant 80 : index
      %swap3A_64 = tpu.vector_load %arg7[%swap3A_62, %swap3A_63] {strides = array<i32>} : memref<312x128xf32, #tpu.memory_space<vmem>>, vector<1x16xf32>,
      %swap3A_65 = vector.shape_cast %swap3A_64 : vector<1x16xf32> to vector<16xf32>
      %swap3A_66 = vector.shape_cast %broadcast_in_dim3A_1 : vector<16xf32> to vector<1x16xf32>
      tpu.vector_store %arg7[%swap3A_62, %swap3A_63], %swap3A_66 {strides = array<i32>} : memref<312x128xf32, #tpu.memory_space<vmem>>, vector<1x16xf32>,
      %swap3A_67 = arith.index_cast %scan3A_37 : i32 to index
      %swap3A_68 = arith.constant 96 : index
      %swap3A_69 = tpu.vector_load %arg7[%swap3A_67, %swap3A_68] {strides = array<i32>} : memref<312x128xf32, #tpu.memory_space<vmem>>, vector<1x16xf32>,
      %swap3A_70 = vector.shape_cast %swap3A_69 : vector<1x16xf32> to vector<16xf32>
      %swap3A_71 = vector.shape_cast %broadcast_in_dim3A_1 : vector<16xf32> to vector<1x16xf32>
      tpu.vector_store %arg7[%swap3A_67, %swap3A_68], %swap3A_71 {strides = array<i32>} : memref<312x128xf32, #tpu.memory_space<vmem>>, vector<1x16xf32>,
      %swap3A_72 = arith.index_cast %scan3A_37 : i32 to index
      %swap3A_73 = arith.constant 112 : index
      %swap3A_74 = tpu.vector_load %arg7[%swap3A_72, %swap3A_73] {strides = array<i32>} : memref<312x128xf32, #tpu.memory_space<vmem>>, vector<1x16xf32>,
      %swap3A_75 = vector.shape_cast %swap3A_74 : vector<1x16xf32> to vector<16xf32>
      %swap3A_76 = vector.shape_cast %broadcast_in_dim3A_1 : vector<16xf32> to vector<1x16xf32>
      tpu.vector_store %arg7[%swap3A_72, %swap3A_73], %swap3A_76 {strides = array<i32>} : memref<312x128xf32, #tpu.memory_space<vmem>>, vector<1x16xf32>,
    }
    %scan3A_6 = arith.constant 312 : i32
    %mul3A_7 = arith.constant 624 : i32
    %mul3A_8 = arith.muli %arg1, %mul3A_7 : i32
    %add3A_9 = arith.constant 0 : i32
    %add3A_10 = arith.addi %mul3A_8, %add3A_9 : i32
    "tpu.region"() ({
      %run_scoped3A = tpu.sem_alloc : memref<!tpu.dma_semaphore, #tpu.memory_space<semaphore_mem>>
      %dma_start3A = arith.constant 0 : i32
      %dma_start3A_37 = tpu.memref_slice %arg6[%add3A_10, %dma_start3A] : memref<10000x128xf32, #tpu.memory_space<vmem_shared>> -> memref<312x128xf32, #tpu.memory_space<vmem_shared>>
      %dma_start3A_38 = arith.constant 0 : i32
      %dma_start3A_39 = tpu.memref_slice %arg6[%add3A_10, %dma_start3A_38] : memref<10000x128xf32, #tpu.memory_space<vmem_shared>> -> memref<312x128xf32, #tpu.memory_space<vmem_shared>>
      tpu.enqueue_dma source(%arg7 : memref<312x128xf32, #tpu.memory_space<vmem>>) target(%dma_start3A_39 : memref<312x128xf32, #tpu.memory_space<vmem_shared>>) target_semaphore(%run_scoped3A : memref<!tpu.dma_semaphore, #tpu.memory_space<semaphore_mem>>)
      %dma_wait3A = arith.constant 0 : i32
      %dma_wait3A_40 = tpu.memref_slice %arg6[%add3A_10, %dma_wait3A] : memref<10000x128xf32, #tpu.memory_space<vmem_shared>> -> memref<312x128xf32, #tpu.memory_space<vmem_shared>>
      %dma_wait3A_41 = arith.constant 0 : i32
      %dma_wait3A_42 = tpu.memref_slice %arg6[%add3A_10, %dma_wait3A_41] : memref<10000x128xf32, #tpu.memory_space<vmem_shared>> -> memref<312x128xf32, #tpu.memory_space<vmem_shared>>
      tpu.wait_dma2 semaphore(%run_scoped3A : memref<!tpu.dma_semaphore, #tpu.memory_space<semaphore_mem>>) src(%arg7 : memref<312x128xf32, #tpu.memory_space<vmem>>) dst(%dma_wait3A_42 : memref<312x128xf32, #tpu.memory_space<vmem_shared>>)
      tpu.yield
    }) : () -> ()
    %mul3A_11 = arith.constant 624 : i32
    %mul3A_12 = arith.muli %arg1, %mul3A_11 : i32
    %add3A_13 = arith.constant 312 : i32
    %add3A_14 = arith.addi %mul3A_12, %add3A_13 : i32
    "tpu.region"() ({
      %run_scoped3A = tpu.sem_alloc : memref<!tpu.dma_semaphore, #tpu.memory_space<semaphore_mem>>
      %dma_start3A = arith.constant 0 : i32
      %dma_start3A_37 = tpu.memref_slice %arg6[%add3A_14, %dma_start3A] : memref<10000x128xf32, #tpu.memory_space<vmem_shared>> -> memref<312x128xf32, #tpu.memory_space<vmem_shared>>
      %dma_start3A_38 = arith.constant 0 : i32
      %dma_start3A_39 = tpu.memref_slice %arg6[%add3A_14, %dma_start3A_38] : memref<10000x128xf32, #tpu.memory_space<vmem_shared>> -> memref<312x128xf32, #tpu.memory_space<vmem_shared>>
      tpu.enqueue_dma source(%arg7 : memref<312x128xf32, #tpu.memory_space<vmem>>) target(%dma_start3A_39 : memref<312x128xf32, #tpu.memory_space<vmem_shared>>) target_semaphore(%run_scoped3A : memref<!tpu.dma_semaphore, #tpu.memory_space<semaphore_mem>>)
      %dma_wait3A = arith.constant 0 : i32
      %dma_wait3A_40 = tpu.memref_slice %arg6[%add3A_14, %dma_wait3A] : memref<10000x128xf32, #tpu.memory_space<vmem_shared>> -> memref<312x128xf32, #tpu.memory_space<vmem_shared>>
      %dma_wait3A_41 = arith.constant 0 : i32
      %dma_wait3A_42 = tpu.memref_slice %arg6[%add3A_14, %dma_wait3A_41] : memref<10000x128xf32, #tpu.memory_space<vmem_shared>> -> memref<312x128xf32, #tpu.memory_space<vmem_shared>>
      tpu.wait_dma2 semaphore(%run_scoped3A : memref<!tpu.dma_semaphore, #tpu.memory_space<semaphore_mem>>) src(%arg7 : memref<312x128xf32, #tpu.memory_space<vmem>>) dst(%dma_wait3A_42 : memref<312x128xf32, #tpu.memory_space<vmem_shared>>)
      tpu.yield
    }) : () -> ()
    %eq3A = arith.constant 15 : i32
    %eq3A_15 = arith.cmpi eq, %arg1, %eq3A : i32
    %convert_element_type3A = arith.extui %eq3A_15 : i1 to i32
    %cond3A = arith.constant 0 : i32
    %cond3A_16 = arith.cmpi ne, %convert_element_type3A, %cond3A : i32
    scf.if %cond3A_16 {
      "tpu.region"() ({
        %run_scoped3A = tpu.sem_alloc : memref<!tpu.dma_semaphore, #tpu.memory_space<semaphore_mem>>
        %dma_start3A = arith.constant 0 : i32
        %dma_start3A_37 = arith.constant 0 : i32
        %dma_start3A_38 = tpu.memref_slice %arg7[%dma_start3A, %dma_start3A_37] : memref<312x128xf32, #tpu.memory_space<vmem>> -> memref<16x128xf32, #tpu.memory_space<vmem>>
        %dma_start3A_39 = arith.constant 9984 : i32
        %dma_start3A_40 = arith.constant 0 : i32
        %dma_start3A_41 = tpu.memref_slice %arg6[%dma_start3A_39, %dma_start3A_40] : memref<10000x128xf32, #tpu.memory_space<vmem_shared>> -> memref<16x128xf32, #tpu.memory_space<vmem_shared>>
        %dma_start3A_42 = arith.constant 9984 : i32
        %dma_start3A_43 = arith.constant 0 : i32
        %dma_start3A_44 = tpu.memref_slice %arg6[%dma_start3A_42, %dma_start3A_43] : memref<10000x128xf32, #tpu.memory_space<vmem_shared>> -> memref<16x128xf32, #tpu.memory_space<vmem_shared>>
        %dma_start3A_45 = arith.constant 0 : i32
        %dma_start3A_46 = arith.constant 0 : i32
        %dma_start3A_47 = tpu.memref_slice %arg7[%dma_start3A_45, %dma_start3A_46] : memref<312x128xf32, #tpu.memory_space<vmem>> -> memref<16x128xf32, #tpu.memory_space<vmem>>
        tpu.enqueue_dma source(%dma_start3A_47 : memref<16x128xf32, #tpu.memory_space<vmem>>) target(%dma_start3A_44 : memref<16x128xf32, #tpu.memory_space<vmem_shared>>) target_semaphore(%run_scoped3A : memref<!tpu.dma_semaphore, #tpu.memory_space<semaphore_mem>>)
        %dma_wait3A = arith.constant 0 : i32
        %dma_wait3A_48 = arith.constant 0 : i32
        %dma_wait3A_49 = tpu.memref_slice %arg7[%dma_wait3A, %dma_wait3A_48] : memref<312x128xf32, #tpu.memory_space<vmem>> -> memref<16x128xf32, #tpu.memory_space<vmem>>
        %dma_wait3A_50 = arith.constant 9984 : i32
        %dma_wait3A_51 = arith.constant 0 : i32
        %dma_wait3A_52 = tpu.memref_slice %arg6[%dma_wait3A_50, %dma_wait3A_51] : memref<10000x128xf32, #tpu.memory_space<vmem_shared>> -> memref<16x128xf32, #tpu.memory_space<vmem_shared>>
        %dma_wait3A_53 = arith.constant 9984 : i32
        %dma_wait3A_54 = arith.constant 0 : i32
        %dma_wait3A_55 = tpu.memref_slice %arg6[%dma_wait3A_53, %dma_wait3A_54] : memref<10000x128xf32, #tpu.memory_space<vmem_shared>> -> memref<16x128xf32, #tpu.memory_space<vmem_shared>>
        %dma_wait3A_56 = arith.constant 0 : i32
        %dma_wait3A_57 = arith.constant 0 : i32
        %dma_wait3A_58 = tpu.memref_slice %arg7[%dma_wait3A_56, %dma_wait3A_57] : memref<312x128xf32, #tpu.memory_space<vmem>> -> memref<16x128xf32, #tpu.memory_space<vmem>>
        tpu.wait_dma2 semaphore(%run_scoped3A : memref<!tpu.dma_semaphore, #tpu.memory_space<semaphore_mem>>) src(%dma_wait3A_58 : memref<16x128xf32, #tpu.memory_space<vmem>>) dst(%dma_wait3A_55 : memref<16x128xf32, #tpu.memory_space<vmem_shared>>)
        tpu.yield
      }) : () -> ()
    } else {
    }
    %barrier3A = arith.constant 0 : index
    tpu.barrier barrier_id(%barrier3A)
    %scan3A_17 = arith.constant 0 : i32
    %scan3A_18 = arith.constant 0 : i32
    %scan3A_19 = arith.constant 125 : i32
    %scan3A_20 = arith.addi %scan3A_18, %scan3A_19 : i32
    %scan3A_21 = arith.constant 1 : i32
    scf.for %scan3A_37 = %scan3A_18 to %scan3A_20 step %scan3A_21  : i32 {
      %mul3A_38 = arith.constant 10000 : i32
      %mul3A_39 = arith.muli %add3A, %mul3A_38 : i32
      %mul3A_40 = arith.constant 80 : i32
      %mul3A_41 = arith.muli %scan3A_37, %mul3A_40 : i32
      %add3A_42 = arith.addi %mul3A_39, %mul3A_41 : i32
      "tpu.region"() ({
        %run_scoped3A = tpu.sem_alloc : memref<!tpu.dma_semaphore, #tpu.memory_space<semaphore_mem>>
        %dma_start3A_47 = tpu.memref_slice %arg3[%add3A_42] : memref<320000xi32, #tpu.memory_space<hbm>> -> memref<80xi32, #tpu.memory_space<hbm>>
        %dma_start3A_48 = tpu.memref_slice %arg3[%add3A_42] : memref<320000xi32, #tpu.memory_space<hbm>> -> memref<80xi32, #tpu.memory_space<hbm>>
        tpu.enqueue_dma source(%dma_start3A_48 : memref<80xi32, #tpu.memory_space<hbm>>) target(%arg9 : memref<80xi32, #tpu.memory_space<vmem>>) target_semaphore(%run_scoped3A : memref<!tpu.dma_semaphore, #tpu.memory_space<semaphore_mem>>)
        %dma_wait3A_49 = tpu.memref_slice %arg3[%add3A_42] : memref<320000xi32, #tpu.memory_space<hbm>> -> memref<80xi32, #tpu.memory_space<hbm>>
        %dma_wait3A_50 = tpu.memref_slice %arg3[%add3A_42] : memref<320000xi32, #tpu.memory_space<hbm>> -> memref<80xi32, #tpu.memory_space<hbm>>
        tpu.wait_dma2 semaphore(%run_scoped3A : memref<!tpu.dma_semaphore, #tpu.memory_space<semaphore_mem>>) src(%dma_wait3A_50 : memref<80xi32, #tpu.memory_space<hbm>>) dst(%arg9 : memref<80xi32, #tpu.memory_space<vmem>>)
        tpu.yield
      }) : () -> ()
      %dma_start3A = arith.constant 0 : i32
      %dma_start3A_43 = arith.constant 0 : i32
      %dma_start3A_44 = tpu.memref_slice %arg2[%dma_start3A, %dma_start3A_43] : memref<10000x128xf32, #tpu.memory_space<hbm>> -> memref<10000x128xf32, #tpu.memory_space<hbm>>
      tpu.enqueue_indirect_dma source(%dma_start3A_44 : memref<10000x128xf32, #tpu.memory_space<hbm>>) target(%arg8 : memref<80x128xf32, #tpu.memory_space<vmem>>) offsets(%arg9 : memref<80xi32, #tpu.memory_space<vmem>>) semaphore(%arg11 : memref<!tpu.dma_semaphore, #tpu.memory_space<semaphore_mem>>)
      %dma_wait3A = arith.constant 0 : i32
      %dma_wait3A_45 = arith.constant 0 : i32
      %dma_wait3A_46 = tpu.memref_slice %arg2[%dma_wait3A, %dma_wait3A_45] : memref<10000x128xf32, #tpu.memory_space<hbm>> -> memref<10000x128xf32, #tpu.memory_space<hbm>>
      tpu.wait_indirect_dma semaphore(%arg11 : memref<!tpu.dma_semaphore, #tpu.memory_space<semaphore_mem>>) src(%dma_wait3A_46 : memref<10000x128xf32, #tpu.memory_space<hbm>>) dst(%arg8 : memref<80x128xf32, #tpu.memory_space<vmem>>)
      "tpu.region"() ({
        %run_scoped3A = tpu.sem_alloc : memref<!tpu.dma_semaphore, #tpu.memory_space<semaphore_mem>>
        %dma_start3A_47 = tpu.memref_slice %arg4[%add3A_42] : memref<320000xi32, #tpu.memory_space<hbm>> -> memref<80xi32, #tpu.memory_space<hbm>>
        %dma_start3A_48 = tpu.memref_slice %arg4[%add3A_42] : memref<320000xi32, #tpu.memory_space<hbm>> -> memref<80xi32, #tpu.memory_space<hbm>>
        tpu.enqueue_dma source(%dma_start3A_48 : memref<80xi32, #tpu.memory_space<hbm>>) target(%arg10 : memref<80xi32, #tpu.memory_space<vmem>>) target_semaphore(%run_scoped3A : memref<!tpu.dma_semaphore, #tpu.memory_space<semaphore_mem>>)
        %dma_wait3A_49 = tpu.memref_slice %arg4[%add3A_42] : memref<320000xi32, #tpu.memory_space<hbm>> -> memref<80xi32, #tpu.memory_space<hbm>>
        %dma_wait3A_50 = tpu.memref_slice %arg4[%add3A_42] : memref<320000xi32, #tpu.memory_space<hbm>> -> memref<80xi32, #tpu.memory_space<hbm>>
        tpu.wait_dma2 semaphore(%run_scoped3A : memref<!tpu.dma_semaphore, #tpu.memory_space<semaphore_mem>>) src(%dma_wait3A_50 : memref<80xi32, #tpu.memory_space<hbm>>) dst(%arg10 : memref<80xi32, #tpu.memory_space<vmem>>)
        tpu.yield
      }) : () -> ()
      "tpu.region"() ({
        %run_scoped3A = tpu.sem_alloc : memref<!tpu.dma_semaphore, #tpu.memory_space<semaphore_mem>>
        %dma_start3A_47 = arith.constant 0 : i32
        %dma_start3A_48 = arith.constant 0 : i32
        %dma_start3A_49 = tpu.memref_slice %arg6[%dma_start3A_47, %dma_start3A_48] : memref<10000x128xf32, #tpu.memory_space<vmem_shared>> -> memref<10000x128xf32, #tpu.memory_space<vmem_shared>>
        tpu.enqueue_indirect_dma source(%arg8 : memref<80x128xf32, #tpu.memory_space<vmem>>) target(%dma_start3A_49 : memref<10000x128xf32, #tpu.memory_space<vmem_shared>>) offsets(%arg10 : memref<80xi32, #tpu.memory_space<vmem>>) semaphore(%run_scoped3A : memref<!tpu.dma_semaphore, #tpu.memory_space<semaphore_mem>>) {add = true}
        %dma_wait3A_50 = arith.constant 0 : i32
        %dma_wait3A_51 = arith.constant 0 : i32
        %dma_wait3A_52 = tpu.memref_slice %arg6[%dma_wait3A_50, %dma_wait3A_51] : memref<10000x128xf32, #tpu.memory_space<vmem_shared>> -> memref<10000x128xf32, #tpu.memory_space<vmem_shared>>
        tpu.wait_indirect_dma semaphore(%run_scoped3A : memref<!tpu.dma_semaphore, #tpu.memory_space<semaphore_mem>>) src(%arg8 : memref<80x128xf32, #tpu.memory_space<vmem>>) dst(%dma_wait3A_52 : memref<10000x128xf32, #tpu.memory_space<vmem_shared>>)
        tpu.yield
      }) : () -> ()
    }
    %scan3A_22 = arith.constant 125 : i32
    %barrier3A_23 = arith.constant 0 : index
    tpu.barrier barrier_id(%barrier3A_23)
    %mul3A_24 = arith.constant 624 : i32
    %mul3A_25 = arith.muli %arg1, %mul3A_24 : i32
    %add3A_26 = arith.constant 0 : i32
    %add3A_27 = arith.addi %mul3A_25, %add3A_26 : i32
    "tpu.region"() ({
      %run_scoped3A = tpu.sem_alloc : memref<!tpu.dma_semaphore, #tpu.memory_space<semaphore_mem>>
      %dma_start3A = arith.constant 0 : i32
      %dma_start3A_37 = tpu.memref_slice %arg6[%add3A_27, %dma_start3A] : memref<10000x128xf32, #tpu.memory_space<vmem_shared>> -> memref<312x128xf32, #tpu.memory_space<vmem_shared>>
      %dma_start3A_38 = arith.constant 0 : i32
      %dma_start3A_39 = tpu.memref_slice %arg6[%add3A_27, %dma_start3A_38] : memref<10000x128xf32, #tpu.memory_space<vmem_shared>> -> memref<312x128xf32, #tpu.memory_space<vmem_shared>>
      tpu.enqueue_dma source(%dma_start3A_39 : memref<312x128xf32, #tpu.memory_space<vmem_shared>>) target(%arg7 : memref<312x128xf32, #tpu.memory_space<vmem>>) target_semaphore(%run_scoped3A : memref<!tpu.dma_semaphore, #tpu.memory_space<semaphore_mem>>)
      %dma_wait3A = arith.constant 0 : i32
      %dma_wait3A_40 = tpu.memref_slice %arg6[%add3A_27, %dma_wait3A] : memref<10000x128xf32, #tpu.memory_space<vmem_shared>> -> memref<312x128xf32, #tpu.memory_space<vmem_shared>>
      %dma_wait3A_41 = arith.constant 0 : i32
      %dma_wait3A_42 = tpu.memref_slice %arg6[%add3A_27, %dma_wait3A_41] : memref<10000x128xf32, #tpu.memory_space<vmem_shared>> -> memref<312x128xf32, #tpu.memory_space<vmem_shared>>
      tpu.wait_dma2 semaphore(%run_scoped3A : memref<!tpu.dma_semaphore, #tpu.memory_space<semaphore_mem>>) src(%dma_wait3A_42 : memref<312x128xf32, #tpu.memory_space<vmem_shared>>) dst(%arg7 : memref<312x128xf32, #tpu.memory_space<vmem>>)
      tpu.yield
    }) : () -> ()
    "tpu.region"() ({
      %run_scoped3A = tpu.sem_alloc : memref<!tpu.dma_semaphore, #tpu.memory_space<semaphore_mem>>
      %dma_start3A = arith.constant 0 : i32
      %dma_start3A_37 = tpu.memref_slice %arg5[%arg0, %add3A_27, %dma_start3A] : memref<2x10000x128xf32, #tpu.memory_space<hbm>> -> memref<1x312x128xf32, #tpu.memory_space<hbm>>
      %dma_start3A_38 = tpu.memref_squeeze %dma_start3A_37 : memref<1x312x128xf32, #tpu.memory_space<hbm>> -> memref<312x128xf32, #tpu.memory_space<hbm>>
      %dma_start3A_39 = arith.constant 0 : i32
      %dma_start3A_40 = tpu.memref_slice %arg5[%arg0, %add3A_27, %dma_start3A_39] : memref<2x10000x128xf32, #tpu.memory_space<hbm>> -> memref<1x312x128xf32, #tpu.memory_space<hbm>>
      %dma_start3A_41 = tpu.memref_squeeze %dma_start3A_40 : memref<1x312x128xf32, #tpu.memory_space<hbm>> -> memref<312x128xf32, #tpu.memory_space<hbm>>
      tpu.enqueue_dma source(%arg7 : memref<312x128xf32, #tpu.memory_space<vmem>>) target(%dma_start3A_41 : memref<312x128xf32, #tpu.memory_space<hbm>>) target_semaphore(%run_scoped3A : memref<!tpu.dma_semaphore, #tpu.memory_space<semaphore_mem>>)
      %dma_wait3A = arith.constant 0 : i32
      %dma_wait3A_42 = tpu.memref_slice %arg5[%arg0, %add3A_27, %dma_wait3A] : memref<2x10000x128xf32, #tpu.memory_space<hbm>> -> memref<1x312x128xf32, #tpu.memory_space<hbm>>
      %dma_wait3A_43 = tpu.memref_squeeze %dma_wait3A_42 : memref<1x312x128xf32, #tpu.memory_space<hbm>> -> memref<312x128xf32, #tpu.memory_space<hbm>>
      %dma_wait3A_44 = arith.constant 0 : i32
      %dma_wait3A_45 = tpu.memref_slice %arg5[%arg0, %add3A_27, %dma_wait3A_44] : memref<2x10000x128xf32, #tpu.memory_space<hbm>> -> memref<1x312x128xf32, #tpu.memory_space<hbm>>
      %dma_wait3A_46 = tpu.memref_squeeze %dma_wait3A_45 : memref<1x312x128xf32, #tpu.memory_space<hbm>> -> memref<312x128xf32, #tpu.memory_space<hbm>>
      tpu.wait_dma2 semaphore(%run_scoped3A : memref<!tpu.dma_semaphore, #tpu.memory_space<semaphore_mem>>) src(%arg7 : memref<312x128xf32, #tpu.memory_space<vmem>>) dst(%dma_wait3A_46 : memref<312x128xf32, #tpu.memory_space<hbm>>)
      tpu.yield
    }) : () -> ()
    %mul3A_28 = arith.constant 624 : i32
    %mul3A_29 = arith.muli %arg1, %mul3A_28 : i32
    %add3A_30 = arith.constant 312 : i32
    %add3A_31 = arith.addi %mul3A_29, %add3A_30 : i32
    "tpu.region"() ({
      %run_scoped3A = tpu.sem_alloc : memref<!tpu.dma_semaphore, #tpu.memory_space<semaphore_mem>>
      %dma_start3A = arith.constant 0 : i32
      %dma_start3A_37 = tpu.memref_slice %arg6[%add3A_31, %dma_start3A] : memref<10000x128xf32, #tpu.memory_space<vmem_shared>> -> memref<312x128xf32, #tpu.memory_space<vmem_shared>>
      %dma_start3A_38 = arith.constant 0 : i32
      %dma_start3A_39 = tpu.memref_slice %arg6[%add3A_31, %dma_start3A_38] : memref<10000x128xf32, #tpu.memory_space<vmem_shared>> -> memref<312x128xf32, #tpu.memory_space<vmem_shared>>
      tpu.enqueue_dma source(%dma_start3A_39 : memref<312x128xf32, #tpu.memory_space<vmem_shared>>) target(%arg7 : memref<312x128xf32, #tpu.memory_space<vmem>>) target_semaphore(%run_scoped3A : memref<!tpu.dma_semaphore, #tpu.memory_space<semaphore_mem>>)
      %dma_wait3A = arith.constant 0 : i32
      %dma_wait3A_40 = tpu.memref_slice %arg6[%add3A_31, %dma_wait3A] : memref<10000x128xf32, #tpu.memory_space<vmem_shared>> -> memref<312x128xf32, #tpu.memory_space<vmem_shared>>
      %dma_wait3A_41 = arith.constant 0 : i32
      %dma_wait3A_42 = tpu.memref_slice %arg6[%add3A_31, %dma_wait3A_41] : memref<10000x128xf32, #tpu.memory_space<vmem_shared>> -> memref<312x128xf32, #tpu.memory_space<vmem_shared>>
      tpu.wait_dma2 semaphore(%run_scoped3A : memref<!tpu.dma_semaphore, #tpu.memory_space<semaphore_mem>>) src(%dma_wait3A_42 : memref<312x128xf32, #tpu.memory_space<vmem_shared>>) dst(%arg7 : memref<312x128xf32, #tpu.memory_space<vmem>>)
      tpu.yield
    }) : () -> ()
    "tpu.region"() ({
      %run_scoped3A = tpu.sem_alloc : memref<!tpu.dma_semaphore, #tpu.memory_space<semaphore_mem>>
      %dma_start3A = arith.constant 0 : i32
      %dma_start3A_37 = tpu.memref_slice %arg5[%arg0, %add3A_31, %dma_start3A] : memref<2x10000x128xf32, #tpu.memory_space<hbm>> -> memref<1x312x128xf32, #tpu.memory_space<hbm>>
      %dma_start3A_38 = tpu.memref_squeeze %dma_start3A_37 : memref<1x312x128xf32, #tpu.memory_space<hbm>> -> memref<312x128xf32, #tpu.memory_space<hbm>>
      %dma_start3A_39 = arith.constant 0 : i32
      %dma_start3A_40 = tpu.memref_slice %arg5[%arg0, %add3A_31, %dma_start3A_39] : memref<2x10000x128xf32, #tpu.memory_space<hbm>> -> memref<1x312x128xf32, #tpu.memory_space<hbm>>
      %dma_start3A_41 = tpu.memref_squeeze %dma_start3A_40 : memref<1x312x128xf32, #tpu.memory_space<hbm>> -> memref<312x128xf32, #tpu.memory_space<hbm>>
      tpu.enqueue_dma source(%arg7 : memref<312x128xf32, #tpu.memory_space<vmem>>) target(%dma_start3A_41 : memref<312x128xf32, #tpu.memory_space<hbm>>) target_semaphore(%run_scoped3A : memref<!tpu.dma_semaphore, #tpu.memory_space<semaphore_mem>>)
      %dma_wait3A = arith.constant 0 : i32
      %dma_wait3A_42 = tpu.memref_slice %arg5[%arg0, %add3A_31, %dma_wait3A] : memref<2x10000x128xf32, #tpu.memory_space<hbm>> -> memref<1x312x128xf32, #tpu.memory_space<hbm>>
      %dma_wait3A_43 = tpu.memref_squeeze %dma_wait3A_42 : memref<1x312x128xf32, #tpu.memory_space<hbm>> -> memref<312x128xf32, #tpu.memory_space<hbm>>
      %dma_wait3A_44 = arith.constant 0 : i32
      %dma_wait3A_45 = tpu.memref_slice %arg5[%arg0, %add3A_31, %dma_wait3A_44] : memref<2x10000x128xf32, #tpu.memory_space<hbm>> -> memref<1x312x128xf32, #tpu.memory_space<hbm>>
      %dma_wait3A_46 = tpu.memref_squeeze %dma_wait3A_45 : memref<1x312x128xf32, #tpu.memory_space<hbm>> -> memref<312x128xf32, #tpu.memory_space<hbm>>
      tpu.wait_dma2 semaphore(%run_scoped3A : memref<!tpu.dma_semaphore, #tpu.memory_space<semaphore_mem>>) src(%arg7 : memref<312x128xf32, #tpu.memory_space<vmem>>) dst(%dma_wait3A_46 : memref<312x128xf32, #tpu.memory_space<hbm>>)
      tpu.yield
    }) : () -> ()
    %eq3A_32 = arith.constant 15 : i32
    %eq3A_33 = arith.cmpi eq, %arg1, %eq3A_32 : i32
    %convert_element_type3A_34 = arith.extui %eq3A_33 : i1 to i32
    %cond3A_35 = arith.constant 0 : i32
    %cond3A_36 = arith.cmpi ne, %convert_element_type3A_34, %cond3A_35 : i32
    scf.if %cond3A_36 {
      "tpu.region"() ({
        %run_scoped3A = tpu.sem_alloc : memref<!tpu.dma_semaphore, #tpu.memory_space<semaphore_mem>>
        %dma_start3A = arith.constant 0 : i32
        %dma_start3A_37 = arith.constant 0 : i32
        %dma_start3A_38 = tpu.memref_slice %arg7[%dma_start3A, %dma_start3A_37] : memref<312x128xf32, #tpu.memory_space<vmem>> -> memref<16x128xf32, #tpu.memory_space<vmem>>
        %dma_start3A_39 = arith.constant 9984 : i32
        %dma_start3A_40 = arith.constant 0 : i32
        %dma_start3A_41 = tpu.memref_slice %arg6[%dma_start3A_39, %dma_start3A_40] : memref<10000x128xf32, #tpu.memory_space<vmem_shared>> -> memref<16x128xf32, #tpu.memory_space<vmem_shared>>
        %dma_start3A_42 = arith.constant 0 : i32
        %dma_start3A_43 = arith.constant 0 : i32
        %dma_start3A_44 = tpu.memref_slice %arg7[%dma_start3A_42, %dma_start3A_43] : memref<312x128xf32, #tpu.memory_space<vmem>> -> memref<16x128xf32, #tpu.memory_space<vmem>>
        %dma_start3A_45 = arith.constant 9984 : i32
        %dma_start3A_46 = arith.constant 0 : i32
        %dma_start3A_47 = tpu.memref_slice %arg6[%dma_start3A_45, %dma_start3A_46] : memref<10000x128xf32, #tpu.memory_space<vmem_shared>> -> memref<16x128xf32, #tpu.memory_space<vmem_shared>>
        tpu.enqueue_dma source(%dma_start3A_47 : memref<16x128xf32, #tpu.memory_space<vmem_shared>>) target(%dma_start3A_44 : memref<16x128xf32, #tpu.memory_space<vmem>>) target_semaphore(%run_scoped3A : memref<!tpu.dma_semaphore, #tpu.memory_space<semaphore_mem>>)
        %dma_wait3A = arith.constant 0 : i32
        %dma_wait3A_48 = arith.constant 0 : i32
        %dma_wait3A_49 = tpu.memref_slice %arg7[%dma_wait3A, %dma_wait3A_48] : memref<312x128xf32, #tpu.memory_space<vmem>> -> memref<16x128xf32, #tpu.memory_space<vmem>>
        %dma_wait3A_50 = arith.constant 9984 : i32
        %dma_wait3A_51 = arith.constant 0 : i32
        %dma_wait3A_52 = tpu.memref_slice %arg6[%dma_wait3A_50, %dma_wait3A_51] : memref<10000x128xf32, #tpu.memory_space<vmem_shared>> -> memref<16x128xf32, #tpu.memory_space<vmem_shared>>
        %dma_wait3A_53 = arith.constant 0 : i32
        %dma_wait3A_54 = arith.constant 0 : i32
        %dma_wait3A_55 = tpu.memref_slice %arg7[%dma_wait3A_53, %dma_wait3A_54] : memref<312x128xf32, #tpu.memory_space<vmem>> -> memref<16x128xf32, #tpu.memory_space<vmem>>
        %dma_wait3A_56 = arith.constant 9984 : i32
        %dma_wait3A_57 = arith.constant 0 : i32
        %dma_wait3A_58 = tpu.memref_slice %arg6[%dma_wait3A_56, %dma_wait3A_57] : memref<10000x128xf32, #tpu.memory_space<vmem_shared>> -> memref<16x128xf32, #tpu.memory_space<vmem_shared>>
        tpu.wait_dma2 semaphore(%run_scoped3A : memref<!tpu.dma_semaphore, #tpu.memory_space<semaphore_mem>>) src(%dma_wait3A_58 : memref<16x128xf32, #tpu.memory_space<vmem_shared>>) dst(%dma_wait3A_55 : memref<16x128xf32, #tpu.memory_space<vmem>>)
        tpu.yield
      }) : () -> ()
      "tpu.region"() ({
        %run_scoped3A = tpu.sem_alloc : memref<!tpu.dma_semaphore, #tpu.memory_space<semaphore_mem>>
        %dma_start3A = arith.constant 0 : i32
        %dma_start3A_37 = arith.constant 0 : i32
        %dma_start3A_38 = tpu.memref_slice %arg7[%dma_start3A, %dma_start3A_37] : memref<312x128xf32, #tpu.memory_space<vmem>> -> memref<16x128xf32, #tpu.memory_space<vmem>>
        %dma_start3A_39 = arith.constant 9984 : i32
        %dma_start3A_40 = arith.constant 0 : i32
        %dma_start3A_41 = tpu.memref_slice %arg5[%arg0, %dma_start3A_39, %dma_start3A_40] : memref<2x10000x128xf32, #tpu.memory_space<hbm>> -> memref<1x16x128xf32, #tpu.memory_space<hbm>>
        %dma_start3A_42 = tpu.memref_squeeze %dma_start3A_41 : memref<1x16x128xf32, #tpu.memory_space<hbm>> -> memref<16x128xf32, #tpu.memory_space<hbm>>
        %dma_start3A_43 = arith.constant 9984 : i32
        %dma_start3A_44 = arith.constant 0 : i32
        %dma_start3A_45 = tpu.memref_slice %arg5[%arg0, %dma_start3A_43, %dma_start3A_44] : memref<2x10000x128xf32, #tpu.memory_space<hbm>> -> memref<1x16x128xf32, #tpu.memory_space<hbm>>
        %dma_start3A_46 = tpu.memref_squeeze %dma_start3A_45 : memref<1x16x128xf32, #tpu.memory_space<hbm>> -> memref<16x128xf32, #tpu.memory_space<hbm>>
        %dma_start3A_47 = arith.constant 0 : i32
        %dma_start3A_48 = arith.constant 0 : i32
        %dma_start3A_49 = tpu.memref_slice %arg7[%dma_start3A_47, %dma_start3A_48] : memref<312x128xf32, #tpu.memory_space<vmem>> -> memref<16x128xf32, #tpu.memory_space<vmem>>
        tpu.enqueue_dma source(%dma_start3A_49 : memref<16x128xf32, #tpu.memory_space<vmem>>) target(%dma_start3A_46 : memref<16x128xf32, #tpu.memory_space<hbm>>) target_semaphore(%run_scoped3A : memref<!tpu.dma_semaphore, #tpu.memory_space<semaphore_mem>>)
        %dma_wait3A = arith.constant 0 : i32
        %dma_wait3A_50 = arith.constant 0 : i32
        %dma_wait3A_51 = tpu.memref_slice %arg7[%dma_wait3A, %dma_wait3A_50] : memref<312x128xf32, #tpu.memory_space<vmem>> -> memref<16x128xf32, #tpu.memory_space<vmem>>
        %dma_wait3A_52 = arith.constant 9984 : i32
        %dma_wait3A_53 = arith.constant 0 : i32
        %dma_wait3A_54 = tpu.memref_slice %arg5[%arg0, %dma_wait3A_52, %dma_wait3A_53] : memref<2x10000x128xf32, #tpu.memory_space<hbm>> -> memref<1x16x128xf32, #tpu.memory_space<hbm>>
        %dma_wait3A_55 = tpu.memref_squeeze %dma_wait3A_54 : memref<1x16x128xf32, #tpu.memory_space<hbm>> -> memref<16x128xf32, #tpu.memory_space<hbm>>
        %dma_wait3A_56 = arith.constant 9984 : i32
        %dma_wait3A_57 = arith.constant 0 : i32
        %dma_wait3A_58 = tpu.memref_slice %arg5[%arg0, %dma_wait3A_56, %dma_wait3A_57] : memref<2x10000x128xf32, #tpu.memory_space<hbm>> -> memref<1x16x128xf32, #tpu.memory_space<hbm>>
        %dma_wait3A_59 = tpu.memref_squeeze %dma_wait3A_58 : memref<1x16x128xf32, #tpu.memory_space<hbm>> -> memref<16x128xf32, #tpu.memory_space<hbm>>
        %dma_wait3A_60 = arith.constant 0 : i32
        %dma_wait3A_61 = arith.constant 0 : i32
        %dma_wait3A_62 = tpu.memref_slice %arg7[%dma_wait3A_60, %dma_wait3A_61] : memref<312x128xf32, #tpu.memory_space<vmem>> -> memref<16x128xf32, #tpu.memory_space<vmem>>
        tpu.wait_dma2 semaphore(%run_scoped3A : memref<!tpu.dma_semaphore, #tpu.memory_space<semaphore_mem>>) src(%dma_wait3A_62 : memref<16x128xf32, #tpu.memory_space<vmem>>) dst(%dma_wait3A_59 : memref<16x128xf32, #tpu.memory_space<hbm>>)
        tpu.yield
      }) : () -> ()
    } else {
    }
    return
  }
}

module attributes {stable_mosaic.version = 14 : i64} {
  func.func @_inv_body(%arg0: memref<2x10000x16xf32, #tpu.memory_space<vmem>>, %arg1: memref<2x10000x16xf32, #tpu.memory_space<vmem>>, %arg2: memref<10000x128xf32, #tpu.memory_space<vmem>>, %arg3: memref<10000x128xf32, #tpu.memory_space<vmem>>) attributes {dimension_semantics = [], scalar_prefetch = 0 : i64, scratch_operands = 0 : i64, tpu.core_type = #tpu.core_type<tc>} {
    %get3A = arith.constant 0 : index
    %get3A_0 = arith.constant 0 : index
    %get3A_1 = arith.constant 0 : index
    %get3A_2 = vector.load %arg0[%get3A, %get3A_0, %get3A_1] : memref<2x10000x16xf32, #tpu.memory_space<vmem>>, vector<2x10000x16xf32>
    %reduce_sum3A = arith.constant dense<0.000000e+00> : vector<10000xf32>
    %reduce_sum3A_3 = vector.multi_reduction <add>, %get3A_2, %reduce_sum3A [0, 2] : vector<2x10000x16xf32> to vector<10000xf32>
    %get3A_4 = arith.constant 0 : index
    %get3A_5 = arith.constant 0 : index
    %get3A_6 = arith.constant 0 : index
    %get3A_7 = vector.load %arg1[%get3A_4, %get3A_5, %get3A_6] : memref<2x10000x16xf32, #tpu.memory_space<vmem>>, vector<2x10000x16xf32>
    %reduce_sum3A_8 = arith.constant dense<0.000000e+00> : vector<10000xf32>
    %reduce_sum3A_9 = vector.multi_reduction <add>, %get3A_7, %reduce_sum3A_8 [0, 2] : vector<2x10000x16xf32> to vector<10000xf32>
    %jit3A = arith.constant 1.000000e+00 : f32
    %max3A = vector.broadcast %jit3A : f32 to vector<10000xf32>
    %max3A_10 = arith.maximumf %max3A, %reduce_sum3A_3 : vector<10000xf32>
    %div3A = arith.constant 1.000000e+00 : f32
    %div3A_11 = vector.broadcast %div3A : f32 to vector<10000xf32>
    %div3A_12 = arith.divf %div3A_11, %max3A_10 : vector<10000xf32>
    %broadcast_in_dim3A = vector.shape_cast %div3A_12 : vector<10000xf32> to vector<10000x1xf32>
    %broadcast_in_dim3A_13 = vector.shape_cast %broadcast_in_dim3A : vector<10000x1xf32> to vector<10000x1xf32>
    %broadcast_in_dim3A_14 = vector.broadcast %broadcast_in_dim3A_13 : vector<10000x1xf32> to vector<10000x128xf32>
    %swap3A = arith.constant 0 : index
    %swap3A_15 = arith.constant 0 : index
    %swap3A_16 = vector.load %arg2[%swap3A, %swap3A_15] : memref<10000x128xf32, #tpu.memory_space<vmem>>, vector<10000x128xf32>
    tpu.vector_store %arg2[%swap3A, %swap3A_15], %broadcast_in_dim3A_14 {strides = array<i32>} : memref<10000x128xf32, #tpu.memory_space<vmem>>, vector<10000x128xf32>,
    %jit3A_17 = arith.constant 1.000000e+00 : f32
    %max3A_18 = vector.broadcast %jit3A_17 : f32 to vector<10000xf32>
    %max3A_19 = arith.maximumf %max3A_18, %reduce_sum3A_9 : vector<10000xf32>
    %div3A_20 = arith.constant 1.000000e+00 : f32
    %div3A_21 = vector.broadcast %div3A_20 : f32 to vector<10000xf32>
    %div3A_22 = arith.divf %div3A_21, %max3A_19 : vector<10000xf32>
    %broadcast_in_dim3A_23 = vector.shape_cast %div3A_22 : vector<10000xf32> to vector<10000x1xf32>
    %broadcast_in_dim3A_24 = vector.shape_cast %broadcast_in_dim3A_23 : vector<10000x1xf32> to vector<10000x1xf32>
    %broadcast_in_dim3A_25 = vector.broadcast %broadcast_in_dim3A_24 : vector<10000x1xf32> to vector<10000x128xf32>
    %swap3A_26 = arith.constant 0 : index
    %swap3A_27 = arith.constant 0 : index
    %swap3A_28 = vector.load %arg3[%swap3A_26, %swap3A_27] : memref<10000x128xf32, #tpu.memory_space<vmem>>, vector<10000x128xf32>
    tpu.vector_store %arg3[%swap3A_26, %swap3A_27], %broadcast_in_dim3A_25 {strides = array<i32>} : memref<10000x128xf32, #tpu.memory_space<vmem>>, vector<10000x128xf32>,
    return
  }
}

module attributes {stable_mosaic.version = 14 : i64} {
  func.func @_dense_body(%arg0: i32, %arg1: memref<1000x128xf32, #tpu.memory_space<vmem>>, %arg2: memref<1000x128xf32, #tpu.memory_space<vmem>>, %arg3: memref<128x128xf32, #tpu.memory_space<vmem>>, %arg4: memref<128x128xf32, #tpu.memory_space<vmem>>, %arg5: memref<1x128xf32, #tpu.memory_space<vmem>>, %arg6: memref<128x128xf32, #tpu.memory_space<vmem>>, %arg7: memref<128x128xf32, #tpu.memory_space<vmem>>, %arg8: memref<1x128xf32, #tpu.memory_space<vmem>>, %arg9: memref<1000x128xf32, #tpu.memory_space<vmem>>, %arg10: memref<1000x128xf32, #tpu.memory_space<vmem>>, %arg11: memref<1000x128xf32, #tpu.memory_space<vmem>>, %arg12: memref<1000x128xf32, #tpu.memory_space<vmem>>) attributes {dimension_semantics = [#tpu.dimension_semantics<arbitrary>], iteration_bounds = array<i64: 10>, scalar_prefetch = 0 : i64, scratch_operands = 0 : i64, tpu.core_type = #tpu.core_type<tc>, window_params = [{transform_indices = @transform_0, window_bounds = array<i64: 1000, 128>}, {transform_indices = @transform_1, window_bounds = array<i64: 1000, 128>}, {pipeline_mode = #tpu.pipeline_mode<synchronous>, transform_indices = @transform_2, window_bounds = array<i64: 128, 128>}, {pipeline_mode = #tpu.pipeline_mode<synchronous>, transform_indices = @transform_3, window_bounds = array<i64: 128, 128>}, {pipeline_mode = #tpu.pipeline_mode<synchronous>, transform_indices = @transform_4, window_bounds = array<i64: 1, 128>}, {pipeline_mode = #tpu.pipeline_mode<synchronous>, transform_indices = @transform_5, window_bounds = array<i64: 128, 128>}, {pipeline_mode = #tpu.pipeline_mode<synchronous>, transform_indices = @transform_6, window_bounds = array<i64: 128, 128>}, {pipeline_mode = #tpu.pipeline_mode<synchronous>, transform_indices = @transform_7, window_bounds = array<i64: 1, 128>}, {transform_indices = @transform_8, window_bounds = array<i64: 1000, 128>}, {transform_indices = @transform_9, window_bounds = array<i64: 1000, 128>}, {transform_indices = @transform_10, window_bounds = array<i64: 1000, 128>}, {transform_indices = @transform_11, window_bounds = array<i64: 1000, 128>}]} {
    %get3A = arith.constant 0 : index
    %get3A_0 = arith.constant 0 : index
    %get3A_1 = vector.load %arg1[%get3A, %get3A_0] : memref<1000x128xf32, #tpu.memory_space<vmem>>, vector<1000x128xf32>
    %get3A_2 = arith.constant 0 : index
    %get3A_3 = arith.constant 0 : index
    %get3A_4 = vector.load %arg2[%get3A_2, %get3A_3] : memref<1000x128xf32, #tpu.memory_space<vmem>>, vector<1000x128xf32>
    %get3A_5 = arith.constant 0 : index
    %get3A_6 = arith.constant 0 : index
    %get3A_7 = vector.load %arg3[%get3A_5, %get3A_6] : memref<128x128xf32, #tpu.memory_space<vmem>>, vector<128x128xf32>
    %dot_general3A = arith.constant dense<0.000000e+00> : vector<1000x128xf32>
    %dot_general3A_8 = tpu.matmul %get3A_1, %get3A_7, %dot_general3A {dimension_numbers = #tpu.dot_dimension_numbers<[1], [0], [0], [1], [0, 0, 1, 1], [], []>, precision = #tpu.contract_precision<fp32>, transpose_lhs_hint = false} : vector<1000x128xf32>, vector<128x128xf32>, vector<1000x128xf32> -> vector<1000x128xf32>
    %swap3A = arith.constant 0 : index
    %swap3A_9 = arith.constant 0 : index
    %swap3A_10 = vector.load %arg9[%swap3A, %swap3A_9] : memref<1000x128xf32, #tpu.memory_space<vmem>>, vector<1000x128xf32>
    tpu.vector_store %arg9[%swap3A, %swap3A_9], %dot_general3A_8 {strides = array<i32>} : memref<1000x128xf32, #tpu.memory_space<vmem>>, vector<1000x128xf32>,
    %get3A_11 = arith.constant 0 : index
    %get3A_12 = arith.constant 0 : index
    %get3A_13 = vector.load %arg4[%get3A_11, %get3A_12] : memref<128x128xf32, #tpu.memory_space<vmem>>, vector<128x128xf32>
    %dot_general3A_14 = arith.constant dense<0.000000e+00> : vector<1000x128xf32>
    %dot_general3A_15 = tpu.matmul %get3A_1, %get3A_13, %dot_general3A_14 {dimension_numbers = #tpu.dot_dimension_numbers<[1], [0], [0], [1], [0, 0, 1, 1], [], []>, precision = #tpu.contract_precision<fp32>, transpose_lhs_hint = false} : vector<1000x128xf32>, vector<128x128xf32>, vector<1000x128xf32> -> vector<1000x128xf32>
    %get3A_16 = arith.constant 0 : index
    %get3A_17 = arith.constant 0 : index
    %get3A_18 = vector.load %arg5[%get3A_16, %get3A_17] : memref<1x128xf32, #tpu.memory_space<vmem>>, vector<1x128xf32>
    %add3A = vector.broadcast %get3A_18 : vector<1x128xf32> to vector<1000x128xf32>
    %add3A_19 = arith.addf %dot_general3A_15, %add3A : vector<1000x128xf32>
    %swap3A_20 = arith.constant 0 : index
    %swap3A_21 = arith.constant 0 : index
    %swap3A_22 = vector.load %arg10[%swap3A_20, %swap3A_21] : memref<1000x128xf32, #tpu.memory_space<vmem>>, vector<1000x128xf32>
    tpu.vector_store %arg10[%swap3A_20, %swap3A_21], %add3A_19 {strides = array<i32>} : memref<1000x128xf32, #tpu.memory_space<vmem>>, vector<1000x128xf32>,
    %get3A_23 = arith.constant 0 : index
    %get3A_24 = arith.constant 0 : index
    %get3A_25 = vector.load %arg6[%get3A_23, %get3A_24] : memref<128x128xf32, #tpu.memory_space<vmem>>, vector<128x128xf32>
    %dot_general3A_26 = arith.constant dense<0.000000e+00> : vector<1000x128xf32>
    %dot_general3A_27 = tpu.matmul %get3A_4, %get3A_25, %dot_general3A_26 {dimension_numbers = #tpu.dot_dimension_numbers<[1], [0], [0], [1], [0, 0, 1, 1], [], []>, precision = #tpu.contract_precision<fp32>, transpose_lhs_hint = false} : vector<1000x128xf32>, vector<128x128xf32>, vector<1000x128xf32> -> vector<1000x128xf32>
    %swap3A_28 = arith.constant 0 : index
    %swap3A_29 = arith.constant 0 : index
    %swap3A_30 = vector.load %arg11[%swap3A_28, %swap3A_29] : memref<1000x128xf32, #tpu.memory_space<vmem>>, vector<1000x128xf32>
    tpu.vector_store %arg11[%swap3A_28, %swap3A_29], %dot_general3A_27 {strides = array<i32>} : memref<1000x128xf32, #tpu.memory_space<vmem>>, vector<1000x128xf32>,
    %get3A_31 = arith.constant 0 : index
    %get3A_32 = arith.constant 0 : index
    %get3A_33 = vector.load %arg7[%get3A_31, %get3A_32] : memref<128x128xf32, #tpu.memory_space<vmem>>, vector<128x128xf32>
    %dot_general3A_34 = arith.constant dense<0.000000e+00> : vector<1000x128xf32>
    %dot_general3A_35 = tpu.matmul %get3A_4, %get3A_33, %dot_general3A_34 {dimension_numbers = #tpu.dot_dimension_numbers<[1], [0], [0], [1], [0, 0, 1, 1], [], []>, precision = #tpu.contract_precision<fp32>, transpose_lhs_hint = false} : vector<1000x128xf32>, vector<128x128xf32>, vector<1000x128xf32> -> vector<1000x128xf32>
    %get3A_36 = arith.constant 0 : index
    %get3A_37 = arith.constant 0 : index
    %get3A_38 = vector.load %arg8[%get3A_36, %get3A_37] : memref<1x128xf32, #tpu.memory_space<vmem>>, vector<1x128xf32>
    %add3A_39 = vector.broadcast %get3A_38 : vector<1x128xf32> to vector<1000x128xf32>
    %add3A_40 = arith.addf %dot_general3A_35, %add3A_39 : vector<1000x128xf32>
    %swap3A_41 = arith.constant 0 : index
    %swap3A_42 = arith.constant 0 : index
    %swap3A_43 = vector.load %arg12[%swap3A_41, %swap3A_42] : memref<1000x128xf32, #tpu.memory_space<vmem>>, vector<1000x128xf32>
    tpu.vector_store %arg12[%swap3A_41, %swap3A_42], %add3A_40 {strides = array<i32>} : memref<1000x128xf32, #tpu.memory_space<vmem>>, vector<1000x128xf32>,
    return
  }
  func.func @transform_0(%arg0: i32) -> (i32, i32) {
    %c0_i32 = arith.constant 0 : i32
    %c0_i32_0 = arith.constant 0 : i32
    return %arg0, %c0_i32 : i32, i32
  }
  func.func @transform_1(%arg0: i32) -> (i32, i32) {
    %c0_i32 = arith.constant 0 : i32
    %c0_i32_0 = arith.constant 0 : i32
    return %arg0, %c0_i32 : i32, i32
  }
  func.func @transform_2(%arg0: i32) -> (i32, i32) {
    %c0_i32 = arith.constant 0 : i32
    %c0_i32_0 = arith.constant 0 : i32
    %c0_i32_1 = arith.constant 0 : i32
    return %c0_i32, %c0_i32_0 : i32, i32
  }
  func.func @transform_3(%arg0: i32) -> (i32, i32) {
    %c0_i32 = arith.constant 0 : i32
    %c0_i32_0 = arith.constant 0 : i32
    %c0_i32_1 = arith.constant 0 : i32
    return %c0_i32, %c0_i32_0 : i32, i32
  }
  func.func @transform_4(%arg0: i32) -> (i32, i32) {
    %c0_i32 = arith.constant 0 : i32
    %c0_i32_0 = arith.constant 0 : i32
    %c0_i32_1 = arith.constant 0 : i32
    return %c0_i32, %c0_i32_0 : i32, i32
  }
  func.func @transform_5(%arg0: i32) -> (i32, i32) {
    %c0_i32 = arith.constant 0 : i32
    %c0_i32_0 = arith.constant 0 : i32
    %c0_i32_1 = arith.constant 0 : i32
    return %c0_i32, %c0_i32_0 : i32, i32
  }
  func.func @transform_6(%arg0: i32) -> (i32, i32) {
    %c0_i32 = arith.constant 0 : i32
    %c0_i32_0 = arith.constant 0 : i32
    %c0_i32_1 = arith.constant 0 : i32
    return %c0_i32, %c0_i32_0 : i32, i32
  }
  func.func @transform_7(%arg0: i32) -> (i32, i32) {
    %c0_i32 = arith.constant 0 : i32
    %c0_i32_0 = arith.constant 0 : i32
    %c0_i32_1 = arith.constant 0 : i32
    return %c0_i32, %c0_i32_0 : i32, i32
  }
  func.func @transform_8(%arg0: i32) -> (i32, i32) {
    %c0_i32 = arith.constant 0 : i32
    %c0_i32_0 = arith.constant 0 : i32
    return %arg0, %c0_i32 : i32, i32
  }
  func.func @transform_9(%arg0: i32) -> (i32, i32) {
    %c0_i32 = arith.constant 0 : i32
    %c0_i32_0 = arith.constant 0 : i32
    return %arg0, %c0_i32 : i32, i32
  }
  func.func @transform_10(%arg0: i32) -> (i32, i32) {
    %c0_i32 = arith.constant 0 : i32
    %c0_i32_0 = arith.constant 0 : i32
    return %arg0, %c0_i32 : i32, i32
  }
  func.func @transform_11(%arg0: i32) -> (i32, i32) {
    %c0_i32 = arith.constant 0 : i32
    %c0_i32_0 = arith.constant 0 : i32
    return %arg0, %c0_i32 : i32, i32
  }
}

module attributes {stable_mosaic.version = 14 : i64} {
  func.func @_combine_body(%arg0: i32, %arg1: memref<1000x128xf32, #tpu.memory_space<vmem>>, %arg2: memref<1000x128xf32, #tpu.memory_space<vmem>>, %arg3: memref<1000x128xf32, #tpu.memory_space<vmem>>, %arg4: memref<1000x128xf32, #tpu.memory_space<vmem>>, %arg5: memref<1000x128xf32, #tpu.memory_space<vmem>>, %arg6: memref<1000x128xf32, #tpu.memory_space<vmem>>, %arg7: memref<1000x128xf32, #tpu.memory_space<vmem>>, %arg8: memref<1000x128xf32, #tpu.memory_space<vmem>>, %arg9: memref<1000x128xf32, #tpu.memory_space<vmem>>, %arg10: memref<1000x128xf32, #tpu.memory_space<vmem>>) attributes {dimension_semantics = [#tpu.dimension_semantics<arbitrary>], iteration_bounds = array<i64: 10>, scalar_prefetch = 0 : i64, scratch_operands = 0 : i64, tpu.core_type = #tpu.core_type<tc>, window_params = [{transform_indices = @transform_0, window_bounds = array<i64: 1000, 128>}, {transform_indices = @transform_1, window_bounds = array<i64: 1000, 128>}, {transform_indices = @transform_2, window_bounds = array<i64: 1000, 128>}, {transform_indices = @transform_3, window_bounds = array<i64: 1000, 128>}, {transform_indices = @transform_4, window_bounds = array<i64: 1000, 128>}, {transform_indices = @transform_5, window_bounds = array<i64: 1000, 128>}, {transform_indices = @transform_6, window_bounds = array<i64: 1000, 128>}, {transform_indices = @transform_7, window_bounds = array<i64: 1000, 128>}, {transform_indices = @transform_8, window_bounds = array<i64: 1000, 128>}, {transform_indices = @transform_9, window_bounds = array<i64: 1000, 128>}]} {
    %get3A = arith.constant 0 : index
    %get3A_0 = arith.constant 0 : index
    %get3A_1 = vector.load %arg1[%get3A, %get3A_0] : memref<1000x128xf32, #tpu.memory_space<vmem>>, vector<1000x128xf32>
    %get3A_2 = arith.constant 0 : index
    %get3A_3 = arith.constant 0 : index
    %get3A_4 = vector.load %arg2[%get3A_2, %get3A_3] : memref<1000x128xf32, #tpu.memory_space<vmem>>, vector<1000x128xf32>
    %add3A = arith.addf %get3A_1, %get3A_4 : vector<1000x128xf32>
    %get3A_5 = arith.constant 0 : index
    %get3A_6 = arith.constant 0 : index
    %get3A_7 = vector.load %arg4[%get3A_5, %get3A_6] : memref<1000x128xf32, #tpu.memory_space<vmem>>, vector<1000x128xf32>
    %mul3A = arith.mulf %add3A, %get3A_7 : vector<1000x128xf32>
    %get3A_8 = arith.constant 0 : index
    %get3A_9 = arith.constant 0 : index
    %get3A_10 = vector.load %arg3[%get3A_8, %get3A_9] : memref<1000x128xf32, #tpu.memory_space<vmem>>, vector<1000x128xf32>
    %add3A_11 = arith.addf %mul3A, %get3A_10 : vector<1000x128xf32>
    %max3A = arith.constant 0.000000e+00 : f32
    %max3A_12 = vector.broadcast %max3A : f32 to vector<1000x128xf32>
    %max3A_13 = arith.maximumf %add3A_11, %max3A_12 : vector<1000x128xf32>
    %swap3A = arith.constant 0 : index
    %swap3A_14 = arith.constant 0 : index
    %swap3A_15 = vector.load %arg9[%swap3A, %swap3A_14] : memref<1000x128xf32, #tpu.memory_space<vmem>>, vector<1000x128xf32>
    tpu.vector_store %arg9[%swap3A, %swap3A_14], %max3A_13 {strides = array<i32>} : memref<1000x128xf32, #tpu.memory_space<vmem>>, vector<1000x128xf32>,
    %get3A_16 = arith.constant 0 : index
    %get3A_17 = arith.constant 0 : index
    %get3A_18 = vector.load %arg5[%get3A_16, %get3A_17] : memref<1000x128xf32, #tpu.memory_space<vmem>>, vector<1000x128xf32>
    %get3A_19 = arith.constant 0 : index
    %get3A_20 = arith.constant 0 : index
    %get3A_21 = vector.load %arg6[%get3A_19, %get3A_20] : memref<1000x128xf32, #tpu.memory_space<vmem>>, vector<1000x128xf32>
    %add3A_22 = arith.addf %get3A_18, %get3A_21 : vector<1000x128xf32>
    %get3A_23 = arith.constant 0 : index
    %get3A_24 = arith.constant 0 : index
    %get3A_25 = vector.load %arg8[%get3A_23, %get3A_24] : memref<1000x128xf32, #tpu.memory_space<vmem>>, vector<1000x128xf32>
    %mul3A_26 = arith.mulf %add3A_22, %get3A_25 : vector<1000x128xf32>
    %get3A_27 = arith.constant 0 : index
    %get3A_28 = arith.constant 0 : index
    %get3A_29 = vector.load %arg7[%get3A_27, %get3A_28] : memref<1000x128xf32, #tpu.memory_space<vmem>>, vector<1000x128xf32>
    %add3A_30 = arith.addf %mul3A_26, %get3A_29 : vector<1000x128xf32>
    %max3A_31 = arith.constant 0.000000e+00 : f32
    %max3A_32 = vector.broadcast %max3A_31 : f32 to vector<1000x128xf32>
    %max3A_33 = arith.maximumf %add3A_30, %max3A_32 : vector<1000x128xf32>
    %swap3A_34 = arith.constant 0 : index
    %swap3A_35 = arith.constant 0 : index
    %swap3A_36 = vector.load %arg10[%swap3A_34, %swap3A_35] : memref<1000x128xf32, #tpu.memory_space<vmem>>, vector<1000x128xf32>
    tpu.vector_store %arg10[%swap3A_34, %swap3A_35], %max3A_33 {strides = array<i32>} : memref<1000x128xf32, #tpu.memory_space<vmem>>, vector<1000x128xf32>,
    return
  }
  func.func @transform_0(%arg0: i32) -> (i32, i32) {
    %c0_i32 = arith.constant 0 : i32
    %c0_i32_0 = arith.constant 0 : i32
    return %arg0, %c0_i32 : i32, i32
  }
  func.func @transform_1(%arg0: i32) -> (i32, i32) {
    %c0_i32 = arith.constant 0 : i32
    %c0_i32_0 = arith.constant 0 : i32
    return %arg0, %c0_i32 : i32, i32
  }
  func.func @transform_2(%arg0: i32) -> (i32, i32) {
    %c0_i32 = arith.constant 0 : i32
    %c0_i32_0 = arith.constant 0 : i32
    return %arg0, %c0_i32 : i32, i32
  }
  func.func @transform_3(%arg0: i32) -> (i32, i32) {
    %c0_i32 = arith.constant 0 : i32
    %c0_i32_0 = arith.constant 0 : i32
    return %arg0, %c0_i32 : i32, i32
  }
  func.func @transform_4(%arg0: i32) -> (i32, i32) {
    %c0_i32 = arith.constant 0 : i32
    %c0_i32_0 = arith.constant 0 : i32
    return %arg0, %c0_i32 : i32, i32
  }
  func.func @transform_5(%arg0: i32) -> (i32, i32) {
    %c0_i32 = arith.constant 0 : i32
    %c0_i32_0 = arith.constant 0 : i32
    return %arg0, %c0_i32 : i32, i32
  }
  func.func @transform_6(%arg0: i32) -> (i32, i32) {
    %c0_i32 = arith.constant 0 : i32
    %c0_i32_0 = arith.constant 0 : i32
    return %arg0, %c0_i32 : i32, i32
  }
  func.func @transform_7(%arg0: i32) -> (i32, i32) {
    %c0_i32 = arith.constant 0 : i32
    %c0_i32_0 = arith.constant 0 : i32
    return %arg0, %c0_i32 : i32, i32
  }
  func.func @transform_8(%arg0: i32) -> (i32, i32) {
    %c0_i32 = arith.constant 0 : i32
    %c0_i32_0 = arith.constant 0 : i32
    return %arg0, %c0_i32 : i32, i32
  }
  func.func @transform_9(%arg0: i32) -> (i32, i32) {
    %c0_i32 = arith.constant 0 : i32
    %c0_i32_0 = arith.constant 0 : i32
    return %arg0, %c0_i32 : i32, i32
  }
}

module attributes {stable_mosaic.version = 14 : i64} {
  func.func @_pool_body(%arg0: memref<64x10000xf32, #tpu.memory_space<vmem>>, %arg1: memref<64x10000xf32, #tpu.memory_space<vmem>>, %arg2: memref<10000x128xf32, #tpu.memory_space<vmem>>, %arg3: memref<10000x128xf32, #tpu.memory_space<vmem>>, %arg4: memref<256x32xf32, #tpu.memory_space<vmem>>, %arg5: memref<1x32xf32, #tpu.memory_space<vmem>>, %arg6: memref<64x32xf32, #tpu.memory_space<vmem>>) attributes {dimension_semantics = [], scalar_prefetch = 0 : i64, scratch_operands = 0 : i64, tpu.core_type = #tpu.core_type<tc>} {
    %get3A = arith.constant 0 : index
    %get3A_0 = arith.constant 0 : index
    %get3A_1 = vector.load %arg0[%get3A, %get3A_0] : memref<64x10000xf32, #tpu.memory_space<vmem>>, vector<64x10000xf32>
    %get3A_2 = arith.constant 0 : index
    %get3A_3 = arith.constant 0 : index
    %get3A_4 = vector.load %arg1[%get3A_2, %get3A_3] : memref<64x10000xf32, #tpu.memory_space<vmem>>, vector<64x10000xf32>
    %get3A_5 = arith.constant 0 : index
    %get3A_6 = arith.constant 0 : index
    %get3A_7 = vector.load %arg2[%get3A_5, %get3A_6] : memref<10000x128xf32, #tpu.memory_space<vmem>>, vector<10000x128xf32>
    %dot_general3A = arith.constant dense<0.000000e+00> : vector<64x128xf32>
    %dot_general3A_8 = tpu.matmul %get3A_1, %get3A_7, %dot_general3A {dimension_numbers = #tpu.dot_dimension_numbers<[1], [0], [0], [1], [0, 0, 1, 1], [], []>, precision = #tpu.contract_precision<fp32>, transpose_lhs_hint = false} : vector<64x10000xf32>, vector<10000x128xf32>, vector<64x128xf32> -> vector<64x128xf32>
    %get3A_9 = arith.constant 0 : index
    %get3A_10 = arith.constant 0 : index
    %get3A_11 = vector.load %arg3[%get3A_9, %get3A_10] : memref<10000x128xf32, #tpu.memory_space<vmem>>, vector<10000x128xf32>
    %dot_general3A_12 = arith.constant dense<0.000000e+00> : vector<64x128xf32>
    %dot_general3A_13 = tpu.matmul %get3A_4, %get3A_11, %dot_general3A_12 {dimension_numbers = #tpu.dot_dimension_numbers<[1], [0], [0], [1], [0, 0, 1, 1], [], []>, precision = #tpu.contract_precision<fp32>, transpose_lhs_hint = false} : vector<64x10000xf32>, vector<10000x128xf32>, vector<64x128xf32> -> vector<64x128xf32>
    %reduce_sum3A = arith.constant dense<0.000000e+00> : vector<64xf32>
    %reduce_sum3A_14 = vector.multi_reduction <add>, %get3A_1, %reduce_sum3A [1] : vector<64x10000xf32> to vector<64xf32>
    %reduce_sum3A_15 = arith.constant dense<0.000000e+00> : vector<64xf32>
    %reduce_sum3A_16 = vector.multi_reduction <add>, %get3A_4, %reduce_sum3A_15 [1] : vector<64x10000xf32> to vector<64xf32>
    %jit3A = arith.constant 1.000000e+00 : f32
    %max3A = vector.broadcast %jit3A : f32 to vector<64xf32>
    %max3A_17 = arith.maximumf %max3A, %reduce_sum3A_14 : vector<64xf32>
    %div3A = arith.constant 1.000000e+00 : f32
    %div3A_18 = vector.broadcast %div3A : f32 to vector<64xf32>
    %div3A_19 = arith.divf %div3A_18, %max3A_17 : vector<64xf32>
    %broadcast_in_dim3A = vector.shape_cast %div3A_19 : vector<64xf32> to vector<64x1xf32>
    %mul3A = vector.broadcast %broadcast_in_dim3A : vector<64x1xf32> to vector<64x128xf32>
    %mul3A_20 = arith.mulf %dot_general3A_8, %mul3A : vector<64x128xf32>
    %jit3A_21 = arith.constant 1.000000e+00 : f32
    %max3A_22 = vector.broadcast %jit3A_21 : f32 to vector<64xf32>
    %max3A_23 = arith.maximumf %max3A_22, %reduce_sum3A_16 : vector<64xf32>
    %div3A_24 = arith.constant 1.000000e+00 : f32
    %div3A_25 = vector.broadcast %div3A_24 : f32 to vector<64xf32>
    %div3A_26 = arith.divf %div3A_25, %max3A_23 : vector<64xf32>
    %broadcast_in_dim3A_27 = vector.shape_cast %div3A_26 : vector<64xf32> to vector<64x1xf32>
    %mul3A_28 = vector.broadcast %broadcast_in_dim3A_27 : vector<64x1xf32> to vector<64x128xf32>
    %mul3A_29 = arith.mulf %dot_general3A_13, %mul3A_28 : vector<64x128xf32>
    %concatenate3A = tpu.concatenate %mul3A_20, %mul3A_29 in 1 : vector<64x128xf32>, vector<64x128xf32> -> vector<64x256xf32>
    %get3A_30 = arith.constant 0 : index
    %get3A_31 = arith.constant 0 : index
    %get3A_32 = vector.load %arg4[%get3A_30, %get3A_31] : memref<256x32xf32, #tpu.memory_space<vmem>>, vector<256x32xf32>
    %dot_general3A_33 = arith.constant dense<0.000000e+00> : vector<64x32xf32>
    %dot_general3A_34 = tpu.matmul %concatenate3A, %get3A_32, %dot_general3A_33 {dimension_numbers = #tpu.dot_dimension_numbers<[1], [0], [0], [1], [0, 0, 1, 1], [], []>, precision = #tpu.contract_precision<fp32>, transpose_lhs_hint = false} : vector<64x256xf32>, vector<256x32xf32>, vector<64x32xf32> -> vector<64x32xf32>
    %get3A_35 = arith.constant 0 : index
    %get3A_36 = arith.constant 0 : index
    %get3A_37 = vector.load %arg5[%get3A_35, %get3A_36] : memref<1x32xf32, #tpu.memory_space<vmem>>, vector<1x32xf32>
    %add3A = vector.broadcast %get3A_37 : vector<1x32xf32> to vector<64x32xf32>
    %add3A_38 = arith.addf %dot_general3A_34, %add3A : vector<64x32xf32>
    %swap3A = arith.constant 0 : index
    %swap3A_39 = arith.constant 0 : index
    %swap3A_40 = vector.load %arg6[%swap3A, %swap3A_39] : memref<64x32xf32, #tpu.memory_space<vmem>>, vector<64x32xf32>
    tpu.vector_store %arg6[%swap3A, %swap3A_39], %add3A_38 {strides = array<i32>} : memref<64x32xf32, #tpu.memory_space<vmem>>, vector<64x32xf32>,
    return
  }
}

</mosaic_0001>

<sc_bundles>
// kernel: kernel.13.cloned.1.call-start
scs
__scs_entry_jumppad:
0x0: {  	(pc) =	sbr.rel $0x88, $3  }
0x1: {  	(tag) =	ssettag $0x0;
	lr =	simm.s32 $0x1  }
0x2: {  	[smem:$0x3F8C] =	sst lr;
	_ =	strace $0xD0000000  }
0x3: {  	_ = 	snop  }
0x4: {  	_ = 	snop  }
0x5: {  	_ = 	snop  }
0x6: {  	_ = 	snop  }
0x7: {  	_ = 	snop  }
__scs_overlays_trampoline_lowered:
0x8: {  	[smem:$0x3F9B] =	sst s0  }
0x9: {  	[smem:$0x3F9C] =	sst s1  }
0xa: {  	[smem:$0x3F9D] =	sst s2  }
0xb: {  	[smem:$0x3F9E] =	sst s3  }
0xc: {  	[smem:$0x3F9F] =	sst s4  }
0xd: {  	[smem:$0x3FA0] =	sst s5  }
0xe: {  	[smem:$0x3FA1] =	sst s6  }
0xf: {  	[smem:$0x3FA2] =	sst s7  }
0x10: {  	[smem:$0x3FA3] =	sst s8  }
0x11: {  	[smem:$0x3FA4] =	sst s9;
	s0 =	simm.s32 @!p0 $0x0  }
0x12: {  	s1 =	sld [smem:$0x3F8A];
	s0 =	simm.s32 @p0 $0x1  }
0x13: {  	[smem:$0x3FA5] =	sst s0;
	s0 =	simm.s32 @!p1 $0x0  }
0x14: {  	s2 =	sld [smem:$0x3F89];
	s0 =	simm.s32 @p1 $0x1  }
0x15: {  	[smem:$0x3FA6] =	sst s0;
	s0 =	simm.s32 @!p2 $0x0  }
0x16: {  	s3 =	sld [smem:$0x3FDB];
	s0 =	simm.s32 @p2 $0x1  }
0x17: {  	s4 =	simm.s32 $0x1BF5;
	[smem:$0x3FA8] =	sst s0  }
0x18: {  	s0 =	sld [smem:$0x3F8B];
	_ =	swait.ge [sflag:s4], $0x0  }
0x19: {  	s7 =	sld [smem:$0x3F8C]  }
0x1a: {  	s8 =	sadd.s32 $0xFFFFE003, lr  }
0x1b: {  	s9 =	sadd.s32 $0xFFFFFEF7, lr;
	s5 =	simm.s32 $0xFFFFFFFF;
	p2 =	slt.u32 s8, $0xFFFFF086  }
0x1c: {  	p1 =	slt.u32 s9, $0xF7A;
	s5 =	simm.s32 @!p2 $0x0  }
0x1d: {  	s5 =	simm.s32 @p1 $0x1;
	p0 =	seq.s32 s7, s2  }
0x1e: {  	s7 =	smul.u32 @!p0 $0xF7A, s2;
	p2 =	seq.s32 @!p0 s5, $0x0  }
0x1f: {  	s9 =	smul.u32 $0xF7A, s1;
	s8 =	simm.s32 @!p0 $0x1BF5;
	p2 =	por !p2, p0  }
0x20: {  	[sflag:s8] =	ssyncset.s32 @!p0 $0xFFFFF086;
	s6 =	sadd.s32 @!p0 s3, s7;
	s7 =	simm.s32 @!p0 $0x108  }
0x21: {  	s3 =	sadd.s32 s3, s9;
	s6 =	sadd.s32 @!p0 $0x88, s6;
	s7 =	simm.s32 @p2 $0x1082  }
0x22: {  	[simem:s7], [sflag:s8] =	dma.local @!p0 [hbm:s6], $0xF7A  }
0x23: {  	s9 =	sor.u32 $0xD0000000, s2;
	s6 =	simm.s32 $0x108;
	_ =	swait.ge @!p0 [sflag:s8], $0x0  }
0x24: {  	s3 =	sadd.s32 $0x88, s3;
	s6 =	simm.s32 @!p1 $0x1082;
	[sflag:s4] =	ssyncset.s32 $0xFFFFF086  }
0x25: {  	[simem:s6], [sflag:s4] =	dma.local [hbm:s3], $0xF7A  }
0x26: {  	[smem:$0x3F8C] =	sst s1;
	(tag) =	ssettag s2;
	_ =	strace s9  }
0x27: {  	s1 =	sld [smem:$0x3F9C]  }
0x28: {  	s2 =	sld [smem:$0x3F9D]  }
0x29: {  	s4 =	sld [smem:$0x3F9F]  }
0x2a: {  	p0 =	seq.s32 s5, $0x0;
	s5 =	sld [smem:$0x3FA0]  }
0x2b: {  	s6 =	sld [smem:$0x3FA1]  }
0x2c: {  	s7 =	sld [smem:$0x3FA2]  }
0x2d: {  	s3 =	simm.s32 $0x108;
	s8 =	sld [smem:$0x3FA3]  }
0x2e: {  	s3 =	simm.s32 @!p0 $0x1082;
	s9 =	sld [smem:$0x3FA4]  }
0x2f: {  	lr =	sadd.s32 s0, s3;
	s0 =	sld [smem:$0x3F9B]  }
0x30: {  	s3 =	sld [smem:$0x3F9E]  }
0x31: {  	[smem:$0x3FA7] =	sst s10  }
0x32: {  	s10 =	sld [smem:$0x3FA5];
	_ =	sdelay $0x3  }
0x33: {  	p0 =	seq.s32 s10, $0x1;
	s10 =	sld [smem:$0x3FA7];
	_ =	sdelay $0x3  }
0x34: {  	[smem:$0x3FA7] =	sst s10  }
0x35: {  	s10 =	sld [smem:$0x3FA6];
	_ =	sdelay $0x3  }
0x36: {  	p1 =	seq.s32 s10, $0x1;
	s10 =	sld [smem:$0x3FA7];
	_ =	sdelay $0x3  }
0x37: {  	[smem:$0x3FA7] =	sst s10  }
0x38: {  	s10 =	sld [smem:$0x3FA8]  }
0x39: {  	_ = 	snop;
	(pc) =	sbr.ind lr, $3  }
0x3a: {  	_ = 	snop  }
0x3b: {  	_ = 	snop  }
0x3c: {  	p2 =	seq.s32 s10, $0x1;
	s10 =	sld [smem:$0x3FA7]  }
0x3d: {  	_ =	shalt  }
0x3e: {  	_ =	shalt  }
0x3f: {  	_ =	shalt  }
0x40: {  	_ =	shalt  }
0x41: {  	_ =	shalt  }
0x42: {  	_ =	shalt  }
0x43: {  	_ =	shalt  }
0x44: {  	_ =	shalt  }
0x45: {  	_ =	shalt  }
0x46: {  	_ =	shalt  }
0x47: {  	_ =	shalt  }
0x48: {  	_ =	shalt  }
0x49: {  	_ =	shalt  }
0x4a: {  	_ =	shalt  }
0x4b: {  	_ =	shalt  }
0x4c: {  	_ =	shalt  }
0x4d: {  	_ =	shalt  }
0x4e: {  	_ =	shalt  }
0x4f: {  	_ =	shalt  }
0x50: {  	_ =	shalt  }
0x51: {  	_ =	shalt  }
0x52: {  	_ =	shalt  }
0x53: {  	_ =	shalt  }
0x54: {  	_ =	shalt  }
0x55: {  	_ =	shalt  }
0x56: {  	_ =	shalt  }
0x57: {  	_ =	shalt  }
0x58: {  	_ =	shalt  }
0x59: {  	_ =	shalt  }
0x5a: {  	_ =	shalt  }
0x5b: {  	_ =	shalt  }
0x5c: {  	_ =	shalt  }
0x5d: {  	_ =	shalt  }
0x5e: {  	_ =	shalt  }
0x5f: {  	_ =	shalt  }
0x60: {  	_ =	shalt  }
0x61: {  	_ =	shalt  }
0x62: {  	_ =	shalt  }
0x63: {  	_ =	shalt  }
0x64: {  	_ =	shalt  }
0x65: {  	_ =	shalt  }
0x66: {  	_ =	shalt  }
0x67: {  	_ =	shalt  }
0x68: {  	_ =	shalt  }
0x69: {  	_ =	shalt  }
0x6a: {  	_ =	shalt  }
0x6b: {  	_ =	shalt  }
0x6c: {  	_ =	shalt  }
0x6d: {  	_ =	shalt  }
0x6e: {  	_ =	shalt  }
0x6f: {  	_ =	shalt  }
0x70: {  	_ =	shalt  }
0x71: {  	_ =	shalt  }
0x72: {  	_ =	shalt  }
0x73: {  	_ =	shalt  }
0x74: {  	_ =	shalt  }
0x75: {  	_ =	shalt  }
0x76: {  	_ =	shalt  }
0x77: {  	_ =	shalt  }
0x78: {  	_ =	shalt  }
0x79: {  	_ =	shalt  }
0x7a: {  	_ =	shalt  }
0x7b: {  	_ =	shalt  }
0x7c: {  	_ =	shalt  }
0x7d: {  	_ =	shalt  }
0x7e: {  	_ =	shalt  }
0x7f: {  	_ =	shalt  }
0x80: {  	_ =	shalt  }
0x81: {  	_ =	shalt  }
0x82: {  	_ =	shalt  }
0x83: {  	_ =	shalt  }
0x84: {  	_ =	shalt  }
0x85: {  	_ =	shalt  }
0x86: {  	_ =	shalt  }
0x87: {  	_ =	shalt  }
.Lfunc_end0:
.L_simem_size_0:
called_computation_lowered:
.L_overlay_start_0:
0x88: {  	s2 =	sld [smem:$0x3FD9]  }
0x89: {  	s3 =	sld [smem:$0x3FFE];
	_ =	sdelay $0x1  }
0x8a: {  	s1 =	srdreg.scid  }
0x8b: {  	s0 =	sand.u32 $0x1, s1  }
0x8c: {  	s16 =	sshll.u32 s0, $0xA;
	s2 =	sadd.s32 s3, s2  }
0x8d: {  	s2 =	sadd.s32 s2, s16  }
0x8e: {  	[smem:$0x3FB3] =	sst s2  }
0x8f: {  	_ = 	snop  }
0x90: {  	(tm) =	ssettm $0x1  }
0x91: {  	s17 =	sld [smem:$0x3FFB];
	_ =	sdelay $0x3  }
0x92: {  	_ =	strace s17  }
0x93: {  	s2 =	sld [smem:$0x3FFC];
	_ =	sdelay $0x3  }
0x94: {  	_ =	strace s2  }
0x95: {  	s2 =	sld [smem:$0x3FFD];
	_ =	sdelay $0x3  }
0x96: {  	_ =	strace s2  }
0x97: {  	_ =	strace $0x8FFFFFFF  }
0x98: {  	s18 =	sld [smem:$0x3FDB];
	_ =	sdelay $0x1  }
0x99: {  	s19 =	simm.s32 $_scs_section_size  }
0x9a: {  	s4 =	simm.s32 $_size__tile_overlayer_lowered;
	s5 =	simm.s32 $_tile_overlayer_lowered  }
0x9b: {  	s22 =	simm.s32 $0x1BFF;
	s21 =	sshll.u32 s5, $0x1;
	s2 =	sadd.s32 s19, s18  }
0x9c: {  	s6 =	simm.s32 $0x0;
	s20 =	sshll.u32 s4, $0x1;
	s4 =	sadd.s32 s21, s2  }
0x9d: {  	[timem:s6], [sflag:s22] =	dma.local [hbm:s4], s20  }
0x9e: {  	_ =	swait.ge [sflag:s22], s20  }
0x9f: {  	s3 =	ssub.s32 $0x0, s20;
	[sflag:s22] =	ssyncset.done $0x0  }
0xa0: {  	[sflag:s22] =	ssyncadd.s32 s3;
	_ =	sdelay $0x1  }
0xa1: {  	s23 =	simm.s32 $0x1B8B  }
0xa2: {  	_ =	swait.ge [sflag:s23], $0x1  }
0xa3: {  	[sflag:s23] =	ssyncset.done $0x0  }
0xa4: {  	s25 =	simm.s32 $0x1B8E;
	s24 =	sld [smem:$0x3FFE];
	[sflag:s23] =	ssyncadd.s32 $0xFFFFFFFF  }
0xa5: {  	s26 =	simm.s32 $execute0_lowered;
	[smem:$0x3FD2] =	sst s25  }
0xa6: {  	s4 =	sshll.u32 s26, $0x1;
	_ =	strace $0x80000046;
	[dreg:$0x1] =	wrdreg $0xFFFFFFFF  }
0xa7: {  	s28 =	simm.s32 $_size_execute0_lowered;
	s2 =	sadd.s32 s2, s4;
	[dreg:$0x0] =	wrdreg $0x0  }
0xa8: {  	s4 =	sshll.u32 s28, $0x1;
	[dreg:$0x2] =	wrdreg s2  }
0xa9: {  	[dreg:$0x3] =	wrdreg s4  }
0xaa: {  	[dreg:$0x4] =	wrdreg $0xC0  }
0xab: {  	_ =	task [dreg:s6], $0x5FFFF  }
0xac: {  	[dreg:$0x1] =	wrdreg $0xFFFFFFFF  }
0xad: {  	[dreg:$0x0] =	wrdreg $0x60  }
0xae: {  	[dreg:$0x2] =	wrdreg s24  }
0xaf: {  	[dreg:$0x3] =	wrdreg $0x0  }
0xb0: {  	[dreg:$0x4] =	wrdreg $0x27100  }
0xb1: {  	[dreg:$0x5] =	wrdreg $0x9  }
0xb2: {  	_ =	task.clear_ibuf [dreg:s6], $0x6FFFF;
	_ =	strace $0x90000046  }
0xb3: {  	s29 =	simm.s32 $0x9;
	_ =	strace $0x80000048  }
0xb4: {  	_ =	swait.ge [sflag:s29], $0x1  }
0xb5: {  	[sflag:s29] =	ssyncadd.s32 $0xFFFFFFFF  }
0xb6: {  	_ =	strace $0x90000048  }
0xb7: {  	_ =	sfence  }
0xb8: {  	s30 =	sld [smem:$0x0];
	_ =	sdelay $0x2  }
0xb9: {  	s31 =	sshll.u32 s1, $0xD;
	s1 =	sshrl.u32 s1, $0x2  }
0xba: {  	s3 =	sand.u32 $0x4000, s31;
	s1 =	sadd.s32 s1, s30  }
0xbb: {  	s0 =	sor.u32 s3, s0;
	s1 =	sshll.u32 s1, $0x11  }
0xbc: {  	s0 =	sor.u32 s1, s0  }
0xbd: {  	s0 =	sadd.s32 $0x8F2B, s0  }
0xbe: {  	[sflag:s0] =	ssyncadd.remote.s32 $0x1  }
0xbf: {  	_ =	sfence.sel $0xFFFF  }
0xc0: {  	[dreg:$0x0] =	wrdreg $0xFFFFFFFF;
	(pc) =	sbr.abs _section_cstart, $3  }
0xc1: {  	[dreg:$0x1] =	wrdreg $0xFFFFFFFF  }
0xc2: {  	_ =	task.clear_ibuf [dreg:s6], $0x2FFFF;
	_ =	strace $0x9FFFFFFF  }
0xc3: {  	(tm) =	ssettm $0x7FFFFFFF  }
tec
execute0_lowered:
.L_overlay_start_1:
0x0: {  	(tag) =	ssettag $0x1  }
0x1: {  	s5 =	rddreg [dreg:$0x0]  }
0x2: {  	s2 =	rddreg [dreg:$0x1]  }
0x3: {  	s1 =	srdreg.scid;
	s0 =	stileid.u32  }
0x4: {  	s3 =	rddreg [dreg:$0x2];
	s4 =	simm.s32 $0x0;
	s16 =	simm.s32 $0x7620  }
0x5: {  	s17 =	simm.s32 $0x1;
	s18 =	simm.s32 $0x1AE20;
	s19 =	simm.s32 $0x50  }
0x6: {  	s20 =	simm.s32 $0x4E20;
	s21 =	simm.s32 $0x0;
	s7 =	smul.u32 $0x4E20, s0  }
0x7: {  	s6 =	sand.u32 $0x1, s1;
	s1 =	rddreg [dreg:$0x3];
	s9 =	smul.u32 $0x13800, s0  }
0x8: {  	[smem:$0x7FF] =	sst s4;
	s11 =	sadd.s32 $0x2C600, s5;
	s8 =	smul.u32 $0x2710, s6  }
0x9: {  	p0 =	sne.s32 s0, $0xF;
	s26 =	ssub.s32 $0x2, s6;
	s10 =	smul.u32 $0x138800, s6  }
0xa: {  	_ =	strace $0x80000047;
	s28 =	sshrl.u32 s26, $0x1;
	s6 =	sadd.s32 s9, s3  }
0xb: {  	s7 =	sadd.s32 s8, s7;
	s13 =	ssub.s32 s26, s28;
	s29 =	sadd.s32 s9, s10  }
0xc: {  	s30 =	sshrl.u32 s10, $0x3;
	s8 =	sadd.s32 $0x138000, s3;
	s7 =	sshrl.u32 s7, $0x3  }
0xd: {  	s31 =	sshrl.u32 s29, $0x3;
	s12 =	sadd.s32 s11, s30;
	s13 =	smax.u32 s13, $0x1  }
0xe: {  	s15 =	sadd.s32 s7, s5;
	s5 =	sadd.s32 s9, s2;
	s7 =	sadd.s32 $0x138000, s2  }
0xf: {  	v0 =	vimm.f32 $0.0e+00;
	vm0 =	vcmask $0x300;
	s9 =	sadd.s32 s11, s31;
	s10 =	sadd.s32 $0x27000, s12;
	s12 =	sadd.s32 $0x75200, s12  }
0x10: {  	v1 =	vsel vm0, $0x3F800000, v0;
	s11 =	sadd.s32 $0x4E200, s9;
	s14 =	sadd.s32 $0x4E00, s15;
	s15 =	sadd.s32 $0x18A00, s15  }
.LBB2_1:
0x11: {  	s22 =	simm.s32 $0x0  }
.LBB2_2:
0x12: {  	p1 =	sne.s32 s22, $0x9E00  }
.Ltmp0:
0x13: {  	_ = 	snop;
	(pc) =	sbr.rel @p1 .LBB2_2-.Ltmp0, $3  }
0x14: {  	_ =	sdelay $0x1  }
0x15: {  	s23 =	sshra.s32 s22, $0x2  }
0x16: {  	s22 =	sadd.s32 $0x200, s22;
	[tilespmem:s23+$0x4E20] =	vst v1  }
0x17: {  	s22 =	simm.s32 $0x200;
	s23 =	simm.s32 $0x0  }
.LBB2_4:
0x18: {  	p1 =	sne.s32 s22, $0x4DE00;
	[tilespmem:s23+$0x7620] =	vst v0;
	s23 =	smov.u32 s22;
	s22 =	sadd.s32 $0x200, s22  }
.Ltmp1:
0x19: {  	(pc) =	sbr.rel @p1 .LBB2_4-.Ltmp1, $2  }
0x1a: {  	_ =	sdelay $0x2  }
0x1b: {  	s23 =	sshra.s32 s23, $0x2  }
0x1c: {  	[tilespmem:s23+$0x7620] =	vst v0  }
0x1d: {  	[spmem:s5] =	stream.linear.scatter [tilespmem:s16], [sflag:$0x1], $0x13800, $0x38;
	[tilespmem:$0x1AEA0] =	vst v63  }
0x1e: {  	_ =	swait.ge [sflag:s17], $0x13800  }
0x1f: {  	[sflag:s17] =	ssyncset.done $0x0  }
0x20: {  	[sflag:s17] =	ssyncadd.s32 $0xFFFEC800  }
0x21: {  	[spmem:s6] =	stream.linear.scatter [tilespmem:s16], [sflag:$0x1], $0x13800, $0x38;
	[tilespmem:$0x1AEA0] =	vst v63  }
0x22: {  	_ =	swait.ge [sflag:s17], $0x13800  }
0x23: {  	[sflag:s17] =	ssyncset.done $0x0  }
0x24: {  	s22 =	simm.s32 @!p0 $0x7620;
	s23 =	simm.s32 @!p0 $0x1;
	[sflag:s17] =	ssyncadd.s32 $0xFFFEC800  }
0x25: {  	[spmem:s7] =	stream.linear.scatter @!p0 [tilespmem:s22], [sflag:$0x1], $0x800, $0x38;
	[tilespmem:$0x1AEA0] =	vst v63  }
0x26: {  	_ =	swait.ge @!p0 [sflag:s23], $0x800  }
0x27: {  	[sflag:s23] =	ssyncset.done @!p0 $0x0  }
0x28: {  	[sflag:s23] =	ssyncadd.s32 @!p0 $0xFFFFF800  }
0x29: {  	[spmem:s8] =	stream.linear.scatter @!p0 [tilespmem:s22], [sflag:$0x1], $0x800, $0x38;
	[tilespmem:$0x1AEA0] =	vst v63  }
0x2a: {  	_ =	swait.ge @!p0 [sflag:s23], $0x800  }
0x2b: {  	[sflag:s23] =	ssyncset.done @!p0 $0x0  }
0x2c: {  	[sflag:s23] =	ssyncadd.s32 @!p0 $0xFFFFF800  }
0x2d: {  	s31 =	sadd.s32 $0x0, s14;
	s23 =	simm.s32 $0x0;
	[bflag:$0x0] =	sbarrier.arrive $0xFFFF  }
0x2e: {  	[tilespmem:s18], [sflag:$0x1] =	stream.linear.gather [hbm4b:s31+s23], $0x50, $0x38;
	[tilespmem:$0x1AEA0] =	vst v63  }
0x2f: {  	_ =	swait.ge [sflag:s17], $0x50  }
0x30: {  	[sflag:s17] =	ssyncset.done $0x0  }
0x31: {  	[sflag:s17] =	ssyncadd.s32 $0xFFFFFFB0  }
0x32: {  	[spmem:s3] =	stream.indirect.scatter.add.f32 [tilespmem:s20], [sflag:$0x1], $0x10, s18, s19, $0xb8;
	[tilespmem:$0x1AEA0] =	vst v63  }
0x33: {  	s25 =	simm.s32 $0x14;
	_ =	swait.ge [sflag:s17], $0x500  }
0x34: {  	s24 =	simm.s32 $0xA;
	s22 =	simm.s32 $0xA;
	[sflag:s17] =	ssyncset.done $0x0  }
.LBB2_6:
0x35: {  	s26 =	sadd.s32 s24, s14  }
0x36: {  	[sflag:s17] =	ssyncadd.s32 $0xFFFFFB00;
	s24 =	smov.u32 s25;
	s28 =	sadd.s32 $0xA, s25  }
0x37: {  	[tilespmem:s18], [sflag:$0x1] =	stream.linear.gather [hbm4b:s26+s23], $0x50, $0x38;
	[tilespmem:$0x1AEA0] =	vst v63  }
0x38: {  	p1 =	sne.s32 s25, $0x4D8;
	_ =	swait.ge [sflag:s17], $0x50  }
.Ltmp2:
0x39: {  	[sflag:s17] =	ssyncset.done $0x0;
	(pc) =	sbr.rel @p1 .LBB2_6-.Ltmp2, $4  }
0x3a: {  	[sflag:s17] =	ssyncadd.s32 $0xFFFFFFB0  }
0x3b: {  	[spmem:s3] =	stream.indirect.scatter.add.f32 [tilespmem:s20], [sflag:$0x1], $0x10, s18, s19, $0xb8;
	[tilespmem:$0x1AEA0] =	vst v63  }
0x3c: {  	_ =	swait.ge [sflag:s17], $0x500  }
0x3d: {  	s25 =	smov.u32 s28;
	[sflag:s17] =	ssyncset.done $0x0  }
0x3e: {  	s24 =	sadd.s32 s24, s14;
	[sflag:s17] =	ssyncadd.s32 $0xFFFFFB00  }
0x3f: {  	[tilespmem:s18], [sflag:$0x1] =	stream.linear.gather [hbm4b:s24+s23], $0x50, $0x38;
	[tilespmem:$0x1AEA0] =	vst v63  }
0x40: {  	_ =	swait.ge [sflag:s17], $0x50  }
0x41: {  	[sflag:s17] =	ssyncset.done $0x0  }
0x42: {  	[sflag:s17] =	ssyncadd.s32 $0xFFFFFFB0  }
0x43: {  	[spmem:s3] =	stream.indirect.scatter.add.f32 [tilespmem:s20], [sflag:$0x1], $0x10, s18, s19, $0xb8;
	[tilespmem:$0x1AEA0] =	vst v63  }
0x44: {  	_ =	swait.ge [sflag:s17], $0x500  }
0x45: {  	[sflag:s17] =	ssyncset.done $0x0  }
0x46: {  	s31 =	sadd.s32 $0x0, s15;
	[sflag:s17] =	ssyncadd.s32 $0xFFFFFB00  }
0x47: {  	[tilespmem:s18], [sflag:$0x1] =	stream.linear.gather [hbm4b:s31+s4], $0x50, $0x38;
	[tilespmem:$0x1AEA0] =	vst v63  }
0x48: {  	_ =	swait.ge [sflag:s17], $0x50  }
0x49: {  	[sflag:s17] =	ssyncset.done $0x0  }
0x4a: {  	[sflag:s17] =	ssyncadd.s32 $0xFFFFFFB0  }
0x4b: {  	[spmem:s2] =	stream.indirect.scatter.add.f32 [tilespmem:s20], [sflag:$0x1], $0x10, s18, s19, $0xb8;
	[tilespmem:$0x1AEA0] =	vst v63  }
0x4c: {  	_ =	swait.ge [sflag:s17], $0x500  }
0x4d: {  	s23 =	simm.s32 $0x14;
	[sflag:s17] =	ssyncset.done $0x0  }
.LBB2_8:
0x4e: {  	s24 =	sadd.s32 s22, s15  }
0x4f: {  	[sflag:s17] =	ssyncadd.s32 $0xFFFFFB00;
	s22 =	smov.u32 s23;
	s25 =	sadd.s32 $0xA, s23  }
0x50: {  	[tilespmem:s18], [sflag:$0x1] =	stream.linear.gather [hbm4b:s24+s4], $0x50, $0x38;
	[tilespmem:$0x1AEA0] =	vst v63  }
0x51: {  	p1 =	sne.s32 s23, $0x4D8;
	_ =	swait.ge [sflag:s17], $0x50  }
.Ltmp3:
0x52: {  	[sflag:s17] =	ssyncset.done $0x0;
	(pc) =	sbr.rel @p1 .LBB2_8-.Ltmp3, $4  }
0x53: {  	[sflag:s17] =	ssyncadd.s32 $0xFFFFFFB0  }
0x54: {  	[spmem:s2] =	stream.indirect.scatter.add.f32 [tilespmem:s20], [sflag:$0x1], $0x10, s18, s19, $0xb8;
	[tilespmem:$0x1AEA0] =	vst v63  }
0x55: {  	_ =	swait.ge [sflag:s17], $0x500  }
0x56: {  	s23 =	smov.u32 s25;
	[sflag:s17] =	ssyncset.done $0x0  }
0x57: {  	s22 =	sadd.s32 s22, s15;
	[sflag:s17] =	ssyncadd.s32 $0xFFFFFB00  }
0x58: {  	[tilespmem:s18], [sflag:$0x1] =	stream.linear.gather [hbm4b:s22+s4], $0x50, $0x38;
	[tilespmem:$0x1AEA0] =	vst v63  }
0x59: {  	_ =	swait.ge [sflag:s17], $0x50  }
0x5a: {  	[sflag:s17] =	ssyncset.done $0x0  }
0x5b: {  	[sflag:s17] =	ssyncadd.s32 $0xFFFFFFB0  }
0x5c: {  	[spmem:s2] =	stream.indirect.scatter.add.f32 [tilespmem:s20], [sflag:$0x1], $0x10, s18, s19, $0xb8;
	[tilespmem:$0x1AEA0] =	vst v63  }
0x5d: {  	_ =	swait.ge [sflag:s17], $0x500  }
0x5e: {  	[sflag:s17] =	ssyncset.done $0x0  }
0x5f: {  	[sflag:s17] =	ssyncadd.s32 $0xFFFFFB00  }
0x60: {  	[bflag:$0x0] =	sbarrier.arrive $0xFFFF  }
0x61: {  	[tilespmem:s16], [sflag:$0x1] =	stream.linear.gather [spmem:s6], $0x13800, $0x38;
	[tilespmem:$0x1AEA0] =	vst v63  }
0x62: {  	_ =	swait.ge [sflag:s17], $0x13800  }
0x63: {  	[sflag:s17] =	ssyncset.done $0x0  }
0x64: {  	[sflag:s17] =	ssyncadd.s32 $0xFFFEC800  }
0x65: {  	[hbm4b:s9+s4] =	stream.linear.scatter [tilespmem:s16], [sflag:$0x1], $0x13800, $0x38;
	[tilespmem:$0x1AEA0] =	vst v63  }
0x66: {  	_ =	swait.ge [sflag:s17], $0x13800  }
0x67: {  	[sflag:s17] =	ssyncset.done $0x0  }
0x68: {  	s23 =	simm.s32 @!p0 $0x1;
	s22 =	simm.s32 @!p0 $0x7620;
	[sflag:s17] =	ssyncadd.s32 $0xFFFEC800  }
0x69: {  	[tilespmem:s22], [sflag:$0x1] =	stream.linear.gather @!p0 [spmem:s8], $0x800, $0x38;
	[tilespmem:$0x1AEA0] =	vst v63  }
0x6a: {  	_ =	swait.ge @!p0 [sflag:s23], $0x800  }
0x6b: {  	[sflag:s23] =	ssyncset.done @!p0 $0x0  }
0x6c: {  	s24 =	simm.s32 @!p0 $0x0;
	[sflag:s23] =	ssyncadd.s32 @!p0 $0xFFFFF800  }
0x6d: {  	[hbm4b:s10+s24] =	stream.linear.scatter @!p0 [tilespmem:s22], [sflag:$0x1], $0x800, $0x38;
	[tilespmem:$0x1AEA0] =	vst v63  }
0x6e: {  	_ =	swait.ge @!p0 [sflag:s23], $0x800  }
0x6f: {  	[sflag:s23] =	ssyncset.done @!p0 $0x0  }
0x70: {  	[sflag:s23] =	ssyncadd.s32 @!p0 $0xFFFFF800  }
0x71: {  	[tilespmem:s16], [sflag:$0x1] =	stream.linear.gather [spmem:s5], $0x13800, $0x38;
	[tilespmem:$0x1AEA0] =	vst v63  }
0x72: {  	_ =	swait.ge [sflag:s17], $0x13800  }
0x73: {  	[sflag:s17] =	ssyncset.done $0x0  }
0x74: {  	[sflag:s17] =	ssyncadd.s32 $0xFFFEC800  }
0x75: {  	[hbm4b:s11+s4] =	stream.linear.scatter [tilespmem:s16], [sflag:$0x1], $0x13800, $0x38;
	[tilespmem:$0x1AEA0] =	vst v63  }
0x76: {  	_ =	swait.ge [sflag:s17], $0x13800  }
0x77: {  	[sflag:s17] =	ssyncset.done $0x0  }
0x78: {  	[sflag:s17] =	ssyncadd.s32 $0xFFFEC800  }
0x79: {  	[tilespmem:s22], [sflag:$0x1] =	stream.linear.gather @!p0 [spmem:s7], $0x800, $0x38;
	[tilespmem:$0x1AEA0] =	vst v63  }
0x7a: {  	s21 =	sadd.s32 $0x1, s21;
	_ =	swait.ge @!p0 [sflag:s23], $0x800  }
0x7b: {  	p1 =	sne.s32 s21, s13;
	[sflag:s23] =	ssyncset.done @!p0 $0x0  }
.Ltmp4:
0x7c: {  	[sflag:s23] =	ssyncadd.s32 @!p0 $0xFFFFF800;
	(pc) =	sbr.rel @p1 .LBB2_1-.Ltmp4, $4  }
0x7d: {  	[hbm4b:s12+s24] =	stream.linear.scatter @!p0 [tilespmem:s22], [sflag:$0x1], $0x800, $0x38;
	[tilespmem:$0x1AEA0] =	vst v63  }
0x7e: {  	_ =	swait.ge @!p0 [sflag:s23], $0x800  }
0x7f: {  	[sflag:s23] =	ssyncset.done @!p0 $0x0  }
0x80: {  	[sflag:s23] =	ssyncadd.s32 @!p0 $0xFFFFF800  }
0x81: {  	_ =	sfence.sel $0x180000  }
0x82: {  	[bflag:$0x0] =	sbarrier.arrive $0xFFFF  }
0x83: {  	p0 =	sne.s32 s0, $0x0;
	_ =	strace $0x90000047  }
0x84: {  	s0 =	sadd.s32 @!p0 $0x100000, s1;
	[bflag:$0x2] =	sbarrier.arrive $0xFFFF  }
0x85: {  	[sflag:s0] =	ssyncadd.tile.s32 @!p0 $0x1;
	_ =	shalt  }
.Lfunc_end2:
_tile_overlayer_lowered:
.L_overlay_start_2:
0x86: {  	(tag) =	ssettag $0x2  }
0x87: {  	s0 =	rddreg [dreg:$0x0];
	s2 =	stileid.u32  }
0x88: {  	s1 =	rddreg [dreg:$0x1];
	p0 =	sne.s32 s2, $0x0  }
0x89: {  	s3 =	rddreg [dreg:$0x2];
	[bflag:$0x3] =	sbarrier.arrive $0xFFFF;
	s2 =	simm.s32 @!p0 $0x1C01  }
0x8a: {  	[timem:s3], [sflag:s2] =	dma.local @!p0 [hbm:s0], s1  }
0x8b: {  	s0 =	simm.s32 @!p0 $0x1  }
0x8c: {  	_ =	swait.ge @!p0 [sflag:s0], s1  }
0x8d: {  	s1 =	ssub.s32 @!p0 $0x0, s1;
	[sflag:s0] =	ssyncset.done @!p0 $0x0  }
0x8e: {  	[sflag:s0] =	ssyncadd.s32 @!p0 s1  }
0x8f: {  	[bflag:$0x3] =	sbarrier.arrive $0xFFFF  }
0x90: {  	_ =	shalt  }

// kernel: kernel.16.cloned.1.call-start
scs
__scs_entry_jumppad:
0x0: {  	(pc) =	sbr.rel $0x88, $3  }
0x1: {  	(tag) =	ssettag $0x0;
	lr =	simm.s32 $0x1  }
0x2: {  	[smem:$0x3F8C] =	sst lr;
	_ =	strace $0xD0000000  }
0x3: {  	_ = 	snop  }
0x4: {  	_ = 	snop  }
0x5: {  	_ = 	snop  }
0x6: {  	_ = 	snop  }
0x7: {  	_ = 	snop  }
__scs_overlays_trampoline_lowered:
0x8: {  	[smem:$0x3F9B] =	sst s0  }
0x9: {  	[smem:$0x3F9C] =	sst s1  }
0xa: {  	[smem:$0x3F9D] =	sst s2  }
0xb: {  	[smem:$0x3F9E] =	sst s3  }
0xc: {  	[smem:$0x3F9F] =	sst s4  }
0xd: {  	[smem:$0x3FA0] =	sst s5  }
0xe: {  	[smem:$0x3FA1] =	sst s6  }
0xf: {  	[smem:$0x3FA2] =	sst s7  }
0x10: {  	[smem:$0x3FA3] =	sst s8  }
0x11: {  	[smem:$0x3FA4] =	sst s9;
	s0 =	simm.s32 @!p0 $0x0  }
0x12: {  	s1 =	sld [smem:$0x3F8A];
	s0 =	simm.s32 @p0 $0x1  }
0x13: {  	[smem:$0x3FA5] =	sst s0;
	s0 =	simm.s32 @!p1 $0x0  }
0x14: {  	s2 =	sld [smem:$0x3F89];
	s0 =	simm.s32 @p1 $0x1  }
0x15: {  	[smem:$0x3FA6] =	sst s0;
	s0 =	simm.s32 @!p2 $0x0  }
0x16: {  	s3 =	sld [smem:$0x3FDB];
	s0 =	simm.s32 @p2 $0x1  }
0x17: {  	s4 =	simm.s32 $0x1BF5;
	[smem:$0x3FA8] =	sst s0  }
0x18: {  	s0 =	sld [smem:$0x3F8B];
	_ =	swait.ge [sflag:s4], $0x0  }
0x19: {  	s7 =	sld [smem:$0x3F8C]  }
0x1a: {  	s8 =	sadd.s32 $0xFFFFE003, lr  }
0x1b: {  	s9 =	sadd.s32 $0xFFFFFEF7, lr;
	s5 =	simm.s32 $0xFFFFFFFF;
	p2 =	slt.u32 s8, $0xFFFFF086  }
0x1c: {  	p1 =	slt.u32 s9, $0xF7A;
	s5 =	simm.s32 @!p2 $0x0  }
0x1d: {  	s5 =	simm.s32 @p1 $0x1;
	p0 =	seq.s32 s7, s2  }
0x1e: {  	s7 =	smul.u32 @!p0 $0xF7A, s2;
	p2 =	seq.s32 @!p0 s5, $0x0  }
0x1f: {  	s9 =	smul.u32 $0xF7A, s1;
	s8 =	simm.s32 @!p0 $0x1BF5;
	p2 =	por !p2, p0  }
0x20: {  	[sflag:s8] =	ssyncset.s32 @!p0 $0xFFFFF086;
	s6 =	sadd.s32 @!p0 s3, s7;
	s7 =	simm.s32 @!p0 $0x108  }
0x21: {  	s3 =	sadd.s32 s3, s9;
	s6 =	sadd.s32 @!p0 $0x88, s6;
	s7 =	simm.s32 @p2 $0x1082  }
0x22: {  	[simem:s7], [sflag:s8] =	dma.local @!p0 [hbm:s6], $0xF7A  }
0x23: {  	s9 =	sor.u32 $0xD0000000, s2;
	s6 =	simm.s32 $0x108;
	_ =	swait.ge @!p0 [sflag:s8], $0x0  }
0x24: {  	s3 =	sadd.s32 $0x88, s3;
	s6 =	simm.s32 @!p1 $0x1082;
	[sflag:s4] =	ssyncset.s32 $0xFFFFF086  }
0x25: {  	[simem:s6], [sflag:s4] =	dma.local [hbm:s3], $0xF7A  }
0x26: {  	[smem:$0x3F8C] =	sst s1;
	(tag) =	ssettag s2;
	_ =	strace s9  }
0x27: {  	s1 =	sld [smem:$0x3F9C]  }
0x28: {  	s2 =	sld [smem:$0x3F9D]  }
0x29: {  	s4 =	sld [smem:$0x3F9F]  }
0x2a: {  	p0 =	seq.s32 s5, $0x0;
	s5 =	sld [smem:$0x3FA0]  }
0x2b: {  	s6 =	sld [smem:$0x3FA1]  }
0x2c: {  	s7 =	sld [smem:$0x3FA2]  }
0x2d: {  	s3 =	simm.s32 $0x108;
	s8 =	sld [smem:$0x3FA3]  }
0x2e: {  	s3 =	simm.s32 @!p0 $0x1082;
	s9 =	sld [smem:$0x3FA4]  }
0x2f: {  	lr =	sadd.s32 s0, s3;
	s0 =	sld [smem:$0x3F9B]  }
0x30: {  	s3 =	sld [smem:$0x3F9E]  }
0x31: {  	[smem:$0x3FA7] =	sst s10  }
0x32: {  	s10 =	sld [smem:$0x3FA5];
	_ =	sdelay $0x3  }
0x33: {  	p0 =	seq.s32 s10, $0x1;
	s10 =	sld [smem:$0x3FA7];
	_ =	sdelay $0x3  }
0x34: {  	[smem:$0x3FA7] =	sst s10  }
0x35: {  	s10 =	sld [smem:$0x3FA6];
	_ =	sdelay $0x3  }
0x36: {  	p1 =	seq.s32 s10, $0x1;
	s10 =	sld [smem:$0x3FA7];
	_ =	sdelay $0x3  }
0x37: {  	[smem:$0x3FA7] =	sst s10  }
0x38: {  	s10 =	sld [smem:$0x3FA8]  }
0x39: {  	_ = 	snop;
	(pc) =	sbr.ind lr, $3  }
0x3a: {  	_ = 	snop  }
0x3b: {  	_ = 	snop  }
0x3c: {  	p2 =	seq.s32 s10, $0x1;
	s10 =	sld [smem:$0x3FA7]  }
0x3d: {  	_ =	shalt  }
0x3e: {  	_ =	shalt  }
0x3f: {  	_ =	shalt  }
0x40: {  	_ =	shalt  }
0x41: {  	_ =	shalt  }
0x42: {  	_ =	shalt  }
0x43: {  	_ =	shalt  }
0x44: {  	_ =	shalt  }
0x45: {  	_ =	shalt  }
0x46: {  	_ =	shalt  }
0x47: {  	_ =	shalt  }
0x48: {  	_ =	shalt  }
0x49: {  	_ =	shalt  }
0x4a: {  	_ =	shalt  }
0x4b: {  	_ =	shalt  }
0x4c: {  	_ =	shalt  }
0x4d: {  	_ =	shalt  }
0x4e: {  	_ =	shalt  }
0x4f: {  	_ =	shalt  }
0x50: {  	_ =	shalt  }
0x51: {  	_ =	shalt  }
0x52: {  	_ =	shalt  }
0x53: {  	_ =	shalt  }
0x54: {  	_ =	shalt  }
0x55: {  	_ =	shalt  }
0x56: {  	_ =	shalt  }
0x57: {  	_ =	shalt  }
0x58: {  	_ =	shalt  }
0x59: {  	_ =	shalt  }
0x5a: {  	_ =	shalt  }
0x5b: {  	_ =	shalt  }
0x5c: {  	_ =	shalt  }
0x5d: {  	_ =	shalt  }
0x5e: {  	_ =	shalt  }
0x5f: {  	_ =	shalt  }
0x60: {  	_ =	shalt  }
0x61: {  	_ =	shalt  }
0x62: {  	_ =	shalt  }
0x63: {  	_ =	shalt  }
0x64: {  	_ =	shalt  }
0x65: {  	_ =	shalt  }
0x66: {  	_ =	shalt  }
0x67: {  	_ =	shalt  }
0x68: {  	_ =	shalt  }
0x69: {  	_ =	shalt  }
0x6a: {  	_ =	shalt  }
0x6b: {  	_ =	shalt  }
0x6c: {  	_ =	shalt  }
0x6d: {  	_ =	shalt  }
0x6e: {  	_ =	shalt  }
0x6f: {  	_ =	shalt  }
0x70: {  	_ =	shalt  }
0x71: {  	_ =	shalt  }
0x72: {  	_ =	shalt  }
0x73: {  	_ =	shalt  }
0x74: {  	_ =	shalt  }
0x75: {  	_ =	shalt  }
0x76: {  	_ =	shalt  }
0x77: {  	_ =	shalt  }
0x78: {  	_ =	shalt  }
0x79: {  	_ =	shalt  }
0x7a: {  	_ =	shalt  }
0x7b: {  	_ =	shalt  }
0x7c: {  	_ =	shalt  }
0x7d: {  	_ =	shalt  }
0x7e: {  	_ =	shalt  }
0x7f: {  	_ =	shalt  }
0x80: {  	_ =	shalt  }
0x81: {  	_ =	shalt  }
0x82: {  	_ =	shalt  }
0x83: {  	_ =	shalt  }
0x84: {  	_ =	shalt  }
0x85: {  	_ =	shalt  }
0x86: {  	_ =	shalt  }
0x87: {  	_ =	shalt  }
.Lfunc_end0:
.L_simem_size_0:
called_computation.1_lowered:
.L_overlay_start_0:
0x88: {  	s2 =	sld [smem:$0x3FD9]  }
0x89: {  	s3 =	sld [smem:$0x3FFE];
	_ =	sdelay $0x1  }
0x8a: {  	s1 =	srdreg.scid  }
0x8b: {  	s0 =	sand.u32 $0x1, s1  }
0x8c: {  	s17 =	sshll.u32 s0, $0xA;
	s2 =	sadd.s32 s3, s2  }
0x8d: {  	s2 =	sadd.s32 s2, s17  }
0x8e: {  	[smem:$0x3FB3] =	sst s2  }
0x8f: {  	_ = 	snop  }
0x90: {  	(tm) =	ssettm $0x1  }
0x91: {  	s18 =	sld [smem:$0x3FFB];
	_ =	sdelay $0x3  }
0x92: {  	_ =	strace s18  }
0x93: {  	s2 =	sld [smem:$0x3FFC];
	_ =	sdelay $0x3  }
0x94: {  	_ =	strace s2  }
0x95: {  	s2 =	sld [smem:$0x3FFD];
	_ =	sdelay $0x3  }
0x96: {  	_ =	strace s2  }
0x97: {  	_ =	strace $0x8FFFFFFF  }
0x98: {  	s19 =	sld [smem:$0x3FDB];
	_ =	sdelay $0x1  }
0x99: {  	s20 =	simm.s32 $_scs_section_size  }
0x9a: {  	s4 =	simm.s32 $_size__tile_overlayer_lowered;
	s5 =	simm.s32 $_tile_overlayer_lowered  }
0x9b: {  	s6 =	simm.s32 $0x1BFF;
	s21 =	sshll.u32 s5, $0x1;
	s3 =	sadd.s32 s20, s19  }
0x9c: {  	s22 =	simm.s32 $0x0;
	s4 =	sshll.u32 s4, $0x1;
	s5 =	sadd.s32 s21, s3  }
0x9d: {  	[timem:s22], [sflag:s6] =	dma.local [hbm:s5], s4  }
0x9e: {  	_ =	swait.ge [sflag:s6], s4  }
0x9f: {  	s4 =	ssub.s32 $0x0, s4;
	[sflag:s6] =	ssyncset.done $0x0  }
0xa0: {  	[sflag:s6] =	ssyncadd.s32 s4;
	_ =	sdelay $0x1  }
0xa1: {  	s23 =	simm.s32 $0x1B8B  }
0xa2: {  	_ =	swait.ge [sflag:s23], $0x1  }
0xa3: {  	[sflag:s23] =	ssyncset.done $0x0  }
0xa4: {  	[sflag:s23] =	ssyncadd.s32 $0xFFFFFFFF  }
0xa5: {  	s4 =	sld [smem:$0x0]  }
0xa6: {  	s5 =	sand.u32 $0xFFFFFFFE, s1  }
0xa7: {  	p0 =	sne.s32 s1, s5  }
0xa8: {  	s5 =	sshll.u32 @p0 s5, $0xE  }
0xa9: {  	s5 =	sadd.s32 @p0 $0x11B8D, s5;
	s6 =	sshll.u32 @p0 s4, $0x11  }
0xaa: {  	s5 =	sor.u32 @p0 s6, s5  }
0xab: {  	[sflag:s5] =	ssyncadd.remote.s32 @p0 $0x1;
	_ =	sdelay $0x1  }
0xac: {  	s5 =	simm.s32 @p0 $0x1B8D  }
0xad: {  	_ =	swait.eq @p0 [sflag:s5], $0x1  }
0xae: {  	[sflag:s5] =	ssyncadd.s32 @p0 $0xFFFFFFFF  }
0xaf: {  	s6 =	sshll.u32 @!p0 s1, $0xE  }
0xb0: {  	s6 =	sor.u32 @!p0 $0x4000, s6;
	s5 =	simm.s32 @!p0 $0x1B8D  }
0xb1: {  	s4 =	sshll.u32 @!p0 s4, $0x11;
	s6 =	sadd.s32 @!p0 $0x11B8D, s6;
	_ =	swait.eq @!p0 [sflag:s5], $0x1  }
0xb2: {  	s4 =	sor.u32 @!p0 s4, s6;
	[sflag:s5] =	ssyncadd.s32 @!p0 $0xFFFFFFFF  }
0xb3: {  	s25 =	simm.s32 $0x1B8E;
	s24 =	sld [smem:$0x3FFE];
	[sflag:s4] =	ssyncadd.remote.s32 @!p0 $0x1  }
0xb4: {  	s26 =	simm.s32 $execute0_lowered;
	[smem:$0x3FD2] =	sst s25  }
0xb5: {  	s5 =	sshll.u32 s26, $0x1;
	_ =	strace $0x80000049;
	[dreg:$0x1] =	wrdreg $0xFFFFFFFF  }
0xb6: {  	s28 =	simm.s32 $_size_execute0_lowered;
	s3 =	sadd.s32 s3, s5;
	[dreg:$0x0] =	wrdreg $0x0  }
0xb7: {  	s5 =	sshll.u32 s28, $0x1;
	[dreg:$0x2] =	wrdreg s3  }
0xb8: {  	[dreg:$0x3] =	wrdreg s5  }
0xb9: {  	[dreg:$0x4] =	wrdreg $0xC0  }
0xba: {  	_ =	task [dreg:s22], $0x5FFFF  }
0xbb: {  	[dreg:$0x1] =	wrdreg $0xFFFFFFFF  }
0xbc: {  	[dreg:$0x0] =	wrdreg $0x60  }
0xbd: {  	[dreg:$0x2] =	wrdreg s24  }
0xbe: {  	[dreg:$0x3] =	wrdreg $0x0  }
0xbf: {  	[dreg:$0x4] =	wrdreg $0xA  }
0xc0: {  	_ =	task.clear_ibuf [dreg:s22], $0x5FFFF;
	_ =	strace $0x90000049  }
0xc1: {  	s29 =	simm.s32 $0xA;
	_ =	strace $0x8000004B  }
0xc2: {  	_ =	swait.ge [sflag:s29], $0x1  }
0xc3: {  	[sflag:s29] =	ssyncadd.s32 $0xFFFFFFFF  }
0xc4: {  	_ =	strace $0x9000004B  }
0xc5: {  	_ =	sfence  }
0xc6: {  	s30 =	sld [smem:$0x0];
	_ =	sdelay $0x2  }
0xc7: {  	s31 =	sshll.u32 s1, $0xD;
	s1 =	sshrl.u32 s1, $0x2  }
0xc8: {  	s4 =	sand.u32 $0x4000, s31;
	s1 =	sadd.s32 s1, s30  }
0xc9: {  	s0 =	sor.u32 s4, s0;
	s1 =	sshll.u32 s1, $0x11  }
0xca: {  	s0 =	sor.u32 s1, s0  }
0xcb: {  	s0 =	sadd.s32 $0x8F2B, s0  }
0xcc: {  	[sflag:s0] =	ssyncadd.remote.s32 $0x1  }
0xcd: {  	_ =	sfence.sel $0xFFFF  }
0xce: {  	[dreg:$0x0] =	wrdreg $0xFFFFFFFF;
	(pc) =	sbr.abs _section_cstart, $3  }
0xcf: {  	[dreg:$0x1] =	wrdreg $0xFFFFFFFF  }
0xd0: {  	_ =	task.clear_ibuf [dreg:s22], $0x2FFFF;
	_ =	strace $0x9FFFFFFF  }
0xd1: {  	(tm) =	ssettm $0x7FFFFFFF  }
tec
execute0_lowered:
.L_overlay_start_1:
0x0: {  	(tag) =	ssettag $0x1  }
0x1: {  	s5 =	rddreg [dreg:$0x0]  }
0x2: {  	s2 =	rddreg [dreg:$0x1]  }
0x3: {  	s0 =	rddreg [dreg:$0x2]  }
0x4: {  	s4 =	srdreg.scid;
	s1 =	stileid.u32;
	s3 =	simm.s32 $0x0  }
0x5: {  	s16 =	simm.s32 $0x1FC80;
	s17 =	simm.s32 $0x50;
	s18 =	simm.s32 $0x1D480  }
0x6: {  	s19 =	simm.s32 $0x1;
	s20 =	simm.s32 $0x1FD00;
	s7 =	smul.u32 $0x4E20, s1  }
0x7: {  	s21 =	simm.s32 $0x0;
	s6 =	sand.u32 $0x1, s4;
	s9 =	smul.u32 $0x4E000, s1  }
0x8: {  	[smem:$0x7FF] =	sst s3;
	s4 =	sadd.s32 $0xC8A00, s5;
	s11 =	smul.u32 $0x13800, s1  }
0x9: {  	s12 =	sadd.s32 $0x165200, s5;
	p0 =	sne.s32 s1, $0xF;
	s8 =	smul.u32 $0x2710, s6  }
0xa: {  	_ =	strace $0x8000004A;
	s25 =	ssub.s32 $0x2, s6;
	s29 =	smul.u32 $0x138800, s6  }
0xb: {  	s10 =	sshrl.u32 s25, $0x1;
	s26 =	sshrl.u32 s9, $0x2;
	s28 =	sadd.s32 $0x9C00, s11  }
0xc: {  	s7 =	sadd.s32 s8, s7;
	s14 =	ssub.s32 s25, s10;
	s6 =	sadd.s32 s28, s2  }
0xd: {  	s30 =	sadd.s32 s11, s29;
	s8 =	sadd.s32 s29, s28;
	s9 =	sshrl.u32 s29, $0x3  }
0xe: {  	s7 =	sshrl.u32 s7, $0x3;
	s10 =	sshrl.u32 s30, $0x3;
	s31 =	sshrl.u32 s8, $0x3  }
0xf: {  	s15 =	sadd.s32 s12, s9;
	s11 =	smax.u32 s14, $0x1;
	s14 =	simm.s32 $0x13880  }
0x10: {  	s13 =	sadd.s32 s7, s5;
	s5 =	sadd.s32 s26, s2;
	s7 =	sadd.s32 $0x138000, s2  }
0x11: {  	s8 =	sadd.s32 s12, s10;
	s9 =	sadd.s32 s12, s31;
	s10 =	sadd.s32 $0x27000, s15  }
0x12: {  	v0 =	vimm.f32 $0.0e+00;
	s15 =	simm.s32 $0x2;
	s12 =	sadd.s32 $0x4E00, s13;
	s13 =	sadd.s32 $0xEC00, s13  }
.LBB2_1:
0x13: {  	s22 =	simm.s32 $0x0;
	s23 =	simm.s32 $0x200  }
.LBB2_2:
0x14: {  	p1 =	sne.s32 s23, $0x26E00;
	[tilespmem:s22+$0x138F0] =	vst v0  }
0x15: {  	[tilespmem:s22+$0x13880] =	vst v0  }
0x16: {  	[tilespmem:s22+$0x13890] =	vst v0  }
.Ltmp0:
0x17: {  	[tilespmem:s22+$0x138A0] =	vst v0;
	(pc) =	sbr.rel @p1 .LBB2_2-.Ltmp0, $4  }
0x18: {  	[tilespmem:s22+$0x138B0] =	vst v0  }
0x19: {  	[tilespmem:s22+$0x138C0] =	vst v0  }
0x1a: {  	[tilespmem:s22+$0x138D0] =	vst v0  }
0x1b: {  	[tilespmem:s22+$0x138E0] =	vst v0;
	s22 =	sshra.s32 s23, $0x2;
	s23 =	sadd.s32 $0x200, s23  }
0x1c: {  	[tilespmem:s22+$0x138F0] =	vst v0  }
0x1d: {  	[tilespmem:s22+$0x13880] =	vst v0  }
0x1e: {  	[tilespmem:s22+$0x13890] =	vst v0  }
0x1f: {  	[tilespmem:s22+$0x138A0] =	vst v0  }
0x20: {  	[tilespmem:s22+$0x138B0] =	vst v0  }
0x21: {  	[tilespmem:s22+$0x138C0] =	vst v0  }
0x22: {  	[tilespmem:s22+$0x138D0] =	vst v0  }
0x23: {  	[tilespmem:s22+$0x138E0] =	vst v0  }
0x24: {  	[spmem:s5] =	stream.linear.scatter [tilespmem:s14], [sflag:$0x2], $0x9C00, $0x38;
	[tilespmem:$0x1FD80] =	vst v63  }
0x25: {  	_ =	swait.ge [sflag:s15], $0x9C00  }
0x26: {  	[sflag:s15] =	ssyncset.done $0x0  }
0x27: {  	[sflag:s15] =	ssyncadd.s32 $0xFFFF6400  }
0x28: {  	[spmem:s6] =	stream.linear.scatter [tilespmem:s14], [sflag:$0x2], $0x9C00, $0x38;
	[tilespmem:$0x1FD80] =	vst v63  }
0x29: {  	_ =	swait.ge [sflag:s15], $0x9C00  }
0x2a: {  	[sflag:s15] =	ssyncset.done $0x0  }
0x2b: {  	s22 =	simm.s32 @!p0 $0x13880;
	[sflag:s15] =	ssyncadd.s32 $0xFFFF6400  }
0x2c: {  	[spmem:s7] =	stream.linear.scatter @!p0 [tilespmem:s22], [sflag:$0x2], $0x800, $0x38;
	[tilespmem:$0x1FD80] =	vst v63  }
0x2d: {  	s22 =	simm.s32 @!p0 $0x2  }
0x2e: {  	_ =	swait.ge @!p0 [sflag:s22], $0x800  }
0x2f: {  	[sflag:s22] =	ssyncset.done @!p0 $0x0  }
0x30: {  	[sflag:s22] =	ssyncadd.s32 @!p0 $0xFFFFF800  }
0x31: {  	s30 =	sadd.s32 $0x0, s13;
	[bflag:$0x0] =	sbarrier.arrive $0xFFFF  }
0x32: {  	[tilespmem:s16], [sflag:$0x2] =	stream.linear.gather [hbm4b:s30+s3], $0x50, $0x38;
	[tilespmem:$0x1FD80] =	vst v63  }
0x33: {  	_ =	swait.ge [sflag:s15], $0x50  }
0x34: {  	[sflag:s15] =	ssyncset.done $0x0  }
0x35: {  	[sflag:s15] =	ssyncadd.s32 $0xFFFFFFB0  }
0x36: {  	[tilespmem:s18], [sflag:$0x1] =	stream.indirect.gather [hbm4b:s4+s17], $0x80, s16, s17, $0xb8;
	[tilespmem:$0x1FD80] =	vst v63  }
0x37: {  	_ =	swait.ge [sflag:s19], $0x2800  }
0x38: {  	[sflag:s19] =	ssyncset.done $0x0  }
0x39: {  	s31 =	sadd.s32 $0x0, s12;
	[sflag:s19] =	ssyncadd.s32 $0xFFFFD800  }
0x3a: {  	[tilespmem:s20], [sflag:$0x2] =	stream.linear.gather [hbm4b:s31+s3], $0x50, $0x38;
	[tilespmem:$0x1FD80] =	vst v63  }
0x3b: {  	_ =	swait.ge [sflag:s15], $0x50  }
0x3c: {  	[sflag:s15] =	ssyncset.done $0x0  }
0x3d: {  	[sflag:s15] =	ssyncadd.s32 $0xFFFFFFB0  }
0x3e: {  	[spmem:s2] =	stream.indirect.scatter.add.f32 [tilespmem:s18], [sflag:$0x2], $0x80, s20, s17, $0xb8;
	[tilespmem:$0x1FD80] =	vst v63  }
0x3f: {  	_ =	swait.ge [sflag:s15], $0x2800  }
0x40: {  	s23 =	simm.s32 $0x14;
	s22 =	simm.s32 $0xA;
	[sflag:s15] =	ssyncset.done $0x0  }
.LBB2_4:
0x41: {  	s24 =	sadd.s32 s22, s13  }
0x42: {  	[sflag:s15] =	ssyncadd.s32 $0xFFFFD800;
	s25 =	smov.u32 s23;
	s26 =	sadd.s32 $0xA, s23  }
0x43: {  	[tilespmem:s16], [sflag:$0x2] =	stream.linear.gather [hbm4b:s24+s3], $0x50, $0x38;
	[tilespmem:$0x1FD80] =	vst v63  }
0x44: {  	p1 =	sne.s32 s23, $0x4D8;
	_ =	swait.ge [sflag:s15], $0x50  }
0x45: {  	[sflag:s15] =	ssyncset.done $0x0  }
0x46: {  	[sflag:s15] =	ssyncadd.s32 $0xFFFFFFB0  }
0x47: {  	[tilespmem:s18], [sflag:$0x1] =	stream.indirect.gather [hbm4b:s4+s17], $0x80, s16, s17, $0xb8;
	[tilespmem:$0x1FD80] =	vst v63  }
0x48: {  	_ =	swait.ge [sflag:s19], $0x2800  }
0x49: {  	[sflag:s19] =	ssyncset.done $0x0  }
0x4a: {  	s23 =	sadd.s32 s22, s12;
	s22 =	smov.u32 s25;
	[sflag:s19] =	ssyncadd.s32 $0xFFFFD800  }
0x4b: {  	[tilespmem:s20], [sflag:$0x2] =	stream.linear.gather [hbm4b:s23+s3], $0x50, $0x38;
	[tilespmem:$0x1FD80] =	vst v63  }
0x4c: {  	_ =	swait.ge [sflag:s15], $0x50  }
.Ltmp1:
0x4d: {  	[sflag:s15] =	ssyncset.done $0x0;
	(pc) =	sbr.rel @p1 .LBB2_4-.Ltmp1, $4  }
0x4e: {  	[sflag:s15] =	ssyncadd.s32 $0xFFFFFFB0  }
0x4f: {  	[spmem:s2] =	stream.indirect.scatter.add.f32 [tilespmem:s18], [sflag:$0x2], $0x80, s20, s17, $0xb8;
	[tilespmem:$0x1FD80] =	vst v63  }
0x50: {  	_ =	swait.ge [sflag:s15], $0x2800  }
0x51: {  	s23 =	smov.u32 s26;
	[sflag:s15] =	ssyncset.done $0x0  }
0x52: {  	s23 =	sadd.s32 s22, s13;
	[sflag:s15] =	ssyncadd.s32 $0xFFFFD800  }
0x53: {  	[tilespmem:s16], [sflag:$0x2] =	stream.linear.gather [hbm4b:s23+s3], $0x50, $0x38;
	[tilespmem:$0x1FD80] =	vst v63  }
0x54: {  	_ =	swait.ge [sflag:s15], $0x50  }
0x55: {  	[sflag:s15] =	ssyncset.done $0x0  }
0x56: {  	[sflag:s15] =	ssyncadd.s32 $0xFFFFFFB0  }
0x57: {  	[tilespmem:s18], [sflag:$0x1] =	stream.indirect.gather [hbm4b:s4+s17], $0x80, s16, s17, $0xb8;
	[tilespmem:$0x1FD80] =	vst v63  }
0x58: {  	_ =	swait.ge [sflag:s19], $0x2800  }
0x59: {  	[sflag:s19] =	ssyncset.done $0x0  }
0x5a: {  	s31 =	sadd.s32 s22, s12;
	[sflag:s19] =	ssyncadd.s32 $0xFFFFD800  }
0x5b: {  	[tilespmem:s20], [sflag:$0x2] =	stream.linear.gather [hbm4b:s31+s3], $0x50, $0x38;
	[tilespmem:$0x1FD80] =	vst v63  }
0x5c: {  	_ =	swait.ge [sflag:s15], $0x50  }
0x5d: {  	[sflag:s15] =	ssyncset.done $0x0  }
0x5e: {  	[sflag:s15] =	ssyncadd.s32 $0xFFFFFFB0  }
0x5f: {  	[spmem:s2] =	stream.indirect.scatter.add.f32 [tilespmem:s18], [sflag:$0x2], $0x80, s20, s17, $0xb8;
	[tilespmem:$0x1FD80] =	vst v63  }
0x60: {  	_ =	swait.ge [sflag:s15], $0x2800  }
0x61: {  	[sflag:s15] =	ssyncset.done $0x0  }
0x62: {  	[sflag:s15] =	ssyncadd.s32 $0xFFFFD800  }
0x63: {  	[bflag:$0x0] =	sbarrier.arrive $0xFFFF  }
0x64: {  	[tilespmem:s14], [sflag:$0x2] =	stream.linear.gather [spmem:s5], $0x9C00, $0x38;
	[tilespmem:$0x1FD80] =	vst v63  }
0x65: {  	_ =	swait.ge [sflag:s15], $0x9C00  }
0x66: {  	[sflag:s15] =	ssyncset.done $0x0  }
0x67: {  	[sflag:s15] =	ssyncadd.s32 $0xFFFF6400  }
0x68: {  	[hbm4b:s8+s3] =	stream.linear.scatter [tilespmem:s14], [sflag:$0x2], $0x9C00, $0x38;
	[tilespmem:$0x1FD80] =	vst v63  }
0x69: {  	_ =	swait.ge [sflag:s15], $0x9C00  }
0x6a: {  	[sflag:s15] =	ssyncset.done $0x0  }
0x6b: {  	[sflag:s15] =	ssyncadd.s32 $0xFFFF6400  }
0x6c: {  	[tilespmem:s14], [sflag:$0x2] =	stream.linear.gather [spmem:s6], $0x9C00, $0x38;
	[tilespmem:$0x1FD80] =	vst v63  }
0x6d: {  	_ =	swait.ge [sflag:s15], $0x9C00  }
0x6e: {  	[sflag:s15] =	ssyncset.done $0x0  }
0x6f: {  	[sflag:s15] =	ssyncadd.s32 $0xFFFF6400  }
0x70: {  	[hbm4b:s9+s3] =	stream.linear.scatter [tilespmem:s14], [sflag:$0x2], $0x9C00, $0x38;
	[tilespmem:$0x1FD80] =	vst v63  }
0x71: {  	_ =	swait.ge [sflag:s15], $0x9C00  }
0x72: {  	[sflag:s15] =	ssyncset.done $0x0  }
0x73: {  	s22 =	simm.s32 @!p0 $0x13880;
	s23 =	simm.s32 @!p0 $0x2;
	[sflag:s15] =	ssyncadd.s32 $0xFFFF6400  }
0x74: {  	[tilespmem:s22], [sflag:$0x2] =	stream.linear.gather @!p0 [spmem:s7], $0x800, $0x38;
	[tilespmem:$0x1FD80] =	vst v63  }
0x75: {  	s21 =	sadd.s32 $0x1, s21;
	_ =	swait.ge @!p0 [sflag:s23], $0x800  }
0x76: {  	p1 =	sne.s32 s21, s11;
	[sflag:s23] =	ssyncset.done @!p0 $0x0  }
.Ltmp2:
0x77: {  	s24 =	simm.s32 @!p0 $0x0;
	[sflag:s23] =	ssyncadd.s32 @!p0 $0xFFFFF800;
	(pc) =	sbr.rel @p1 .LBB2_1-.Ltmp2, $4  }
0x78: {  	[hbm4b:s10+s24] =	stream.linear.scatter @!p0 [tilespmem:s22], [sflag:$0x2], $0x800, $0x38;
	[tilespmem:$0x1FD80] =	vst v63  }
0x79: {  	_ =	swait.ge @!p0 [sflag:s23], $0x800  }
0x7a: {  	[sflag:s23] =	ssyncset.done @!p0 $0x0  }
0x7b: {  	[sflag:s23] =	ssyncadd.s32 @!p0 $0xFFFFF800  }
0x7c: {  	_ =	sfence.sel $0x180000  }
0x7d: {  	[bflag:$0x0] =	sbarrier.arrive $0xFFFF  }
0x7e: {  	p0 =	sne.s32 s1, $0x0;
	_ =	strace $0x9000004A  }
0x7f: {  	s0 =	sadd.s32 @!p0 $0x100000, s0;
	[bflag:$0x2] =	sbarrier.arrive $0xFFFF  }
0x80: {  	[sflag:s0] =	ssyncadd.tile.s32 @!p0 $0x1;
	_ =	shalt  }
.Lfunc_end2:
_tile_overlayer_lowered:
.L_overlay_start_2:
0x81: {  	(tag) =	ssettag $0x2  }
0x82: {  	s0 =	rddreg [dreg:$0x0];
	s2 =	stileid.u32  }
0x83: {  	s1 =	rddreg [dreg:$0x1];
	p0 =	sne.s32 s2, $0x0  }
0x84: {  	s3 =	rddreg [dreg:$0x2];
	[bflag:$0x3] =	sbarrier.arrive $0xFFFF;
	s2 =	simm.s32 @!p0 $0x1C02  }
0x85: {  	[timem:s3], [sflag:s2] =	dma.local @!p0 [hbm:s0], s1  }
0x86: {  	s0 =	simm.s32 @!p0 $0x2  }
0x87: {  	_ =	swait.ge @!p0 [sflag:s0], s1  }
0x88: {  	s1 =	ssub.s32 @!p0 $0x0, s1;
	[sflag:s0] =	ssyncset.done @!p0 $0x0  }
0x89: {  	[sflag:s0] =	ssyncadd.s32 @!p0 s1  }
0x8a: {  	[bflag:$0x3] =	sbarrier.arrive $0xFFFF  }
0x8b: {  	_ =	shalt  }

// kernel: kernel.19.cloned.1.call-start
scs
__scs_entry_jumppad:
0x0: {  	(pc) =	sbr.rel $0x88, $3  }
0x1: {  	(tag) =	ssettag $0x0;
	lr =	simm.s32 $0x1  }
0x2: {  	[smem:$0x3F8C] =	sst lr;
	_ =	strace $0xD0000000  }
0x3: {  	_ = 	snop  }
0x4: {  	_ = 	snop  }
0x5: {  	_ = 	snop  }
0x6: {  	_ = 	snop  }
0x7: {  	_ = 	snop  }
__scs_overlays_trampoline_lowered:
0x8: {  	[smem:$0x3F9B] =	sst s0  }
0x9: {  	[smem:$0x3F9C] =	sst s1  }
0xa: {  	[smem:$0x3F9D] =	sst s2  }
0xb: {  	[smem:$0x3F9E] =	sst s3  }
0xc: {  	[smem:$0x3F9F] =	sst s4  }
0xd: {  	[smem:$0x3FA0] =	sst s5  }
0xe: {  	[smem:$0x3FA1] =	sst s6  }
0xf: {  	[smem:$0x3FA2] =	sst s7  }
0x10: {  	[smem:$0x3FA3] =	sst s8  }
0x11: {  	[smem:$0x3FA4] =	sst s9;
	s0 =	simm.s32 @!p0 $0x0  }
0x12: {  	s1 =	sld [smem:$0x3F8A];
	s0 =	simm.s32 @p0 $0x1  }
0x13: {  	[smem:$0x3FA5] =	sst s0;
	s0 =	simm.s32 @!p1 $0x0  }
0x14: {  	s2 =	sld [smem:$0x3F89];
	s0 =	simm.s32 @p1 $0x1  }
0x15: {  	[smem:$0x3FA6] =	sst s0;
	s0 =	simm.s32 @!p2 $0x0  }
0x16: {  	s3 =	sld [smem:$0x3FDB];
	s0 =	simm.s32 @p2 $0x1  }
0x17: {  	s4 =	simm.s32 $0x1BF5;
	[smem:$0x3FA8] =	sst s0  }
0x18: {  	s0 =	sld [smem:$0x3F8B];
	_ =	swait.ge [sflag:s4], $0x0  }
0x19: {  	s7 =	sld [smem:$0x3F8C]  }
0x1a: {  	s8 =	sadd.s32 $0xFFFFE003, lr  }
0x1b: {  	s9 =	sadd.s32 $0xFFFFFEF7, lr;
	s5 =	simm.s32 $0xFFFFFFFF;
	p2 =	slt.u32 s8, $0xFFFFF086  }
0x1c: {  	p1 =	slt.u32 s9, $0xF7A;
	s5 =	simm.s32 @!p2 $0x0  }
0x1d: {  	s5 =	simm.s32 @p1 $0x1;
	p0 =	seq.s32 s7, s2  }
0x1e: {  	s7 =	smul.u32 @!p0 $0xF7A, s2;
	p2 =	seq.s32 @!p0 s5, $0x0  }
0x1f: {  	s9 =	smul.u32 $0xF7A, s1;
	s8 =	simm.s32 @!p0 $0x1BF5;
	p2 =	por !p2, p0  }
0x20: {  	[sflag:s8] =	ssyncset.s32 @!p0 $0xFFFFF086;
	s6 =	sadd.s32 @!p0 s3, s7;
	s7 =	simm.s32 @!p0 $0x108  }
0x21: {  	s3 =	sadd.s32 s3, s9;
	s6 =	sadd.s32 @!p0 $0x88, s6;
	s7 =	simm.s32 @p2 $0x1082  }
0x22: {  	[simem:s7], [sflag:s8] =	dma.local @!p0 [hbm:s6], $0xF7A  }
0x23: {  	s9 =	sor.u32 $0xD0000000, s2;
	s6 =	simm.s32 $0x108;
	_ =	swait.ge @!p0 [sflag:s8], $0x0  }
0x24: {  	s3 =	sadd.s32 $0x88, s3;
	s6 =	simm.s32 @!p1 $0x1082;
	[sflag:s4] =	ssyncset.s32 $0xFFFFF086  }
0x25: {  	[simem:s6], [sflag:s4] =	dma.local [hbm:s3], $0xF7A  }
0x26: {  	[smem:$0x3F8C] =	sst s1;
	(tag) =	ssettag s2;
	_ =	strace s9  }
0x27: {  	s1 =	sld [smem:$0x3F9C]  }
0x28: {  	s2 =	sld [smem:$0x3F9D]  }
0x29: {  	s4 =	sld [smem:$0x3F9F]  }
0x2a: {  	p0 =	seq.s32 s5, $0x0;
	s5 =	sld [smem:$0x3FA0]  }
0x2b: {  	s6 =	sld [smem:$0x3FA1]  }
0x2c: {  	s7 =	sld [smem:$0x3FA2]  }
0x2d: {  	s3 =	simm.s32 $0x108;
	s8 =	sld [smem:$0x3FA3]  }
0x2e: {  	s3 =	simm.s32 @!p0 $0x1082;
	s9 =	sld [smem:$0x3FA4]  }
0x2f: {  	lr =	sadd.s32 s0, s3;
	s0 =	sld [smem:$0x3F9B]  }
0x30: {  	s3 =	sld [smem:$0x3F9E]  }
0x31: {  	[smem:$0x3FA7] =	sst s10  }
0x32: {  	s10 =	sld [smem:$0x3FA5];
	_ =	sdelay $0x3  }
0x33: {  	p0 =	seq.s32 s10, $0x1;
	s10 =	sld [smem:$0x3FA7];
	_ =	sdelay $0x3  }
0x34: {  	[smem:$0x3FA7] =	sst s10  }
0x35: {  	s10 =	sld [smem:$0x3FA6];
	_ =	sdelay $0x3  }
0x36: {  	p1 =	seq.s32 s10, $0x1;
	s10 =	sld [smem:$0x3FA7];
	_ =	sdelay $0x3  }
0x37: {  	[smem:$0x3FA7] =	sst s10  }
0x38: {  	s10 =	sld [smem:$0x3FA8]  }
0x39: {  	_ = 	snop;
	(pc) =	sbr.ind lr, $3  }
0x3a: {  	_ = 	snop  }
0x3b: {  	_ = 	snop  }
0x3c: {  	p2 =	seq.s32 s10, $0x1;
	s10 =	sld [smem:$0x3FA7]  }
0x3d: {  	_ =	shalt  }
0x3e: {  	_ =	shalt  }
0x3f: {  	_ =	shalt  }
0x40: {  	_ =	shalt  }
0x41: {  	_ =	shalt  }
0x42: {  	_ =	shalt  }
0x43: {  	_ =	shalt  }
0x44: {  	_ =	shalt  }
0x45: {  	_ =	shalt  }
0x46: {  	_ =	shalt  }
0x47: {  	_ =	shalt  }
0x48: {  	_ =	shalt  }
0x49: {  	_ =	shalt  }
0x4a: {  	_ =	shalt  }
0x4b: {  	_ =	shalt  }
0x4c: {  	_ =	shalt  }
0x4d: {  	_ =	shalt  }
0x4e: {  	_ =	shalt  }
0x4f: {  	_ =	shalt  }
0x50: {  	_ =	shalt  }
0x51: {  	_ =	shalt  }
0x52: {  	_ =	shalt  }
0x53: {  	_ =	shalt  }
0x54: {  	_ =	shalt  }
0x55: {  	_ =	shalt  }
0x56: {  	_ =	shalt  }
0x57: {  	_ =	shalt  }
0x58: {  	_ =	shalt  }
0x59: {  	_ =	shalt  }
0x5a: {  	_ =	shalt  }
0x5b: {  	_ =	shalt  }
0x5c: {  	_ =	shalt  }
0x5d: {  	_ =	shalt  }
0x5e: {  	_ =	shalt  }
0x5f: {  	_ =	shalt  }
0x60: {  	_ =	shalt  }
0x61: {  	_ =	shalt  }
0x62: {  	_ =	shalt  }
0x63: {  	_ =	shalt  }
0x64: {  	_ =	shalt  }
0x65: {  	_ =	shalt  }
0x66: {  	_ =	shalt  }
0x67: {  	_ =	shalt  }
0x68: {  	_ =	shalt  }
0x69: {  	_ =	shalt  }
0x6a: {  	_ =	shalt  }
0x6b: {  	_ =	shalt  }
0x6c: {  	_ =	shalt  }
0x6d: {  	_ =	shalt  }
0x6e: {  	_ =	shalt  }
0x6f: {  	_ =	shalt  }
0x70: {  	_ =	shalt  }
0x71: {  	_ =	shalt  }
0x72: {  	_ =	shalt  }
0x73: {  	_ =	shalt  }
0x74: {  	_ =	shalt  }
0x75: {  	_ =	shalt  }
0x76: {  	_ =	shalt  }
0x77: {  	_ =	shalt  }
0x78: {  	_ =	shalt  }
0x79: {  	_ =	shalt  }
0x7a: {  	_ =	shalt  }
0x7b: {  	_ =	shalt  }
0x7c: {  	_ =	shalt  }
0x7d: {  	_ =	shalt  }
0x7e: {  	_ =	shalt  }
0x7f: {  	_ =	shalt  }
0x80: {  	_ =	shalt  }
0x81: {  	_ =	shalt  }
0x82: {  	_ =	shalt  }
0x83: {  	_ =	shalt  }
0x84: {  	_ =	shalt  }
0x85: {  	_ =	shalt  }
0x86: {  	_ =	shalt  }
0x87: {  	_ =	shalt  }
.Lfunc_end0:
.L_simem_size_0:
called_computation.2_lowered:
.L_overlay_start_0:
0x88: {  	s2 =	sld [smem:$0x3FD9]  }
0x89: {  	s3 =	sld [smem:$0x3FFE];
	_ =	sdelay $0x1  }
0x8a: {  	s1 =	srdreg.scid  }
0x8b: {  	s0 =	sand.u32 $0x1, s1  }
0x8c: {  	s17 =	sshll.u32 s0, $0xA;
	s2 =	sadd.s32 s3, s2  }
0x8d: {  	s2 =	sadd.s32 s2, s17  }
0x8e: {  	[smem:$0x3FB3] =	sst s2  }
0x8f: {  	_ = 	snop  }
0x90: {  	(tm) =	ssettm $0x1  }
0x91: {  	s18 =	sld [smem:$0x3FFB];
	_ =	sdelay $0x3  }
0x92: {  	_ =	strace s18  }
0x93: {  	s2 =	sld [smem:$0x3FFC];
	_ =	sdelay $0x3  }
0x94: {  	_ =	strace s2  }
0x95: {  	s2 =	sld [smem:$0x3FFD];
	_ =	sdelay $0x3  }
0x96: {  	_ =	strace s2  }
0x97: {  	_ =	strace $0x8FFFFFFF  }
0x98: {  	s19 =	sld [smem:$0x3FDB];
	_ =	sdelay $0x1  }
0x99: {  	s20 =	simm.s32 $_scs_section_size  }
0x9a: {  	s4 =	simm.s32 $_size__tile_overlayer_lowered;
	s5 =	simm.s32 $_tile_overlayer_lowered  }
0x9b: {  	s6 =	simm.s32 $0x1BFF;
	s21 =	sshll.u32 s5, $0x1;
	s3 =	sadd.s32 s20, s19  }
0x9c: {  	s22 =	simm.s32 $0x0;
	s4 =	sshll.u32 s4, $0x1;
	s5 =	sadd.s32 s21, s3  }
0x9d: {  	[timem:s22], [sflag:s6] =	dma.local [hbm:s5], s4  }
0x9e: {  	_ =	swait.ge [sflag:s6], s4  }
0x9f: {  	s4 =	ssub.s32 $0x0, s4;
	[sflag:s6] =	ssyncset.done $0x0  }
0xa0: {  	[sflag:s6] =	ssyncadd.s32 s4;
	_ =	sdelay $0x1  }
0xa1: {  	s23 =	simm.s32 $0x1B8B  }
0xa2: {  	_ =	swait.ge [sflag:s23], $0x1  }
0xa3: {  	[sflag:s23] =	ssyncset.done $0x0  }
0xa4: {  	[sflag:s23] =	ssyncadd.s32 $0xFFFFFFFF  }
0xa5: {  	s4 =	sld [smem:$0x0]  }
0xa6: {  	s5 =	sand.u32 $0xFFFFFFFE, s1  }
0xa7: {  	p0 =	sne.s32 s1, s5  }
0xa8: {  	s5 =	sshll.u32 @p0 s5, $0xE  }
0xa9: {  	s5 =	sadd.s32 @p0 $0x11B8D, s5;
	s6 =	sshll.u32 @p0 s4, $0x11  }
0xaa: {  	s5 =	sor.u32 @p0 s6, s5  }
0xab: {  	[sflag:s5] =	ssyncadd.remote.s32 @p0 $0x1;
	_ =	sdelay $0x1  }
0xac: {  	s5 =	simm.s32 @p0 $0x1B8D  }
0xad: {  	_ =	swait.eq @p0 [sflag:s5], $0x1  }
0xae: {  	[sflag:s5] =	ssyncadd.s32 @p0 $0xFFFFFFFF  }
0xaf: {  	s6 =	sshll.u32 @!p0 s1, $0xE  }
0xb0: {  	s6 =	sor.u32 @!p0 $0x4000, s6;
	s5 =	simm.s32 @!p0 $0x1B8D  }
0xb1: {  	s4 =	sshll.u32 @!p0 s4, $0x11;
	s6 =	sadd.s32 @!p0 $0x11B8D, s6;
	_ =	swait.eq @!p0 [sflag:s5], $0x1  }
0xb2: {  	s4 =	sor.u32 @!p0 s4, s6;
	[sflag:s5] =	ssyncadd.s32 @!p0 $0xFFFFFFFF  }
0xb3: {  	s25 =	simm.s32 $0x1B8E;
	s24 =	sld [smem:$0x3FFE];
	[sflag:s4] =	ssyncadd.remote.s32 @!p0 $0x1  }
0xb4: {  	s26 =	simm.s32 $execute0_lowered;
	[smem:$0x3FD2] =	sst s25  }
0xb5: {  	s5 =	sshll.u32 s26, $0x1;
	_ =	strace $0x8000004C;
	[dreg:$0x1] =	wrdreg $0xFFFFFFFF  }
0xb6: {  	s28 =	simm.s32 $_size_execute0_lowered;
	s3 =	sadd.s32 s3, s5;
	[dreg:$0x0] =	wrdreg $0x0  }
0xb7: {  	s5 =	sshll.u32 s28, $0x1;
	[dreg:$0x2] =	wrdreg s3  }
0xb8: {  	[dreg:$0x3] =	wrdreg s5  }
0xb9: {  	[dreg:$0x4] =	wrdreg $0xC0  }
0xba: {  	_ =	task [dreg:s22], $0x5FFFF  }
0xbb: {  	[dreg:$0x1] =	wrdreg $0xFFFFFFFF  }
0xbc: {  	[dreg:$0x0] =	wrdreg $0x60  }
0xbd: {  	[dreg:$0x2] =	wrdreg s24  }
0xbe: {  	[dreg:$0x3] =	wrdreg $0x0  }
0xbf: {  	[dreg:$0x4] =	wrdreg $0xB  }
0xc0: {  	_ =	task.clear_ibuf [dreg:s22], $0x5FFFF;
	_ =	strace $0x9000004C  }
0xc1: {  	s29 =	simm.s32 $0xB;
	_ =	strace $0x8000004E  }
0xc2: {  	_ =	swait.ge [sflag:s29], $0x1  }
0xc3: {  	[sflag:s29] =	ssyncadd.s32 $0xFFFFFFFF  }
0xc4: {  	_ =	strace $0x9000004E  }
0xc5: {  	_ =	sfence  }
0xc6: {  	s30 =	sld [smem:$0x0];
	_ =	sdelay $0x2  }
0xc7: {  	s31 =	sshll.u32 s1, $0xD;
	s1 =	sshrl.u32 s1, $0x2  }
0xc8: {  	s4 =	sand.u32 $0x4000, s31;
	s1 =	sadd.s32 s1, s30  }
0xc9: {  	s0 =	sor.u32 s4, s0;
	s1 =	sshll.u32 s1, $0x11  }
0xca: {  	s0 =	sor.u32 s1, s0  }
0xcb: {  	s0 =	sadd.s32 $0x8F2B, s0  }
0xcc: {  	[sflag:s0] =	ssyncadd.remote.s32 $0x1  }
0xcd: {  	_ =	sfence.sel $0xFFFF  }
0xce: {  	[dreg:$0x0] =	wrdreg $0xFFFFFFFF;
	(pc) =	sbr.abs _section_cstart, $3  }
0xcf: {  	[dreg:$0x1] =	wrdreg $0xFFFFFFFF  }
0xd0: {  	_ =	task.clear_ibuf [dreg:s22], $0x2FFFF;
	_ =	strace $0x9FFFFFFF  }
0xd1: {  	(tm) =	ssettm $0x7FFFFFFF  }
tec
execute0_lowered:
.L_overlay_start_1:
0x0: {  	(tag) =	ssettag $0x1  }
0x1: {  	s5 =	rddreg [dreg:$0x0]  }
0x2: {  	s2 =	rddreg [dreg:$0x1]  }
0x3: {  	s0 =	rddreg [dreg:$0x2]  }
0x4: {  	s4 =	srdreg.scid;
	s1 =	stileid.u32;
	s3 =	simm.s32 $0x0  }
0x5: {  	s16 =	simm.s32 $0x1FC80;
	s17 =	simm.s32 $0x50;
	s18 =	simm.s32 $0x1D480  }
0x6: {  	s19 =	simm.s32 $0x1;
	s20 =	simm.s32 $0x1FD00;
	s7 =	smul.u32 $0x4E20, s1  }
0x7: {  	s21 =	simm.s32 $0x0;
	s6 =	sand.u32 $0x1, s4;
	s9 =	smul.u32 $0x4E000, s1  }
0x8: {  	[smem:$0x7FF] =	sst s3;
	s4 =	sadd.s32 $0xEFC00, s5;
	s11 =	smul.u32 $0x13800, s1  }
0x9: {  	s12 =	sadd.s32 $0x1B3400, s5;
	p0 =	sne.s32 s1, $0xF;
	s8 =	smul.u32 $0x2710, s6  }
0xa: {  	_ =	strace $0x8000004D;
	s25 =	ssub.s32 $0x2, s6;
	s29 =	smul.u32 $0x138800, s6  }
0xb: {  	s10 =	sshrl.u32 s25, $0x1;
	s26 =	sshrl.u32 s9, $0x2;
	s28 =	sadd.s32 $0x9C00, s11  }
0xc: {  	s7 =	sadd.s32 s8, s7;
	s14 =	ssub.s32 s25, s10;
	s6 =	sadd.s32 s28, s2  }
0xd: {  	s30 =	sadd.s32 s11, s29;
	s8 =	sadd.s32 s29, s28;
	s9 =	sshrl.u32 s29, $0x3  }
0xe: {  	s7 =	sshrl.u32 s7, $0x3;
	s10 =	sshrl.u32 s30, $0x3;
	s31 =	sshrl.u32 s8, $0x3  }
0xf: {  	s15 =	sadd.s32 s12, s9;
	s11 =	smax.u32 s14, $0x1;
	s14 =	simm.s32 $0x13880  }
0x10: {  	s13 =	sadd.s32 s7, s5;
	s5 =	sadd.s32 s26, s2;
	s7 =	sadd.s32 $0x138000, s2  }
0x11: {  	s8 =	sadd.s32 s12, s10;
	s9 =	sadd.s32 s12, s31;
	s10 =	sadd.s32 $0x27000, s15  }
0x12: {  	v0 =	vimm.f32 $0.0e+00;
	s15 =	simm.s32 $0x2;
	s12 =	sadd.s32 $0x18A00, s13;
	s13 =	sadd.s32 $0x22800, s13  }
.LBB2_1:
0x13: {  	s22 =	simm.s32 $0x0;
	s23 =	simm.s32 $0x200  }
.LBB2_2:
0x14: {  	p1 =	sne.s32 s23, $0x26E00;
	[tilespmem:s22+$0x138F0] =	vst v0  }
0x15: {  	[tilespmem:s22+$0x13880] =	vst v0  }
0x16: {  	[tilespmem:s22+$0x13890] =	vst v0  }
.Ltmp0:
0x17: {  	[tilespmem:s22+$0x138A0] =	vst v0;
	(pc) =	sbr.rel @p1 .LBB2_2-.Ltmp0, $4  }
0x18: {  	[tilespmem:s22+$0x138B0] =	vst v0  }
0x19: {  	[tilespmem:s22+$0x138C0] =	vst v0  }
0x1a: {  	[tilespmem:s22+$0x138D0] =	vst v0  }
0x1b: {  	[tilespmem:s22+$0x138E0] =	vst v0;
	s22 =	sshra.s32 s23, $0x2;
	s23 =	sadd.s32 $0x200, s23  }
0x1c: {  	[tilespmem:s22+$0x138F0] =	vst v0  }
0x1d: {  	[tilespmem:s22+$0x13880] =	vst v0  }
0x1e: {  	[tilespmem:s22+$0x13890] =	vst v0  }
0x1f: {  	[tilespmem:s22+$0x138A0] =	vst v0  }
0x20: {  	[tilespmem:s22+$0x138B0] =	vst v0  }
0x21: {  	[tilespmem:s22+$0x138C0] =	vst v0  }
0x22: {  	[tilespmem:s22+$0x138D0] =	vst v0  }
0x23: {  	[tilespmem:s22+$0x138E0] =	vst v0  }
0x24: {  	[spmem:s5] =	stream.linear.scatter [tilespmem:s14], [sflag:$0x2], $0x9C00, $0x38;
	[tilespmem:$0x1FD80] =	vst v63  }
0x25: {  	_ =	swait.ge [sflag:s15], $0x9C00  }
0x26: {  	[sflag:s15] =	ssyncset.done $0x0  }
0x27: {  	[sflag:s15] =	ssyncadd.s32 $0xFFFF6400  }
0x28: {  	[spmem:s6] =	stream.linear.scatter [tilespmem:s14], [sflag:$0x2], $0x9C00, $0x38;
	[tilespmem:$0x1FD80] =	vst v63  }
0x29: {  	_ =	swait.ge [sflag:s15], $0x9C00  }
0x2a: {  	[sflag:s15] =	ssyncset.done $0x0  }
0x2b: {  	s22 =	simm.s32 @!p0 $0x13880;
	[sflag:s15] =	ssyncadd.s32 $0xFFFF6400  }
0x2c: {  	[spmem:s7] =	stream.linear.scatter @!p0 [tilespmem:s22], [sflag:$0x2], $0x800, $0x38;
	[tilespmem:$0x1FD80] =	vst v63  }
0x2d: {  	s22 =	simm.s32 @!p0 $0x2  }
0x2e: {  	_ =	swait.ge @!p0 [sflag:s22], $0x800  }
0x2f: {  	[sflag:s22] =	ssyncset.done @!p0 $0x0  }
0x30: {  	[sflag:s22] =	ssyncadd.s32 @!p0 $0xFFFFF800  }
0x31: {  	s30 =	sadd.s32 $0x0, s13;
	[bflag:$0x0] =	sbarrier.arrive $0xFFFF  }
0x32: {  	[tilespmem:s16], [sflag:$0x2] =	stream.linear.gather [hbm4b:s30+s3], $0x50, $0x38;
	[tilespmem:$0x1FD80] =	vst v63  }
0x33: {  	_ =	swait.ge [sflag:s15], $0x50  }
0x34: {  	[sflag:s15] =	ssyncset.done $0x0  }
0x35: {  	[sflag:s15] =	ssyncadd.s32 $0xFFFFFFB0  }
0x36: {  	[tilespmem:s18], [sflag:$0x1] =	stream.indirect.gather [hbm4b:s4+s17], $0x80, s16, s17, $0xb8;
	[tilespmem:$0x1FD80] =	vst v63  }
0x37: {  	_ =	swait.ge [sflag:s19], $0x2800  }
0x38: {  	[sflag:s19] =	ssyncset.done $0x0  }
0x39: {  	s31 =	sadd.s32 $0x0, s12;
	[sflag:s19] =	ssyncadd.s32 $0xFFFFD800  }
0x3a: {  	[tilespmem:s20], [sflag:$0x2] =	stream.linear.gather [hbm4b:s31+s3], $0x50, $0x38;
	[tilespmem:$0x1FD80] =	vst v63  }
0x3b: {  	_ =	swait.ge [sflag:s15], $0x50  }
0x3c: {  	[sflag:s15] =	ssyncset.done $0x0  }
0x3d: {  	[sflag:s15] =	ssyncadd.s32 $0xFFFFFFB0  }
0x3e: {  	[spmem:s2] =	stream.indirect.scatter.add.f32 [tilespmem:s18], [sflag:$0x2], $0x80, s20, s17, $0xb8;
	[tilespmem:$0x1FD80] =	vst v63  }
0x3f: {  	_ =	swait.ge [sflag:s15], $0x2800  }
0x40: {  	s23 =	simm.s32 $0x14;
	s22 =	simm.s32 $0xA;
	[sflag:s15] =	ssyncset.done $0x0  }
.LBB2_4:
0x41: {  	s24 =	sadd.s32 s22, s13  }
0x42: {  	[sflag:s15] =	ssyncadd.s32 $0xFFFFD800;
	s25 =	smov.u32 s23;
	s26 =	sadd.s32 $0xA, s23  }
0x43: {  	[tilespmem:s16], [sflag:$0x2] =	stream.linear.gather [hbm4b:s24+s3], $0x50, $0x38;
	[tilespmem:$0x1FD80] =	vst v63  }
0x44: {  	p1 =	sne.s32 s23, $0x4D8;
	_ =	swait.ge [sflag:s15], $0x50  }
0x45: {  	[sflag:s15] =	ssyncset.done $0x0  }
0x46: {  	[sflag:s15] =	ssyncadd.s32 $0xFFFFFFB0  }
0x47: {  	[tilespmem:s18], [sflag:$0x1] =	stream.indirect.gather [hbm4b:s4+s17], $0x80, s16, s17, $0xb8;
	[tilespmem:$0x1FD80] =	vst v63  }
0x48: {  	_ =	swait.ge [sflag:s19], $0x2800  }
0x49: {  	[sflag:s19] =	ssyncset.done $0x0  }
0x4a: {  	s23 =	sadd.s32 s22, s12;
	s22 =	smov.u32 s25;
	[sflag:s19] =	ssyncadd.s32 $0xFFFFD800  }
0x4b: {  	[tilespmem:s20], [sflag:$0x2] =	stream.linear.gather [hbm4b:s23+s3], $0x50, $0x38;
	[tilespmem:$0x1FD80] =	vst v63  }
0x4c: {  	_ =	swait.ge [sflag:s15], $0x50  }
.Ltmp1:
0x4d: {  	[sflag:s15] =	ssyncset.done $0x0;
	(pc) =	sbr.rel @p1 .LBB2_4-.Ltmp1, $4  }
0x4e: {  	[sflag:s15] =	ssyncadd.s32 $0xFFFFFFB0  }
0x4f: {  	[spmem:s2] =	stream.indirect.scatter.add.f32 [tilespmem:s18], [sflag:$0x2], $0x80, s20, s17, $0xb8;
	[tilespmem:$0x1FD80] =	vst v63  }
0x50: {  	_ =	swait.ge [sflag:s15], $0x2800  }
0x51: {  	s23 =	smov.u32 s26;
	[sflag:s15] =	ssyncset.done $0x0  }
0x52: {  	s23 =	sadd.s32 s22, s13;
	[sflag:s15] =	ssyncadd.s32 $0xFFFFD800  }
0x53: {  	[tilespmem:s16], [sflag:$0x2] =	stream.linear.gather [hbm4b:s23+s3], $0x50, $0x38;
	[tilespmem:$0x1FD80] =	vst v63  }
0x54: {  	_ =	swait.ge [sflag:s15], $0x50  }
0x55: {  	[sflag:s15] =	ssyncset.done $0x0  }
0x56: {  	[sflag:s15] =	ssyncadd.s32 $0xFFFFFFB0  }
0x57: {  	[tilespmem:s18], [sflag:$0x1] =	stream.indirect.gather [hbm4b:s4+s17], $0x80, s16, s17, $0xb8;
	[tilespmem:$0x1FD80] =	vst v63  }
0x58: {  	_ =	swait.ge [sflag:s19], $0x2800  }
0x59: {  	[sflag:s19] =	ssyncset.done $0x0  }
0x5a: {  	s31 =	sadd.s32 s22, s12;
	[sflag:s19] =	ssyncadd.s32 $0xFFFFD800  }
0x5b: {  	[tilespmem:s20], [sflag:$0x2] =	stream.linear.gather [hbm4b:s31+s3], $0x50, $0x38;
	[tilespmem:$0x1FD80] =	vst v63  }
0x5c: {  	_ =	swait.ge [sflag:s15], $0x50  }
0x5d: {  	[sflag:s15] =	ssyncset.done $0x0  }
0x5e: {  	[sflag:s15] =	ssyncadd.s32 $0xFFFFFFB0  }
0x5f: {  	[spmem:s2] =	stream.indirect.scatter.add.f32 [tilespmem:s18], [sflag:$0x2], $0x80, s20, s17, $0xb8;
	[tilespmem:$0x1FD80] =	vst v63  }
0x60: {  	_ =	swait.ge [sflag:s15], $0x2800  }
0x61: {  	[sflag:s15] =	ssyncset.done $0x0  }
0x62: {  	[sflag:s15] =	ssyncadd.s32 $0xFFFFD800  }
0x63: {  	[bflag:$0x0] =	sbarrier.arrive $0xFFFF  }
0x64: {  	[tilespmem:s14], [sflag:$0x2] =	stream.linear.gather [spmem:s5], $0x9C00, $0x38;
	[tilespmem:$0x1FD80] =	vst v63  }
0x65: {  	_ =	swait.ge [sflag:s15], $0x9C00  }
0x66: {  	[sflag:s15] =	ssyncset.done $0x0  }
0x67: {  	[sflag:s15] =	ssyncadd.s32 $0xFFFF6400  }
0x68: {  	[hbm4b:s8+s3] =	stream.linear.scatter [tilespmem:s14], [sflag:$0x2], $0x9C00, $0x38;
	[tilespmem:$0x1FD80] =	vst v63  }
0x69: {  	_ =	swait.ge [sflag:s15], $0x9C00  }
0x6a: {  	[sflag:s15] =	ssyncset.done $0x0  }
0x6b: {  	[sflag:s15] =	ssyncadd.s32 $0xFFFF6400  }
0x6c: {  	[tilespmem:s14], [sflag:$0x2] =	stream.linear.gather [spmem:s6], $0x9C00, $0x38;
	[tilespmem:$0x1FD80] =	vst v63  }
0x6d: {  	_ =	swait.ge [sflag:s15], $0x9C00  }
0x6e: {  	[sflag:s15] =	ssyncset.done $0x0  }
0x6f: {  	[sflag:s15] =	ssyncadd.s32 $0xFFFF6400  }
0x70: {  	[hbm4b:s9+s3] =	stream.linear.scatter [tilespmem:s14], [sflag:$0x2], $0x9C00, $0x38;
	[tilespmem:$0x1FD80] =	vst v63  }
0x71: {  	_ =	swait.ge [sflag:s15], $0x9C00  }
0x72: {  	[sflag:s15] =	ssyncset.done $0x0  }
0x73: {  	s22 =	simm.s32 @!p0 $0x13880;
	s23 =	simm.s32 @!p0 $0x2;
	[sflag:s15] =	ssyncadd.s32 $0xFFFF6400  }
0x74: {  	[tilespmem:s22], [sflag:$0x2] =	stream.linear.gather @!p0 [spmem:s7], $0x800, $0x38;
	[tilespmem:$0x1FD80] =	vst v63  }
0x75: {  	s21 =	sadd.s32 $0x1, s21;
	_ =	swait.ge @!p0 [sflag:s23], $0x800  }
0x76: {  	p1 =	sne.s32 s21, s11;
	[sflag:s23] =	ssyncset.done @!p0 $0x0  }
.Ltmp2:
0x77: {  	s24 =	simm.s32 @!p0 $0x0;
	[sflag:s23] =	ssyncadd.s32 @!p0 $0xFFFFF800;
	(pc) =	sbr.rel @p1 .LBB2_1-.Ltmp2, $4  }
0x78: {  	[hbm4b:s10+s24] =	stream.linear.scatter @!p0 [tilespmem:s22], [sflag:$0x2], $0x800, $0x38;
	[tilespmem:$0x1FD80] =	vst v63  }
0x79: {  	_ =	swait.ge @!p0 [sflag:s23], $0x800  }
0x7a: {  	[sflag:s23] =	ssyncset.done @!p0 $0x0  }
0x7b: {  	[sflag:s23] =	ssyncadd.s32 @!p0 $0xFFFFF800  }
0x7c: {  	_ =	sfence.sel $0x180000  }
0x7d: {  	[bflag:$0x0] =	sbarrier.arrive $0xFFFF  }
0x7e: {  	p0 =	sne.s32 s1, $0x0;
	_ =	strace $0x9000004D  }
0x7f: {  	s0 =	sadd.s32 @!p0 $0x100000, s0;
	[bflag:$0x2] =	sbarrier.arrive $0xFFFF  }
0x80: {  	[sflag:s0] =	ssyncadd.tile.s32 @!p0 $0x1;
	_ =	shalt  }
.Lfunc_end2:
_tile_overlayer_lowered:
.L_overlay_start_2:
0x81: {  	(tag) =	ssettag $0x2  }
0x82: {  	s0 =	rddreg [dreg:$0x0];
	s2 =	stileid.u32  }
0x83: {  	s1 =	rddreg [dreg:$0x1];
	p0 =	sne.s32 s2, $0x0  }
0x84: {  	s3 =	rddreg [dreg:$0x2];
	[bflag:$0x3] =	sbarrier.arrive $0xFFFF;
	s2 =	simm.s32 @!p0 $0x1C02  }
0x85: {  	[timem:s3], [sflag:s2] =	dma.local @!p0 [hbm:s0], s1  }
0x86: {  	s0 =	simm.s32 @!p0 $0x2  }
0x87: {  	_ =	swait.ge @!p0 [sflag:s0], s1  }
0x88: {  	s1 =	ssub.s32 @!p0 $0x0, s1;
	[sflag:s0] =	ssyncset.done @!p0 $0x0  }
0x89: {  	[sflag:s0] =	ssyncadd.s32 @!p0 s1  }
0x8a: {  	[bflag:$0x3] =	sbarrier.arrive $0xFFFF  }
0x8b: {  	_ =	shalt  }

// kernel: kernel.22.cloned.1.call-start
scs
__scs_entry_jumppad:
0x0: {  	(pc) =	sbr.rel $0x88, $3  }
0x1: {  	(tag) =	ssettag $0x0;
	lr =	simm.s32 $0x1  }
0x2: {  	[smem:$0x3F8C] =	sst lr;
	_ =	strace $0xD0000000  }
0x3: {  	_ = 	snop  }
0x4: {  	_ = 	snop  }
0x5: {  	_ = 	snop  }
0x6: {  	_ = 	snop  }
0x7: {  	_ = 	snop  }
__scs_overlays_trampoline_lowered:
0x8: {  	[smem:$0x3F9B] =	sst s0  }
0x9: {  	[smem:$0x3F9C] =	sst s1  }
0xa: {  	[smem:$0x3F9D] =	sst s2  }
0xb: {  	[smem:$0x3F9E] =	sst s3  }
0xc: {  	[smem:$0x3F9F] =	sst s4  }
0xd: {  	[smem:$0x3FA0] =	sst s5  }
0xe: {  	[smem:$0x3FA1] =	sst s6  }
0xf: {  	[smem:$0x3FA2] =	sst s7  }
0x10: {  	[smem:$0x3FA3] =	sst s8  }
0x11: {  	[smem:$0x3FA4] =	sst s9;
	s0 =	simm.s32 @!p0 $0x0  }
0x12: {  	s1 =	sld [smem:$0x3F8A];
	s0 =	simm.s32 @p0 $0x1  }
0x13: {  	[smem:$0x3FA5] =	sst s0;
	s0 =	simm.s32 @!p1 $0x0  }
0x14: {  	s2 =	sld [smem:$0x3F89];
	s0 =	simm.s32 @p1 $0x1  }
0x15: {  	[smem:$0x3FA6] =	sst s0;
	s0 =	simm.s32 @!p2 $0x0  }
0x16: {  	s3 =	sld [smem:$0x3FDB];
	s0 =	simm.s32 @p2 $0x1  }
0x17: {  	s4 =	simm.s32 $0x1BF5;
	[smem:$0x3FA8] =	sst s0  }
0x18: {  	s0 =	sld [smem:$0x3F8B];
	_ =	swait.ge [sflag:s4], $0x0  }
0x19: {  	s7 =	sld [smem:$0x3F8C]  }
0x1a: {  	s8 =	sadd.s32 $0xFFFFE003, lr  }
0x1b: {  	s9 =	sadd.s32 $0xFFFFFEF7, lr;
	s5 =	simm.s32 $0xFFFFFFFF;
	p2 =	slt.u32 s8, $0xFFFFF086  }
0x1c: {  	p1 =	slt.u32 s9, $0xF7A;
	s5 =	simm.s32 @!p2 $0x0  }
0x1d: {  	s5 =	simm.s32 @p1 $0x1;
	p0 =	seq.s32 s7, s2  }
0x1e: {  	s7 =	smul.u32 @!p0 $0xF7A, s2;
	p2 =	seq.s32 @!p0 s5, $0x0  }
0x1f: {  	s9 =	smul.u32 $0xF7A, s1;
	s8 =	simm.s32 @!p0 $0x1BF5;
	p2 =	por !p2, p0  }
0x20: {  	[sflag:s8] =	ssyncset.s32 @!p0 $0xFFFFF086;
	s6 =	sadd.s32 @!p0 s3, s7;
	s7 =	simm.s32 @!p0 $0x108  }
0x21: {  	s3 =	sadd.s32 s3, s9;
	s6 =	sadd.s32 @!p0 $0x88, s6;
	s7 =	simm.s32 @p2 $0x1082  }
0x22: {  	[simem:s7], [sflag:s8] =	dma.local @!p0 [hbm:s6], $0xF7A  }
0x23: {  	s9 =	sor.u32 $0xD0000000, s2;
	s6 =	simm.s32 $0x108;
	_ =	swait.ge @!p0 [sflag:s8], $0x0  }
0x24: {  	s3 =	sadd.s32 $0x88, s3;
	s6 =	simm.s32 @!p1 $0x1082;
	[sflag:s4] =	ssyncset.s32 $0xFFFFF086  }
0x25: {  	[simem:s6], [sflag:s4] =	dma.local [hbm:s3], $0xF7A  }
0x26: {  	[smem:$0x3F8C] =	sst s1;
	(tag) =	ssettag s2;
	_ =	strace s9  }
0x27: {  	s1 =	sld [smem:$0x3F9C]  }
0x28: {  	s2 =	sld [smem:$0x3F9D]  }
0x29: {  	s4 =	sld [smem:$0x3F9F]  }
0x2a: {  	p0 =	seq.s32 s5, $0x0;
	s5 =	sld [smem:$0x3FA0]  }
0x2b: {  	s6 =	sld [smem:$0x3FA1]  }
0x2c: {  	s7 =	sld [smem:$0x3FA2]  }
0x2d: {  	s3 =	simm.s32 $0x108;
	s8 =	sld [smem:$0x3FA3]  }
0x2e: {  	s3 =	simm.s32 @!p0 $0x1082;
	s9 =	sld [smem:$0x3FA4]  }
0x2f: {  	lr =	sadd.s32 s0, s3;
	s0 =	sld [smem:$0x3F9B]  }
0x30: {  	s3 =	sld [smem:$0x3F9E]  }
0x31: {  	[smem:$0x3FA7] =	sst s10  }
0x32: {  	s10 =	sld [smem:$0x3FA5];
	_ =	sdelay $0x3  }
0x33: {  	p0 =	seq.s32 s10, $0x1;
	s10 =	sld [smem:$0x3FA7];
	_ =	sdelay $0x3  }
0x34: {  	[smem:$0x3FA7] =	sst s10  }
0x35: {  	s10 =	sld [smem:$0x3FA6];
	_ =	sdelay $0x3  }
0x36: {  	p1 =	seq.s32 s10, $0x1;
	s10 =	sld [smem:$0x3FA7];
	_ =	sdelay $0x3  }
0x37: {  	[smem:$0x3FA7] =	sst s10  }
0x38: {  	s10 =	sld [smem:$0x3FA8]  }
0x39: {  	_ = 	snop;
	(pc) =	sbr.ind lr, $3  }
0x3a: {  	_ = 	snop  }
0x3b: {  	_ = 	snop  }
0x3c: {  	p2 =	seq.s32 s10, $0x1;
	s10 =	sld [smem:$0x3FA7]  }
0x3d: {  	_ =	shalt  }
0x3e: {  	_ =	shalt  }
0x3f: {  	_ =	shalt  }
0x40: {  	_ =	shalt  }
0x41: {  	_ =	shalt  }
0x42: {  	_ =	shalt  }
0x43: {  	_ =	shalt  }
0x44: {  	_ =	shalt  }
0x45: {  	_ =	shalt  }
0x46: {  	_ =	shalt  }
0x47: {  	_ =	shalt  }
0x48: {  	_ =	shalt  }
0x49: {  	_ =	shalt  }
0x4a: {  	_ =	shalt  }
0x4b: {  	_ =	shalt  }
0x4c: {  	_ =	shalt  }
0x4d: {  	_ =	shalt  }
0x4e: {  	_ =	shalt  }
0x4f: {  	_ =	shalt  }
0x50: {  	_ =	shalt  }
0x51: {  	_ =	shalt  }
0x52: {  	_ =	shalt  }
0x53: {  	_ =	shalt  }
0x54: {  	_ =	shalt  }
0x55: {  	_ =	shalt  }
0x56: {  	_ =	shalt  }
0x57: {  	_ =	shalt  }
0x58: {  	_ =	shalt  }
0x59: {  	_ =	shalt  }
0x5a: {  	_ =	shalt  }
0x5b: {  	_ =	shalt  }
0x5c: {  	_ =	shalt  }
0x5d: {  	_ =	shalt  }
0x5e: {  	_ =	shalt  }
0x5f: {  	_ =	shalt  }
0x60: {  	_ =	shalt  }
0x61: {  	_ =	shalt  }
0x62: {  	_ =	shalt  }
0x63: {  	_ =	shalt  }
0x64: {  	_ =	shalt  }
0x65: {  	_ =	shalt  }
0x66: {  	_ =	shalt  }
0x67: {  	_ =	shalt  }
0x68: {  	_ =	shalt  }
0x69: {  	_ =	shalt  }
0x6a: {  	_ =	shalt  }
0x6b: {  	_ =	shalt  }
0x6c: {  	_ =	shalt  }
0x6d: {  	_ =	shalt  }
0x6e: {  	_ =	shalt  }
0x6f: {  	_ =	shalt  }
0x70: {  	_ =	shalt  }
0x71: {  	_ =	shalt  }
0x72: {  	_ =	shalt  }
0x73: {  	_ =	shalt  }
0x74: {  	_ =	shalt  }
0x75: {  	_ =	shalt  }
0x76: {  	_ =	shalt  }
0x77: {  	_ =	shalt  }
0x78: {  	_ =	shalt  }
0x79: {  	_ =	shalt  }
0x7a: {  	_ =	shalt  }
0x7b: {  	_ =	shalt  }
0x7c: {  	_ =	shalt  }
0x7d: {  	_ =	shalt  }
0x7e: {  	_ =	shalt  }
0x7f: {  	_ =	shalt  }
0x80: {  	_ =	shalt  }
0x81: {  	_ =	shalt  }
0x82: {  	_ =	shalt  }
0x83: {  	_ =	shalt  }
0x84: {  	_ =	shalt  }
0x85: {  	_ =	shalt  }
0x86: {  	_ =	shalt  }
0x87: {  	_ =	shalt  }
.Lfunc_end0:
.L_simem_size_0:
called_computation.3_lowered:
.L_overlay_start_0:
0x88: {  	s2 =	sld [smem:$0x3FD9]  }
0x89: {  	s3 =	sld [smem:$0x3FFE];
	_ =	sdelay $0x1  }
0x8a: {  	s1 =	srdreg.scid  }
0x8b: {  	s0 =	sand.u32 $0x1, s1  }
0x8c: {  	s16 =	sshll.u32 s0, $0xA;
	s2 =	sadd.s32 s3, s2  }
0x8d: {  	s2 =	sadd.s32 s2, s16  }
0x8e: {  	[smem:$0x3FB3] =	sst s2  }
0x8f: {  	_ = 	snop  }
0x90: {  	(tm) =	ssettm $0x1  }
0x91: {  	s17 =	sld [smem:$0x3FFB];
	_ =	sdelay $0x3  }
0x92: {  	_ =	strace s17  }
0x93: {  	s2 =	sld [smem:$0x3FFC];
	_ =	sdelay $0x3  }
0x94: {  	_ =	strace s2  }
0x95: {  	s2 =	sld [smem:$0x3FFD];
	_ =	sdelay $0x3  }
0x96: {  	_ =	strace s2  }
0x97: {  	_ =	strace $0x8FFFFFFF  }
0x98: {  	s18 =	sld [smem:$0x3FDB];
	_ =	sdelay $0x1  }
0x99: {  	s19 =	simm.s32 $_scs_section_size  }
0x9a: {  	s4 =	simm.s32 $_size__tile_overlayer_lowered;
	s5 =	simm.s32 $_tile_overlayer_lowered  }
0x9b: {  	s22 =	simm.s32 $0x1BFF;
	s21 =	sshll.u32 s5, $0x1;
	s2 =	sadd.s32 s19, s18  }
0x9c: {  	s6 =	simm.s32 $0x0;
	s20 =	sshll.u32 s4, $0x1;
	s4 =	sadd.s32 s21, s2  }
0x9d: {  	[timem:s6], [sflag:s22] =	dma.local [hbm:s4], s20  }
0x9e: {  	_ =	swait.ge [sflag:s22], s20  }
0x9f: {  	s3 =	ssub.s32 $0x0, s20;
	[sflag:s22] =	ssyncset.done $0x0  }
0xa0: {  	[sflag:s22] =	ssyncadd.s32 s3;
	_ =	sdelay $0x1  }
0xa1: {  	s23 =	simm.s32 $0x1B8B  }
0xa2: {  	_ =	swait.ge [sflag:s23], $0x1  }
0xa3: {  	[sflag:s23] =	ssyncset.done $0x0  }
0xa4: {  	s25 =	simm.s32 $0x1B8E;
	s24 =	sld [smem:$0x3FFE];
	[sflag:s23] =	ssyncadd.s32 $0xFFFFFFFF  }
0xa5: {  	s26 =	simm.s32 $execute0_lowered;
	[smem:$0x3FD2] =	sst s25  }
0xa6: {  	s4 =	sshll.u32 s26, $0x1;
	_ =	strace $0x8000004F;
	[dreg:$0x1] =	wrdreg $0xFFFFFFFF  }
0xa7: {  	s28 =	simm.s32 $_size_execute0_lowered;
	s2 =	sadd.s32 s2, s4;
	[dreg:$0x0] =	wrdreg $0x0  }
0xa8: {  	s4 =	sshll.u32 s28, $0x1;
	[dreg:$0x2] =	wrdreg s2  }
0xa9: {  	[dreg:$0x3] =	wrdreg s4  }
0xaa: {  	[dreg:$0x4] =	wrdreg $0xC0  }
0xab: {  	_ =	task [dreg:s6], $0x5FFFF  }
0xac: {  	[dreg:$0x1] =	wrdreg $0xFFFFFFFF  }
0xad: {  	[dreg:$0x0] =	wrdreg $0x60  }
0xae: {  	[dreg:$0x2] =	wrdreg s24  }
0xaf: {  	[dreg:$0x3] =	wrdreg $0x0  }
0xb0: {  	[dreg:$0x4] =	wrdreg $0x9  }
0xb1: {  	_ =	task.clear_ibuf [dreg:s6], $0x5FFFF;
	_ =	strace $0x9000004F  }
0xb2: {  	s29 =	simm.s32 $0x9;
	_ =	strace $0x80000051  }
0xb3: {  	_ =	swait.ge [sflag:s29], $0x1  }
0xb4: {  	[sflag:s29] =	ssyncadd.s32 $0xFFFFFFFF  }
0xb5: {  	_ =	strace $0x90000051  }
0xb6: {  	_ =	sfence  }
0xb7: {  	s30 =	sld [smem:$0x0];
	_ =	sdelay $0x2  }
0xb8: {  	s31 =	sshll.u32 s1, $0xD;
	s1 =	sshrl.u32 s1, $0x2  }
0xb9: {  	s3 =	sand.u32 $0x4000, s31;
	s1 =	sadd.s32 s1, s30  }
0xba: {  	s0 =	sor.u32 s3, s0;
	s1 =	sshll.u32 s1, $0x11  }
0xbb: {  	s0 =	sor.u32 s1, s0  }
0xbc: {  	s0 =	sadd.s32 $0x8F2B, s0  }
0xbd: {  	[sflag:s0] =	ssyncadd.remote.s32 $0x1  }
0xbe: {  	_ =	sfence.sel $0xFFFF  }
0xbf: {  	[dreg:$0x0] =	wrdreg $0xFFFFFFFF;
	(pc) =	sbr.abs _section_cstart, $3  }
0xc0: {  	[dreg:$0x1] =	wrdreg $0xFFFFFFFF  }
0xc1: {  	_ =	task.clear_ibuf [dreg:s6], $0x2FFFF;
	_ =	strace $0x9FFFFFFF  }
0xc2: {  	(tm) =	ssettm $0x7FFFFFFF  }
0xc3: {  	_ =	shalt  }
tec
execute0_lowered:
.L_overlay_start_1:
0x0: {  	(tag) =	ssettag $0x1  }
0x1: {  	s5 =	rddreg [dreg:$0x0]  }
0x2: {  	s2 =	rddreg [dreg:$0x1]  }
0x3: {  	s0 =	rddreg [dreg:$0x2]  }
0x4: {  	s4 =	srdreg.scid;
	s1 =	stileid.u32;
	s3 =	simm.s32 $0x0  }
0x5: {  	s16 =	simm.s32 $0x1FC80;
	s17 =	simm.s32 $0x50;
	s18 =	simm.s32 $0x1D480  }
0x6: {  	s19 =	simm.s32 $0x1;
	s20 =	simm.s32 $0x1FD00;
	s7 =	smul.u32 $0x4E20, s1  }
0x7: {  	s21 =	simm.s32 $0x0;
	s6 =	sand.u32 $0x1, s4;
	s9 =	smul.u32 $0x4E000, s1  }
0x8: {  	[smem:$0x7FF] =	sst s3;
	s4 =	sadd.s32 $0x7AA00, s5;
	s11 =	smul.u32 $0x13800, s1  }
0x9: {  	s12 =	sadd.s32 $0x117200, s5;
	p0 =	sne.s32 s1, $0xF;
	s8 =	smul.u32 $0x2710, s6  }
0xa: {  	_ =	strace $0x80000050;
	s25 =	ssub.s32 $0x2, s6;
	s29 =	smul.u32 $0x138800, s6  }
0xb: {  	s10 =	sshrl.u32 s25, $0x1;
	s26 =	sshrl.u32 s9, $0x2;
	s28 =	sadd.s32 $0x9C00, s11  }
0xc: {  	s7 =	sadd.s32 s8, s7;
	s14 =	ssub.s32 s25, s10;
	s6 =	sadd.s32 s28, s2  }
0xd: {  	s30 =	sadd.s32 s11, s29;
	s8 =	sadd.s32 s29, s28;
	s9 =	sshrl.u32 s29, $0x3  }
0xe: {  	s7 =	sshrl.u32 s7, $0x3;
	s10 =	sshrl.u32 s30, $0x3;
	s31 =	sshrl.u32 s8, $0x3  }
0xf: {  	s15 =	sadd.s32 s12, s9;
	s11 =	smax.u32 s14, $0x1;
	s14 =	simm.s32 $0x13880  }
0x10: {  	s13 =	sadd.s32 s7, s5;
	s5 =	sadd.s32 s26, s2;
	s7 =	sadd.s32 $0x138000, s2  }
0x11: {  	s8 =	sadd.s32 s12, s10;
	s9 =	sadd.s32 s12, s31;
	s10 =	sadd.s32 $0x27000, s15  }
0x12: {  	v0 =	vimm.f32 $0.0e+00;
	s15 =	simm.s32 $0x2;
	s12 =	sadd.s32 $0x4E00, s13;
	s13 =	sadd.s32 $0xEC00, s13  }
.LBB2_1:
0x13: {  	s22 =	simm.s32 $0x0;
	s23 =	simm.s32 $0x200  }
.LBB2_2:
0x14: {  	p1 =	sne.s32 s23, $0x26E00;
	[tilespmem:s22+$0x138F0] =	vst v0  }
0x15: {  	[tilespmem:s22+$0x13880] =	vst v0  }
0x16: {  	[tilespmem:s22+$0x13890] =	vst v0  }
.Ltmp0:
0x17: {  	[tilespmem:s22+$0x138A0] =	vst v0;
	(pc) =	sbr.rel @p1 .LBB2_2-.Ltmp0, $4  }
0x18: {  	[tilespmem:s22+$0x138B0] =	vst v0  }
0x19: {  	[tilespmem:s22+$0x138C0] =	vst v0  }
0x1a: {  	[tilespmem:s22+$0x138D0] =	vst v0  }
0x1b: {  	[tilespmem:s22+$0x138E0] =	vst v0;
	s22 =	sshra.s32 s23, $0x2;
	s23 =	sadd.s32 $0x200, s23  }
0x1c: {  	[tilespmem:s22+$0x138F0] =	vst v0  }
0x1d: {  	[tilespmem:s22+$0x13880] =	vst v0  }
0x1e: {  	[tilespmem:s22+$0x13890] =	vst v0  }
0x1f: {  	[tilespmem:s22+$0x138A0] =	vst v0  }
0x20: {  	[tilespmem:s22+$0x138B0] =	vst v0  }
0x21: {  	[tilespmem:s22+$0x138C0] =	vst v0  }
0x22: {  	[tilespmem:s22+$0x138D0] =	vst v0  }
0x23: {  	[tilespmem:s22+$0x138E0] =	vst v0  }
0x24: {  	[spmem:s5] =	stream.linear.scatter [tilespmem:s14], [sflag:$0x2], $0x9C00, $0x38;
	[tilespmem:$0x1FD80] =	vst v63  }
0x25: {  	_ =	swait.ge [sflag:s15], $0x9C00  }
0x26: {  	[sflag:s15] =	ssyncset.done $0x0  }
0x27: {  	[sflag:s15] =	ssyncadd.s32 $0xFFFF6400  }
0x28: {  	[spmem:s6] =	stream.linear.scatter [tilespmem:s14], [sflag:$0x2], $0x9C00, $0x38;
	[tilespmem:$0x1FD80] =	vst v63  }
0x29: {  	_ =	swait.ge [sflag:s15], $0x9C00  }
0x2a: {  	[sflag:s15] =	ssyncset.done $0x0  }
0x2b: {  	s22 =	simm.s32 @!p0 $0x13880;
	[sflag:s15] =	ssyncadd.s32 $0xFFFF6400  }
0x2c: {  	[spmem:s7] =	stream.linear.scatter @!p0 [tilespmem:s22], [sflag:$0x2], $0x800, $0x38;
	[tilespmem:$0x1FD80] =	vst v63  }
0x2d: {  	s22 =	simm.s32 @!p0 $0x2  }
0x2e: {  	_ =	swait.ge @!p0 [sflag:s22], $0x800  }
0x2f: {  	[sflag:s22] =	ssyncset.done @!p0 $0x0  }
0x30: {  	[sflag:s22] =	ssyncadd.s32 @!p0 $0xFFFFF800  }
0x31: {  	s30 =	sadd.s32 $0x0, s13;
	[bflag:$0x0] =	sbarrier.arrive $0xFFFF  }
0x32: {  	[tilespmem:s16], [sflag:$0x2] =	stream.linear.gather [hbm4b:s30+s3], $0x50, $0x38;
	[tilespmem:$0x1FD80] =	vst v63  }
0x33: {  	_ =	swait.ge [sflag:s15], $0x50  }
0x34: {  	[sflag:s15] =	ssyncset.done $0x0  }
0x35: {  	[sflag:s15] =	ssyncadd.s32 $0xFFFFFFB0  }
0x36: {  	[tilespmem:s18], [sflag:$0x1] =	stream.indirect.gather [hbm4b:s4+s17], $0x80, s16, s17, $0xb8;
	[tilespmem:$0x1FD80] =	vst v63  }
0x37: {  	_ =	swait.ge [sflag:s19], $0x2800  }
0x38: {  	[sflag:s19] =	ssyncset.done $0x0  }
0x39: {  	s31 =	sadd.s32 $0x0, s12;
	[sflag:s19] =	ssyncadd.s32 $0xFFFFD800  }
0x3a: {  	[tilespmem:s20], [sflag:$0x2] =	stream.linear.gather [hbm4b:s31+s3], $0x50, $0x38;
	[tilespmem:$0x1FD80] =	vst v63  }
0x3b: {  	_ =	swait.ge [sflag:s15], $0x50  }
0x3c: {  	[sflag:s15] =	ssyncset.done $0x0  }
0x3d: {  	[sflag:s15] =	ssyncadd.s32 $0xFFFFFFB0  }
0x3e: {  	[spmem:s2] =	stream.indirect.scatter.add.f32 [tilespmem:s18], [sflag:$0x2], $0x80, s20, s17, $0xb8;
	[tilespmem:$0x1FD80] =	vst v63  }
0x3f: {  	_ =	swait.ge [sflag:s15], $0x2800  }
0x40: {  	s23 =	simm.s32 $0x14;
	s22 =	simm.s32 $0xA;
	[sflag:s15] =	ssyncset.done $0x0  }
.LBB2_4:
0x41: {  	s24 =	sadd.s32 s22, s13  }
0x42: {  	[sflag:s15] =	ssyncadd.s32 $0xFFFFD800;
	s25 =	smov.u32 s23;
	s26 =	sadd.s32 $0xA, s23  }
0x43: {  	[tilespmem:s16], [sflag:$0x2] =	stream.linear.gather [hbm4b:s24+s3], $0x50, $0x38;
	[tilespmem:$0x1FD80] =	vst v63  }
0x44: {  	p1 =	sne.s32 s23, $0x4D8;
	_ =	swait.ge [sflag:s15], $0x50  }
0x45: {  	[sflag:s15] =	ssyncset.done $0x0  }
0x46: {  	[sflag:s15] =	ssyncadd.s32 $0xFFFFFFB0  }
0x47: {  	[tilespmem:s18], [sflag:$0x1] =	stream.indirect.gather [hbm4b:s4+s17], $0x80, s16, s17, $0xb8;
	[tilespmem:$0x1FD80] =	vst v63  }
0x48: {  	_ =	swait.ge [sflag:s19], $0x2800  }
0x49: {  	[sflag:s19] =	ssyncset.done $0x0  }
0x4a: {  	s23 =	sadd.s32 s22, s12;
	s22 =	smov.u32 s25;
	[sflag:s19] =	ssyncadd.s32 $0xFFFFD800  }
0x4b: {  	[tilespmem:s20], [sflag:$0x2] =	stream.linear.gather [hbm4b:s23+s3], $0x50, $0x38;
	[tilespmem:$0x1FD80] =	vst v63  }
0x4c: {  	_ =	swait.ge [sflag:s15], $0x50  }
.Ltmp1:
0x4d: {  	[sflag:s15] =	ssyncset.done $0x0;
	(pc) =	sbr.rel @p1 .LBB2_4-.Ltmp1, $4  }
0x4e: {  	[sflag:s15] =	ssyncadd.s32 $0xFFFFFFB0  }
0x4f: {  	[spmem:s2] =	stream.indirect.scatter.add.f32 [tilespmem:s18], [sflag:$0x2], $0x80, s20, s17, $0xb8;
	[tilespmem:$0x1FD80] =	vst v63  }
0x50: {  	_ =	swait.ge [sflag:s15], $0x2800  }
0x51: {  	s23 =	smov.u32 s26;
	[sflag:s15] =	ssyncset.done $0x0  }
0x52: {  	s23 =	sadd.s32 s22, s13;
	[sflag:s15] =	ssyncadd.s32 $0xFFFFD800  }
0x53: {  	[tilespmem:s16], [sflag:$0x2] =	stream.linear.gather [hbm4b:s23+s3], $0x50, $0x38;
	[tilespmem:$0x1FD80] =	vst v63  }
0x54: {  	_ =	swait.ge [sflag:s15], $0x50  }
0x55: {  	[sflag:s15] =	ssyncset.done $0x0  }
0x56: {  	[sflag:s15] =	ssyncadd.s32 $0xFFFFFFB0  }
0x57: {  	[tilespmem:s18], [sflag:$0x1] =	stream.indirect.gather [hbm4b:s4+s17], $0x80, s16, s17, $0xb8;
	[tilespmem:$0x1FD80] =	vst v63  }
0x58: {  	_ =	swait.ge [sflag:s19], $0x2800  }
0x59: {  	[sflag:s19] =	ssyncset.done $0x0  }
0x5a: {  	s31 =	sadd.s32 s22, s12;
	[sflag:s19] =	ssyncadd.s32 $0xFFFFD800  }
0x5b: {  	[tilespmem:s20], [sflag:$0x2] =	stream.linear.gather [hbm4b:s31+s3], $0x50, $0x38;
	[tilespmem:$0x1FD80] =	vst v63  }
0x5c: {  	_ =	swait.ge [sflag:s15], $0x50  }
0x5d: {  	[sflag:s15] =	ssyncset.done $0x0  }
0x5e: {  	[sflag:s15] =	ssyncadd.s32 $0xFFFFFFB0  }
0x5f: {  	[spmem:s2] =	stream.indirect.scatter.add.f32 [tilespmem:s18], [sflag:$0x2], $0x80, s20, s17, $0xb8;
	[tilespmem:$0x1FD80] =	vst v63  }
0x60: {  	_ =	swait.ge [sflag:s15], $0x2800  }
0x61: {  	[sflag:s15] =	ssyncset.done $0x0  }
0x62: {  	[sflag:s15] =	ssyncadd.s32 $0xFFFFD800  }
0x63: {  	[bflag:$0x0] =	sbarrier.arrive $0xFFFF  }
0x64: {  	[tilespmem:s14], [sflag:$0x2] =	stream.linear.gather [spmem:s5], $0x9C00, $0x38;
	[tilespmem:$0x1FD80] =	vst v63  }
0x65: {  	_ =	swait.ge [sflag:s15], $0x9C00  }
0x66: {  	[sflag:s15] =	ssyncset.done $0x0  }
0x67: {  	[sflag:s15] =	ssyncadd.s32 $0xFFFF6400  }
0x68: {  	[hbm4b:s8+s3] =	stream.linear.scatter [tilespmem:s14], [sflag:$0x2], $0x9C00, $0x38;
	[tilespmem:$0x1FD80] =	vst v63  }
0x69: {  	_ =	swait.ge [sflag:s15], $0x9C00  }
0x6a: {  	[sflag:s15] =	ssyncset.done $0x0  }
0x6b: {  	[sflag:s15] =	ssyncadd.s32 $0xFFFF6400  }
0x6c: {  	[tilespmem:s14], [sflag:$0x2] =	stream.linear.gather [spmem:s6], $0x9C00, $0x38;
	[tilespmem:$0x1FD80] =	vst v63  }
0x6d: {  	_ =	swait.ge [sflag:s15], $0x9C00  }
0x6e: {  	[sflag:s15] =	ssyncset.done $0x0  }
0x6f: {  	[sflag:s15] =	ssyncadd.s32 $0xFFFF6400  }
0x70: {  	[hbm4b:s9+s3] =	stream.linear.scatter [tilespmem:s14], [sflag:$0x2], $0x9C00, $0x38;
	[tilespmem:$0x1FD80] =	vst v63  }
0x71: {  	_ =	swait.ge [sflag:s15], $0x9C00  }
0x72: {  	[sflag:s15] =	ssyncset.done $0x0  }
0x73: {  	s22 =	simm.s32 @!p0 $0x13880;
	s23 =	simm.s32 @!p0 $0x2;
	[sflag:s15] =	ssyncadd.s32 $0xFFFF6400  }
0x74: {  	[tilespmem:s22], [sflag:$0x2] =	stream.linear.gather @!p0 [spmem:s7], $0x800, $0x38;
	[tilespmem:$0x1FD80] =	vst v63  }
0x75: {  	s21 =	sadd.s32 $0x1, s21;
	_ =	swait.ge @!p0 [sflag:s23], $0x800  }
0x76: {  	p1 =	sne.s32 s21, s11;
	[sflag:s23] =	ssyncset.done @!p0 $0x0  }
.Ltmp2:
0x77: {  	s24 =	simm.s32 @!p0 $0x0;
	[sflag:s23] =	ssyncadd.s32 @!p0 $0xFFFFF800;
	(pc) =	sbr.rel @p1 .LBB2_1-.Ltmp2, $4  }
0x78: {  	[hbm4b:s10+s24] =	stream.linear.scatter @!p0 [tilespmem:s22], [sflag:$0x2], $0x800, $0x38;
	[tilespmem:$0x1FD80] =	vst v63  }
0x79: {  	_ =	swait.ge @!p0 [sflag:s23], $0x800  }
0x7a: {  	[sflag:s23] =	ssyncset.done @!p0 $0x0  }
0x7b: {  	[sflag:s23] =	ssyncadd.s32 @!p0 $0xFFFFF800  }
0x7c: {  	_ =	sfence.sel $0x180000  }
0x7d: {  	[bflag:$0x0] =	sbarrier.arrive $0xFFFF  }
0x7e: {  	p0 =	sne.s32 s1, $0x0;
	_ =	strace $0x90000050  }
0x7f: {  	s0 =	sadd.s32 @!p0 $0x100000, s0;
	[bflag:$0x2] =	sbarrier.arrive $0xFFFF  }
0x80: {  	[sflag:s0] =	ssyncadd.tile.s32 @!p0 $0x1;
	_ =	shalt  }
.Lfunc_end2:
_tile_overlayer_lowered:
.L_overlay_start_2:
0x81: {  	(tag) =	ssettag $0x2  }
0x82: {  	s0 =	rddreg [dreg:$0x0];
	s2 =	stileid.u32  }
0x83: {  	s1 =	rddreg [dreg:$0x1];
	p0 =	sne.s32 s2, $0x0  }
0x84: {  	s3 =	rddreg [dreg:$0x2];
	[bflag:$0x3] =	sbarrier.arrive $0xFFFF;
	s2 =	simm.s32 @!p0 $0x1C02  }
0x85: {  	[timem:s3], [sflag:s2] =	dma.local @!p0 [hbm:s0], s1  }
0x86: {  	s0 =	simm.s32 @!p0 $0x2  }
0x87: {  	_ =	swait.ge @!p0 [sflag:s0], s1  }
0x88: {  	s1 =	ssub.s32 @!p0 $0x0, s1;
	[sflag:s0] =	ssyncset.done @!p0 $0x0  }
0x89: {  	[sflag:s0] =	ssyncadd.s32 @!p0 s1  }
0x8a: {  	[bflag:$0x3] =	sbarrier.arrive $0xFFFF  }
0x8b: {  	_ =	shalt  }

// kernel: kernel.25.cloned.1.call-start
scs
__scs_entry_jumppad:
0x0: {  	(pc) =	sbr.rel $0x88, $3  }
0x1: {  	(tag) =	ssettag $0x0;
	lr =	simm.s32 $0x1  }
0x2: {  	[smem:$0x3F8C] =	sst lr;
	_ =	strace $0xD0000000  }
0x3: {  	_ = 	snop  }
0x4: {  	_ = 	snop  }
0x5: {  	_ = 	snop  }
0x6: {  	_ = 	snop  }
0x7: {  	_ = 	snop  }
__scs_overlays_trampoline_lowered:
0x8: {  	[smem:$0x3F9B] =	sst s0  }
0x9: {  	[smem:$0x3F9C] =	sst s1  }
0xa: {  	[smem:$0x3F9D] =	sst s2  }
0xb: {  	[smem:$0x3F9E] =	sst s3  }
0xc: {  	[smem:$0x3F9F] =	sst s4  }
0xd: {  	[smem:$0x3FA0] =	sst s5  }
0xe: {  	[smem:$0x3FA1] =	sst s6  }
0xf: {  	[smem:$0x3FA2] =	sst s7  }
0x10: {  	[smem:$0x3FA3] =	sst s8  }
0x11: {  	[smem:$0x3FA4] =	sst s9;
	s0 =	simm.s32 @!p0 $0x0  }
0x12: {  	s1 =	sld [smem:$0x3F8A];
	s0 =	simm.s32 @p0 $0x1  }
0x13: {  	[smem:$0x3FA5] =	sst s0;
	s0 =	simm.s32 @!p1 $0x0  }
0x14: {  	s2 =	sld [smem:$0x3F89];
	s0 =	simm.s32 @p1 $0x1  }
0x15: {  	[smem:$0x3FA6] =	sst s0;
	s0 =	simm.s32 @!p2 $0x0  }
0x16: {  	s3 =	sld [smem:$0x3FDB];
	s0 =	simm.s32 @p2 $0x1  }
0x17: {  	s4 =	simm.s32 $0x1BF5;
	[smem:$0x3FA8] =	sst s0  }
0x18: {  	s0 =	sld [smem:$0x3F8B];
	_ =	swait.ge [sflag:s4], $0x0  }
0x19: {  	s7 =	sld [smem:$0x3F8C]  }
0x1a: {  	s8 =	sadd.s32 $0xFFFFE003, lr  }
0x1b: {  	s9 =	sadd.s32 $0xFFFFFEF7, lr;
	s5 =	simm.s32 $0xFFFFFFFF;
	p2 =	slt.u32 s8, $0xFFFFF086  }
0x1c: {  	p1 =	slt.u32 s9, $0xF7A;
	s5 =	simm.s32 @!p2 $0x0  }
0x1d: {  	s5 =	simm.s32 @p1 $0x1;
	p0 =	seq.s32 s7, s2  }
0x1e: {  	s7 =	smul.u32 @!p0 $0xF7A, s2;
	p2 =	seq.s32 @!p0 s5, $0x0  }
0x1f: {  	s9 =	smul.u32 $0xF7A, s1;
	s8 =	simm.s32 @!p0 $0x1BF5;
	p2 =	por !p2, p0  }
0x20: {  	[sflag:s8] =	ssyncset.s32 @!p0 $0xFFFFF086;
	s6 =	sadd.s32 @!p0 s3, s7;
	s7 =	simm.s32 @!p0 $0x108  }
0x21: {  	s3 =	sadd.s32 s3, s9;
	s6 =	sadd.s32 @!p0 $0x88, s6;
	s7 =	simm.s32 @p2 $0x1082  }
0x22: {  	[simem:s7], [sflag:s8] =	dma.local @!p0 [hbm:s6], $0xF7A  }
0x23: {  	s9 =	sor.u32 $0xD0000000, s2;
	s6 =	simm.s32 $0x108;
	_ =	swait.ge @!p0 [sflag:s8], $0x0  }
0x24: {  	s3 =	sadd.s32 $0x88, s3;
	s6 =	simm.s32 @!p1 $0x1082;
	[sflag:s4] =	ssyncset.s32 $0xFFFFF086  }
0x25: {  	[simem:s6], [sflag:s4] =	dma.local [hbm:s3], $0xF7A  }
0x26: {  	[smem:$0x3F8C] =	sst s1;
	(tag) =	ssettag s2;
	_ =	strace s9  }
0x27: {  	s1 =	sld [smem:$0x3F9C]  }
0x28: {  	s2 =	sld [smem:$0x3F9D]  }
0x29: {  	s4 =	sld [smem:$0x3F9F]  }
0x2a: {  	p0 =	seq.s32 s5, $0x0;
	s5 =	sld [smem:$0x3FA0]  }
0x2b: {  	s6 =	sld [smem:$0x3FA1]  }
0x2c: {  	s7 =	sld [smem:$0x3FA2]  }
0x2d: {  	s3 =	simm.s32 $0x108;
	s8 =	sld [smem:$0x3FA3]  }
0x2e: {  	s3 =	simm.s32 @!p0 $0x1082;
	s9 =	sld [smem:$0x3FA4]  }
0x2f: {  	lr =	sadd.s32 s0, s3;
	s0 =	sld [smem:$0x3F9B]  }
0x30: {  	s3 =	sld [smem:$0x3F9E]  }
0x31: {  	[smem:$0x3FA7] =	sst s10  }
0x32: {  	s10 =	sld [smem:$0x3FA5];
	_ =	sdelay $0x3  }
0x33: {  	p0 =	seq.s32 s10, $0x1;
	s10 =	sld [smem:$0x3FA7];
	_ =	sdelay $0x3  }
0x34: {  	[smem:$0x3FA7] =	sst s10  }
0x35: {  	s10 =	sld [smem:$0x3FA6];
	_ =	sdelay $0x3  }
0x36: {  	p1 =	seq.s32 s10, $0x1;
	s10 =	sld [smem:$0x3FA7];
	_ =	sdelay $0x3  }
0x37: {  	[smem:$0x3FA7] =	sst s10  }
0x38: {  	s10 =	sld [smem:$0x3FA8]  }
0x39: {  	_ = 	snop;
	(pc) =	sbr.ind lr, $3  }
0x3a: {  	_ = 	snop  }
0x3b: {  	_ = 	snop  }
0x3c: {  	p2 =	seq.s32 s10, $0x1;
	s10 =	sld [smem:$0x3FA7]  }
0x3d: {  	_ =	shalt  }
0x3e: {  	_ =	shalt  }
0x3f: {  	_ =	shalt  }
0x40: {  	_ =	shalt  }
0x41: {  	_ =	shalt  }
0x42: {  	_ =	shalt  }
0x43: {  	_ =	shalt  }
0x44: {  	_ =	shalt  }
0x45: {  	_ =	shalt  }
0x46: {  	_ =	shalt  }
0x47: {  	_ =	shalt  }
0x48: {  	_ =	shalt  }
0x49: {  	_ =	shalt  }
0x4a: {  	_ =	shalt  }
0x4b: {  	_ =	shalt  }
0x4c: {  	_ =	shalt  }
0x4d: {  	_ =	shalt  }
0x4e: {  	_ =	shalt  }
0x4f: {  	_ =	shalt  }
0x50: {  	_ =	shalt  }
0x51: {  	_ =	shalt  }
0x52: {  	_ =	shalt  }
0x53: {  	_ =	shalt  }
0x54: {  	_ =	shalt  }
0x55: {  	_ =	shalt  }
0x56: {  	_ =	shalt  }
0x57: {  	_ =	shalt  }
0x58: {  	_ =	shalt  }
0x59: {  	_ =	shalt  }
0x5a: {  	_ =	shalt  }
0x5b: {  	_ =	shalt  }
0x5c: {  	_ =	shalt  }
0x5d: {  	_ =	shalt  }
0x5e: {  	_ =	shalt  }
0x5f: {  	_ =	shalt  }
0x60: {  	_ =	shalt  }
0x61: {  	_ =	shalt  }
0x62: {  	_ =	shalt  }
0x63: {  	_ =	shalt  }
0x64: {  	_ =	shalt  }
0x65: {  	_ =	shalt  }
0x66: {  	_ =	shalt  }
0x67: {  	_ =	shalt  }
0x68: {  	_ =	shalt  }
0x69: {  	_ =	shalt  }
0x6a: {  	_ =	shalt  }
0x6b: {  	_ =	shalt  }
0x6c: {  	_ =	shalt  }
0x6d: {  	_ =	shalt  }
0x6e: {  	_ =	shalt  }
0x6f: {  	_ =	shalt  }
0x70: {  	_ =	shalt  }
0x71: {  	_ =	shalt  }
0x72: {  	_ =	shalt  }
0x73: {  	_ =	shalt  }
0x74: {  	_ =	shalt  }
0x75: {  	_ =	shalt  }
0x76: {  	_ =	shalt  }
0x77: {  	_ =	shalt  }
0x78: {  	_ =	shalt  }
0x79: {  	_ =	shalt  }
0x7a: {  	_ =	shalt  }
0x7b: {  	_ =	shalt  }
0x7c: {  	_ =	shalt  }
0x7d: {  	_ =	shalt  }
0x7e: {  	_ =	shalt  }
0x7f: {  	_ =	shalt  }
0x80: {  	_ =	shalt  }
0x81: {  	_ =	shalt  }
0x82: {  	_ =	shalt  }
0x83: {  	_ =	shalt  }
0x84: {  	_ =	shalt  }
0x85: {  	_ =	shalt  }
0x86: {  	_ =	shalt  }
0x87: {  	_ =	shalt  }
.Lfunc_end0:
.L_simem_size_0:
called_computation.4_lowered:
.L_overlay_start_0:
0x88: {  	s2 =	sld [smem:$0x3FD9]  }
0x89: {  	s3 =	sld [smem:$0x3FFE];
	_ =	sdelay $0x1  }
0x8a: {  	s1 =	srdreg.scid  }
0x8b: {  	s0 =	sand.u32 $0x1, s1  }
0x8c: {  	s17 =	sshll.u32 s0, $0xA;
	s2 =	sadd.s32 s3, s2  }
0x8d: {  	s2 =	sadd.s32 s2, s17  }
0x8e: {  	[smem:$0x3FB3] =	sst s2  }
0x8f: {  	_ = 	snop  }
0x90: {  	(tm) =	ssettm $0x1  }
0x91: {  	s18 =	sld [smem:$0x3FFB];
	_ =	sdelay $0x3  }
0x92: {  	_ =	strace s18  }
0x93: {  	s2 =	sld [smem:$0x3FFC];
	_ =	sdelay $0x3  }
0x94: {  	_ =	strace s2  }
0x95: {  	s2 =	sld [smem:$0x3FFD];
	_ =	sdelay $0x3  }
0x96: {  	_ =	strace s2  }
0x97: {  	_ =	strace $0x8FFFFFFF  }
0x98: {  	s19 =	sld [smem:$0x3FDB];
	_ =	sdelay $0x1  }
0x99: {  	s20 =	simm.s32 $_scs_section_size  }
0x9a: {  	s4 =	simm.s32 $_size__tile_overlayer_lowered;
	s5 =	simm.s32 $_tile_overlayer_lowered  }
0x9b: {  	s6 =	simm.s32 $0x1BFF;
	s21 =	sshll.u32 s5, $0x1;
	s3 =	sadd.s32 s20, s19  }
0x9c: {  	s22 =	simm.s32 $0x0;
	s4 =	sshll.u32 s4, $0x1;
	s5 =	sadd.s32 s21, s3  }
0x9d: {  	[timem:s22], [sflag:s6] =	dma.local [hbm:s5], s4  }
0x9e: {  	_ =	swait.ge [sflag:s6], s4  }
0x9f: {  	s4 =	ssub.s32 $0x0, s4;
	[sflag:s6] =	ssyncset.done $0x0  }
0xa0: {  	[sflag:s6] =	ssyncadd.s32 s4;
	_ =	sdelay $0x1  }
0xa1: {  	s23 =	simm.s32 $0x1B8B  }
0xa2: {  	_ =	swait.ge [sflag:s23], $0x1  }
0xa3: {  	[sflag:s23] =	ssyncset.done $0x0  }
0xa4: {  	[sflag:s23] =	ssyncadd.s32 $0xFFFFFFFF  }
0xa5: {  	s4 =	sld [smem:$0x0]  }
0xa6: {  	s5 =	sand.u32 $0xFFFFFFFE, s1  }
0xa7: {  	p0 =	sne.s32 s1, s5  }
0xa8: {  	s5 =	sshll.u32 @p0 s5, $0xE  }
0xa9: {  	s5 =	sadd.s32 @p0 $0x11B8D, s5;
	s6 =	sshll.u32 @p0 s4, $0x11  }
0xaa: {  	s5 =	sor.u32 @p0 s6, s5  }
0xab: {  	[sflag:s5] =	ssyncadd.remote.s32 @p0 $0x1;
	_ =	sdelay $0x1  }
0xac: {  	s5 =	simm.s32 @p0 $0x1B8D  }
0xad: {  	_ =	swait.eq @p0 [sflag:s5], $0x1  }
0xae: {  	[sflag:s5] =	ssyncadd.s32 @p0 $0xFFFFFFFF  }
0xaf: {  	s6 =	sshll.u32 @!p0 s1, $0xE  }
0xb0: {  	s6 =	sor.u32 @!p0 $0x4000, s6;
	s5 =	simm.s32 @!p0 $0x1B8D  }
0xb1: {  	s4 =	sshll.u32 @!p0 s4, $0x11;
	s6 =	sadd.s32 @!p0 $0x11B8D, s6;
	_ =	swait.eq @!p0 [sflag:s5], $0x1  }
0xb2: {  	s4 =	sor.u32 @!p0 s4, s6;
	[sflag:s5] =	ssyncadd.s32 @!p0 $0xFFFFFFFF  }
0xb3: {  	s25 =	simm.s32 $0x1B8E;
	s24 =	sld [smem:$0x3FFE];
	[sflag:s4] =	ssyncadd.remote.s32 @!p0 $0x1  }
0xb4: {  	s26 =	simm.s32 $execute0_lowered;
	[smem:$0x3FD2] =	sst s25  }
0xb5: {  	s5 =	sshll.u32 s26, $0x1;
	_ =	strace $0x80000052;
	[dreg:$0x1] =	wrdreg $0xFFFFFFFF  }
0xb6: {  	s28 =	simm.s32 $_size_execute0_lowered;
	s3 =	sadd.s32 s3, s5;
	[dreg:$0x0] =	wrdreg $0x0  }
0xb7: {  	s5 =	sshll.u32 s28, $0x1;
	[dreg:$0x2] =	wrdreg s3  }
0xb8: {  	[dreg:$0x3] =	wrdreg s5  }
0xb9: {  	[dreg:$0x4] =	wrdreg $0xC0  }
0xba: {  	_ =	task [dreg:s22], $0x5FFFF  }
0xbb: {  	[dreg:$0x1] =	wrdreg $0xFFFFFFFF  }
0xbc: {  	[dreg:$0x0] =	wrdreg $0x60  }
0xbd: {  	[dreg:$0x2] =	wrdreg s24  }
0xbe: {  	[dreg:$0x3] =	wrdreg $0x0  }
0xbf: {  	[dreg:$0x4] =	wrdreg $0xA  }
0xc0: {  	_ =	task.clear_ibuf [dreg:s22], $0x5FFFF;
	_ =	strace $0x90000052  }
0xc1: {  	s29 =	simm.s32 $0xA;
	_ =	strace $0x80000054  }
0xc2: {  	_ =	swait.ge [sflag:s29], $0x1  }
0xc3: {  	[sflag:s29] =	ssyncadd.s32 $0xFFFFFFFF  }
0xc4: {  	_ =	strace $0x90000054  }
0xc5: {  	_ =	sfence  }
0xc6: {  	s30 =	sld [smem:$0x0];
	_ =	sdelay $0x2  }
0xc7: {  	s31 =	sshll.u32 s1, $0xD;
	s1 =	sshrl.u32 s1, $0x2  }
0xc8: {  	s4 =	sand.u32 $0x4000, s31;
	s1 =	sadd.s32 s1, s30  }
0xc9: {  	s0 =	sor.u32 s4, s0;
	s1 =	sshll.u32 s1, $0x11  }
0xca: {  	s0 =	sor.u32 s1, s0  }
0xcb: {  	s0 =	sadd.s32 $0x8F2B, s0  }
0xcc: {  	[sflag:s0] =	ssyncadd.remote.s32 $0x1  }
0xcd: {  	_ =	sfence.sel $0xFFFF  }
0xce: {  	[dreg:$0x0] =	wrdreg $0xFFFFFFFF;
	(pc) =	sbr.abs _section_cstart, $3  }
0xcf: {  	[dreg:$0x1] =	wrdreg $0xFFFFFFFF  }
0xd0: {  	_ =	task.clear_ibuf [dreg:s22], $0x2FFFF;
	_ =	strace $0x9FFFFFFF  }
0xd1: {  	(tm) =	ssettm $0x7FFFFFFF  }
tec
execute0_lowered:
.L_overlay_start_1:
0x0: {  	(tag) =	ssettag $0x1  }
0x1: {  	s5 =	rddreg [dreg:$0x0]  }
0x2: {  	s2 =	rddreg [dreg:$0x1]  }
0x3: {  	s0 =	rddreg [dreg:$0x2]  }
0x4: {  	s4 =	srdreg.scid;
	s1 =	stileid.u32;
	s3 =	simm.s32 $0x0  }
0x5: {  	s16 =	simm.s32 $0x1FC80;
	s17 =	simm.s32 $0x50;
	s18 =	simm.s32 $0x1D480  }
0x6: {  	s19 =	simm.s32 $0x1;
	s20 =	simm.s32 $0x1FD00;
	s7 =	smul.u32 $0x4E20, s1  }
0x7: {  	s21 =	simm.s32 $0x0;
	s6 =	sand.u32 $0x1, s4;
	s9 =	smul.u32 $0x4E000, s1  }
0x8: {  	[smem:$0x7FF] =	sst s3;
	s4 =	sadd.s32 $0xA1C00, s5;
	s11 =	smul.u32 $0x13800, s1  }
0x9: {  	s12 =	sadd.s32 $0x165400, s5;
	p0 =	sne.s32 s1, $0xF;
	s8 =	smul.u32 $0x2710, s6  }
0xa: {  	_ =	strace $0x80000053;
	s25 =	ssub.s32 $0x2, s6;
	s29 =	smul.u32 $0x138800, s6  }
0xb: {  	s10 =	sshrl.u32 s25, $0x1;
	s26 =	sshrl.u32 s9, $0x2;
	s28 =	sadd.s32 $0x9C00, s11  }
0xc: {  	s7 =	sadd.s32 s8, s7;
	s14 =	ssub.s32 s25, s10;
	s6 =	sadd.s32 s28, s2  }
0xd: {  	s30 =	sadd.s32 s11, s29;
	s8 =	sadd.s32 s29, s28;
	s9 =	sshrl.u32 s29, $0x3  }
0xe: {  	s7 =	sshrl.u32 s7, $0x3;
	s10 =	sshrl.u32 s30, $0x3;
	s31 =	sshrl.u32 s8, $0x3  }
0xf: {  	s15 =	sadd.s32 s12, s9;
	s11 =	smax.u32 s14, $0x1;
	s14 =	simm.s32 $0x13880  }
0x10: {  	s13 =	sadd.s32 s7, s5;
	s5 =	sadd.s32 s26, s2;
	s7 =	sadd.s32 $0x138000, s2  }
0x11: {  	s8 =	sadd.s32 s12, s10;
	s9 =	sadd.s32 s12, s31;
	s10 =	sadd.s32 $0x27000, s15  }
0x12: {  	v0 =	vimm.f32 $0.0e+00;
	s15 =	simm.s32 $0x2;
	s12 =	sadd.s32 $0x18A00, s13;
	s13 =	sadd.s32 $0x22800, s13  }
.LBB2_1:
0x13: {  	s22 =	simm.s32 $0x0;
	s23 =	simm.s32 $0x200  }
.LBB2_2:
0x14: {  	p1 =	sne.s32 s23, $0x26E00;
	[tilespmem:s22+$0x138F0] =	vst v0  }
0x15: {  	[tilespmem:s22+$0x13880] =	vst v0  }
0x16: {  	[tilespmem:s22+$0x13890] =	vst v0  }
.Ltmp0:
0x17: {  	[tilespmem:s22+$0x138A0] =	vst v0;
	(pc) =	sbr.rel @p1 .LBB2_2-.Ltmp0, $4  }
0x18: {  	[tilespmem:s22+$0x138B0] =	vst v0  }
0x19: {  	[tilespmem:s22+$0x138C0] =	vst v0  }
0x1a: {  	[tilespmem:s22+$0x138D0] =	vst v0  }
0x1b: {  	[tilespmem:s22+$0x138E0] =	vst v0;
	s22 =	sshra.s32 s23, $0x2;
	s23 =	sadd.s32 $0x200, s23  }
0x1c: {  	[tilespmem:s22+$0x138F0] =	vst v0  }
0x1d: {  	[tilespmem:s22+$0x13880] =	vst v0  }
0x1e: {  	[tilespmem:s22+$0x13890] =	vst v0  }
0x1f: {  	[tilespmem:s22+$0x138A0] =	vst v0  }
0x20: {  	[tilespmem:s22+$0x138B0] =	vst v0  }
0x21: {  	[tilespmem:s22+$0x138C0] =	vst v0  }
0x22: {  	[tilespmem:s22+$0x138D0] =	vst v0  }
0x23: {  	[tilespmem:s22+$0x138E0] =	vst v0  }
0x24: {  	[spmem:s5] =	stream.linear.scatter [tilespmem:s14], [sflag:$0x2], $0x9C00, $0x38;
	[tilespmem:$0x1FD80] =	vst v63  }
0x25: {  	_ =	swait.ge [sflag:s15], $0x9C00  }
0x26: {  	[sflag:s15] =	ssyncset.done $0x0  }
0x27: {  	[sflag:s15] =	ssyncadd.s32 $0xFFFF6400  }
0x28: {  	[spmem:s6] =	stream.linear.scatter [tilespmem:s14], [sflag:$0x2], $0x9C00, $0x38;
	[tilespmem:$0x1FD80] =	vst v63  }
0x29: {  	_ =	swait.ge [sflag:s15], $0x9C00  }
0x2a: {  	[sflag:s15] =	ssyncset.done $0x0  }
0x2b: {  	s22 =	simm.s32 @!p0 $0x13880;
	[sflag:s15] =	ssyncadd.s32 $0xFFFF6400  }
0x2c: {  	[spmem:s7] =	stream.linear.scatter @!p0 [tilespmem:s22], [sflag:$0x2], $0x800, $0x38;
	[tilespmem:$0x1FD80] =	vst v63  }
0x2d: {  	s22 =	simm.s32 @!p0 $0x2  }
0x2e: {  	_ =	swait.ge @!p0 [sflag:s22], $0x800  }
0x2f: {  	[sflag:s22] =	ssyncset.done @!p0 $0x0  }
0x30: {  	[sflag:s22] =	ssyncadd.s32 @!p0 $0xFFFFF800  }
0x31: {  	s30 =	sadd.s32 $0x0, s13;
	[bflag:$0x0] =	sbarrier.arrive $0xFFFF  }
0x32: {  	[tilespmem:s16], [sflag:$0x2] =	stream.linear.gather [hbm4b:s30+s3], $0x50, $0x38;
	[tilespmem:$0x1FD80] =	vst v63  }
0x33: {  	_ =	swait.ge [sflag:s15], $0x50  }
0x34: {  	[sflag:s15] =	ssyncset.done $0x0  }
0x35: {  	[sflag:s15] =	ssyncadd.s32 $0xFFFFFFB0  }
0x36: {  	[tilespmem:s18], [sflag:$0x1] =	stream.indirect.gather [hbm4b:s4+s17], $0x80, s16, s17, $0xb8;
	[tilespmem:$0x1FD80] =	vst v63  }
0x37: {  	_ =	swait.ge [sflag:s19], $0x2800  }
0x38: {  	[sflag:s19] =	ssyncset.done $0x0  }
0x39: {  	s31 =	sadd.s32 $0x0, s12;
	[sflag:s19] =	ssyncadd.s32 $0xFFFFD800  }
0x3a: {  	[tilespmem:s20], [sflag:$0x2] =	stream.linear.gather [hbm4b:s31+s3], $0x50, $0x38;
	[tilespmem:$0x1FD80] =	vst v63  }
0x3b: {  	_ =	swait.ge [sflag:s15], $0x50  }
0x3c: {  	[sflag:s15] =	ssyncset.done $0x0  }
0x3d: {  	[sflag:s15] =	ssyncadd.s32 $0xFFFFFFB0  }
0x3e: {  	[spmem:s2] =	stream.indirect.scatter.add.f32 [tilespmem:s18], [sflag:$0x2], $0x80, s20, s17, $0xb8;
	[tilespmem:$0x1FD80] =	vst v63  }
0x3f: {  	_ =	swait.ge [sflag:s15], $0x2800  }
0x40: {  	s23 =	simm.s32 $0x14;
	s22 =	simm.s32 $0xA;
	[sflag:s15] =	ssyncset.done $0x0  }
.LBB2_4:
0x41: {  	s24 =	sadd.s32 s22, s13  }
0x42: {  	[sflag:s15] =	ssyncadd.s32 $0xFFFFD800;
	s25 =	smov.u32 s23;
	s26 =	sadd.s32 $0xA, s23  }
0x43: {  	[tilespmem:s16], [sflag:$0x2] =	stream.linear.gather [hbm4b:s24+s3], $0x50, $0x38;
	[tilespmem:$0x1FD80] =	vst v63  }
0x44: {  	p1 =	sne.s32 s23, $0x4D8;
	_ =	swait.ge [sflag:s15], $0x50  }
0x45: {  	[sflag:s15] =	ssyncset.done $0x0  }
0x46: {  	[sflag:s15] =	ssyncadd.s32 $0xFFFFFFB0  }
0x47: {  	[tilespmem:s18], [sflag:$0x1] =	stream.indirect.gather [hbm4b:s4+s17], $0x80, s16, s17, $0xb8;
	[tilespmem:$0x1FD80] =	vst v63  }
0x48: {  	_ =	swait.ge [sflag:s19], $0x2800  }
0x49: {  	[sflag:s19] =	ssyncset.done $0x0  }
0x4a: {  	s23 =	sadd.s32 s22, s12;
	s22 =	smov.u32 s25;
	[sflag:s19] =	ssyncadd.s32 $0xFFFFD800  }
0x4b: {  	[tilespmem:s20], [sflag:$0x2] =	stream.linear.gather [hbm4b:s23+s3], $0x50, $0x38;
	[tilespmem:$0x1FD80] =	vst v63  }
0x4c: {  	_ =	swait.ge [sflag:s15], $0x50  }
.Ltmp1:
0x4d: {  	[sflag:s15] =	ssyncset.done $0x0;
	(pc) =	sbr.rel @p1 .LBB2_4-.Ltmp1, $4  }
0x4e: {  	[sflag:s15] =	ssyncadd.s32 $0xFFFFFFB0  }
0x4f: {  	[spmem:s2] =	stream.indirect.scatter.add.f32 [tilespmem:s18], [sflag:$0x2], $0x80, s20, s17, $0xb8;
	[tilespmem:$0x1FD80] =	vst v63  }
0x50: {  	_ =	swait.ge [sflag:s15], $0x2800  }
0x51: {  	s23 =	smov.u32 s26;
	[sflag:s15] =	ssyncset.done $0x0  }
0x52: {  	s23 =	sadd.s32 s22, s13;
	[sflag:s15] =	ssyncadd.s32 $0xFFFFD800  }
0x53: {  	[tilespmem:s16], [sflag:$0x2] =	stream.linear.gather [hbm4b:s23+s3], $0x50, $0x38;
	[tilespmem:$0x1FD80] =	vst v63  }
0x54: {  	_ =	swait.ge [sflag:s15], $0x50  }
0x55: {  	[sflag:s15] =	ssyncset.done $0x0  }
0x56: {  	[sflag:s15] =	ssyncadd.s32 $0xFFFFFFB0  }
0x57: {  	[tilespmem:s18], [sflag:$0x1] =	stream.indirect.gather [hbm4b:s4+s17], $0x80, s16, s17, $0xb8;
	[tilespmem:$0x1FD80] =	vst v63  }
0x58: {  	_ =	swait.ge [sflag:s19], $0x2800  }
0x59: {  	[sflag:s19] =	ssyncset.done $0x0  }
0x5a: {  	s31 =	sadd.s32 s22, s12;
	[sflag:s19] =	ssyncadd.s32 $0xFFFFD800  }
0x5b: {  	[tilespmem:s20], [sflag:$0x2] =	stream.linear.gather [hbm4b:s31+s3], $0x50, $0x38;
	[tilespmem:$0x1FD80] =	vst v63  }
0x5c: {  	_ =	swait.ge [sflag:s15], $0x50  }
0x5d: {  	[sflag:s15] =	ssyncset.done $0x0  }
0x5e: {  	[sflag:s15] =	ssyncadd.s32 $0xFFFFFFB0  }
0x5f: {  	[spmem:s2] =	stream.indirect.scatter.add.f32 [tilespmem:s18], [sflag:$0x2], $0x80, s20, s17, $0xb8;
	[tilespmem:$0x1FD80] =	vst v63  }
0x60: {  	_ =	swait.ge [sflag:s15], $0x2800  }
0x61: {  	[sflag:s15] =	ssyncset.done $0x0  }
0x62: {  	[sflag:s15] =	ssyncadd.s32 $0xFFFFD800  }
0x63: {  	[bflag:$0x0] =	sbarrier.arrive $0xFFFF  }
0x64: {  	[tilespmem:s14], [sflag:$0x2] =	stream.linear.gather [spmem:s5], $0x9C00, $0x38;
	[tilespmem:$0x1FD80] =	vst v63  }
0x65: {  	_ =	swait.ge [sflag:s15], $0x9C00  }
0x66: {  	[sflag:s15] =	ssyncset.done $0x0  }
0x67: {  	[sflag:s15] =	ssyncadd.s32 $0xFFFF6400  }
0x68: {  	[hbm4b:s8+s3] =	stream.linear.scatter [tilespmem:s14], [sflag:$0x2], $0x9C00, $0x38;
	[tilespmem:$0x1FD80] =	vst v63  }
0x69: {  	_ =	swait.ge [sflag:s15], $0x9C00  }
0x6a: {  	[sflag:s15] =	ssyncset.done $0x0  }
0x6b: {  	[sflag:s15] =	ssyncadd.s32 $0xFFFF6400  }
0x6c: {  	[tilespmem:s14], [sflag:$0x2] =	stream.linear.gather [spmem:s6], $0x9C00, $0x38;
	[tilespmem:$0x1FD80] =	vst v63  }
0x6d: {  	_ =	swait.ge [sflag:s15], $0x9C00  }
0x6e: {  	[sflag:s15] =	ssyncset.done $0x0  }
0x6f: {  	[sflag:s15] =	ssyncadd.s32 $0xFFFF6400  }
0x70: {  	[hbm4b:s9+s3] =	stream.linear.scatter [tilespmem:s14], [sflag:$0x2], $0x9C00, $0x38;
	[tilespmem:$0x1FD80] =	vst v63  }
0x71: {  	_ =	swait.ge [sflag:s15], $0x9C00  }
0x72: {  	[sflag:s15] =	ssyncset.done $0x0  }
0x73: {  	s22 =	simm.s32 @!p0 $0x13880;
	s23 =	simm.s32 @!p0 $0x2;
	[sflag:s15] =	ssyncadd.s32 $0xFFFF6400  }
0x74: {  	[tilespmem:s22], [sflag:$0x2] =	stream.linear.gather @!p0 [spmem:s7], $0x800, $0x38;
	[tilespmem:$0x1FD80] =	vst v63  }
0x75: {  	s21 =	sadd.s32 $0x1, s21;
	_ =	swait.ge @!p0 [sflag:s23], $0x800  }
0x76: {  	p1 =	sne.s32 s21, s11;
	[sflag:s23] =	ssyncset.done @!p0 $0x0  }
.Ltmp2:
0x77: {  	s24 =	simm.s32 @!p0 $0x0;
	[sflag:s23] =	ssyncadd.s32 @!p0 $0xFFFFF800;
	(pc) =	sbr.rel @p1 .LBB2_1-.Ltmp2, $4  }
0x78: {  	[hbm4b:s10+s24] =	stream.linear.scatter @!p0 [tilespmem:s22], [sflag:$0x2], $0x800, $0x38;
	[tilespmem:$0x1FD80] =	vst v63  }
0x79: {  	_ =	swait.ge @!p0 [sflag:s23], $0x800  }
0x7a: {  	[sflag:s23] =	ssyncset.done @!p0 $0x0  }
0x7b: {  	[sflag:s23] =	ssyncadd.s32 @!p0 $0xFFFFF800  }
0x7c: {  	_ =	sfence.sel $0x180000  }
0x7d: {  	[bflag:$0x0] =	sbarrier.arrive $0xFFFF  }
0x7e: {  	p0 =	sne.s32 s1, $0x0;
	_ =	strace $0x90000053  }
0x7f: {  	s0 =	sadd.s32 @!p0 $0x100000, s0;
	[bflag:$0x2] =	sbarrier.arrive $0xFFFF  }
0x80: {  	[sflag:s0] =	ssyncadd.tile.s32 @!p0 $0x1;
	_ =	shalt  }
.Lfunc_end2:
_tile_overlayer_lowered:
.L_overlay_start_2:
0x81: {  	(tag) =	ssettag $0x2  }
0x82: {  	s0 =	rddreg [dreg:$0x0];
	s2 =	stileid.u32  }
0x83: {  	s1 =	rddreg [dreg:$0x1];
	p0 =	sne.s32 s2, $0x0  }
0x84: {  	s3 =	rddreg [dreg:$0x2];
	[bflag:$0x3] =	sbarrier.arrive $0xFFFF;
	s2 =	simm.s32 @!p0 $0x1C02  }
0x85: {  	[timem:s3], [sflag:s2] =	dma.local @!p0 [hbm:s0], s1  }
0x86: {  	s0 =	simm.s32 @!p0 $0x2  }
0x87: {  	_ =	swait.ge @!p0 [sflag:s0], s1  }
0x88: {  	s1 =	ssub.s32 @!p0 $0x0, s1;
	[sflag:s0] =	ssyncset.done @!p0 $0x0  }
0x89: {  	[sflag:s0] =	ssyncadd.s32 @!p0 s1  }
0x8a: {  	[bflag:$0x3] =	sbarrier.arrive $0xFFFF  }
0x8b: {  	_ =	shalt  }

</sc_bundles>
